<compile_context>
chip_gen: v7x
topology: tpu7x:2x2x1
jax: 0.10.2.dev20260603
libtpu: 0.0.44.dev20260713+nightly
codegen_flags: <defaults>
</compile_context>

<pallas_src>
import functools
import jax
import jax.numpy as jnp
from jax import lax
from jax.experimental import pallas as pl
from jax.experimental.pallas import tpu as pltpu
from jax.experimental.pallas import tpu_sc as plsc

N = 10000
E = 160000
D = 256
NC = 2
NS = 16
NPAD = 10240
RPT = NPAD // NS
DH = 128
CH = 128
EPT_MP = E // NS
MP_FULL = EPT_MP // CH
MP_REM = EPT_MP - MP_FULL * CH
EPT_DEG = E // (NC * NS)
DEG_FULL = EPT_DEG // CH
DEG_REM = EPT_DEG - DEG_FULL * CH

_mesh = plsc.VectorSubcoreMesh(core_axis_name="c", subcore_axis_name="s")



@functools.partial(
    pl.kernel,
    out_type=jax.ShapeDtypeStruct((NC, NPAD), jnp.float32),
    mesh=_mesh,
    scratch_types=[
        pltpu.VMEM((RPT,), jnp.float32),
        pltpu.VMEM((CH,), jnp.float32),
        pltpu.VMEM((CH,), jnp.int32),
        pltpu.VMEM((DEG_REM,), jnp.int32),
        pltpu.VMEM_SHARED((NPAD,), jnp.float32),
    ],
)
def _deg_kernel(dst_hbm, out_hbm, zbuf, ones_v, didx_v, didx_r, acc_sh):
    c = lax.axis_index("c")
    s = lax.axis_index("s")
    zero16 = jnp.zeros((16,), jnp.float32)
    one16 = jnp.ones((16,), jnp.float32)

    def _zb(i, _):
        zbuf[pl.ds(i * 16, 16)] = zero16
        return 0
    lax.fori_loop(0, RPT // 16, _zb, 0)
    for j in range(CH // 16):
        ones_v[pl.ds(j * 16, 16)] = one16
    pltpu.sync_copy(zbuf, acc_sh.at[pl.ds(s * RPT, RPT)])
    plsc.subcore_barrier()

    base = (c * NS + s) * EPT_DEG

    def _chunk(i, _):
        off = pl.multiple_of(base + i * CH, 8)
        pltpu.sync_copy(dst_hbm.at[pl.ds(off, CH)], didx_v)
        pltpu.sync_copy(ones_v, acc_sh.at[didx_v], add=True)
        return 0
    lax.fori_loop(0, DEG_FULL, _chunk, 0)
    off = pl.multiple_of(base + DEG_FULL * CH, 8)
    pltpu.sync_copy(dst_hbm.at[pl.ds(off, DEG_REM)], didx_r)
    pltpu.sync_copy(ones_v.at[pl.ds(0, DEG_REM)], acc_sh.at[didx_r], add=True)

    plsc.subcore_barrier()
    pltpu.sync_copy(acc_sh.at[pl.ds(s * RPT, RPT)],
                    out_hbm.at[c, pl.ds(s * RPT, RPT)])



@functools.partial(
    pl.kernel,
    out_type=jax.ShapeDtypeStruct((NC, NPAD, DH), jnp.float32),
    mesh=_mesh,
    scratch_types=[
        pltpu.VMEM((CH, DH), jnp.float32),
        pltpu.VMEM((CH, DH), jnp.float32),
        pltpu.VMEM((CH,), jnp.int32),
        pltpu.VMEM((CH,), jnp.int32),
        pltpu.VMEM((CH,), jnp.int32),
        pltpu.VMEM((CH,), jnp.int32),
        pltpu.VMEM((CH,), jnp.int32),
        pltpu.VMEM((CH,), jnp.int32),
        pltpu.VMEM((MP_REM, DH), jnp.float32),
        pltpu.VMEM((MP_REM,), jnp.int32),
        pltpu.VMEM((MP_REM,), jnp.int32),
        pltpu.VMEM((MP_REM,), jnp.int32),
        pltpu.VMEM_SHARED((NPAD, DH), jnp.float32),
        pltpu.SemaphoreType.DMA,
        pltpu.SemaphoreType.DMA,
    ],
)
def _mp_kernel(tab_hbm, src_hbm, dst_hbm, out_hbm,
               rows_a, rows_b, sidx_a, sidx_b, didx_a, didx_b,
               gidx_a, gidx_b, rows_r, sidx_r, didx_r, gidx_r,
               acc_sh, sem_a, sem_b):
    c = lax.axis_index("c")
    s = lax.axis_index("s")
    zero16 = jnp.zeros((16,), jnp.float32)
    bufs = ((rows_a, sidx_a, didx_a, gidx_a, sem_a),
            (rows_b, sidx_b, didx_b, gidx_b, sem_b))

    def _zr(i, _):
        for j in range(DH // 16):
            rows_a[i, pl.ds(j * 16, 16)] = zero16
        return 0
    lax.fori_loop(0, CH, _zr, 0)
    for k in range(RPT // CH):
        pltpu.sync_copy(rows_a, acc_sh.at[pl.ds(s * RPT + k * CH, CH)])
    plsc.subcore_barrier()

    base = s * EPT_MP
    GRP = 13

    def _load_idx(off, t):
        r, si, di, gi, sm = bufs[t]
        pltpu.sync_copy(src_hbm.at[pl.ds(off, CH)], si)
        pltpu.sync_copy(dst_hbm.at[pl.ds(off, CH)], di)
        for q in range(CH // 16):
            v = si[pl.ds(q * 16, 16)]
            gi[pl.ds(q * 16, 16)] = v + v + c

    def _gather(t):
        r, si, di, gi, sm = bufs[t]
        return pltpu.async_copy(tab_hbm.at[gi], r, sm)

    def _scatter(t):
        r, si, di, gi, sm = bufs[t]
        pltpu.sync_copy(r, acc_sh.at[di], add=True)

    def _outer(g, _):
        base_g = pl.multiple_of(base + g * (GRP * CH), 8)
        _load_idx(base_g, 0)
        d = _gather(0)
        for k in range(GRP):
            t = k % 2
            if k + 1 < GRP:
                _load_idx(base_g + (k + 1) * CH, (k + 1) % 2)
                dn = _gather((k + 1) % 2)
            d.wait()
            _scatter(t)
            if k + 1 < GRP:
                d = dn
        return 0
    lax.fori_loop(0, MP_FULL // GRP, _outer, 0)

    off = pl.multiple_of(base + MP_FULL * CH, 8)
    pltpu.sync_copy(src_hbm.at[pl.ds(off, MP_REM)], sidx_r)
    pltpu.sync_copy(dst_hbm.at[pl.ds(off, MP_REM)], didx_r)
    for j in range(MP_REM // 16):
        v = sidx_r[pl.ds(j * 16, 16)]
        gidx_r[pl.ds(j * 16, 16)] = v + v + c
    pltpu.async_copy(tab_hbm.at[gidx_r], rows_r, sem_a).wait()
    pltpu.sync_copy(rows_r, acc_sh.at[didx_r], add=True)

    plsc.subcore_barrier()
    pltpu.sync_copy(acc_sh.at[pl.ds(s * RPT, RPT)],
                    out_hbm.at[c, pl.ds(s * RPT, RPT)])



def _gru_body(W_ref, wi_ref, wh_ref, bi_ref, bh_ref, out_ref):
    W = W_ref[...]
    gi = lax.dot_general(W, wi_ref[...], (((1,), (1,)), ((), ())),
                         preferred_element_type=jnp.float32) + bi_ref[...]
    gh = lax.dot_general(W, wh_ref[...], (((1,), (1,)), ((), ())),
                         preferred_element_type=jnp.float32) + bh_ref[...]
    r = jax.nn.sigmoid(gi[:, :D] + gh[:, :D])
    z = jax.nn.sigmoid(gi[:, D:2 * D] + gh[:, D:2 * D])
    n = jnp.tanh(gi[:, 2 * D:] + r * gh[:, 2 * D:])
    out_ref[...] = (1.0 - z) * n + z * W


def _gru_call(W, wi, wh, bi, bh):
    return pl.pallas_call(
        _gru_body,
        out_shape=jax.ShapeDtypeStruct((D, D), jnp.float32),
    )(W, wi, wh, bi.reshape(1, 3 * D), bh.reshape(1, 3 * D))



def _dinv_block(degp):
    return lax.rsqrt(degp[0] + degp[1] + 1.0)


def _tc1_body(x_ref, w_ref, degp_ref, out_ref):
    dv = _dinv_block(degp_ref[...])
    h = jnp.dot(x_ref[...], w_ref[...], preferred_element_type=jnp.float32)
    out_ref[...] = dv * h


def _tc1_call(x, Wt1, degp3):
    blk = 256
    grid = (NPAD // blk,)
    return pl.pallas_call(
        _tc1_body,
        grid=grid,
        in_specs=[
            pl.BlockSpec((blk, D), lambda i: (i, 0)),
            pl.BlockSpec((D, D), lambda i: (0, 0)),
            pl.BlockSpec((NC, blk, 1), lambda i: (0, i, 0)),
        ],
        out_specs=pl.BlockSpec((blk, D), lambda i: (i, 0)),
        out_shape=jax.ShapeDtypeStruct((N, D), jnp.float32),
    )(x, Wt1, degp3)


def _tc2_body(S_ref, hp_ref, degp_ref, l0w_ref, l0b_ref, w2_ref, out_ref):
    dv = _dinv_block(degp_ref[...])
    S = S_ref[...]
    hp = hp_ref[...]
    o1 = jnp.concatenate([S[0], S[1]], axis=1) + hp
    a = jax.nn.relu(dv * o1)
    t = lax.dot_general(a, l0w_ref[...], (((1,), (1,)), ((), ())),
                        preferred_element_type=jnp.float32) + l0b_ref[...]
    h2 = jnp.dot(t, w2_ref[...], preferred_element_type=jnp.float32)
    out_ref[...] = dv * h2


def _tc2_call(S1, hp1, degp3, l0w, l0b, Wt2):
    blk = 256
    grid = (NPAD // blk,)
    return pl.pallas_call(
        _tc2_body,
        grid=grid,
        in_specs=[
            pl.BlockSpec((NC, blk, DH), lambda i: (0, i, 0)),
            pl.BlockSpec((blk, D), lambda i: (i, 0)),
            pl.BlockSpec((NC, blk, 1), lambda i: (0, i, 0)),
            pl.BlockSpec((D, D), lambda i: (0, 0)),
            pl.BlockSpec((1, D), lambda i: (0, 0)),
            pl.BlockSpec((D, D), lambda i: (0, 0)),
        ],
        out_specs=pl.BlockSpec((blk, D), lambda i: (i, 0)),
        out_shape=jax.ShapeDtypeStruct((N, D), jnp.float32),
    )(S1, hp1, degp3, l0w, l0b.reshape(1, D), Wt2)


def _tc3_body(S_ref, hp_ref, degp_ref, l1w_ref, l1b_ref, out_ref):
    dv = _dinv_block(degp_ref[...])
    S = S_ref[...]
    o2 = dv * (jnp.concatenate([S[0], S[1]], axis=1) + hp_ref[...])
    y = lax.dot_general(o2, l1w_ref[...], (((1,), (1,)), ((), ())),
                        preferred_element_type=jnp.float32) + l1b_ref[...]
    out_ref[...] = jax.nn.sigmoid(y)


def _tc3_call(S2, hp2, degp3, l1w, l1b):
    blk = 256
    grid = (NPAD // blk,)
    DO = 64
    return pl.pallas_call(
        _tc3_body,
        grid=grid,
        in_specs=[
            pl.BlockSpec((NC, blk, DH), lambda i: (0, i, 0)),
            pl.BlockSpec((blk, D), lambda i: (i, 0)),
            pl.BlockSpec((NC, blk, 1), lambda i: (0, i, 0)),
            pl.BlockSpec((DO, D), lambda i: (0, 0)),
            pl.BlockSpec((1, DO), lambda i: (0, 0)),
        ],
        out_specs=pl.BlockSpec((blk, DO), lambda i: (i, 0)),
        out_shape=jax.ShapeDtypeStruct((N, DO), jnp.float32),
    )(S2, hp2, degp3, l1w, l1b.reshape(1, DO))



def kernel(x, edge_index, weight1, gru1_wi, gru1_wh, gru1_bi, gru1_bh,
           weight2, gru2_wi, gru2_wh, gru2_bi, gru2_bh,
           lin0_w, lin0_b, lin1_w, lin1_b):
    src = edge_index[0].astype(jnp.int32)
    dst = edge_index[1].astype(jnp.int32)

    degp = _deg_kernel(dst)
    degp3 = degp.reshape(NC, NPAD, 1)

    Wt1 = _gru_call(weight1, gru1_wi, gru1_wh, gru1_bi, gru1_bh)
    Wt2 = _gru_call(weight2, gru2_wi, gru2_wh, gru2_bi, gru2_bh)

    hp1 = _tc1_call(x, Wt1, degp3)
    S1 = _mp_kernel(hp1.reshape(2 * N, DH), src, dst)
    hp2 = _tc2_call(S1, hp1, degp3, lin0_w, lin0_b, Wt2)
    S2 = _mp_kernel(hp2.reshape(2 * N, DH), src, dst)
    return _tc3_call(S2, hp2, degp3, lin1_w, lin1_b)

# --- scband reference (transcript-rebuilt; emitter-appended) ---
"""Pipeline reference for scband-evolve-gnn-15985868276253 (READ-ONLY COPY).

The authoritative reference and input builder live on the scoring server;
editing this copy changes nothing except your own understanding.
"""

import jax, jax.numpy as jnp
import numpy as np

N_NODES = 10000
E = 160000
D_IN = 256
D_HID = 256
D_OUT = 64


def gru_step(x, h, wi, wh, bi, bh):
    # Single-step torch.nn.GRU (num_layers=1): x is input [B, D], h is hidden [B, D]
    gi = x @ wi.T + bi
    gh = h @ wh.T + bh
    i_r, i_z, i_n = jnp.split(gi, 3, axis=1)
    h_r, h_z, h_n = jnp.split(gh, 3, axis=1)
    r = jax.nn.sigmoid(i_r + h_r)
    z = jax.nn.sigmoid(i_z + h_z)
    n = jnp.tanh(i_n + r * h_n)
    return (1.0 - z) * n + z * h


def evolve_gcn_o(x, edge_index, W, wi, wh, bi, bh):
    # EvolveGCNO: weight evolved by GRU (input=W, hidden=W), then GCN conv with fixed W
    Wt = gru_step(W, W, wi, wh, bi, bh)
    h = x @ Wt
    N = x.shape[0]
    src = edge_index[0]
    dst = edge_index[1]
    loop = jnp.arange(N, dtype=src.dtype)
    src_sl = jnp.concatenate([src, loop])
    dst_sl = jnp.concatenate([dst, loop])
    ew = jnp.ones(src_sl.shape[0], dtype=x.dtype)
    deg = jax.ops.segment_sum(ew, dst_sl, num_segments=N)
    dinv = jnp.where(deg > 0, 1.0 / jnp.sqrt(deg), 0.0)
    norm = dinv[src_sl] * dinv[dst_sl]
    msg = norm[:, None] * h[src_sl]
    out = jax.ops.segment_sum(msg, dst_sl, num_segments=N)
    return out


def setup_inputs(seed: int = 0) -> dict:
    key = jax.random.key(seed)
    ks = jax.random.split(key, 16)
    s_in = 1.0 / np.sqrt(D_IN)
    s_hid = 1.0 / np.sqrt(D_HID)
    x = jax.random.normal(ks[0], (N_NODES, D_IN), dtype=jnp.float32)
    edge_index = jax.random.randint(ks[1], (2, E), 0, N_NODES, dtype=jnp.int64)
    weight1 = jax.random.normal(ks[2], (D_IN, D_IN), dtype=jnp.float32) * s_in
    gru1_wi = jax.random.normal(ks[3], (3 * D_IN, D_IN), dtype=jnp.float32) * s_in
    gru1_wh = jax.random.normal(ks[4], (3 * D_IN, D_IN), dtype=jnp.float32) * s_in
    gru1_bi = jax.random.normal(ks[5], (3 * D_IN,), dtype=jnp.float32) * s_in
    gru1_bh = jax.random.normal(ks[6], (3 * D_IN,), dtype=jnp.float32) * s_in
    weight2 = jax.random.normal(ks[7], (D_HID, D_HID), dtype=jnp.float32) * s_hid
    gru2_wi = jax.random.normal(ks[8], (3 * D_HID, D_HID), dtype=jnp.float32) * s_hid
    gru2_wh = jax.random.normal(ks[9], (3 * D_HID, D_HID), dtype=jnp.float32) * s_hid
    gru2_bi = jax.random.normal(ks[10], (3 * D_HID,), dtype=jnp.float32) * s_hid
    gru2_bh = jax.random.normal(ks[11], (3 * D_HID,), dtype=jnp.float32) * s_hid
    lin0_w = jax.random.normal(ks[12], (D_HID, D_IN), dtype=jnp.float32) * s_in
    lin0_b = jax.random.normal(ks[13], (D_HID,), dtype=jnp.float32) * s_in
    lin1_w = jax.random.normal(ks[14], (D_OUT, D_HID), dtype=jnp.float32) * s_hid
    lin1_b = jax.random.normal(ks[15], (D_OUT,), dtype=jnp.float32) * s_hid
    return {
        'x': x, 'edge_index': edge_index,
        'weight1': weight1, 'gru1_wi': gru1_wi, 'gru1_wh': gru1_wh, 'gru1_bi': gru1_bi, 'gru1_bh': gru1_bh,
        'weight2': weight2, 'gru2_wi': gru2_wi, 'gru2_wh': gru2_wh, 'gru2_bi': gru2_bi, 'gru2_bh': gru2_bh,
        'lin0_w': lin0_w, 'lin0_b': lin0_b, 'lin1_w': lin1_w, 'lin1_b': lin1_b,
    }


def reference(x, edge_index, weight1, gru1_wi, gru1_wh, gru1_bi, gru1_bh,
              weight2, gru2_wi, gru2_wh, gru2_bi, gru2_bh,
              lin0_w, lin0_b, lin1_w, lin1_b):
    h = jax.nn.relu(evolve_gcn_o(x, edge_index, weight1, gru1_wi, gru1_wh, gru1_bi, gru1_bh))
    h = h @ lin0_w.T + lin0_b  # dropout(p=0.5) treated as identity for determinism
    h = evolve_gcn_o(h, edge_index, weight2, gru2_wi, gru2_wh, gru2_bi, gru2_bh)
    h = h @ lin1_w.T + lin1_b
    return jax.nn.sigmoid(h)  # multi_class=False -> sigmoid

if __name__ == "__main__":
    import jax
    _d = setup_inputs()
    print(jax.jit(kernel)(*tuple(_d.values())))

</pallas_src>

<mosaic_0001>
#map = affine_map<(d0, d1) -> (0)>
#map1 = affine_map<(d0, d1) -> (0, 0)>
module attributes {stable_mosaic.version = 14 : i64} {
  func.func @_deg_kernel(%arg0: i32, %arg1: i32, %arg2: memref<160000xi32, #tpu.memory_space<hbm>>, %arg3: memref<2x10240xf32, #tpu.memory_space<hbm>>, %arg4: memref<640xf32, #tpu.memory_space<vmem>>, %arg5: memref<128xf32, #tpu.memory_space<vmem>>, %arg6: memref<128xi32, #tpu.memory_space<vmem>>, %arg7: memref<8xi32, #tpu.memory_space<vmem>>, %arg8: memref<10240xf32, #tpu.memory_space<vmem_shared>>) attributes {dimension_semantics = [#tpu.dimension_semantics<core_parallel>, #tpu.dimension_semantics<subcore_parallel>], iteration_bounds = array<i64: 2, 16>, scalar_prefetch = 0 : i64, scratch_operands = 5 : i64, tpu.core_type = #tpu.core_type<sc_vector_subcore>, window_params = [{transform_indices = #map}, {transform_indices = #map1}]} {
    %broadcast_in_dim3A = arith.constant 0.000000e+00 : f32
    %broadcast_in_dim3A_0 = vector.broadcast %broadcast_in_dim3A : f32 to vector<16xf32>
    %broadcast_in_dim3A_1 = arith.constant 1.000000e+00 : f32
    %broadcast_in_dim3A_2 = vector.broadcast %broadcast_in_dim3A_1 : f32 to vector<16xf32>
    %scan3A = arith.constant 0 : i32
    %scan3A_3 = arith.constant 0 : i32
    %scan3A_4 = arith.constant 40 : i32
    %scan3A_5 = arith.addi %scan3A_3, %scan3A_4 : i32
    %scan3A_6 = arith.constant 1 : i32
    %scan3A_7 = scf.for %scan3A_59 = %scan3A_3 to %scan3A_5 step %scan3A_6 iter_args(%scan3A_60 = %scan3A) -> (i32)  : i32 {
      %mul3A_61 = arith.constant 16 : i32
      %mul3A_62 = arith.muli %scan3A_59, %mul3A_61 : i32
      %swap3A_63 = arith.index_cast %mul3A_62 : i32 to index
      %swap3A_64 = tpu.vector_load %arg4[%swap3A_63] {strides = array<i32>} : memref<640xf32, #tpu.memory_space<vmem>>, vector<16xf32>,
      %swap3A_65 = vector.shape_cast %swap3A_64 : vector<16xf32> to vector<16xf32>
      %swap3A_66 = vector.shape_cast %broadcast_in_dim3A_0 : vector<16xf32> to vector<16xf32>
      tpu.vector_store %arg4[%swap3A_63], %swap3A_66 {strides = array<i32>} : memref<640xf32, #tpu.memory_space<vmem>>, vector<16xf32>,
      %scan3A_67 = arith.constant 0 : i32
      scf.yield %scan3A_67 : i32
    }
    %scan3A_8 = arith.constant 40 : i32
    %swap3A = arith.constant 0 : index
    %swap3A_9 = tpu.vector_load %arg5[%swap3A] {strides = array<i32>} : memref<128xf32, #tpu.memory_space<vmem>>, vector<16xf32>,
    %swap3A_10 = vector.shape_cast %swap3A_9 : vector<16xf32> to vector<16xf32>
    %swap3A_11 = vector.shape_cast %broadcast_in_dim3A_2 : vector<16xf32> to vector<16xf32>
    tpu.vector_store %arg5[%swap3A], %swap3A_11 {strides = array<i32>} : memref<128xf32, #tpu.memory_space<vmem>>, vector<16xf32>,
    %swap3A_12 = arith.constant 16 : index
    %swap3A_13 = tpu.vector_load %arg5[%swap3A_12] {strides = array<i32>} : memref<128xf32, #tpu.memory_space<vmem>>, vector<16xf32>,
    %swap3A_14 = vector.shape_cast %swap3A_13 : vector<16xf32> to vector<16xf32>
    %swap3A_15 = vector.shape_cast %broadcast_in_dim3A_2 : vector<16xf32> to vector<16xf32>
    tpu.vector_store %arg5[%swap3A_12], %swap3A_15 {strides = array<i32>} : memref<128xf32, #tpu.memory_space<vmem>>, vector<16xf32>,
    %swap3A_16 = arith.constant 32 : index
    %swap3A_17 = tpu.vector_load %arg5[%swap3A_16] {strides = array<i32>} : memref<128xf32, #tpu.memory_space<vmem>>, vector<16xf32>,
    %swap3A_18 = vector.shape_cast %swap3A_17 : vector<16xf32> to vector<16xf32>
    %swap3A_19 = vector.shape_cast %broadcast_in_dim3A_2 : vector<16xf32> to vector<16xf32>
    tpu.vector_store %arg5[%swap3A_16], %swap3A_19 {strides = array<i32>} : memref<128xf32, #tpu.memory_space<vmem>>, vector<16xf32>,
    %swap3A_20 = arith.constant 48 : index
    %swap3A_21 = tpu.vector_load %arg5[%swap3A_20] {strides = array<i32>} : memref<128xf32, #tpu.memory_space<vmem>>, vector<16xf32>,
    %swap3A_22 = vector.shape_cast %swap3A_21 : vector<16xf32> to vector<16xf32>
    %swap3A_23 = vector.shape_cast %broadcast_in_dim3A_2 : vector<16xf32> to vector<16xf32>
    tpu.vector_store %arg5[%swap3A_20], %swap3A_23 {strides = array<i32>} : memref<128xf32, #tpu.memory_space<vmem>>, vector<16xf32>,
    %swap3A_24 = arith.constant 64 : index
    %swap3A_25 = tpu.vector_load %arg5[%swap3A_24] {strides = array<i32>} : memref<128xf32, #tpu.memory_space<vmem>>, vector<16xf32>,
    %swap3A_26 = vector.shape_cast %swap3A_25 : vector<16xf32> to vector<16xf32>
    %swap3A_27 = vector.shape_cast %broadcast_in_dim3A_2 : vector<16xf32> to vector<16xf32>
    tpu.vector_store %arg5[%swap3A_24], %swap3A_27 {strides = array<i32>} : memref<128xf32, #tpu.memory_space<vmem>>, vector<16xf32>,
    %swap3A_28 = arith.constant 80 : index
    %swap3A_29 = tpu.vector_load %arg5[%swap3A_28] {strides = array<i32>} : memref<128xf32, #tpu.memory_space<vmem>>, vector<16xf32>,
    %swap3A_30 = vector.shape_cast %swap3A_29 : vector<16xf32> to vector<16xf32>
    %swap3A_31 = vector.shape_cast %broadcast_in_dim3A_2 : vector<16xf32> to vector<16xf32>
    tpu.vector_store %arg5[%swap3A_28], %swap3A_31 {strides = array<i32>} : memref<128xf32, #tpu.memory_space<vmem>>, vector<16xf32>,
    %swap3A_32 = arith.constant 96 : index
    %swap3A_33 = tpu.vector_load %arg5[%swap3A_32] {strides = array<i32>} : memref<128xf32, #tpu.memory_space<vmem>>, vector<16xf32>,
    %swap3A_34 = vector.shape_cast %swap3A_33 : vector<16xf32> to vector<16xf32>
    %swap3A_35 = vector.shape_cast %broadcast_in_dim3A_2 : vector<16xf32> to vector<16xf32>
    tpu.vector_store %arg5[%swap3A_32], %swap3A_35 {strides = array<i32>} : memref<128xf32, #tpu.memory_space<vmem>>, vector<16xf32>,
    %swap3A_36 = arith.constant 112 : index
    %swap3A_37 = tpu.vector_load %arg5[%swap3A_36] {strides = array<i32>} : memref<128xf32, #tpu.memory_space<vmem>>, vector<16xf32>,
    %swap3A_38 = vector.shape_cast %swap3A_37 : vector<16xf32> to vector<16xf32>
    %swap3A_39 = vector.shape_cast %broadcast_in_dim3A_2 : vector<16xf32> to vector<16xf32>
    tpu.vector_store %arg5[%swap3A_36], %swap3A_39 {strides = array<i32>} : memref<128xf32, #tpu.memory_space<vmem>>, vector<16xf32>,
    %mul3A = arith.constant 640 : i32
    %mul3A_40 = arith.muli %arg1, %mul3A : i32
    "tpu.region"() ({
      %run_scoped3A = tpu.sem_alloc : memref<!tpu.dma_semaphore, #tpu.memory_space<semaphore_mem>>
      %dma_start3A = tpu.memref_slice %arg8[%mul3A_40] : memref<10240xf32, #tpu.memory_space<vmem_shared>> -> memref<640xf32, #tpu.memory_space<vmem_shared>>
      %dma_start3A_59 = tpu.memref_slice %arg8[%mul3A_40] : memref<10240xf32, #tpu.memory_space<vmem_shared>> -> memref<640xf32, #tpu.memory_space<vmem_shared>>
      tpu.enqueue_dma source(%arg4 : memref<640xf32, #tpu.memory_space<vmem>>) target(%dma_start3A_59 : memref<640xf32, #tpu.memory_space<vmem_shared>>) target_semaphore(%run_scoped3A : memref<!tpu.dma_semaphore, #tpu.memory_space<semaphore_mem>>)
      %dma_wait3A = tpu.memref_slice %arg8[%mul3A_40] : memref<10240xf32, #tpu.memory_space<vmem_shared>> -> memref<640xf32, #tpu.memory_space<vmem_shared>>
      %dma_wait3A_60 = tpu.memref_slice %arg8[%mul3A_40] : memref<10240xf32, #tpu.memory_space<vmem_shared>> -> memref<640xf32, #tpu.memory_space<vmem_shared>>
      tpu.wait_dma2 semaphore(%run_scoped3A : memref<!tpu.dma_semaphore, #tpu.memory_space<semaphore_mem>>) src(%arg4 : memref<640xf32, #tpu.memory_space<vmem>>) dst(%dma_wait3A_60 : memref<640xf32, #tpu.memory_space<vmem_shared>>)
      tpu.yield
    }) : () -> ()
    %barrier3A = arith.constant 0 : index
    tpu.barrier barrier_id(%barrier3A)
    %mul3A_41 = arith.constant 16 : i32
    %mul3A_42 = arith.muli %arg0, %mul3A_41 : i32
    %add3A = arith.addi %mul3A_42, %arg1 : i32
    %mul3A_43 = arith.constant 5000 : i32
    %mul3A_44 = arith.muli %add3A, %mul3A_43 : i32
    %scan3A_45 = arith.constant 0 : i32
    %scan3A_46 = arith.constant 0 : i32
    %scan3A_47 = arith.constant 39 : i32
    %scan3A_48 = arith.addi %scan3A_46, %scan3A_47 : i32
    %scan3A_49 = arith.constant 1 : i32
    %scan3A_50 = scf.for %scan3A_59 = %scan3A_46 to %scan3A_48 step %scan3A_49 iter_args(%scan3A_60 = %scan3A_45) -> (i32)  : i32 {
      %mul3A_61 = arith.constant 128 : i32
      %mul3A_62 = arith.muli %scan3A_59, %mul3A_61 : i32
      %add3A_63 = arith.addi %mul3A_44, %mul3A_62 : i32
      %multiple_of3A_64 = tpu.assume_multiple %add3A_63, 8 : i32
      "tpu.region"() ({
        %run_scoped3A = tpu.sem_alloc : memref<!tpu.dma_semaphore, #tpu.memory_space<semaphore_mem>>
        %dma_start3A = tpu.memref_slice %arg2[%multiple_of3A_64] : memref<160000xi32, #tpu.memory_space<hbm>> -> memref<128xi32, #tpu.memory_space<hbm>>
        %dma_start3A_66 = tpu.memref_slice %arg2[%multiple_of3A_64] : memref<160000xi32, #tpu.memory_space<hbm>> -> memref<128xi32, #tpu.memory_space<hbm>>
        tpu.enqueue_dma source(%dma_start3A_66 : memref<128xi32, #tpu.memory_space<hbm>>) target(%arg6 : memref<128xi32, #tpu.memory_space<vmem>>) target_semaphore(%run_scoped3A : memref<!tpu.dma_semaphore, #tpu.memory_space<semaphore_mem>>)
        %dma_wait3A = tpu.memref_slice %arg2[%multiple_of3A_64] : memref<160000xi32, #tpu.memory_space<hbm>> -> memref<128xi32, #tpu.memory_space<hbm>>
        %dma_wait3A_67 = tpu.memref_slice %arg2[%multiple_of3A_64] : memref<160000xi32, #tpu.memory_space<hbm>> -> memref<128xi32, #tpu.memory_space<hbm>>
        tpu.wait_dma2 semaphore(%run_scoped3A : memref<!tpu.dma_semaphore, #tpu.memory_space<semaphore_mem>>) src(%dma_wait3A_67 : memref<128xi32, #tpu.memory_space<hbm>>) dst(%arg6 : memref<128xi32, #tpu.memory_space<vmem>>)
        tpu.yield
      }) : () -> ()
      "tpu.region"() ({
        %run_scoped3A = tpu.sem_alloc : memref<!tpu.dma_semaphore, #tpu.memory_space<semaphore_mem>>
        %dma_start3A = arith.constant 0 : i32
        %dma_start3A_66 = tpu.memref_slice %arg8[%dma_start3A] : memref<10240xf32, #tpu.memory_space<vmem_shared>> -> memref<10240xf32, #tpu.memory_space<vmem_shared>>
        tpu.enqueue_indirect_dma source(%arg5 : memref<128xf32, #tpu.memory_space<vmem>>) target(%dma_start3A_66 : memref<10240xf32, #tpu.memory_space<vmem_shared>>) offsets(%arg6 : memref<128xi32, #tpu.memory_space<vmem>>) semaphore(%run_scoped3A : memref<!tpu.dma_semaphore, #tpu.memory_space<semaphore_mem>>) {add = true}
        %dma_wait3A = arith.constant 0 : i32
        %dma_wait3A_67 = tpu.memref_slice %arg8[%dma_wait3A] : memref<10240xf32, #tpu.memory_space<vmem_shared>> -> memref<10240xf32, #tpu.memory_space<vmem_shared>>
        tpu.wait_indirect_dma semaphore(%run_scoped3A : memref<!tpu.dma_semaphore, #tpu.memory_space<semaphore_mem>>) src(%arg5 : memref<128xf32, #tpu.memory_space<vmem>>) dst(%dma_wait3A_67 : memref<10240xf32, #tpu.memory_space<vmem_shared>>)
        tpu.yield
      }) : () -> ()
      %scan3A_65 = arith.constant 0 : i32
      scf.yield %scan3A_65 : i32
    }
    %scan3A_51 = arith.constant 39 : i32
    %add3A_52 = arith.constant 4992 : i32
    %add3A_53 = arith.addi %mul3A_44, %add3A_52 : i32
    %multiple_of3A = tpu.assume_multiple %add3A_53, 8 : i32
    "tpu.region"() ({
      %run_scoped3A = tpu.sem_alloc : memref<!tpu.dma_semaphore, #tpu.memory_space<semaphore_mem>>
      %dma_start3A = tpu.memref_slice %arg2[%multiple_of3A] : memref<160000xi32, #tpu.memory_space<hbm>> -> memref<8xi32, #tpu.memory_space<hbm>>
      %dma_start3A_59 = tpu.memref_slice %arg2[%multiple_of3A] : memref<160000xi32, #tpu.memory_space<hbm>> -> memref<8xi32, #tpu.memory_space<hbm>>
      tpu.enqueue_dma source(%dma_start3A_59 : memref<8xi32, #tpu.memory_space<hbm>>) target(%arg7 : memref<8xi32, #tpu.memory_space<vmem>>) target_semaphore(%run_scoped3A : memref<!tpu.dma_semaphore, #tpu.memory_space<semaphore_mem>>)
      %dma_wait3A = tpu.memref_slice %arg2[%multiple_of3A] : memref<160000xi32, #tpu.memory_space<hbm>> -> memref<8xi32, #tpu.memory_space<hbm>>
      %dma_wait3A_60 = tpu.memref_slice %arg2[%multiple_of3A] : memref<160000xi32, #tpu.memory_space<hbm>> -> memref<8xi32, #tpu.memory_space<hbm>>
      tpu.wait_dma2 semaphore(%run_scoped3A : memref<!tpu.dma_semaphore, #tpu.memory_space<semaphore_mem>>) src(%dma_wait3A_60 : memref<8xi32, #tpu.memory_space<hbm>>) dst(%arg7 : memref<8xi32, #tpu.memory_space<vmem>>)
      tpu.yield
    }) : () -> ()
    "tpu.region"() ({
      %run_scoped3A = tpu.sem_alloc : memref<!tpu.dma_semaphore, #tpu.memory_space<semaphore_mem>>
      %dma_start3A = arith.constant 0 : i32
      %dma_start3A_59 = tpu.memref_slice %arg5[%dma_start3A] : memref<128xf32, #tpu.memory_space<vmem>> -> memref<8xf32, #tpu.memory_space<vmem>>
      %dma_start3A_60 = arith.constant 0 : i32
      %dma_start3A_61 = tpu.memref_slice %arg8[%dma_start3A_60] : memref<10240xf32, #tpu.memory_space<vmem_shared>> -> memref<10240xf32, #tpu.memory_space<vmem_shared>>
      tpu.enqueue_indirect_dma source(%dma_start3A_59 : memref<8xf32, #tpu.memory_space<vmem>>) target(%dma_start3A_61 : memref<10240xf32, #tpu.memory_space<vmem_shared>>) offsets(%arg7 : memref<8xi32, #tpu.memory_space<vmem>>) semaphore(%run_scoped3A : memref<!tpu.dma_semaphore, #tpu.memory_space<semaphore_mem>>) {add = true}
      %dma_wait3A = arith.constant 0 : i32
      %dma_wait3A_62 = tpu.memref_slice %arg5[%dma_wait3A] : memref<128xf32, #tpu.memory_space<vmem>> -> memref<8xf32, #tpu.memory_space<vmem>>
      %dma_wait3A_63 = arith.constant 0 : i32
      %dma_wait3A_64 = tpu.memref_slice %arg8[%dma_wait3A_63] : memref<10240xf32, #tpu.memory_space<vmem_shared>> -> memref<10240xf32, #tpu.memory_space<vmem_shared>>
      tpu.wait_indirect_dma semaphore(%run_scoped3A : memref<!tpu.dma_semaphore, #tpu.memory_space<semaphore_mem>>) src(%dma_wait3A_62 : memref<8xf32, #tpu.memory_space<vmem>>) dst(%dma_wait3A_64 : memref<10240xf32, #tpu.memory_space<vmem_shared>>)
      tpu.yield
    }) : () -> ()
    %barrier3A_54 = arith.constant 0 : index
    tpu.barrier barrier_id(%barrier3A_54)
    %mul3A_55 = arith.constant 640 : i32
    %mul3A_56 = arith.muli %arg1, %mul3A_55 : i32
    %mul3A_57 = arith.constant 640 : i32
    %mul3A_58 = arith.muli %arg1, %mul3A_57 : i32
    "tpu.region"() ({
      %run_scoped3A = tpu.sem_alloc : memref<!tpu.dma_semaphore, #tpu.memory_space<semaphore_mem>>
      %dma_start3A = tpu.memref_slice %arg3[%arg0, %mul3A_58] : memref<2x10240xf32, #tpu.memory_space<hbm>> -> memref<1x640xf32, #tpu.memory_space<hbm>>
      %dma_start3A_59 = tpu.memref_squeeze %dma_start3A : memref<1x640xf32, #tpu.memory_space<hbm>> -> memref<640xf32, #tpu.memory_space<hbm>>
      %dma_start3A_60 = tpu.memref_slice %arg8[%mul3A_56] : memref<10240xf32, #tpu.memory_space<vmem_shared>> -> memref<640xf32, #tpu.memory_space<vmem_shared>>
      tpu.enqueue_dma source(%dma_start3A_60 : memref<640xf32, #tpu.memory_space<vmem_shared>>) target(%dma_start3A_59 : memref<640xf32, #tpu.memory_space<hbm>>) target_semaphore(%run_scoped3A : memref<!tpu.dma_semaphore, #tpu.memory_space<semaphore_mem>>)
      %dma_wait3A = tpu.memref_slice %arg3[%arg0, %mul3A_58] : memref<2x10240xf32, #tpu.memory_space<hbm>> -> memref<1x640xf32, #tpu.memory_space<hbm>>
      %dma_wait3A_61 = tpu.memref_squeeze %dma_wait3A : memref<1x640xf32, #tpu.memory_space<hbm>> -> memref<640xf32, #tpu.memory_space<hbm>>
      %dma_wait3A_62 = tpu.memref_slice %arg8[%mul3A_56] : memref<10240xf32, #tpu.memory_space<vmem_shared>> -> memref<640xf32, #tpu.memory_space<vmem_shared>>
      tpu.wait_dma2 semaphore(%run_scoped3A : memref<!tpu.dma_semaphore, #tpu.memory_space<semaphore_mem>>) src(%dma_wait3A_62 : memref<640xf32, #tpu.memory_space<vmem_shared>>) dst(%dma_wait3A_61 : memref<640xf32, #tpu.memory_space<hbm>>)
      tpu.yield
    }) : () -> ()
    return
  }
}

#map = affine_map<(d0, d1) -> (0, 0)>
#map1 = affine_map<(d0, d1) -> (0)>
#map2 = affine_map<(d0, d1) -> (0, 0, 0)>
module attributes {stable_mosaic.version = 14 : i64} {
  func.func @_mp_kernel(%arg0: i32, %arg1: i32, %arg2: memref<20000x128xf32, #tpu.memory_space<hbm>>, %arg3: memref<160000xi32, #tpu.memory_space<hbm>>, %arg4: memref<160000xi32, #tpu.memory_space<hbm>>, %arg5: memref<2x10240x128xf32, #tpu.memory_space<hbm>>, %arg6: memref<128x128xf32, #tpu.memory_space<vmem>>, %arg7: memref<128x128xf32, #tpu.memory_space<vmem>>, %arg8: memref<128xi32, #tpu.memory_space<vmem>>, %arg9: memref<128xi32, #tpu.memory_space<vmem>>, %arg10: memref<128xi32, #tpu.memory_space<vmem>>, %arg11: memref<128xi32, #tpu.memory_space<vmem>>, %arg12: memref<128xi32, #tpu.memory_space<vmem>>, %arg13: memref<128xi32, #tpu.memory_space<vmem>>, %arg14: memref<16x128xf32, #tpu.memory_space<vmem>>, %arg15: memref<16xi32, #tpu.memory_space<vmem>>, %arg16: memref<16xi32, #tpu.memory_space<vmem>>, %arg17: memref<16xi32, #tpu.memory_space<vmem>>, %arg18: memref<10240x128xf32, #tpu.memory_space<vmem_shared>>, %arg19: memref<!tpu.dma_semaphore, #tpu.memory_space<semaphore_mem>>, %arg20: memref<!tpu.dma_semaphore, #tpu.memory_space<semaphore_mem>>) attributes {dimension_semantics = [#tpu.dimension_semantics<core_parallel>, #tpu.dimension_semantics<subcore_parallel>], iteration_bounds = array<i64: 2, 16>, scalar_prefetch = 0 : i64, scratch_operands = 15 : i64, tpu.core_type = #tpu.core_type<sc_vector_subcore>, window_params = [{transform_indices = #map}, {transform_indices = #map1}, {transform_indices = #map1}, {transform_indices = #map2}]} {
    %broadcast_in_dim3A = arith.constant 0.000000e+00 : f32
    %broadcast_in_dim3A_0 = vector.broadcast %broadcast_in_dim3A : f32 to vector<16xf32>
    %scan3A = arith.constant 0 : i32
    %scan3A_1 = arith.constant 0 : i32
    %scan3A_2 = arith.constant 128 : i32
    %scan3A_3 = arith.addi %scan3A_1, %scan3A_2 : i32
    %scan3A_4 = arith.constant 1 : i32
    %scan3A_5 = scf.for %scan3A_53 = %scan3A_1 to %scan3A_3 step %scan3A_4 iter_args(%scan3A_54 = %scan3A) -> (i32)  : i32 {
      %swap3A_55 = arith.index_cast %scan3A_53 : i32 to index
      %swap3A_56 = arith.constant 0 : index
      %swap3A_57 = tpu.vector_load %arg6[%swap3A_55, %swap3A_56] {strides = array<i32>} : memref<128x128xf32, #tpu.memory_space<vmem>>, vector<1x16xf32>,
      %swap3A_58 = vector.shape_cast %swap3A_57 : vector<1x16xf32> to vector<16xf32>
      %swap3A_59 = vector.shape_cast %broadcast_in_dim3A_0 : vector<16xf32> to vector<1x16xf32>
      tpu.vector_store %arg6[%swap3A_55, %swap3A_56], %swap3A_59 {strides = array<i32>} : memref<128x128xf32, #tpu.memory_space<vmem>>, vector<1x16xf32>,
      %swap3A_60 = arith.index_cast %scan3A_53 : i32 to index
      %swap3A_61 = arith.constant 16 : index
      %swap3A_62 = tpu.vector_load %arg6[%swap3A_60, %swap3A_61] {strides = array<i32>} : memref<128x128xf32, #tpu.memory_space<vmem>>, vector<1x16xf32>,
      %swap3A_63 = vector.shape_cast %swap3A_62 : vector<1x16xf32> to vector<16xf32>
      %swap3A_64 = vector.shape_cast %broadcast_in_dim3A_0 : vector<16xf32> to vector<1x16xf32>
      tpu.vector_store %arg6[%swap3A_60, %swap3A_61], %swap3A_64 {strides = array<i32>} : memref<128x128xf32, #tpu.memory_space<vmem>>, vector<1x16xf32>,
      %swap3A_65 = arith.index_cast %scan3A_53 : i32 to index
      %swap3A_66 = arith.constant 32 : index
      %swap3A_67 = tpu.vector_load %arg6[%swap3A_65, %swap3A_66] {strides = array<i32>} : memref<128x128xf32, #tpu.memory_space<vmem>>, vector<1x16xf32>,
      %swap3A_68 = vector.shape_cast %swap3A_67 : vector<1x16xf32> to vector<16xf32>
      %swap3A_69 = vector.shape_cast %broadcast_in_dim3A_0 : vector<16xf32> to vector<1x16xf32>
      tpu.vector_store %arg6[%swap3A_65, %swap3A_66], %swap3A_69 {strides = array<i32>} : memref<128x128xf32, #tpu.memory_space<vmem>>, vector<1x16xf32>,
      %swap3A_70 = arith.index_cast %scan3A_53 : i32 to index
      %swap3A_71 = arith.constant 48 : index
      %swap3A_72 = tpu.vector_load %arg6[%swap3A_70, %swap3A_71] {strides = array<i32>} : memref<128x128xf32, #tpu.memory_space<vmem>>, vector<1x16xf32>,
      %swap3A_73 = vector.shape_cast %swap3A_72 : vector<1x16xf32> to vector<16xf32>
      %swap3A_74 = vector.shape_cast %broadcast_in_dim3A_0 : vector<16xf32> to vector<1x16xf32>
      tpu.vector_store %arg6[%swap3A_70, %swap3A_71], %swap3A_74 {strides = array<i32>} : memref<128x128xf32, #tpu.memory_space<vmem>>, vector<1x16xf32>,
      %swap3A_75 = arith.index_cast %scan3A_53 : i32 to index
      %swap3A_76 = arith.constant 64 : index
      %swap3A_77 = tpu.vector_load %arg6[%swap3A_75, %swap3A_76] {strides = array<i32>} : memref<128x128xf32, #tpu.memory_space<vmem>>, vector<1x16xf32>,
      %swap3A_78 = vector.shape_cast %swap3A_77 : vector<1x16xf32> to vector<16xf32>
      %swap3A_79 = vector.shape_cast %broadcast_in_dim3A_0 : vector<16xf32> to vector<1x16xf32>
      tpu.vector_store %arg6[%swap3A_75, %swap3A_76], %swap3A_79 {strides = array<i32>} : memref<128x128xf32, #tpu.memory_space<vmem>>, vector<1x16xf32>,
      %swap3A_80 = arith.index_cast %scan3A_53 : i32 to index
      %swap3A_81 = arith.constant 80 : index
      %swap3A_82 = tpu.vector_load %arg6[%swap3A_80, %swap3A_81] {strides = array<i32>} : memref<128x128xf32, #tpu.memory_space<vmem>>, vector<1x16xf32>,
      %swap3A_83 = vector.shape_cast %swap3A_82 : vector<1x16xf32> to vector<16xf32>
      %swap3A_84 = vector.shape_cast %broadcast_in_dim3A_0 : vector<16xf32> to vector<1x16xf32>
      tpu.vector_store %arg6[%swap3A_80, %swap3A_81], %swap3A_84 {strides = array<i32>} : memref<128x128xf32, #tpu.memory_space<vmem>>, vector<1x16xf32>,
      %swap3A_85 = arith.index_cast %scan3A_53 : i32 to index
      %swap3A_86 = arith.constant 96 : index
      %swap3A_87 = tpu.vector_load %arg6[%swap3A_85, %swap3A_86] {strides = array<i32>} : memref<128x128xf32, #tpu.memory_space<vmem>>, vector<1x16xf32>,
      %swap3A_88 = vector.shape_cast %swap3A_87 : vector<1x16xf32> to vector<16xf32>
      %swap3A_89 = vector.shape_cast %broadcast_in_dim3A_0 : vector<16xf32> to vector<1x16xf32>
      tpu.vector_store %arg6[%swap3A_85, %swap3A_86], %swap3A_89 {strides = array<i32>} : memref<128x128xf32, #tpu.memory_space<vmem>>, vector<1x16xf32>,
      %swap3A_90 = arith.index_cast %scan3A_53 : i32 to index
      %swap3A_91 = arith.constant 112 : index
      %swap3A_92 = tpu.vector_load %arg6[%swap3A_90, %swap3A_91] {strides = array<i32>} : memref<128x128xf32, #tpu.memory_space<vmem>>, vector<1x16xf32>,
      %swap3A_93 = vector.shape_cast %swap3A_92 : vector<1x16xf32> to vector<16xf32>
      %swap3A_94 = vector.shape_cast %broadcast_in_dim3A_0 : vector<16xf32> to vector<1x16xf32>
      tpu.vector_store %arg6[%swap3A_90, %swap3A_91], %swap3A_94 {strides = array<i32>} : memref<128x128xf32, #tpu.memory_space<vmem>>, vector<1x16xf32>,
      %scan3A_95 = arith.constant 0 : i32
      scf.yield %scan3A_95 : i32
    }
    %scan3A_6 = arith.constant 128 : i32
    %mul3A = arith.constant 640 : i32
    %mul3A_7 = arith.muli %arg1, %mul3A : i32
    %add3A = arith.constant 0 : i32
    %add3A_8 = arith.addi %mul3A_7, %add3A : i32
    "tpu.region"() ({
      %run_scoped3A = tpu.sem_alloc : memref<!tpu.dma_semaphore, #tpu.memory_space<semaphore_mem>>
      %dma_start3A_53 = arith.constant 0 : i32
      %dma_start3A_54 = tpu.memref_slice %arg18[%add3A_8, %dma_start3A_53] : memref<10240x128xf32, #tpu.memory_space<vmem_shared>> -> memref<128x128xf32, #tpu.memory_space<vmem_shared>>
      %dma_start3A_55 = arith.constant 0 : i32
      %dma_start3A_56 = tpu.memref_slice %arg18[%add3A_8, %dma_start3A_55] : memref<10240x128xf32, #tpu.memory_space<vmem_shared>> -> memref<128x128xf32, #tpu.memory_space<vmem_shared>>
      tpu.enqueue_dma source(%arg6 : memref<128x128xf32, #tpu.memory_space<vmem>>) target(%dma_start3A_56 : memref<128x128xf32, #tpu.memory_space<vmem_shared>>) target_semaphore(%run_scoped3A : memref<!tpu.dma_semaphore, #tpu.memory_space<semaphore_mem>>)
      %dma_wait3A_57 = arith.constant 0 : i32
      %dma_wait3A_58 = tpu.memref_slice %arg18[%add3A_8, %dma_wait3A_57] : memref<10240x128xf32, #tpu.memory_space<vmem_shared>> -> memref<128x128xf32, #tpu.memory_space<vmem_shared>>
      %dma_wait3A_59 = arith.constant 0 : i32
      %dma_wait3A_60 = tpu.memref_slice %arg18[%add3A_8, %dma_wait3A_59] : memref<10240x128xf32, #tpu.memory_space<vmem_shared>> -> memref<128x128xf32, #tpu.memory_space<vmem_shared>>
      tpu.wait_dma2 semaphore(%run_scoped3A : memref<!tpu.dma_semaphore, #tpu.memory_space<semaphore_mem>>) src(%arg6 : memref<128x128xf32, #tpu.memory_space<vmem>>) dst(%dma_wait3A_60 : memref<128x128xf32, #tpu.memory_space<vmem_shared>>)
      tpu.yield
    }) : () -> ()
    %mul3A_9 = arith.constant 640 : i32
    %mul3A_10 = arith.muli %arg1, %mul3A_9 : i32
    %add3A_11 = arith.constant 128 : i32
    %add3A_12 = arith.addi %mul3A_10, %add3A_11 : i32
    "tpu.region"() ({
      %run_scoped3A = tpu.sem_alloc : memref<!tpu.dma_semaphore, #tpu.memory_space<semaphore_mem>>
      %dma_start3A_53 = arith.constant 0 : i32
      %dma_start3A_54 = tpu.memref_slice %arg18[%add3A_12, %dma_start3A_53] : memref<10240x128xf32, #tpu.memory_space<vmem_shared>> -> memref<128x128xf32, #tpu.memory_space<vmem_shared>>
      %dma_start3A_55 = arith.constant 0 : i32
      %dma_start3A_56 = tpu.memref_slice %arg18[%add3A_12, %dma_start3A_55] : memref<10240x128xf32, #tpu.memory_space<vmem_shared>> -> memref<128x128xf32, #tpu.memory_space<vmem_shared>>
      tpu.enqueue_dma source(%arg6 : memref<128x128xf32, #tpu.memory_space<vmem>>) target(%dma_start3A_56 : memref<128x128xf32, #tpu.memory_space<vmem_shared>>) target_semaphore(%run_scoped3A : memref<!tpu.dma_semaphore, #tpu.memory_space<semaphore_mem>>)
      %dma_wait3A_57 = arith.constant 0 : i32
      %dma_wait3A_58 = tpu.memref_slice %arg18[%add3A_12, %dma_wait3A_57] : memref<10240x128xf32, #tpu.memory_space<vmem_shared>> -> memref<128x128xf32, #tpu.memory_space<vmem_shared>>
      %dma_wait3A_59 = arith.constant 0 : i32
      %dma_wait3A_60 = tpu.memref_slice %arg18[%add3A_12, %dma_wait3A_59] : memref<10240x128xf32, #tpu.memory_space<vmem_shared>> -> memref<128x128xf32, #tpu.memory_space<vmem_shared>>
      tpu.wait_dma2 semaphore(%run_scoped3A : memref<!tpu.dma_semaphore, #tpu.memory_space<semaphore_mem>>) src(%arg6 : memref<128x128xf32, #tpu.memory_space<vmem>>) dst(%dma_wait3A_60 : memref<128x128xf32, #tpu.memory_space<vmem_shared>>)
      tpu.yield
    }) : () -> ()
    %mul3A_13 = arith.constant 640 : i32
    %mul3A_14 = arith.muli %arg1, %mul3A_13 : i32
    %add3A_15 = arith.constant 256 : i32
    %add3A_16 = arith.addi %mul3A_14, %add3A_15 : i32
    "tpu.region"() ({
      %run_scoped3A = tpu.sem_alloc : memref<!tpu.dma_semaphore, #tpu.memory_space<semaphore_mem>>
      %dma_start3A_53 = arith.constant 0 : i32
      %dma_start3A_54 = tpu.memref_slice %arg18[%add3A_16, %dma_start3A_53] : memref<10240x128xf32, #tpu.memory_space<vmem_shared>> -> memref<128x128xf32, #tpu.memory_space<vmem_shared>>
      %dma_start3A_55 = arith.constant 0 : i32
      %dma_start3A_56 = tpu.memref_slice %arg18[%add3A_16, %dma_start3A_55] : memref<10240x128xf32, #tpu.memory_space<vmem_shared>> -> memref<128x128xf32, #tpu.memory_space<vmem_shared>>
      tpu.enqueue_dma source(%arg6 : memref<128x128xf32, #tpu.memory_space<vmem>>) target(%dma_start3A_56 : memref<128x128xf32, #tpu.memory_space<vmem_shared>>) target_semaphore(%run_scoped3A : memref<!tpu.dma_semaphore, #tpu.memory_space<semaphore_mem>>)
      %dma_wait3A_57 = arith.constant 0 : i32
      %dma_wait3A_58 = tpu.memref_slice %arg18[%add3A_16, %dma_wait3A_57] : memref<10240x128xf32, #tpu.memory_space<vmem_shared>> -> memref<128x128xf32, #tpu.memory_space<vmem_shared>>
      %dma_wait3A_59 = arith.constant 0 : i32
      %dma_wait3A_60 = tpu.memref_slice %arg18[%add3A_16, %dma_wait3A_59] : memref<10240x128xf32, #tpu.memory_space<vmem_shared>> -> memref<128x128xf32, #tpu.memory_space<vmem_shared>>
      tpu.wait_dma2 semaphore(%run_scoped3A : memref<!tpu.dma_semaphore, #tpu.memory_space<semaphore_mem>>) src(%arg6 : memref<128x128xf32, #tpu.memory_space<vmem>>) dst(%dma_wait3A_60 : memref<128x128xf32, #tpu.memory_space<vmem_shared>>)
      tpu.yield
    }) : () -> ()
    %mul3A_17 = arith.constant 640 : i32
    %mul3A_18 = arith.muli %arg1, %mul3A_17 : i32
    %add3A_19 = arith.constant 384 : i32
    %add3A_20 = arith.addi %mul3A_18, %add3A_19 : i32
    "tpu.region"() ({
      %run_scoped3A = tpu.sem_alloc : memref<!tpu.dma_semaphore, #tpu.memory_space<semaphore_mem>>
      %dma_start3A_53 = arith.constant 0 : i32
      %dma_start3A_54 = tpu.memref_slice %arg18[%add3A_20, %dma_start3A_53] : memref<10240x128xf32, #tpu.memory_space<vmem_shared>> -> memref<128x128xf32, #tpu.memory_space<vmem_shared>>
      %dma_start3A_55 = arith.constant 0 : i32
      %dma_start3A_56 = tpu.memref_slice %arg18[%add3A_20, %dma_start3A_55] : memref<10240x128xf32, #tpu.memory_space<vmem_shared>> -> memref<128x128xf32, #tpu.memory_space<vmem_shared>>
      tpu.enqueue_dma source(%arg6 : memref<128x128xf32, #tpu.memory_space<vmem>>) target(%dma_start3A_56 : memref<128x128xf32, #tpu.memory_space<vmem_shared>>) target_semaphore(%run_scoped3A : memref<!tpu.dma_semaphore, #tpu.memory_space<semaphore_mem>>)
      %dma_wait3A_57 = arith.constant 0 : i32
      %dma_wait3A_58 = tpu.memref_slice %arg18[%add3A_20, %dma_wait3A_57] : memref<10240x128xf32, #tpu.memory_space<vmem_shared>> -> memref<128x128xf32, #tpu.memory_space<vmem_shared>>
      %dma_wait3A_59 = arith.constant 0 : i32
      %dma_wait3A_60 = tpu.memref_slice %arg18[%add3A_20, %dma_wait3A_59] : memref<10240x128xf32, #tpu.memory_space<vmem_shared>> -> memref<128x128xf32, #tpu.memory_space<vmem_shared>>
      tpu.wait_dma2 semaphore(%run_scoped3A : memref<!tpu.dma_semaphore, #tpu.memory_space<semaphore_mem>>) src(%arg6 : memref<128x128xf32, #tpu.memory_space<vmem>>) dst(%dma_wait3A_60 : memref<128x128xf32, #tpu.memory_space<vmem_shared>>)
      tpu.yield
    }) : () -> ()
    %mul3A_21 = arith.constant 640 : i32
    %mul3A_22 = arith.muli %arg1, %mul3A_21 : i32
    %add3A_23 = arith.constant 512 : i32
    %add3A_24 = arith.addi %mul3A_22, %add3A_23 : i32
    "tpu.region"() ({
      %run_scoped3A = tpu.sem_alloc : memref<!tpu.dma_semaphore, #tpu.memory_space<semaphore_mem>>
      %dma_start3A_53 = arith.constant 0 : i32
      %dma_start3A_54 = tpu.memref_slice %arg18[%add3A_24, %dma_start3A_53] : memref<10240x128xf32, #tpu.memory_space<vmem_shared>> -> memref<128x128xf32, #tpu.memory_space<vmem_shared>>
      %dma_start3A_55 = arith.constant 0 : i32
      %dma_start3A_56 = tpu.memref_slice %arg18[%add3A_24, %dma_start3A_55] : memref<10240x128xf32, #tpu.memory_space<vmem_shared>> -> memref<128x128xf32, #tpu.memory_space<vmem_shared>>
      tpu.enqueue_dma source(%arg6 : memref<128x128xf32, #tpu.memory_space<vmem>>) target(%dma_start3A_56 : memref<128x128xf32, #tpu.memory_space<vmem_shared>>) target_semaphore(%run_scoped3A : memref<!tpu.dma_semaphore, #tpu.memory_space<semaphore_mem>>)
      %dma_wait3A_57 = arith.constant 0 : i32
      %dma_wait3A_58 = tpu.memref_slice %arg18[%add3A_24, %dma_wait3A_57] : memref<10240x128xf32, #tpu.memory_space<vmem_shared>> -> memref<128x128xf32, #tpu.memory_space<vmem_shared>>
      %dma_wait3A_59 = arith.constant 0 : i32
      %dma_wait3A_60 = tpu.memref_slice %arg18[%add3A_24, %dma_wait3A_59] : memref<10240x128xf32, #tpu.memory_space<vmem_shared>> -> memref<128x128xf32, #tpu.memory_space<vmem_shared>>
      tpu.wait_dma2 semaphore(%run_scoped3A : memref<!tpu.dma_semaphore, #tpu.memory_space<semaphore_mem>>) src(%arg6 : memref<128x128xf32, #tpu.memory_space<vmem>>) dst(%dma_wait3A_60 : memref<128x128xf32, #tpu.memory_space<vmem_shared>>)
      tpu.yield
    }) : () -> ()
    %barrier3A = arith.constant 0 : index
    tpu.barrier barrier_id(%barrier3A)
    %mul3A_25 = arith.constant 10000 : i32
    %mul3A_26 = arith.muli %arg1, %mul3A_25 : i32
    %scan3A_27 = arith.constant 0 : i32
    %scan3A_28 = arith.constant 0 : i32
    %scan3A_29 = arith.constant 6 : i32
    %scan3A_30 = arith.addi %scan3A_28, %scan3A_29 : i32
    %scan3A_31 = arith.constant 1 : i32
    %scan3A_32 = scf.for %scan3A_53 = %scan3A_28 to %scan3A_30 step %scan3A_31 iter_args(%scan3A_54 = %scan3A_27) -> (i32)  : i32 {
      %mul3A_55 = arith.constant 1664 : i32
      %mul3A_56 = arith.muli %scan3A_53, %mul3A_55 : i32
      %add3A_57 = arith.addi %mul3A_26, %mul3A_56 : i32
      %multiple_of3A_58 = tpu.assume_multiple %add3A_57, 8 : i32
      "tpu.region"() ({
        %run_scoped3A = tpu.sem_alloc : memref<!tpu.dma_semaphore, #tpu.memory_space<semaphore_mem>>
        %dma_start3A_1202 = tpu.memref_slice %arg3[%multiple_of3A_58] : memref<160000xi32, #tpu.memory_space<hbm>> -> memref<128xi32, #tpu.memory_space<hbm>>
        %dma_start3A_1203 = tpu.memref_slice %arg3[%multiple_of3A_58] : memref<160000xi32, #tpu.memory_space<hbm>> -> memref<128xi32, #tpu.memory_space<hbm>>
        tpu.enqueue_dma source(%dma_start3A_1203 : memref<128xi32, #tpu.memory_space<hbm>>) target(%arg8 : memref<128xi32, #tpu.memory_space<vmem>>) target_semaphore(%run_scoped3A : memref<!tpu.dma_semaphore, #tpu.memory_space<semaphore_mem>>)
        %dma_wait3A_1204 = tpu.memref_slice %arg3[%multiple_of3A_58] : memref<160000xi32, #tpu.memory_space<hbm>> -> memref<128xi32, #tpu.memory_space<hbm>>
        %dma_wait3A_1205 = tpu.memref_slice %arg3[%multiple_of3A_58] : memref<160000xi32, #tpu.memory_space<hbm>> -> memref<128xi32, #tpu.memory_space<hbm>>
        tpu.wait_dma2 semaphore(%run_scoped3A : memref<!tpu.dma_semaphore, #tpu.memory_space<semaphore_mem>>) src(%dma_wait3A_1205 : memref<128xi32, #tpu.memory_space<hbm>>) dst(%arg8 : memref<128xi32, #tpu.memory_space<vmem>>)
        tpu.yield
      }) : () -> ()
      "tpu.region"() ({
        %run_scoped3A = tpu.sem_alloc : memref<!tpu.dma_semaphore, #tpu.memory_space<semaphore_mem>>
        %dma_start3A_1202 = tpu.memref_slice %arg4[%multiple_of3A_58] : memref<160000xi32, #tpu.memory_space<hbm>> -> memref<128xi32, #tpu.memory_space<hbm>>
        %dma_start3A_1203 = tpu.memref_slice %arg4[%multiple_of3A_58] : memref<160000xi32, #tpu.memory_space<hbm>> -> memref<128xi32, #tpu.memory_space<hbm>>
        tpu.enqueue_dma source(%dma_start3A_1203 : memref<128xi32, #tpu.memory_space<hbm>>) target(%arg10 : memref<128xi32, #tpu.memory_space<vmem>>) target_semaphore(%run_scoped3A : memref<!tpu.dma_semaphore, #tpu.memory_space<semaphore_mem>>)
        %dma_wait3A_1204 = tpu.memref_slice %arg4[%multiple_of3A_58] : memref<160000xi32, #tpu.memory_space<hbm>> -> memref<128xi32, #tpu.memory_space<hbm>>
        %dma_wait3A_1205 = tpu.memref_slice %arg4[%multiple_of3A_58] : memref<160000xi32, #tpu.memory_space<hbm>> -> memref<128xi32, #tpu.memory_space<hbm>>
        tpu.wait_dma2 semaphore(%run_scoped3A : memref<!tpu.dma_semaphore, #tpu.memory_space<semaphore_mem>>) src(%dma_wait3A_1205 : memref<128xi32, #tpu.memory_space<hbm>>) dst(%arg10 : memref<128xi32, #tpu.memory_space<vmem>>)
        tpu.yield
      }) : () -> ()
      %get3A_59 = arith.constant 0 : index
      %get3A_60 = tpu.vector_load %arg8[%get3A_59] {strides = array<i32>} : memref<128xi32, #tpu.memory_space<vmem>>, vector<16xi32>,
      %get3A_61 = vector.shape_cast %get3A_60 : vector<16xi32> to vector<16xi32>
      %add3A_62 = arith.addi %get3A_61, %get3A_61 : vector<16xi32>
      %add3A_63 = vector.broadcast %arg0 : i32 to vector<16xi32>
      %add3A_64 = arith.addi %add3A_62, %add3A_63 : vector<16xi32>
      %swap3A_65 = arith.constant 0 : index
      %swap3A_66 = tpu.vector_load %arg12[%swap3A_65] {strides = array<i32>} : memref<128xi32, #tpu.memory_space<vmem>>, vector<16xi32>,
      %swap3A_67 = vector.shape_cast %swap3A_66 : vector<16xi32> to vector<16xi32>
      %swap3A_68 = vector.shape_cast %add3A_64 : vector<16xi32> to vector<16xi32>
      tpu.vector_store %arg12[%swap3A_65], %swap3A_68 {strides = array<i32>} : memref<128xi32, #tpu.memory_space<vmem>>, vector<16xi32>,
      %get3A_69 = arith.constant 16 : index
      %get3A_70 = tpu.vector_load %arg8[%get3A_69] {strides = array<i32>} : memref<128xi32, #tpu.memory_space<vmem>>, vector<16xi32>,
      %get3A_71 = vector.shape_cast %get3A_70 : vector<16xi32> to vector<16xi32>
      %add3A_72 = arith.addi %get3A_71, %get3A_71 : vector<16xi32>
      %add3A_73 = vector.broadcast %arg0 : i32 to vector<16xi32>
      %add3A_74 = arith.addi %add3A_72, %add3A_73 : vector<16xi32>
      %swap3A_75 = arith.constant 16 : index
      %swap3A_76 = tpu.vector_load %arg12[%swap3A_75] {strides = array<i32>} : memref<128xi32, #tpu.memory_space<vmem>>, vector<16xi32>,
      %swap3A_77 = vector.shape_cast %swap3A_76 : vector<16xi32> to vector<16xi32>
      %swap3A_78 = vector.shape_cast %add3A_74 : vector<16xi32> to vector<16xi32>
      tpu.vector_store %arg12[%swap3A_75], %swap3A_78 {strides = array<i32>} : memref<128xi32, #tpu.memory_space<vmem>>, vector<16xi32>,
      %get3A_79 = arith.constant 32 : index
      %get3A_80 = tpu.vector_load %arg8[%get3A_79] {strides = array<i32>} : memref<128xi32, #tpu.memory_space<vmem>>, vector<16xi32>,
      %get3A_81 = vector.shape_cast %get3A_80 : vector<16xi32> to vector<16xi32>
      %add3A_82 = arith.addi %get3A_81, %get3A_81 : vector<16xi32>
      %add3A_83 = vector.broadcast %arg0 : i32 to vector<16xi32>
      %add3A_84 = arith.addi %add3A_82, %add3A_83 : vector<16xi32>
      %swap3A_85 = arith.constant 32 : index
      %swap3A_86 = tpu.vector_load %arg12[%swap3A_85] {strides = array<i32>} : memref<128xi32, #tpu.memory_space<vmem>>, vector<16xi32>,
      %swap3A_87 = vector.shape_cast %swap3A_86 : vector<16xi32> to vector<16xi32>
      %swap3A_88 = vector.shape_cast %add3A_84 : vector<16xi32> to vector<16xi32>
      tpu.vector_store %arg12[%swap3A_85], %swap3A_88 {strides = array<i32>} : memref<128xi32, #tpu.memory_space<vmem>>, vector<16xi32>,
      %get3A_89 = arith.constant 48 : index
      %get3A_90 = tpu.vector_load %arg8[%get3A_89] {strides = array<i32>} : memref<128xi32, #tpu.memory_space<vmem>>, vector<16xi32>,
      %get3A_91 = vector.shape_cast %get3A_90 : vector<16xi32> to vector<16xi32>
      %add3A_92 = arith.addi %get3A_91, %get3A_91 : vector<16xi32>
      %add3A_93 = vector.broadcast %arg0 : i32 to vector<16xi32>
      %add3A_94 = arith.addi %add3A_92, %add3A_93 : vector<16xi32>
      %swap3A_95 = arith.constant 48 : index
      %swap3A_96 = tpu.vector_load %arg12[%swap3A_95] {strides = array<i32>} : memref<128xi32, #tpu.memory_space<vmem>>, vector<16xi32>,
      %swap3A_97 = vector.shape_cast %swap3A_96 : vector<16xi32> to vector<16xi32>
      %swap3A_98 = vector.shape_cast %add3A_94 : vector<16xi32> to vector<16xi32>
      tpu.vector_store %arg12[%swap3A_95], %swap3A_98 {strides = array<i32>} : memref<128xi32, #tpu.memory_space<vmem>>, vector<16xi32>,
      %get3A_99 = arith.constant 64 : index
      %get3A_100 = tpu.vector_load %arg8[%get3A_99] {strides = array<i32>} : memref<128xi32, #tpu.memory_space<vmem>>, vector<16xi32>,
      %get3A_101 = vector.shape_cast %get3A_100 : vector<16xi32> to vector<16xi32>
      %add3A_102 = arith.addi %get3A_101, %get3A_101 : vector<16xi32>
      %add3A_103 = vector.broadcast %arg0 : i32 to vector<16xi32>
      %add3A_104 = arith.addi %add3A_102, %add3A_103 : vector<16xi32>
      %swap3A_105 = arith.constant 64 : index
      %swap3A_106 = tpu.vector_load %arg12[%swap3A_105] {strides = array<i32>} : memref<128xi32, #tpu.memory_space<vmem>>, vector<16xi32>,
      %swap3A_107 = vector.shape_cast %swap3A_106 : vector<16xi32> to vector<16xi32>
      %swap3A_108 = vector.shape_cast %add3A_104 : vector<16xi32> to vector<16xi32>
      tpu.vector_store %arg12[%swap3A_105], %swap3A_108 {strides = array<i32>} : memref<128xi32, #tpu.memory_space<vmem>>, vector<16xi32>,
      %get3A_109 = arith.constant 80 : index
      %get3A_110 = tpu.vector_load %arg8[%get3A_109] {strides = array<i32>} : memref<128xi32, #tpu.memory_space<vmem>>, vector<16xi32>,
      %get3A_111 = vector.shape_cast %get3A_110 : vector<16xi32> to vector<16xi32>
      %add3A_112 = arith.addi %get3A_111, %get3A_111 : vector<16xi32>
      %add3A_113 = vector.broadcast %arg0 : i32 to vector<16xi32>
      %add3A_114 = arith.addi %add3A_112, %add3A_113 : vector<16xi32>
      %swap3A_115 = arith.constant 80 : index
      %swap3A_116 = tpu.vector_load %arg12[%swap3A_115] {strides = array<i32>} : memref<128xi32, #tpu.memory_space<vmem>>, vector<16xi32>,
      %swap3A_117 = vector.shape_cast %swap3A_116 : vector<16xi32> to vector<16xi32>
      %swap3A_118 = vector.shape_cast %add3A_114 : vector<16xi32> to vector<16xi32>
      tpu.vector_store %arg12[%swap3A_115], %swap3A_118 {strides = array<i32>} : memref<128xi32, #tpu.memory_space<vmem>>, vector<16xi32>,
      %get3A_119 = arith.constant 96 : index
      %get3A_120 = tpu.vector_load %arg8[%get3A_119] {strides = array<i32>} : memref<128xi32, #tpu.memory_space<vmem>>, vector<16xi32>,
      %get3A_121 = vector.shape_cast %get3A_120 : vector<16xi32> to vector<16xi32>
      %add3A_122 = arith.addi %get3A_121, %get3A_121 : vector<16xi32>
      %add3A_123 = vector.broadcast %arg0 : i32 to vector<16xi32>
      %add3A_124 = arith.addi %add3A_122, %add3A_123 : vector<16xi32>
      %swap3A_125 = arith.constant 96 : index
      %swap3A_126 = tpu.vector_load %arg12[%swap3A_125] {strides = array<i32>} : memref<128xi32, #tpu.memory_space<vmem>>, vector<16xi32>,
      %swap3A_127 = vector.shape_cast %swap3A_126 : vector<16xi32> to vector<16xi32>
      %swap3A_128 = vector.shape_cast %add3A_124 : vector<16xi32> to vector<16xi32>
      tpu.vector_store %arg12[%swap3A_125], %swap3A_128 {strides = array<i32>} : memref<128xi32, #tpu.memory_space<vmem>>, vector<16xi32>,
      %get3A_129 = arith.constant 112 : index
      %get3A_130 = tpu.vector_load %arg8[%get3A_129] {strides = array<i32>} : memref<128xi32, #tpu.memory_space<vmem>>, vector<16xi32>,
      %get3A_131 = vector.shape_cast %get3A_130 : vector<16xi32> to vector<16xi32>
      %add3A_132 = arith.addi %get3A_131, %get3A_131 : vector<16xi32>
      %add3A_133 = vector.broadcast %arg0 : i32 to vector<16xi32>
      %add3A_134 = arith.addi %add3A_132, %add3A_133 : vector<16xi32>
      %swap3A_135 = arith.constant 112 : index
      %swap3A_136 = tpu.vector_load %arg12[%swap3A_135] {strides = array<i32>} : memref<128xi32, #tpu.memory_space<vmem>>, vector<16xi32>,
      %swap3A_137 = vector.shape_cast %swap3A_136 : vector<16xi32> to vector<16xi32>
      %swap3A_138 = vector.shape_cast %add3A_134 : vector<16xi32> to vector<16xi32>
      tpu.vector_store %arg12[%swap3A_135], %swap3A_138 {strides = array<i32>} : memref<128xi32, #tpu.memory_space<vmem>>, vector<16xi32>,
      %dma_start3A_139 = arith.constant 0 : i32
      %dma_start3A_140 = arith.constant 0 : i32
      %dma_start3A_141 = tpu.memref_slice %arg2[%dma_start3A_139, %dma_start3A_140] : memref<20000x128xf32, #tpu.memory_space<hbm>> -> memref<20000x128xf32, #tpu.memory_space<hbm>>
      tpu.enqueue_indirect_dma source(%dma_start3A_141 : memref<20000x128xf32, #tpu.memory_space<hbm>>) target(%arg6 : memref<128x128xf32, #tpu.memory_space<vmem>>) offsets(%arg12 : memref<128xi32, #tpu.memory_space<vmem>>) semaphore(%arg19 : memref<!tpu.dma_semaphore, #tpu.memory_space<semaphore_mem>>)
      %add3A_142 = arith.constant 128 : i32
      %add3A_143 = arith.addi %multiple_of3A_58, %add3A_142 : i32
      "tpu.region"() ({
        %run_scoped3A = tpu.sem_alloc : memref<!tpu.dma_semaphore, #tpu.memory_space<semaphore_mem>>
        %dma_start3A_1202 = tpu.memref_slice %arg3[%add3A_143] : memref<160000xi32, #tpu.memory_space<hbm>> -> memref<128xi32, #tpu.memory_space<hbm>>
        %dma_start3A_1203 = tpu.memref_slice %arg3[%add3A_143] : memref<160000xi32, #tpu.memory_space<hbm>> -> memref<128xi32, #tpu.memory_space<hbm>>
        tpu.enqueue_dma source(%dma_start3A_1203 : memref<128xi32, #tpu.memory_space<hbm>>) target(%arg9 : memref<128xi32, #tpu.memory_space<vmem>>) target_semaphore(%run_scoped3A : memref<!tpu.dma_semaphore, #tpu.memory_space<semaphore_mem>>)
        %dma_wait3A_1204 = tpu.memref_slice %arg3[%add3A_143] : memref<160000xi32, #tpu.memory_space<hbm>> -> memref<128xi32, #tpu.memory_space<hbm>>
        %dma_wait3A_1205 = tpu.memref_slice %arg3[%add3A_143] : memref<160000xi32, #tpu.memory_space<hbm>> -> memref<128xi32, #tpu.memory_space<hbm>>
        tpu.wait_dma2 semaphore(%run_scoped3A : memref<!tpu.dma_semaphore, #tpu.memory_space<semaphore_mem>>) src(%dma_wait3A_1205 : memref<128xi32, #tpu.memory_space<hbm>>) dst(%arg9 : memref<128xi32, #tpu.memory_space<vmem>>)
        tpu.yield
      }) : () -> ()
      "tpu.region"() ({
        %run_scoped3A = tpu.sem_alloc : memref<!tpu.dma_semaphore, #tpu.memory_space<semaphore_mem>>
        %dma_start3A_1202 = tpu.memref_slice %arg4[%add3A_143] : memref<160000xi32, #tpu.memory_space<hbm>> -> memref<128xi32, #tpu.memory_space<hbm>>
        %dma_start3A_1203 = tpu.memref_slice %arg4[%add3A_143] : memref<160000xi32, #tpu.memory_space<hbm>> -> memref<128xi32, #tpu.memory_space<hbm>>
        tpu.enqueue_dma source(%dma_start3A_1203 : memref<128xi32, #tpu.memory_space<hbm>>) target(%arg11 : memref<128xi32, #tpu.memory_space<vmem>>) target_semaphore(%run_scoped3A : memref<!tpu.dma_semaphore, #tpu.memory_space<semaphore_mem>>)
        %dma_wait3A_1204 = tpu.memref_slice %arg4[%add3A_143] : memref<160000xi32, #tpu.memory_space<hbm>> -> memref<128xi32, #tpu.memory_space<hbm>>
        %dma_wait3A_1205 = tpu.memref_slice %arg4[%add3A_143] : memref<160000xi32, #tpu.memory_space<hbm>> -> memref<128xi32, #tpu.memory_space<hbm>>
        tpu.wait_dma2 semaphore(%run_scoped3A : memref<!tpu.dma_semaphore, #tpu.memory_space<semaphore_mem>>) src(%dma_wait3A_1205 : memref<128xi32, #tpu.memory_space<hbm>>) dst(%arg11 : memref<128xi32, #tpu.memory_space<vmem>>)
        tpu.yield
      }) : () -> ()
      %get3A_144 = arith.constant 0 : index
      %get3A_145 = tpu.vector_load %arg9[%get3A_144] {strides = array<i32>} : memref<128xi32, #tpu.memory_space<vmem>>, vector<16xi32>,
      %get3A_146 = vector.shape_cast %get3A_145 : vector<16xi32> to vector<16xi32>
      %add3A_147 = arith.addi %get3A_146, %get3A_146 : vector<16xi32>
      %add3A_148 = vector.broadcast %arg0 : i32 to vector<16xi32>
      %add3A_149 = arith.addi %add3A_147, %add3A_148 : vector<16xi32>
      %swap3A_150 = arith.constant 0 : index
      %swap3A_151 = tpu.vector_load %arg13[%swap3A_150] {strides = array<i32>} : memref<128xi32, #tpu.memory_space<vmem>>, vector<16xi32>,
      %swap3A_152 = vector.shape_cast %swap3A_151 : vector<16xi32> to vector<16xi32>
      %swap3A_153 = vector.shape_cast %add3A_149 : vector<16xi32> to vector<16xi32>
      tpu.vector_store %arg13[%swap3A_150], %swap3A_153 {strides = array<i32>} : memref<128xi32, #tpu.memory_space<vmem>>, vector<16xi32>,
      %get3A_154 = arith.constant 16 : index
      %get3A_155 = tpu.vector_load %arg9[%get3A_154] {strides = array<i32>} : memref<128xi32, #tpu.memory_space<vmem>>, vector<16xi32>,
      %get3A_156 = vector.shape_cast %get3A_155 : vector<16xi32> to vector<16xi32>
      %add3A_157 = arith.addi %get3A_156, %get3A_156 : vector<16xi32>
      %add3A_158 = vector.broadcast %arg0 : i32 to vector<16xi32>
      %add3A_159 = arith.addi %add3A_157, %add3A_158 : vector<16xi32>
      %swap3A_160 = arith.constant 16 : index
      %swap3A_161 = tpu.vector_load %arg13[%swap3A_160] {strides = array<i32>} : memref<128xi32, #tpu.memory_space<vmem>>, vector<16xi32>,
      %swap3A_162 = vector.shape_cast %swap3A_161 : vector<16xi32> to vector<16xi32>
      %swap3A_163 = vector.shape_cast %add3A_159 : vector<16xi32> to vector<16xi32>
      tpu.vector_store %arg13[%swap3A_160], %swap3A_163 {strides = array<i32>} : memref<128xi32, #tpu.memory_space<vmem>>, vector<16xi32>,
      %get3A_164 = arith.constant 32 : index
      %get3A_165 = tpu.vector_load %arg9[%get3A_164] {strides = array<i32>} : memref<128xi32, #tpu.memory_space<vmem>>, vector<16xi32>,
      %get3A_166 = vector.shape_cast %get3A_165 : vector<16xi32> to vector<16xi32>
      %add3A_167 = arith.addi %get3A_166, %get3A_166 : vector<16xi32>
      %add3A_168 = vector.broadcast %arg0 : i32 to vector<16xi32>
      %add3A_169 = arith.addi %add3A_167, %add3A_168 : vector<16xi32>
      %swap3A_170 = arith.constant 32 : index
      %swap3A_171 = tpu.vector_load %arg13[%swap3A_170] {strides = array<i32>} : memref<128xi32, #tpu.memory_space<vmem>>, vector<16xi32>,
      %swap3A_172 = vector.shape_cast %swap3A_171 : vector<16xi32> to vector<16xi32>
      %swap3A_173 = vector.shape_cast %add3A_169 : vector<16xi32> to vector<16xi32>
      tpu.vector_store %arg13[%swap3A_170], %swap3A_173 {strides = array<i32>} : memref<128xi32, #tpu.memory_space<vmem>>, vector<16xi32>,
      %get3A_174 = arith.constant 48 : index
      %get3A_175 = tpu.vector_load %arg9[%get3A_174] {strides = array<i32>} : memref<128xi32, #tpu.memory_space<vmem>>, vector<16xi32>,
      %get3A_176 = vector.shape_cast %get3A_175 : vector<16xi32> to vector<16xi32>
      %add3A_177 = arith.addi %get3A_176, %get3A_176 : vector<16xi32>
      %add3A_178 = vector.broadcast %arg0 : i32 to vector<16xi32>
      %add3A_179 = arith.addi %add3A_177, %add3A_178 : vector<16xi32>
      %swap3A_180 = arith.constant 48 : index
      %swap3A_181 = tpu.vector_load %arg13[%swap3A_180] {strides = array<i32>} : memref<128xi32, #tpu.memory_space<vmem>>, vector<16xi32>,
      %swap3A_182 = vector.shape_cast %swap3A_181 : vector<16xi32> to vector<16xi32>
      %swap3A_183 = vector.shape_cast %add3A_179 : vector<16xi32> to vector<16xi32>
      tpu.vector_store %arg13[%swap3A_180], %swap3A_183 {strides = array<i32>} : memref<128xi32, #tpu.memory_space<vmem>>, vector<16xi32>,
      %get3A_184 = arith.constant 64 : index
      %get3A_185 = tpu.vector_load %arg9[%get3A_184] {strides = array<i32>} : memref<128xi32, #tpu.memory_space<vmem>>, vector<16xi32>,
      %get3A_186 = vector.shape_cast %get3A_185 : vector<16xi32> to vector<16xi32>
      %add3A_187 = arith.addi %get3A_186, %get3A_186 : vector<16xi32>
      %add3A_188 = vector.broadcast %arg0 : i32 to vector<16xi32>
      %add3A_189 = arith.addi %add3A_187, %add3A_188 : vector<16xi32>
      %swap3A_190 = arith.constant 64 : index
      %swap3A_191 = tpu.vector_load %arg13[%swap3A_190] {strides = array<i32>} : memref<128xi32, #tpu.memory_space<vmem>>, vector<16xi32>,
      %swap3A_192 = vector.shape_cast %swap3A_191 : vector<16xi32> to vector<16xi32>
      %swap3A_193 = vector.shape_cast %add3A_189 : vector<16xi32> to vector<16xi32>
      tpu.vector_store %arg13[%swap3A_190], %swap3A_193 {strides = array<i32>} : memref<128xi32, #tpu.memory_space<vmem>>, vector<16xi32>,
      %get3A_194 = arith.constant 80 : index
      %get3A_195 = tpu.vector_load %arg9[%get3A_194] {strides = array<i32>} : memref<128xi32, #tpu.memory_space<vmem>>, vector<16xi32>,
      %get3A_196 = vector.shape_cast %get3A_195 : vector<16xi32> to vector<16xi32>
      %add3A_197 = arith.addi %get3A_196, %get3A_196 : vector<16xi32>
      %add3A_198 = vector.broadcast %arg0 : i32 to vector<16xi32>
      %add3A_199 = arith.addi %add3A_197, %add3A_198 : vector<16xi32>
      %swap3A_200 = arith.constant 80 : index
      %swap3A_201 = tpu.vector_load %arg13[%swap3A_200] {strides = array<i32>} : memref<128xi32, #tpu.memory_space<vmem>>, vector<16xi32>,
      %swap3A_202 = vector.shape_cast %swap3A_201 : vector<16xi32> to vector<16xi32>
      %swap3A_203 = vector.shape_cast %add3A_199 : vector<16xi32> to vector<16xi32>
      tpu.vector_store %arg13[%swap3A_200], %swap3A_203 {strides = array<i32>} : memref<128xi32, #tpu.memory_space<vmem>>, vector<16xi32>,
      %get3A_204 = arith.constant 96 : index
      %get3A_205 = tpu.vector_load %arg9[%get3A_204] {strides = array<i32>} : memref<128xi32, #tpu.memory_space<vmem>>, vector<16xi32>,
      %get3A_206 = vector.shape_cast %get3A_205 : vector<16xi32> to vector<16xi32>
      %add3A_207 = arith.addi %get3A_206, %get3A_206 : vector<16xi32>
      %add3A_208 = vector.broadcast %arg0 : i32 to vector<16xi32>
      %add3A_209 = arith.addi %add3A_207, %add3A_208 : vector<16xi32>
      %swap3A_210 = arith.constant 96 : index
      %swap3A_211 = tpu.vector_load %arg13[%swap3A_210] {strides = array<i32>} : memref<128xi32, #tpu.memory_space<vmem>>, vector<16xi32>,
      %swap3A_212 = vector.shape_cast %swap3A_211 : vector<16xi32> to vector<16xi32>
      %swap3A_213 = vector.shape_cast %add3A_209 : vector<16xi32> to vector<16xi32>
      tpu.vector_store %arg13[%swap3A_210], %swap3A_213 {strides = array<i32>} : memref<128xi32, #tpu.memory_space<vmem>>, vector<16xi32>,
      %get3A_214 = arith.constant 112 : index
      %get3A_215 = tpu.vector_load %arg9[%get3A_214] {strides = array<i32>} : memref<128xi32, #tpu.memory_space<vmem>>, vector<16xi32>,
      %get3A_216 = vector.shape_cast %get3A_215 : vector<16xi32> to vector<16xi32>
      %add3A_217 = arith.addi %get3A_216, %get3A_216 : vector<16xi32>
      %add3A_218 = vector.broadcast %arg0 : i32 to vector<16xi32>
      %add3A_219 = arith.addi %add3A_217, %add3A_218 : vector<16xi32>
      %swap3A_220 = arith.constant 112 : index
      %swap3A_221 = tpu.vector_load %arg13[%swap3A_220] {strides = array<i32>} : memref<128xi32, #tpu.memory_space<vmem>>, vector<16xi32>,
      %swap3A_222 = vector.shape_cast %swap3A_221 : vector<16xi32> to vector<16xi32>
      %swap3A_223 = vector.shape_cast %add3A_219 : vector<16xi32> to vector<16xi32>
      tpu.vector_store %arg13[%swap3A_220], %swap3A_223 {strides = array<i32>} : memref<128xi32, #tpu.memory_space<vmem>>, vector<16xi32>,
      %dma_start3A_224 = arith.constant 0 : i32
      %dma_start3A_225 = arith.constant 0 : i32
      %dma_start3A_226 = tpu.memref_slice %arg2[%dma_start3A_224, %dma_start3A_225] : memref<20000x128xf32, #tpu.memory_space<hbm>> -> memref<20000x128xf32, #tpu.memory_space<hbm>>
      tpu.enqueue_indirect_dma source(%dma_start3A_226 : memref<20000x128xf32, #tpu.memory_space<hbm>>) target(%arg7 : memref<128x128xf32, #tpu.memory_space<vmem>>) offsets(%arg13 : memref<128xi32, #tpu.memory_space<vmem>>) semaphore(%arg20 : memref<!tpu.dma_semaphore, #tpu.memory_space<semaphore_mem>>)
      %dma_wait3A_227 = arith.constant 0 : i32
      %dma_wait3A_228 = arith.constant 0 : i32
      %dma_wait3A_229 = tpu.memref_slice %arg2[%dma_wait3A_227, %dma_wait3A_228] : memref<20000x128xf32, #tpu.memory_space<hbm>> -> memref<20000x128xf32, #tpu.memory_space<hbm>>
      tpu.wait_indirect_dma semaphore(%arg19 : memref<!tpu.dma_semaphore, #tpu.memory_space<semaphore_mem>>) src(%dma_wait3A_229 : memref<20000x128xf32, #tpu.memory_space<hbm>>) dst(%arg6 : memref<128x128xf32, #tpu.memory_space<vmem>>)
      "tpu.region"() ({
        %run_scoped3A = tpu.sem_alloc : memref<!tpu.dma_semaphore, #tpu.memory_space<semaphore_mem>>
        %dma_start3A_1202 = arith.constant 0 : i32
        %dma_start3A_1203 = arith.constant 0 : i32
        %dma_start3A_1204 = tpu.memref_slice %arg18[%dma_start3A_1202, %dma_start3A_1203] : memref<10240x128xf32, #tpu.memory_space<vmem_shared>> -> memref<10240x128xf32, #tpu.memory_space<vmem_shared>>
        tpu.enqueue_indirect_dma source(%arg6 : memref<128x128xf32, #tpu.memory_space<vmem>>) target(%dma_start3A_1204 : memref<10240x128xf32, #tpu.memory_space<vmem_shared>>) offsets(%arg10 : memref<128xi32, #tpu.memory_space<vmem>>) semaphore(%run_scoped3A : memref<!tpu.dma_semaphore, #tpu.memory_space<semaphore_mem>>) {add = true}
        %dma_wait3A_1205 = arith.constant 0 : i32
        %dma_wait3A_1206 = arith.constant 0 : i32
        %dma_wait3A_1207 = tpu.memref_slice %arg18[%dma_wait3A_1205, %dma_wait3A_1206] : memref<10240x128xf32, #tpu.memory_space<vmem_shared>> -> memref<10240x128xf32, #tpu.memory_space<vmem_shared>>
        tpu.wait_indirect_dma semaphore(%run_scoped3A : memref<!tpu.dma_semaphore, #tpu.memory_space<semaphore_mem>>) src(%arg6 : memref<128x128xf32, #tpu.memory_space<vmem>>) dst(%dma_wait3A_1207 : memref<10240x128xf32, #tpu.memory_space<vmem_shared>>)
        tpu.yield
      }) : () -> ()
      %add3A_230 = arith.constant 256 : i32
      %add3A_231 = arith.addi %multiple_of3A_58, %add3A_230 : i32
      "tpu.region"() ({
        %run_scoped3A = tpu.sem_alloc : memref<!tpu.dma_semaphore, #tpu.memory_space<semaphore_mem>>
        %dma_start3A_1202 = tpu.memref_slice %arg3[%add3A_231] : memref<160000xi32, #tpu.memory_space<hbm>> -> memref<128xi32, #tpu.memory_space<hbm>>
        %dma_start3A_1203 = tpu.memref_slice %arg3[%add3A_231] : memref<160000xi32, #tpu.memory_space<hbm>> -> memref<128xi32, #tpu.memory_space<hbm>>
        tpu.enqueue_dma source(%dma_start3A_1203 : memref<128xi32, #tpu.memory_space<hbm>>) target(%arg8 : memref<128xi32, #tpu.memory_space<vmem>>) target_semaphore(%run_scoped3A : memref<!tpu.dma_semaphore, #tpu.memory_space<semaphore_mem>>)
        %dma_wait3A_1204 = tpu.memref_slice %arg3[%add3A_231] : memref<160000xi32, #tpu.memory_space<hbm>> -> memref<128xi32, #tpu.memory_space<hbm>>
        %dma_wait3A_1205 = tpu.memref_slice %arg3[%add3A_231] : memref<160000xi32, #tpu.memory_space<hbm>> -> memref<128xi32, #tpu.memory_space<hbm>>
        tpu.wait_dma2 semaphore(%run_scoped3A : memref<!tpu.dma_semaphore, #tpu.memory_space<semaphore_mem>>) src(%dma_wait3A_1205 : memref<128xi32, #tpu.memory_space<hbm>>) dst(%arg8 : memref<128xi32, #tpu.memory_space<vmem>>)
        tpu.yield
      }) : () -> ()
      "tpu.region"() ({
        %run_scoped3A = tpu.sem_alloc : memref<!tpu.dma_semaphore, #tpu.memory_space<semaphore_mem>>
        %dma_start3A_1202 = tpu.memref_slice %arg4[%add3A_231] : memref<160000xi32, #tpu.memory_space<hbm>> -> memref<128xi32, #tpu.memory_space<hbm>>
        %dma_start3A_1203 = tpu.memref_slice %arg4[%add3A_231] : memref<160000xi32, #tpu.memory_space<hbm>> -> memref<128xi32, #tpu.memory_space<hbm>>
        tpu.enqueue_dma source(%dma_start3A_1203 : memref<128xi32, #tpu.memory_space<hbm>>) target(%arg10 : memref<128xi32, #tpu.memory_space<vmem>>) target_semaphore(%run_scoped3A : memref<!tpu.dma_semaphore, #tpu.memory_space<semaphore_mem>>)
        %dma_wait3A_1204 = tpu.memref_slice %arg4[%add3A_231] : memref<160000xi32, #tpu.memory_space<hbm>> -> memref<128xi32, #tpu.memory_space<hbm>>
        %dma_wait3A_1205 = tpu.memref_slice %arg4[%add3A_231] : memref<160000xi32, #tpu.memory_space<hbm>> -> memref<128xi32, #tpu.memory_space<hbm>>
        tpu.wait_dma2 semaphore(%run_scoped3A : memref<!tpu.dma_semaphore, #tpu.memory_space<semaphore_mem>>) src(%dma_wait3A_1205 : memref<128xi32, #tpu.memory_space<hbm>>) dst(%arg10 : memref<128xi32, #tpu.memory_space<vmem>>)
        tpu.yield
      }) : () -> ()
      %get3A_232 = arith.constant 0 : index
      %get3A_233 = tpu.vector_load %arg8[%get3A_232] {strides = array<i32>} : memref<128xi32, #tpu.memory_space<vmem>>, vector<16xi32>,
      %get3A_234 = vector.shape_cast %get3A_233 : vector<16xi32> to vector<16xi32>
      %add3A_235 = arith.addi %get3A_234, %get3A_234 : vector<16xi32>
      %add3A_236 = vector.broadcast %arg0 : i32 to vector<16xi32>
      %add3A_237 = arith.addi %add3A_235, %add3A_236 : vector<16xi32>
      %swap3A_238 = arith.constant 0 : index
      %swap3A_239 = tpu.vector_load %arg12[%swap3A_238] {strides = array<i32>} : memref<128xi32, #tpu.memory_space<vmem>>, vector<16xi32>,
      %swap3A_240 = vector.shape_cast %swap3A_239 : vector<16xi32> to vector<16xi32>
      %swap3A_241 = vector.shape_cast %add3A_237 : vector<16xi32> to vector<16xi32>
      tpu.vector_store %arg12[%swap3A_238], %swap3A_241 {strides = array<i32>} : memref<128xi32, #tpu.memory_space<vmem>>, vector<16xi32>,
      %get3A_242 = arith.constant 16 : index
      %get3A_243 = tpu.vector_load %arg8[%get3A_242] {strides = array<i32>} : memref<128xi32, #tpu.memory_space<vmem>>, vector<16xi32>,
      %get3A_244 = vector.shape_cast %get3A_243 : vector<16xi32> to vector<16xi32>
      %add3A_245 = arith.addi %get3A_244, %get3A_244 : vector<16xi32>
      %add3A_246 = vector.broadcast %arg0 : i32 to vector<16xi32>
      %add3A_247 = arith.addi %add3A_245, %add3A_246 : vector<16xi32>
      %swap3A_248 = arith.constant 16 : index
      %swap3A_249 = tpu.vector_load %arg12[%swap3A_248] {strides = array<i32>} : memref<128xi32, #tpu.memory_space<vmem>>, vector<16xi32>,
      %swap3A_250 = vector.shape_cast %swap3A_249 : vector<16xi32> to vector<16xi32>
      %swap3A_251 = vector.shape_cast %add3A_247 : vector<16xi32> to vector<16xi32>
      tpu.vector_store %arg12[%swap3A_248], %swap3A_251 {strides = array<i32>} : memref<128xi32, #tpu.memory_space<vmem>>, vector<16xi32>,
      %get3A_252 = arith.constant 32 : index
      %get3A_253 = tpu.vector_load %arg8[%get3A_252] {strides = array<i32>} : memref<128xi32, #tpu.memory_space<vmem>>, vector<16xi32>,
      %get3A_254 = vector.shape_cast %get3A_253 : vector<16xi32> to vector<16xi32>
      %add3A_255 = arith.addi %get3A_254, %get3A_254 : vector<16xi32>
      %add3A_256 = vector.broadcast %arg0 : i32 to vector<16xi32>
      %add3A_257 = arith.addi %add3A_255, %add3A_256 : vector<16xi32>
      %swap3A_258 = arith.constant 32 : index
      %swap3A_259 = tpu.vector_load %arg12[%swap3A_258] {strides = array<i32>} : memref<128xi32, #tpu.memory_space<vmem>>, vector<16xi32>,
      %swap3A_260 = vector.shape_cast %swap3A_259 : vector<16xi32> to vector<16xi32>
      %swap3A_261 = vector.shape_cast %add3A_257 : vector<16xi32> to vector<16xi32>
      tpu.vector_store %arg12[%swap3A_258], %swap3A_261 {strides = array<i32>} : memref<128xi32, #tpu.memory_space<vmem>>, vector<16xi32>,
      %get3A_262 = arith.constant 48 : index
      %get3A_263 = tpu.vector_load %arg8[%get3A_262] {strides = array<i32>} : memref<128xi32, #tpu.memory_space<vmem>>, vector<16xi32>,
      %get3A_264 = vector.shape_cast %get3A_263 : vector<16xi32> to vector<16xi32>
      %add3A_265 = arith.addi %get3A_264, %get3A_264 : vector<16xi32>
      %add3A_266 = vector.broadcast %arg0 : i32 to vector<16xi32>
      %add3A_267 = arith.addi %add3A_265, %add3A_266 : vector<16xi32>
      %swap3A_268 = arith.constant 48 : index
      %swap3A_269 = tpu.vector_load %arg12[%swap3A_268] {strides = array<i32>} : memref<128xi32, #tpu.memory_space<vmem>>, vector<16xi32>,
      %swap3A_270 = vector.shape_cast %swap3A_269 : vector<16xi32> to vector<16xi32>
      %swap3A_271 = vector.shape_cast %add3A_267 : vector<16xi32> to vector<16xi32>
      tpu.vector_store %arg12[%swap3A_268], %swap3A_271 {strides = array<i32>} : memref<128xi32, #tpu.memory_space<vmem>>, vector<16xi32>,
      %get3A_272 = arith.constant 64 : index
      %get3A_273 = tpu.vector_load %arg8[%get3A_272] {strides = array<i32>} : memref<128xi32, #tpu.memory_space<vmem>>, vector<16xi32>,
      %get3A_274 = vector.shape_cast %get3A_273 : vector<16xi32> to vector<16xi32>
      %add3A_275 = arith.addi %get3A_274, %get3A_274 : vector<16xi32>
      %add3A_276 = vector.broadcast %arg0 : i32 to vector<16xi32>
      %add3A_277 = arith.addi %add3A_275, %add3A_276 : vector<16xi32>
      %swap3A_278 = arith.constant 64 : index
      %swap3A_279 = tpu.vector_load %arg12[%swap3A_278] {strides = array<i32>} : memref<128xi32, #tpu.memory_space<vmem>>, vector<16xi32>,
      %swap3A_280 = vector.shape_cast %swap3A_279 : vector<16xi32> to vector<16xi32>
      %swap3A_281 = vector.shape_cast %add3A_277 : vector<16xi32> to vector<16xi32>
      tpu.vector_store %arg12[%swap3A_278], %swap3A_281 {strides = array<i32>} : memref<128xi32, #tpu.memory_space<vmem>>, vector<16xi32>,
      %get3A_282 = arith.constant 80 : index
      %get3A_283 = tpu.vector_load %arg8[%get3A_282] {strides = array<i32>} : memref<128xi32, #tpu.memory_space<vmem>>, vector<16xi32>,
      %get3A_284 = vector.shape_cast %get3A_283 : vector<16xi32> to vector<16xi32>
      %add3A_285 = arith.addi %get3A_284, %get3A_284 : vector<16xi32>
      %add3A_286 = vector.broadcast %arg0 : i32 to vector<16xi32>
      %add3A_287 = arith.addi %add3A_285, %add3A_286 : vector<16xi32>
      %swap3A_288 = arith.constant 80 : index
      %swap3A_289 = tpu.vector_load %arg12[%swap3A_288] {strides = array<i32>} : memref<128xi32, #tpu.memory_space<vmem>>, vector<16xi32>,
      %swap3A_290 = vector.shape_cast %swap3A_289 : vector<16xi32> to vector<16xi32>
      %swap3A_291 = vector.shape_cast %add3A_287 : vector<16xi32> to vector<16xi32>
      tpu.vector_store %arg12[%swap3A_288], %swap3A_291 {strides = array<i32>} : memref<128xi32, #tpu.memory_space<vmem>>, vector<16xi32>,
      %get3A_292 = arith.constant 96 : index
      %get3A_293 = tpu.vector_load %arg8[%get3A_292] {strides = array<i32>} : memref<128xi32, #tpu.memory_space<vmem>>, vector<16xi32>,
      %get3A_294 = vector.shape_cast %get3A_293 : vector<16xi32> to vector<16xi32>
      %add3A_295 = arith.addi %get3A_294, %get3A_294 : vector<16xi32>
      %add3A_296 = vector.broadcast %arg0 : i32 to vector<16xi32>
      %add3A_297 = arith.addi %add3A_295, %add3A_296 : vector<16xi32>
      %swap3A_298 = arith.constant 96 : index
      %swap3A_299 = tpu.vector_load %arg12[%swap3A_298] {strides = array<i32>} : memref<128xi32, #tpu.memory_space<vmem>>, vector<16xi32>,
      %swap3A_300 = vector.shape_cast %swap3A_299 : vector<16xi32> to vector<16xi32>
      %swap3A_301 = vector.shape_cast %add3A_297 : vector<16xi32> to vector<16xi32>
      tpu.vector_store %arg12[%swap3A_298], %swap3A_301 {strides = array<i32>} : memref<128xi32, #tpu.memory_space<vmem>>, vector<16xi32>,
      %get3A_302 = arith.constant 112 : index
      %get3A_303 = tpu.vector_load %arg8[%get3A_302] {strides = array<i32>} : memref<128xi32, #tpu.memory_space<vmem>>, vector<16xi32>,
      %get3A_304 = vector.shape_cast %get3A_303 : vector<16xi32> to vector<16xi32>
      %add3A_305 = arith.addi %get3A_304, %get3A_304 : vector<16xi32>
      %add3A_306 = vector.broadcast %arg0 : i32 to vector<16xi32>
      %add3A_307 = arith.addi %add3A_305, %add3A_306 : vector<16xi32>
      %swap3A_308 = arith.constant 112 : index
      %swap3A_309 = tpu.vector_load %arg12[%swap3A_308] {strides = array<i32>} : memref<128xi32, #tpu.memory_space<vmem>>, vector<16xi32>,
      %swap3A_310 = vector.shape_cast %swap3A_309 : vector<16xi32> to vector<16xi32>
      %swap3A_311 = vector.shape_cast %add3A_307 : vector<16xi32> to vector<16xi32>
      tpu.vector_store %arg12[%swap3A_308], %swap3A_311 {strides = array<i32>} : memref<128xi32, #tpu.memory_space<vmem>>, vector<16xi32>,
      %dma_start3A_312 = arith.constant 0 : i32
      %dma_start3A_313 = arith.constant 0 : i32
      %dma_start3A_314 = tpu.memref_slice %arg2[%dma_start3A_312, %dma_start3A_313] : memref<20000x128xf32, #tpu.memory_space<hbm>> -> memref<20000x128xf32, #tpu.memory_space<hbm>>
      tpu.enqueue_indirect_dma source(%dma_start3A_314 : memref<20000x128xf32, #tpu.memory_space<hbm>>) target(%arg6 : memref<128x128xf32, #tpu.memory_space<vmem>>) offsets(%arg12 : memref<128xi32, #tpu.memory_space<vmem>>) semaphore(%arg19 : memref<!tpu.dma_semaphore, #tpu.memory_space<semaphore_mem>>)
      %dma_wait3A_315 = arith.constant 0 : i32
      %dma_wait3A_316 = arith.constant 0 : i32
      %dma_wait3A_317 = tpu.memref_slice %arg2[%dma_wait3A_315, %dma_wait3A_316] : memref<20000x128xf32, #tpu.memory_space<hbm>> -> memref<20000x128xf32, #tpu.memory_space<hbm>>
      tpu.wait_indirect_dma semaphore(%arg20 : memref<!tpu.dma_semaphore, #tpu.memory_space<semaphore_mem>>) src(%dma_wait3A_317 : memref<20000x128xf32, #tpu.memory_space<hbm>>) dst(%arg7 : memref<128x128xf32, #tpu.memory_space<vmem>>)
      "tpu.region"() ({
        %run_scoped3A = tpu.sem_alloc : memref<!tpu.dma_semaphore, #tpu.memory_space<semaphore_mem>>
        %dma_start3A_1202 = arith.constant 0 : i32
        %dma_start3A_1203 = arith.constant 0 : i32
        %dma_start3A_1204 = tpu.memref_slice %arg18[%dma_start3A_1202, %dma_start3A_1203] : memref<10240x128xf32, #tpu.memory_space<vmem_shared>> -> memref<10240x128xf32, #tpu.memory_space<vmem_shared>>
        tpu.enqueue_indirect_dma source(%arg7 : memref<128x128xf32, #tpu.memory_space<vmem>>) target(%dma_start3A_1204 : memref<10240x128xf32, #tpu.memory_space<vmem_shared>>) offsets(%arg11 : memref<128xi32, #tpu.memory_space<vmem>>) semaphore(%run_scoped3A : memref<!tpu.dma_semaphore, #tpu.memory_space<semaphore_mem>>) {add = true}
        %dma_wait3A_1205 = arith.constant 0 : i32
        %dma_wait3A_1206 = arith.constant 0 : i32
        %dma_wait3A_1207 = tpu.memref_slice %arg18[%dma_wait3A_1205, %dma_wait3A_1206] : memref<10240x128xf32, #tpu.memory_space<vmem_shared>> -> memref<10240x128xf32, #tpu.memory_space<vmem_shared>>
        tpu.wait_indirect_dma semaphore(%run_scoped3A : memref<!tpu.dma_semaphore, #tpu.memory_space<semaphore_mem>>) src(%arg7 : memref<128x128xf32, #tpu.memory_space<vmem>>) dst(%dma_wait3A_1207 : memref<10240x128xf32, #tpu.memory_space<vmem_shared>>)
        tpu.yield
      }) : () -> ()
      %add3A_318 = arith.constant 384 : i32
      %add3A_319 = arith.addi %multiple_of3A_58, %add3A_318 : i32
      "tpu.region"() ({
        %run_scoped3A = tpu.sem_alloc : memref<!tpu.dma_semaphore, #tpu.memory_space<semaphore_mem>>
        %dma_start3A_1202 = tpu.memref_slice %arg3[%add3A_319] : memref<160000xi32, #tpu.memory_space<hbm>> -> memref<128xi32, #tpu.memory_space<hbm>>
        %dma_start3A_1203 = tpu.memref_slice %arg3[%add3A_319] : memref<160000xi32, #tpu.memory_space<hbm>> -> memref<128xi32, #tpu.memory_space<hbm>>
        tpu.enqueue_dma source(%dma_start3A_1203 : memref<128xi32, #tpu.memory_space<hbm>>) target(%arg9 : memref<128xi32, #tpu.memory_space<vmem>>) target_semaphore(%run_scoped3A : memref<!tpu.dma_semaphore, #tpu.memory_space<semaphore_mem>>)
        %dma_wait3A_1204 = tpu.memref_slice %arg3[%add3A_319] : memref<160000xi32, #tpu.memory_space<hbm>> -> memref<128xi32, #tpu.memory_space<hbm>>
        %dma_wait3A_1205 = tpu.memref_slice %arg3[%add3A_319] : memref<160000xi32, #tpu.memory_space<hbm>> -> memref<128xi32, #tpu.memory_space<hbm>>
        tpu.wait_dma2 semaphore(%run_scoped3A : memref<!tpu.dma_semaphore, #tpu.memory_space<semaphore_mem>>) src(%dma_wait3A_1205 : memref<128xi32, #tpu.memory_space<hbm>>) dst(%arg9 : memref<128xi32, #tpu.memory_space<vmem>>)
        tpu.yield
      }) : () -> ()
      "tpu.region"() ({
        %run_scoped3A = tpu.sem_alloc : memref<!tpu.dma_semaphore, #tpu.memory_space<semaphore_mem>>
        %dma_start3A_1202 = tpu.memref_slice %arg4[%add3A_319] : memref<160000xi32, #tpu.memory_space<hbm>> -> memref<128xi32, #tpu.memory_space<hbm>>
        %dma_start3A_1203 = tpu.memref_slice %arg4[%add3A_319] : memref<160000xi32, #tpu.memory_space<hbm>> -> memref<128xi32, #tpu.memory_space<hbm>>
        tpu.enqueue_dma source(%dma_start3A_1203 : memref<128xi32, #tpu.memory_space<hbm>>) target(%arg11 : memref<128xi32, #tpu.memory_space<vmem>>) target_semaphore(%run_scoped3A : memref<!tpu.dma_semaphore, #tpu.memory_space<semaphore_mem>>)
        %dma_wait3A_1204 = tpu.memref_slice %arg4[%add3A_319] : memref<160000xi32, #tpu.memory_space<hbm>> -> memref<128xi32, #tpu.memory_space<hbm>>
        %dma_wait3A_1205 = tpu.memref_slice %arg4[%add3A_319] : memref<160000xi32, #tpu.memory_space<hbm>> -> memref<128xi32, #tpu.memory_space<hbm>>
        tpu.wait_dma2 semaphore(%run_scoped3A : memref<!tpu.dma_semaphore, #tpu.memory_space<semaphore_mem>>) src(%dma_wait3A_1205 : memref<128xi32, #tpu.memory_space<hbm>>) dst(%arg11 : memref<128xi32, #tpu.memory_space<vmem>>)
        tpu.yield
      }) : () -> ()
      %get3A_320 = arith.constant 0 : index
      %get3A_321 = tpu.vector_load %arg9[%get3A_320] {strides = array<i32>} : memref<128xi32, #tpu.memory_space<vmem>>, vector<16xi32>,
      %get3A_322 = vector.shape_cast %get3A_321 : vector<16xi32> to vector<16xi32>
      %add3A_323 = arith.addi %get3A_322, %get3A_322 : vector<16xi32>
      %add3A_324 = vector.broadcast %arg0 : i32 to vector<16xi32>
      %add3A_325 = arith.addi %add3A_323, %add3A_324 : vector<16xi32>
      %swap3A_326 = arith.constant 0 : index
      %swap3A_327 = tpu.vector_load %arg13[%swap3A_326] {strides = array<i32>} : memref<128xi32, #tpu.memory_space<vmem>>, vector<16xi32>,
      %swap3A_328 = vector.shape_cast %swap3A_327 : vector<16xi32> to vector<16xi32>
      %swap3A_329 = vector.shape_cast %add3A_325 : vector<16xi32> to vector<16xi32>
      tpu.vector_store %arg13[%swap3A_326], %swap3A_329 {strides = array<i32>} : memref<128xi32, #tpu.memory_space<vmem>>, vector<16xi32>,
      %get3A_330 = arith.constant 16 : index
      %get3A_331 = tpu.vector_load %arg9[%get3A_330] {strides = array<i32>} : memref<128xi32, #tpu.memory_space<vmem>>, vector<16xi32>,
      %get3A_332 = vector.shape_cast %get3A_331 : vector<16xi32> to vector<16xi32>
      %add3A_333 = arith.addi %get3A_332, %get3A_332 : vector<16xi32>
      %add3A_334 = vector.broadcast %arg0 : i32 to vector<16xi32>
      %add3A_335 = arith.addi %add3A_333, %add3A_334 : vector<16xi32>
      %swap3A_336 = arith.constant 16 : index
      %swap3A_337 = tpu.vector_load %arg13[%swap3A_336] {strides = array<i32>} : memref<128xi32, #tpu.memory_space<vmem>>, vector<16xi32>,
      %swap3A_338 = vector.shape_cast %swap3A_337 : vector<16xi32> to vector<16xi32>
      %swap3A_339 = vector.shape_cast %add3A_335 : vector<16xi32> to vector<16xi32>
      tpu.vector_store %arg13[%swap3A_336], %swap3A_339 {strides = array<i32>} : memref<128xi32, #tpu.memory_space<vmem>>, vector<16xi32>,
      %get3A_340 = arith.constant 32 : index
      %get3A_341 = tpu.vector_load %arg9[%get3A_340] {strides = array<i32>} : memref<128xi32, #tpu.memory_space<vmem>>, vector<16xi32>,
      %get3A_342 = vector.shape_cast %get3A_341 : vector<16xi32> to vector<16xi32>
      %add3A_343 = arith.addi %get3A_342, %get3A_342 : vector<16xi32>
      %add3A_344 = vector.broadcast %arg0 : i32 to vector<16xi32>
      %add3A_345 = arith.addi %add3A_343, %add3A_344 : vector<16xi32>
      %swap3A_346 = arith.constant 32 : index
      %swap3A_347 = tpu.vector_load %arg13[%swap3A_346] {strides = array<i32>} : memref<128xi32, #tpu.memory_space<vmem>>, vector<16xi32>,
      %swap3A_348 = vector.shape_cast %swap3A_347 : vector<16xi32> to vector<16xi32>
      %swap3A_349 = vector.shape_cast %add3A_345 : vector<16xi32> to vector<16xi32>
      tpu.vector_store %arg13[%swap3A_346], %swap3A_349 {strides = array<i32>} : memref<128xi32, #tpu.memory_space<vmem>>, vector<16xi32>,
      %get3A_350 = arith.constant 48 : index
      %get3A_351 = tpu.vector_load %arg9[%get3A_350] {strides = array<i32>} : memref<128xi32, #tpu.memory_space<vmem>>, vector<16xi32>,
      %get3A_352 = vector.shape_cast %get3A_351 : vector<16xi32> to vector<16xi32>
      %add3A_353 = arith.addi %get3A_352, %get3A_352 : vector<16xi32>
      %add3A_354 = vector.broadcast %arg0 : i32 to vector<16xi32>
      %add3A_355 = arith.addi %add3A_353, %add3A_354 : vector<16xi32>
      %swap3A_356 = arith.constant 48 : index
      %swap3A_357 = tpu.vector_load %arg13[%swap3A_356] {strides = array<i32>} : memref<128xi32, #tpu.memory_space<vmem>>, vector<16xi32>,
      %swap3A_358 = vector.shape_cast %swap3A_357 : vector<16xi32> to vector<16xi32>
      %swap3A_359 = vector.shape_cast %add3A_355 : vector<16xi32> to vector<16xi32>
      tpu.vector_store %arg13[%swap3A_356], %swap3A_359 {strides = array<i32>} : memref<128xi32, #tpu.memory_space<vmem>>, vector<16xi32>,
      %get3A_360 = arith.constant 64 : index
      %get3A_361 = tpu.vector_load %arg9[%get3A_360] {strides = array<i32>} : memref<128xi32, #tpu.memory_space<vmem>>, vector<16xi32>,
      %get3A_362 = vector.shape_cast %get3A_361 : vector<16xi32> to vector<16xi32>
      %add3A_363 = arith.addi %get3A_362, %get3A_362 : vector<16xi32>
      %add3A_364 = vector.broadcast %arg0 : i32 to vector<16xi32>
      %add3A_365 = arith.addi %add3A_363, %add3A_364 : vector<16xi32>
      %swap3A_366 = arith.constant 64 : index
      %swap3A_367 = tpu.vector_load %arg13[%swap3A_366] {strides = array<i32>} : memref<128xi32, #tpu.memory_space<vmem>>, vector<16xi32>,
      %swap3A_368 = vector.shape_cast %swap3A_367 : vector<16xi32> to vector<16xi32>
      %swap3A_369 = vector.shape_cast %add3A_365 : vector<16xi32> to vector<16xi32>
      tpu.vector_store %arg13[%swap3A_366], %swap3A_369 {strides = array<i32>} : memref<128xi32, #tpu.memory_space<vmem>>, vector<16xi32>,
      %get3A_370 = arith.constant 80 : index
      %get3A_371 = tpu.vector_load %arg9[%get3A_370] {strides = array<i32>} : memref<128xi32, #tpu.memory_space<vmem>>, vector<16xi32>,
      %get3A_372 = vector.shape_cast %get3A_371 : vector<16xi32> to vector<16xi32>
      %add3A_373 = arith.addi %get3A_372, %get3A_372 : vector<16xi32>
      %add3A_374 = vector.broadcast %arg0 : i32 to vector<16xi32>
      %add3A_375 = arith.addi %add3A_373, %add3A_374 : vector<16xi32>
      %swap3A_376 = arith.constant 80 : index
      %swap3A_377 = tpu.vector_load %arg13[%swap3A_376] {strides = array<i32>} : memref<128xi32, #tpu.memory_space<vmem>>, vector<16xi32>,
      %swap3A_378 = vector.shape_cast %swap3A_377 : vector<16xi32> to vector<16xi32>
      %swap3A_379 = vector.shape_cast %add3A_375 : vector<16xi32> to vector<16xi32>
      tpu.vector_store %arg13[%swap3A_376], %swap3A_379 {strides = array<i32>} : memref<128xi32, #tpu.memory_space<vmem>>, vector<16xi32>,
      %get3A_380 = arith.constant 96 : index
      %get3A_381 = tpu.vector_load %arg9[%get3A_380] {strides = array<i32>} : memref<128xi32, #tpu.memory_space<vmem>>, vector<16xi32>,
      %get3A_382 = vector.shape_cast %get3A_381 : vector<16xi32> to vector<16xi32>
      %add3A_383 = arith.addi %get3A_382, %get3A_382 : vector<16xi32>
      %add3A_384 = vector.broadcast %arg0 : i32 to vector<16xi32>
      %add3A_385 = arith.addi %add3A_383, %add3A_384 : vector<16xi32>
      %swap3A_386 = arith.constant 96 : index
      %swap3A_387 = tpu.vector_load %arg13[%swap3A_386] {strides = array<i32>} : memref<128xi32, #tpu.memory_space<vmem>>, vector<16xi32>,
      %swap3A_388 = vector.shape_cast %swap3A_387 : vector<16xi32> to vector<16xi32>
      %swap3A_389 = vector.shape_cast %add3A_385 : vector<16xi32> to vector<16xi32>
      tpu.vector_store %arg13[%swap3A_386], %swap3A_389 {strides = array<i32>} : memref<128xi32, #tpu.memory_space<vmem>>, vector<16xi32>,
      %get3A_390 = arith.constant 112 : index
      %get3A_391 = tpu.vector_load %arg9[%get3A_390] {strides = array<i32>} : memref<128xi32, #tpu.memory_space<vmem>>, vector<16xi32>,
      %get3A_392 = vector.shape_cast %get3A_391 : vector<16xi32> to vector<16xi32>
      %add3A_393 = arith.addi %get3A_392, %get3A_392 : vector<16xi32>
      %add3A_394 = vector.broadcast %arg0 : i32 to vector<16xi32>
      %add3A_395 = arith.addi %add3A_393, %add3A_394 : vector<16xi32>
      %swap3A_396 = arith.constant 112 : index
      %swap3A_397 = tpu.vector_load %arg13[%swap3A_396] {strides = array<i32>} : memref<128xi32, #tpu.memory_space<vmem>>, vector<16xi32>,
      %swap3A_398 = vector.shape_cast %swap3A_397 : vector<16xi32> to vector<16xi32>
      %swap3A_399 = vector.shape_cast %add3A_395 : vector<16xi32> to vector<16xi32>
      tpu.vector_store %arg13[%swap3A_396], %swap3A_399 {strides = array<i32>} : memref<128xi32, #tpu.memory_space<vmem>>, vector<16xi32>,
      %dma_start3A_400 = arith.constant 0 : i32
      %dma_start3A_401 = arith.constant 0 : i32
      %dma_start3A_402 = tpu.memref_slice %arg2[%dma_start3A_400, %dma_start3A_401] : memref<20000x128xf32, #tpu.memory_space<hbm>> -> memref<20000x128xf32, #tpu.memory_space<hbm>>
      tpu.enqueue_indirect_dma source(%dma_start3A_402 : memref<20000x128xf32, #tpu.memory_space<hbm>>) target(%arg7 : memref<128x128xf32, #tpu.memory_space<vmem>>) offsets(%arg13 : memref<128xi32, #tpu.memory_space<vmem>>) semaphore(%arg20 : memref<!tpu.dma_semaphore, #tpu.memory_space<semaphore_mem>>)
      %dma_wait3A_403 = arith.constant 0 : i32
      %dma_wait3A_404 = arith.constant 0 : i32
      %dma_wait3A_405 = tpu.memref_slice %arg2[%dma_wait3A_403, %dma_wait3A_404] : memref<20000x128xf32, #tpu.memory_space<hbm>> -> memref<20000x128xf32, #tpu.memory_space<hbm>>
      tpu.wait_indirect_dma semaphore(%arg19 : memref<!tpu.dma_semaphore, #tpu.memory_space<semaphore_mem>>) src(%dma_wait3A_405 : memref<20000x128xf32, #tpu.memory_space<hbm>>) dst(%arg6 : memref<128x128xf32, #tpu.memory_space<vmem>>)
      "tpu.region"() ({
        %run_scoped3A = tpu.sem_alloc : memref<!tpu.dma_semaphore, #tpu.memory_space<semaphore_mem>>
        %dma_start3A_1202 = arith.constant 0 : i32
        %dma_start3A_1203 = arith.constant 0 : i32
        %dma_start3A_1204 = tpu.memref_slice %arg18[%dma_start3A_1202, %dma_start3A_1203] : memref<10240x128xf32, #tpu.memory_space<vmem_shared>> -> memref<10240x128xf32, #tpu.memory_space<vmem_shared>>
        tpu.enqueue_indirect_dma source(%arg6 : memref<128x128xf32, #tpu.memory_space<vmem>>) target(%dma_start3A_1204 : memref<10240x128xf32, #tpu.memory_space<vmem_shared>>) offsets(%arg10 : memref<128xi32, #tpu.memory_space<vmem>>) semaphore(%run_scoped3A : memref<!tpu.dma_semaphore, #tpu.memory_space<semaphore_mem>>) {add = true}
        %dma_wait3A_1205 = arith.constant 0 : i32
        %dma_wait3A_1206 = arith.constant 0 : i32
        %dma_wait3A_1207 = tpu.memref_slice %arg18[%dma_wait3A_1205, %dma_wait3A_1206] : memref<10240x128xf32, #tpu.memory_space<vmem_shared>> -> memref<10240x128xf32, #tpu.memory_space<vmem_shared>>
        tpu.wait_indirect_dma semaphore(%run_scoped3A : memref<!tpu.dma_semaphore, #tpu.memory_space<semaphore_mem>>) src(%arg6 : memref<128x128xf32, #tpu.memory_space<vmem>>) dst(%dma_wait3A_1207 : memref<10240x128xf32, #tpu.memory_space<vmem_shared>>)
        tpu.yield
      }) : () -> ()
      %add3A_406 = arith.constant 512 : i32
      %add3A_407 = arith.addi %multiple_of3A_58, %add3A_406 : i32
      "tpu.region"() ({
        %run_scoped3A = tpu.sem_alloc : memref<!tpu.dma_semaphore, #tpu.memory_space<semaphore_mem>>
        %dma_start3A_1202 = tpu.memref_slice %arg3[%add3A_407] : memref<160000xi32, #tpu.memory_space<hbm>> -> memref<128xi32, #tpu.memory_space<hbm>>
        %dma_start3A_1203 = tpu.memref_slice %arg3[%add3A_407] : memref<160000xi32, #tpu.memory_space<hbm>> -> memref<128xi32, #tpu.memory_space<hbm>>
        tpu.enqueue_dma source(%dma_start3A_1203 : memref<128xi32, #tpu.memory_space<hbm>>) target(%arg8 : memref<128xi32, #tpu.memory_space<vmem>>) target_semaphore(%run_scoped3A : memref<!tpu.dma_semaphore, #tpu.memory_space<semaphore_mem>>)
        %dma_wait3A_1204 = tpu.memref_slice %arg3[%add3A_407] : memref<160000xi32, #tpu.memory_space<hbm>> -> memref<128xi32, #tpu.memory_space<hbm>>
        %dma_wait3A_1205 = tpu.memref_slice %arg3[%add3A_407] : memref<160000xi32, #tpu.memory_space<hbm>> -> memref<128xi32, #tpu.memory_space<hbm>>
        tpu.wait_dma2 semaphore(%run_scoped3A : memref<!tpu.dma_semaphore, #tpu.memory_space<semaphore_mem>>) src(%dma_wait3A_1205 : memref<128xi32, #tpu.memory_space<hbm>>) dst(%arg8 : memref<128xi32, #tpu.memory_space<vmem>>)
        tpu.yield
      }) : () -> ()
      "tpu.region"() ({
        %run_scoped3A = tpu.sem_alloc : memref<!tpu.dma_semaphore, #tpu.memory_space<semaphore_mem>>
        %dma_start3A_1202 = tpu.memref_slice %arg4[%add3A_407] : memref<160000xi32, #tpu.memory_space<hbm>> -> memref<128xi32, #tpu.memory_space<hbm>>
        %dma_start3A_1203 = tpu.memref_slice %arg4[%add3A_407] : memref<160000xi32, #tpu.memory_space<hbm>> -> memref<128xi32, #tpu.memory_space<hbm>>
        tpu.enqueue_dma source(%dma_start3A_1203 : memref<128xi32, #tpu.memory_space<hbm>>) target(%arg10 : memref<128xi32, #tpu.memory_space<vmem>>) target_semaphore(%run_scoped3A : memref<!tpu.dma_semaphore, #tpu.memory_space<semaphore_mem>>)
        %dma_wait3A_1204 = tpu.memref_slice %arg4[%add3A_407] : memref<160000xi32, #tpu.memory_space<hbm>> -> memref<128xi32, #tpu.memory_space<hbm>>
        %dma_wait3A_1205 = tpu.memref_slice %arg4[%add3A_407] : memref<160000xi32, #tpu.memory_space<hbm>> -> memref<128xi32, #tpu.memory_space<hbm>>
        tpu.wait_dma2 semaphore(%run_scoped3A : memref<!tpu.dma_semaphore, #tpu.memory_space<semaphore_mem>>) src(%dma_wait3A_1205 : memref<128xi32, #tpu.memory_space<hbm>>) dst(%arg10 : memref<128xi32, #tpu.memory_space<vmem>>)
        tpu.yield
      }) : () -> ()
      %get3A_408 = arith.constant 0 : index
      %get3A_409 = tpu.vector_load %arg8[%get3A_408] {strides = array<i32>} : memref<128xi32, #tpu.memory_space<vmem>>, vector<16xi32>,
      %get3A_410 = vector.shape_cast %get3A_409 : vector<16xi32> to vector<16xi32>
      %add3A_411 = arith.addi %get3A_410, %get3A_410 : vector<16xi32>
      %add3A_412 = vector.broadcast %arg0 : i32 to vector<16xi32>
      %add3A_413 = arith.addi %add3A_411, %add3A_412 : vector<16xi32>
      %swap3A_414 = arith.constant 0 : index
      %swap3A_415 = tpu.vector_load %arg12[%swap3A_414] {strides = array<i32>} : memref<128xi32, #tpu.memory_space<vmem>>, vector<16xi32>,
      %swap3A_416 = vector.shape_cast %swap3A_415 : vector<16xi32> to vector<16xi32>
      %swap3A_417 = vector.shape_cast %add3A_413 : vector<16xi32> to vector<16xi32>
      tpu.vector_store %arg12[%swap3A_414], %swap3A_417 {strides = array<i32>} : memref<128xi32, #tpu.memory_space<vmem>>, vector<16xi32>,
      %get3A_418 = arith.constant 16 : index
      %get3A_419 = tpu.vector_load %arg8[%get3A_418] {strides = array<i32>} : memref<128xi32, #tpu.memory_space<vmem>>, vector<16xi32>,
      %get3A_420 = vector.shape_cast %get3A_419 : vector<16xi32> to vector<16xi32>
      %add3A_421 = arith.addi %get3A_420, %get3A_420 : vector<16xi32>
      %add3A_422 = vector.broadcast %arg0 : i32 to vector<16xi32>
      %add3A_423 = arith.addi %add3A_421, %add3A_422 : vector<16xi32>
      %swap3A_424 = arith.constant 16 : index
      %swap3A_425 = tpu.vector_load %arg12[%swap3A_424] {strides = array<i32>} : memref<128xi32, #tpu.memory_space<vmem>>, vector<16xi32>,
      %swap3A_426 = vector.shape_cast %swap3A_425 : vector<16xi32> to vector<16xi32>
      %swap3A_427 = vector.shape_cast %add3A_423 : vector<16xi32> to vector<16xi32>
      tpu.vector_store %arg12[%swap3A_424], %swap3A_427 {strides = array<i32>} : memref<128xi32, #tpu.memory_space<vmem>>, vector<16xi32>,
      %get3A_428 = arith.constant 32 : index
      %get3A_429 = tpu.vector_load %arg8[%get3A_428] {strides = array<i32>} : memref<128xi32, #tpu.memory_space<vmem>>, vector<16xi32>,
      %get3A_430 = vector.shape_cast %get3A_429 : vector<16xi32> to vector<16xi32>
      %add3A_431 = arith.addi %get3A_430, %get3A_430 : vector<16xi32>
      %add3A_432 = vector.broadcast %arg0 : i32 to vector<16xi32>
      %add3A_433 = arith.addi %add3A_431, %add3A_432 : vector<16xi32>
      %swap3A_434 = arith.constant 32 : index
      %swap3A_435 = tpu.vector_load %arg12[%swap3A_434] {strides = array<i32>} : memref<128xi32, #tpu.memory_space<vmem>>, vector<16xi32>,
      %swap3A_436 = vector.shape_cast %swap3A_435 : vector<16xi32> to vector<16xi32>
      %swap3A_437 = vector.shape_cast %add3A_433 : vector<16xi32> to vector<16xi32>
      tpu.vector_store %arg12[%swap3A_434], %swap3A_437 {strides = array<i32>} : memref<128xi32, #tpu.memory_space<vmem>>, vector<16xi32>,
      %get3A_438 = arith.constant 48 : index
      %get3A_439 = tpu.vector_load %arg8[%get3A_438] {strides = array<i32>} : memref<128xi32, #tpu.memory_space<vmem>>, vector<16xi32>,
      %get3A_440 = vector.shape_cast %get3A_439 : vector<16xi32> to vector<16xi32>
      %add3A_441 = arith.addi %get3A_440, %get3A_440 : vector<16xi32>
      %add3A_442 = vector.broadcast %arg0 : i32 to vector<16xi32>
      %add3A_443 = arith.addi %add3A_441, %add3A_442 : vector<16xi32>
      %swap3A_444 = arith.constant 48 : index
      %swap3A_445 = tpu.vector_load %arg12[%swap3A_444] {strides = array<i32>} : memref<128xi32, #tpu.memory_space<vmem>>, vector<16xi32>,
      %swap3A_446 = vector.shape_cast %swap3A_445 : vector<16xi32> to vector<16xi32>
      %swap3A_447 = vector.shape_cast %add3A_443 : vector<16xi32> to vector<16xi32>
      tpu.vector_store %arg12[%swap3A_444], %swap3A_447 {strides = array<i32>} : memref<128xi32, #tpu.memory_space<vmem>>, vector<16xi32>,
      %get3A_448 = arith.constant 64 : index
      %get3A_449 = tpu.vector_load %arg8[%get3A_448] {strides = array<i32>} : memref<128xi32, #tpu.memory_space<vmem>>, vector<16xi32>,
      %get3A_450 = vector.shape_cast %get3A_449 : vector<16xi32> to vector<16xi32>
      %add3A_451 = arith.addi %get3A_450, %get3A_450 : vector<16xi32>
      %add3A_452 = vector.broadcast %arg0 : i32 to vector<16xi32>
      %add3A_453 = arith.addi %add3A_451, %add3A_452 : vector<16xi32>
      %swap3A_454 = arith.constant 64 : index
      %swap3A_455 = tpu.vector_load %arg12[%swap3A_454] {strides = array<i32>} : memref<128xi32, #tpu.memory_space<vmem>>, vector<16xi32>,
      %swap3A_456 = vector.shape_cast %swap3A_455 : vector<16xi32> to vector<16xi32>
      %swap3A_457 = vector.shape_cast %add3A_453 : vector<16xi32> to vector<16xi32>
      tpu.vector_store %arg12[%swap3A_454], %swap3A_457 {strides = array<i32>} : memref<128xi32, #tpu.memory_space<vmem>>, vector<16xi32>,
      %get3A_458 = arith.constant 80 : index
      %get3A_459 = tpu.vector_load %arg8[%get3A_458] {strides = array<i32>} : memref<128xi32, #tpu.memory_space<vmem>>, vector<16xi32>,
      %get3A_460 = vector.shape_cast %get3A_459 : vector<16xi32> to vector<16xi32>
      %add3A_461 = arith.addi %get3A_460, %get3A_460 : vector<16xi32>
      %add3A_462 = vector.broadcast %arg0 : i32 to vector<16xi32>
      %add3A_463 = arith.addi %add3A_461, %add3A_462 : vector<16xi32>
      %swap3A_464 = arith.constant 80 : index
      %swap3A_465 = tpu.vector_load %arg12[%swap3A_464] {strides = array<i32>} : memref<128xi32, #tpu.memory_space<vmem>>, vector<16xi32>,
      %swap3A_466 = vector.shape_cast %swap3A_465 : vector<16xi32> to vector<16xi32>
      %swap3A_467 = vector.shape_cast %add3A_463 : vector<16xi32> to vector<16xi32>
      tpu.vector_store %arg12[%swap3A_464], %swap3A_467 {strides = array<i32>} : memref<128xi32, #tpu.memory_space<vmem>>, vector<16xi32>,
      %get3A_468 = arith.constant 96 : index
      %get3A_469 = tpu.vector_load %arg8[%get3A_468] {strides = array<i32>} : memref<128xi32, #tpu.memory_space<vmem>>, vector<16xi32>,
      %get3A_470 = vector.shape_cast %get3A_469 : vector<16xi32> to vector<16xi32>
      %add3A_471 = arith.addi %get3A_470, %get3A_470 : vector<16xi32>
      %add3A_472 = vector.broadcast %arg0 : i32 to vector<16xi32>
      %add3A_473 = arith.addi %add3A_471, %add3A_472 : vector<16xi32>
      %swap3A_474 = arith.constant 96 : index
      %swap3A_475 = tpu.vector_load %arg12[%swap3A_474] {strides = array<i32>} : memref<128xi32, #tpu.memory_space<vmem>>, vector<16xi32>,
      %swap3A_476 = vector.shape_cast %swap3A_475 : vector<16xi32> to vector<16xi32>
      %swap3A_477 = vector.shape_cast %add3A_473 : vector<16xi32> to vector<16xi32>
      tpu.vector_store %arg12[%swap3A_474], %swap3A_477 {strides = array<i32>} : memref<128xi32, #tpu.memory_space<vmem>>, vector<16xi32>,
      %get3A_478 = arith.constant 112 : index
      %get3A_479 = tpu.vector_load %arg8[%get3A_478] {strides = array<i32>} : memref<128xi32, #tpu.memory_space<vmem>>, vector<16xi32>,
      %get3A_480 = vector.shape_cast %get3A_479 : vector<16xi32> to vector<16xi32>
      %add3A_481 = arith.addi %get3A_480, %get3A_480 : vector<16xi32>
      %add3A_482 = vector.broadcast %arg0 : i32 to vector<16xi32>
      %add3A_483 = arith.addi %add3A_481, %add3A_482 : vector<16xi32>
      %swap3A_484 = arith.constant 112 : index
      %swap3A_485 = tpu.vector_load %arg12[%swap3A_484] {strides = array<i32>} : memref<128xi32, #tpu.memory_space<vmem>>, vector<16xi32>,
      %swap3A_486 = vector.shape_cast %swap3A_485 : vector<16xi32> to vector<16xi32>
      %swap3A_487 = vector.shape_cast %add3A_483 : vector<16xi32> to vector<16xi32>
      tpu.vector_store %arg12[%swap3A_484], %swap3A_487 {strides = array<i32>} : memref<128xi32, #tpu.memory_space<vmem>>, vector<16xi32>,
      %dma_start3A_488 = arith.constant 0 : i32
      %dma_start3A_489 = arith.constant 0 : i32
      %dma_start3A_490 = tpu.memref_slice %arg2[%dma_start3A_488, %dma_start3A_489] : memref<20000x128xf32, #tpu.memory_space<hbm>> -> memref<20000x128xf32, #tpu.memory_space<hbm>>
      tpu.enqueue_indirect_dma source(%dma_start3A_490 : memref<20000x128xf32, #tpu.memory_space<hbm>>) target(%arg6 : memref<128x128xf32, #tpu.memory_space<vmem>>) offsets(%arg12 : memref<128xi32, #tpu.memory_space<vmem>>) semaphore(%arg19 : memref<!tpu.dma_semaphore, #tpu.memory_space<semaphore_mem>>)
      %dma_wait3A_491 = arith.constant 0 : i32
      %dma_wait3A_492 = arith.constant 0 : i32
      %dma_wait3A_493 = tpu.memref_slice %arg2[%dma_wait3A_491, %dma_wait3A_492] : memref<20000x128xf32, #tpu.memory_space<hbm>> -> memref<20000x128xf32, #tpu.memory_space<hbm>>
      tpu.wait_indirect_dma semaphore(%arg20 : memref<!tpu.dma_semaphore, #tpu.memory_space<semaphore_mem>>) src(%dma_wait3A_493 : memref<20000x128xf32, #tpu.memory_space<hbm>>) dst(%arg7 : memref<128x128xf32, #tpu.memory_space<vmem>>)
      "tpu.region"() ({
        %run_scoped3A = tpu.sem_alloc : memref<!tpu.dma_semaphore, #tpu.memory_space<semaphore_mem>>
        %dma_start3A_1202 = arith.constant 0 : i32
        %dma_start3A_1203 = arith.constant 0 : i32
        %dma_start3A_1204 = tpu.memref_slice %arg18[%dma_start3A_1202, %dma_start3A_1203] : memref<10240x128xf32, #tpu.memory_space<vmem_shared>> -> memref<10240x128xf32, #tpu.memory_space<vmem_shared>>
        tpu.enqueue_indirect_dma source(%arg7 : memref<128x128xf32, #tpu.memory_space<vmem>>) target(%dma_start3A_1204 : memref<10240x128xf32, #tpu.memory_space<vmem_shared>>) offsets(%arg11 : memref<128xi32, #tpu.memory_space<vmem>>) semaphore(%run_scoped3A : memref<!tpu.dma_semaphore, #tpu.memory_space<semaphore_mem>>) {add = true}
        %dma_wait3A_1205 = arith.constant 0 : i32
        %dma_wait3A_1206 = arith.constant 0 : i32
        %dma_wait3A_1207 = tpu.memref_slice %arg18[%dma_wait3A_1205, %dma_wait3A_1206] : memref<10240x128xf32, #tpu.memory_space<vmem_shared>> -> memref<10240x128xf32, #tpu.memory_space<vmem_shared>>
        tpu.wait_indirect_dma semaphore(%run_scoped3A : memref<!tpu.dma_semaphore, #tpu.memory_space<semaphore_mem>>) src(%arg7 : memref<128x128xf32, #tpu.memory_space<vmem>>) dst(%dma_wait3A_1207 : memref<10240x128xf32, #tpu.memory_space<vmem_shared>>)
        tpu.yield
      }) : () -> ()
      %add3A_494 = arith.constant 640 : i32
      %add3A_495 = arith.addi %multiple_of3A_58, %add3A_494 : i32
      "tpu.region"() ({
        %run_scoped3A = tpu.sem_alloc : memref<!tpu.dma_semaphore, #tpu.memory_space<semaphore_mem>>
        %dma_start3A_1202 = tpu.memref_slice %arg3[%add3A_495] : memref<160000xi32, #tpu.memory_space<hbm>> -> memref<128xi32, #tpu.memory_space<hbm>>
        %dma_start3A_1203 = tpu.memref_slice %arg3[%add3A_495] : memref<160000xi32, #tpu.memory_space<hbm>> -> memref<128xi32, #tpu.memory_space<hbm>>
        tpu.enqueue_dma source(%dma_start3A_1203 : memref<128xi32, #tpu.memory_space<hbm>>) target(%arg9 : memref<128xi32, #tpu.memory_space<vmem>>) target_semaphore(%run_scoped3A : memref<!tpu.dma_semaphore, #tpu.memory_space<semaphore_mem>>)
        %dma_wait3A_1204 = tpu.memref_slice %arg3[%add3A_495] : memref<160000xi32, #tpu.memory_space<hbm>> -> memref<128xi32, #tpu.memory_space<hbm>>
        %dma_wait3A_1205 = tpu.memref_slice %arg3[%add3A_495] : memref<160000xi32, #tpu.memory_space<hbm>> -> memref<128xi32, #tpu.memory_space<hbm>>
        tpu.wait_dma2 semaphore(%run_scoped3A : memref<!tpu.dma_semaphore, #tpu.memory_space<semaphore_mem>>) src(%dma_wait3A_1205 : memref<128xi32, #tpu.memory_space<hbm>>) dst(%arg9 : memref<128xi32, #tpu.memory_space<vmem>>)
        tpu.yield
      }) : () -> ()
      "tpu.region"() ({
        %run_scoped3A = tpu.sem_alloc : memref<!tpu.dma_semaphore, #tpu.memory_space<semaphore_mem>>
        %dma_start3A_1202 = tpu.memref_slice %arg4[%add3A_495] : memref<160000xi32, #tpu.memory_space<hbm>> -> memref<128xi32, #tpu.memory_space<hbm>>
        %dma_start3A_1203 = tpu.memref_slice %arg4[%add3A_495] : memref<160000xi32, #tpu.memory_space<hbm>> -> memref<128xi32, #tpu.memory_space<hbm>>
        tpu.enqueue_dma source(%dma_start3A_1203 : memref<128xi32, #tpu.memory_space<hbm>>) target(%arg11 : memref<128xi32, #tpu.memory_space<vmem>>) target_semaphore(%run_scoped3A : memref<!tpu.dma_semaphore, #tpu.memory_space<semaphore_mem>>)
        %dma_wait3A_1204 = tpu.memref_slice %arg4[%add3A_495] : memref<160000xi32, #tpu.memory_space<hbm>> -> memref<128xi32, #tpu.memory_space<hbm>>
        %dma_wait3A_1205 = tpu.memref_slice %arg4[%add3A_495] : memref<160000xi32, #tpu.memory_space<hbm>> -> memref<128xi32, #tpu.memory_space<hbm>>
        tpu.wait_dma2 semaphore(%run_scoped3A : memref<!tpu.dma_semaphore, #tpu.memory_space<semaphore_mem>>) src(%dma_wait3A_1205 : memref<128xi32, #tpu.memory_space<hbm>>) dst(%arg11 : memref<128xi32, #tpu.memory_space<vmem>>)
        tpu.yield
      }) : () -> ()
      %get3A_496 = arith.constant 0 : index
      %get3A_497 = tpu.vector_load %arg9[%get3A_496] {strides = array<i32>} : memref<128xi32, #tpu.memory_space<vmem>>, vector<16xi32>,
      %get3A_498 = vector.shape_cast %get3A_497 : vector<16xi32> to vector<16xi32>
      %add3A_499 = arith.addi %get3A_498, %get3A_498 : vector<16xi32>
      %add3A_500 = vector.broadcast %arg0 : i32 to vector<16xi32>
      %add3A_501 = arith.addi %add3A_499, %add3A_500 : vector<16xi32>
      %swap3A_502 = arith.constant 0 : index
      %swap3A_503 = tpu.vector_load %arg13[%swap3A_502] {strides = array<i32>} : memref<128xi32, #tpu.memory_space<vmem>>, vector<16xi32>,
      %swap3A_504 = vector.shape_cast %swap3A_503 : vector<16xi32> to vector<16xi32>
      %swap3A_505 = vector.shape_cast %add3A_501 : vector<16xi32> to vector<16xi32>
      tpu.vector_store %arg13[%swap3A_502], %swap3A_505 {strides = array<i32>} : memref<128xi32, #tpu.memory_space<vmem>>, vector<16xi32>,
      %get3A_506 = arith.constant 16 : index
      %get3A_507 = tpu.vector_load %arg9[%get3A_506] {strides = array<i32>} : memref<128xi32, #tpu.memory_space<vmem>>, vector<16xi32>,
      %get3A_508 = vector.shape_cast %get3A_507 : vector<16xi32> to vector<16xi32>
      %add3A_509 = arith.addi %get3A_508, %get3A_508 : vector<16xi32>
      %add3A_510 = vector.broadcast %arg0 : i32 to vector<16xi32>
      %add3A_511 = arith.addi %add3A_509, %add3A_510 : vector<16xi32>
      %swap3A_512 = arith.constant 16 : index
      %swap3A_513 = tpu.vector_load %arg13[%swap3A_512] {strides = array<i32>} : memref<128xi32, #tpu.memory_space<vmem>>, vector<16xi32>,
      %swap3A_514 = vector.shape_cast %swap3A_513 : vector<16xi32> to vector<16xi32>
      %swap3A_515 = vector.shape_cast %add3A_511 : vector<16xi32> to vector<16xi32>
      tpu.vector_store %arg13[%swap3A_512], %swap3A_515 {strides = array<i32>} : memref<128xi32, #tpu.memory_space<vmem>>, vector<16xi32>,
      %get3A_516 = arith.constant 32 : index
      %get3A_517 = tpu.vector_load %arg9[%get3A_516] {strides = array<i32>} : memref<128xi32, #tpu.memory_space<vmem>>, vector<16xi32>,
      %get3A_518 = vector.shape_cast %get3A_517 : vector<16xi32> to vector<16xi32>
      %add3A_519 = arith.addi %get3A_518, %get3A_518 : vector<16xi32>
      %add3A_520 = vector.broadcast %arg0 : i32 to vector<16xi32>
      %add3A_521 = arith.addi %add3A_519, %add3A_520 : vector<16xi32>
      %swap3A_522 = arith.constant 32 : index
      %swap3A_523 = tpu.vector_load %arg13[%swap3A_522] {strides = array<i32>} : memref<128xi32, #tpu.memory_space<vmem>>, vector<16xi32>,
      %swap3A_524 = vector.shape_cast %swap3A_523 : vector<16xi32> to vector<16xi32>
      %swap3A_525 = vector.shape_cast %add3A_521 : vector<16xi32> to vector<16xi32>
      tpu.vector_store %arg13[%swap3A_522], %swap3A_525 {strides = array<i32>} : memref<128xi32, #tpu.memory_space<vmem>>, vector<16xi32>,
      %get3A_526 = arith.constant 48 : index
      %get3A_527 = tpu.vector_load %arg9[%get3A_526] {strides = array<i32>} : memref<128xi32, #tpu.memory_space<vmem>>, vector<16xi32>,
      %get3A_528 = vector.shape_cast %get3A_527 : vector<16xi32> to vector<16xi32>
      %add3A_529 = arith.addi %get3A_528, %get3A_528 : vector<16xi32>
      %add3A_530 = vector.broadcast %arg0 : i32 to vector<16xi32>
      %add3A_531 = arith.addi %add3A_529, %add3A_530 : vector<16xi32>
      %swap3A_532 = arith.constant 48 : index
      %swap3A_533 = tpu.vector_load %arg13[%swap3A_532] {strides = array<i32>} : memref<128xi32, #tpu.memory_space<vmem>>, vector<16xi32>,
      %swap3A_534 = vector.shape_cast %swap3A_533 : vector<16xi32> to vector<16xi32>
      %swap3A_535 = vector.shape_cast %add3A_531 : vector<16xi32> to vector<16xi32>
      tpu.vector_store %arg13[%swap3A_532], %swap3A_535 {strides = array<i32>} : memref<128xi32, #tpu.memory_space<vmem>>, vector<16xi32>,
      %get3A_536 = arith.constant 64 : index
      %get3A_537 = tpu.vector_load %arg9[%get3A_536] {strides = array<i32>} : memref<128xi32, #tpu.memory_space<vmem>>, vector<16xi32>,
      %get3A_538 = vector.shape_cast %get3A_537 : vector<16xi32> to vector<16xi32>
      %add3A_539 = arith.addi %get3A_538, %get3A_538 : vector<16xi32>
      %add3A_540 = vector.broadcast %arg0 : i32 to vector<16xi32>
      %add3A_541 = arith.addi %add3A_539, %add3A_540 : vector<16xi32>
      %swap3A_542 = arith.constant 64 : index
      %swap3A_543 = tpu.vector_load %arg13[%swap3A_542] {strides = array<i32>} : memref<128xi32, #tpu.memory_space<vmem>>, vector<16xi32>,
      %swap3A_544 = vector.shape_cast %swap3A_543 : vector<16xi32> to vector<16xi32>
      %swap3A_545 = vector.shape_cast %add3A_541 : vector<16xi32> to vector<16xi32>
      tpu.vector_store %arg13[%swap3A_542], %swap3A_545 {strides = array<i32>} : memref<128xi32, #tpu.memory_space<vmem>>, vector<16xi32>,
      %get3A_546 = arith.constant 80 : index
      %get3A_547 = tpu.vector_load %arg9[%get3A_546] {strides = array<i32>} : memref<128xi32, #tpu.memory_space<vmem>>, vector<16xi32>,
      %get3A_548 = vector.shape_cast %get3A_547 : vector<16xi32> to vector<16xi32>
      %add3A_549 = arith.addi %get3A_548, %get3A_548 : vector<16xi32>
      %add3A_550 = vector.broadcast %arg0 : i32 to vector<16xi32>
      %add3A_551 = arith.addi %add3A_549, %add3A_550 : vector<16xi32>
      %swap3A_552 = arith.constant 80 : index
      %swap3A_553 = tpu.vector_load %arg13[%swap3A_552] {strides = array<i32>} : memref<128xi32, #tpu.memory_space<vmem>>, vector<16xi32>,
      %swap3A_554 = vector.shape_cast %swap3A_553 : vector<16xi32> to vector<16xi32>
      %swap3A_555 = vector.shape_cast %add3A_551 : vector<16xi32> to vector<16xi32>
      tpu.vector_store %arg13[%swap3A_552], %swap3A_555 {strides = array<i32>} : memref<128xi32, #tpu.memory_space<vmem>>, vector<16xi32>,
      %get3A_556 = arith.constant 96 : index
      %get3A_557 = tpu.vector_load %arg9[%get3A_556] {strides = array<i32>} : memref<128xi32, #tpu.memory_space<vmem>>, vector<16xi32>,
      %get3A_558 = vector.shape_cast %get3A_557 : vector<16xi32> to vector<16xi32>
      %add3A_559 = arith.addi %get3A_558, %get3A_558 : vector<16xi32>
      %add3A_560 = vector.broadcast %arg0 : i32 to vector<16xi32>
      %add3A_561 = arith.addi %add3A_559, %add3A_560 : vector<16xi32>
      %swap3A_562 = arith.constant 96 : index
      %swap3A_563 = tpu.vector_load %arg13[%swap3A_562] {strides = array<i32>} : memref<128xi32, #tpu.memory_space<vmem>>, vector<16xi32>,
      %swap3A_564 = vector.shape_cast %swap3A_563 : vector<16xi32> to vector<16xi32>
      %swap3A_565 = vector.shape_cast %add3A_561 : vector<16xi32> to vector<16xi32>
      tpu.vector_store %arg13[%swap3A_562], %swap3A_565 {strides = array<i32>} : memref<128xi32, #tpu.memory_space<vmem>>, vector<16xi32>,
      %get3A_566 = arith.constant 112 : index
      %get3A_567 = tpu.vector_load %arg9[%get3A_566] {strides = array<i32>} : memref<128xi32, #tpu.memory_space<vmem>>, vector<16xi32>,
      %get3A_568 = vector.shape_cast %get3A_567 : vector<16xi32> to vector<16xi32>
      %add3A_569 = arith.addi %get3A_568, %get3A_568 : vector<16xi32>
      %add3A_570 = vector.broadcast %arg0 : i32 to vector<16xi32>
      %add3A_571 = arith.addi %add3A_569, %add3A_570 : vector<16xi32>
      %swap3A_572 = arith.constant 112 : index
      %swap3A_573 = tpu.vector_load %arg13[%swap3A_572] {strides = array<i32>} : memref<128xi32, #tpu.memory_space<vmem>>, vector<16xi32>,
      %swap3A_574 = vector.shape_cast %swap3A_573 : vector<16xi32> to vector<16xi32>
      %swap3A_575 = vector.shape_cast %add3A_571 : vector<16xi32> to vector<16xi32>
      tpu.vector_store %arg13[%swap3A_572], %swap3A_575 {strides = array<i32>} : memref<128xi32, #tpu.memory_space<vmem>>, vector<16xi32>,
      %dma_start3A_576 = arith.constant 0 : i32
      %dma_start3A_577 = arith.constant 0 : i32
      %dma_start3A_578 = tpu.memref_slice %arg2[%dma_start3A_576, %dma_start3A_577] : memref<20000x128xf32, #tpu.memory_space<hbm>> -> memref<20000x128xf32, #tpu.memory_space<hbm>>
      tpu.enqueue_indirect_dma source(%dma_start3A_578 : memref<20000x128xf32, #tpu.memory_space<hbm>>) target(%arg7 : memref<128x128xf32, #tpu.memory_space<vmem>>) offsets(%arg13 : memref<128xi32, #tpu.memory_space<vmem>>) semaphore(%arg20 : memref<!tpu.dma_semaphore, #tpu.memory_space<semaphore_mem>>)
      %dma_wait3A_579 = arith.constant 0 : i32
      %dma_wait3A_580 = arith.constant 0 : i32
      %dma_wait3A_581 = tpu.memref_slice %arg2[%dma_wait3A_579, %dma_wait3A_580] : memref<20000x128xf32, #tpu.memory_space<hbm>> -> memref<20000x128xf32, #tpu.memory_space<hbm>>
      tpu.wait_indirect_dma semaphore(%arg19 : memref<!tpu.dma_semaphore, #tpu.memory_space<semaphore_mem>>) src(%dma_wait3A_581 : memref<20000x128xf32, #tpu.memory_space<hbm>>) dst(%arg6 : memref<128x128xf32, #tpu.memory_space<vmem>>)
      "tpu.region"() ({
        %run_scoped3A = tpu.sem_alloc : memref<!tpu.dma_semaphore, #tpu.memory_space<semaphore_mem>>
        %dma_start3A_1202 = arith.constant 0 : i32
        %dma_start3A_1203 = arith.constant 0 : i32
        %dma_start3A_1204 = tpu.memref_slice %arg18[%dma_start3A_1202, %dma_start3A_1203] : memref<10240x128xf32, #tpu.memory_space<vmem_shared>> -> memref<10240x128xf32, #tpu.memory_space<vmem_shared>>
        tpu.enqueue_indirect_dma source(%arg6 : memref<128x128xf32, #tpu.memory_space<vmem>>) target(%dma_start3A_1204 : memref<10240x128xf32, #tpu.memory_space<vmem_shared>>) offsets(%arg10 : memref<128xi32, #tpu.memory_space<vmem>>) semaphore(%run_scoped3A : memref<!tpu.dma_semaphore, #tpu.memory_space<semaphore_mem>>) {add = true}
        %dma_wait3A_1205 = arith.constant 0 : i32
        %dma_wait3A_1206 = arith.constant 0 : i32
        %dma_wait3A_1207 = tpu.memref_slice %arg18[%dma_wait3A_1205, %dma_wait3A_1206] : memref<10240x128xf32, #tpu.memory_space<vmem_shared>> -> memref<10240x128xf32, #tpu.memory_space<vmem_shared>>
        tpu.wait_indirect_dma semaphore(%run_scoped3A : memref<!tpu.dma_semaphore, #tpu.memory_space<semaphore_mem>>) src(%arg6 : memref<128x128xf32, #tpu.memory_space<vmem>>) dst(%dma_wait3A_1207 : memref<10240x128xf32, #tpu.memory_space<vmem_shared>>)
        tpu.yield
      }) : () -> ()
      %add3A_582 = arith.constant 768 : i32
      %add3A_583 = arith.addi %multiple_of3A_58, %add3A_582 : i32
      "tpu.region"() ({
        %run_scoped3A = tpu.sem_alloc : memref<!tpu.dma_semaphore, #tpu.memory_space<semaphore_mem>>
        %dma_start3A_1202 = tpu.memref_slice %arg3[%add3A_583] : memref<160000xi32, #tpu.memory_space<hbm>> -> memref<128xi32, #tpu.memory_space<hbm>>
        %dma_start3A_1203 = tpu.memref_slice %arg3[%add3A_583] : memref<160000xi32, #tpu.memory_space<hbm>> -> memref<128xi32, #tpu.memory_space<hbm>>
        tpu.enqueue_dma source(%dma_start3A_1203 : memref<128xi32, #tpu.memory_space<hbm>>) target(%arg8 : memref<128xi32, #tpu.memory_space<vmem>>) target_semaphore(%run_scoped3A : memref<!tpu.dma_semaphore, #tpu.memory_space<semaphore_mem>>)
        %dma_wait3A_1204 = tpu.memref_slice %arg3[%add3A_583] : memref<160000xi32, #tpu.memory_space<hbm>> -> memref<128xi32, #tpu.memory_space<hbm>>
        %dma_wait3A_1205 = tpu.memref_slice %arg3[%add3A_583] : memref<160000xi32, #tpu.memory_space<hbm>> -> memref<128xi32, #tpu.memory_space<hbm>>
        tpu.wait_dma2 semaphore(%run_scoped3A : memref<!tpu.dma_semaphore, #tpu.memory_space<semaphore_mem>>) src(%dma_wait3A_1205 : memref<128xi32, #tpu.memory_space<hbm>>) dst(%arg8 : memref<128xi32, #tpu.memory_space<vmem>>)
        tpu.yield
      }) : () -> ()
      "tpu.region"() ({
        %run_scoped3A = tpu.sem_alloc : memref<!tpu.dma_semaphore, #tpu.memory_space<semaphore_mem>>
        %dma_start3A_1202 = tpu.memref_slice %arg4[%add3A_583] : memref<160000xi32, #tpu.memory_space<hbm>> -> memref<128xi32, #tpu.memory_space<hbm>>
        %dma_start3A_1203 = tpu.memref_slice %arg4[%add3A_583] : memref<160000xi32, #tpu.memory_space<hbm>> -> memref<128xi32, #tpu.memory_space<hbm>>
        tpu.enqueue_dma source(%dma_start3A_1203 : memref<128xi32, #tpu.memory_space<hbm>>) target(%arg10 : memref<128xi32, #tpu.memory_space<vmem>>) target_semaphore(%run_scoped3A : memref<!tpu.dma_semaphore, #tpu.memory_space<semaphore_mem>>)
        %dma_wait3A_1204 = tpu.memref_slice %arg4[%add3A_583] : memref<160000xi32, #tpu.memory_space<hbm>> -> memref<128xi32, #tpu.memory_space<hbm>>
        %dma_wait3A_1205 = tpu.memref_slice %arg4[%add3A_583] : memref<160000xi32, #tpu.memory_space<hbm>> -> memref<128xi32, #tpu.memory_space<hbm>>
        tpu.wait_dma2 semaphore(%run_scoped3A : memref<!tpu.dma_semaphore, #tpu.memory_space<semaphore_mem>>) src(%dma_wait3A_1205 : memref<128xi32, #tpu.memory_space<hbm>>) dst(%arg10 : memref<128xi32, #tpu.memory_space<vmem>>)
        tpu.yield
      }) : () -> ()
      %get3A_584 = arith.constant 0 : index
      %get3A_585 = tpu.vector_load %arg8[%get3A_584] {strides = array<i32>} : memref<128xi32, #tpu.memory_space<vmem>>, vector<16xi32>,
      %get3A_586 = vector.shape_cast %get3A_585 : vector<16xi32> to vector<16xi32>
      %add3A_587 = arith.addi %get3A_586, %get3A_586 : vector<16xi32>
      %add3A_588 = vector.broadcast %arg0 : i32 to vector<16xi32>
      %add3A_589 = arith.addi %add3A_587, %add3A_588 : vector<16xi32>
      %swap3A_590 = arith.constant 0 : index
      %swap3A_591 = tpu.vector_load %arg12[%swap3A_590] {strides = array<i32>} : memref<128xi32, #tpu.memory_space<vmem>>, vector<16xi32>,
      %swap3A_592 = vector.shape_cast %swap3A_591 : vector<16xi32> to vector<16xi32>
      %swap3A_593 = vector.shape_cast %add3A_589 : vector<16xi32> to vector<16xi32>
      tpu.vector_store %arg12[%swap3A_590], %swap3A_593 {strides = array<i32>} : memref<128xi32, #tpu.memory_space<vmem>>, vector<16xi32>,
      %get3A_594 = arith.constant 16 : index
      %get3A_595 = tpu.vector_load %arg8[%get3A_594] {strides = array<i32>} : memref<128xi32, #tpu.memory_space<vmem>>, vector<16xi32>,
      %get3A_596 = vector.shape_cast %get3A_595 : vector<16xi32> to vector<16xi32>
      %add3A_597 = arith.addi %get3A_596, %get3A_596 : vector<16xi32>
      %add3A_598 = vector.broadcast %arg0 : i32 to vector<16xi32>
      %add3A_599 = arith.addi %add3A_597, %add3A_598 : vector<16xi32>
      %swap3A_600 = arith.constant 16 : index
      %swap3A_601 = tpu.vector_load %arg12[%swap3A_600] {strides = array<i32>} : memref<128xi32, #tpu.memory_space<vmem>>, vector<16xi32>,
      %swap3A_602 = vector.shape_cast %swap3A_601 : vector<16xi32> to vector<16xi32>
      %swap3A_603 = vector.shape_cast %add3A_599 : vector<16xi32> to vector<16xi32>
      tpu.vector_store %arg12[%swap3A_600], %swap3A_603 {strides = array<i32>} : memref<128xi32, #tpu.memory_space<vmem>>, vector<16xi32>,
      %get3A_604 = arith.constant 32 : index
      %get3A_605 = tpu.vector_load %arg8[%get3A_604] {strides = array<i32>} : memref<128xi32, #tpu.memory_space<vmem>>, vector<16xi32>,
      %get3A_606 = vector.shape_cast %get3A_605 : vector<16xi32> to vector<16xi32>
      %add3A_607 = arith.addi %get3A_606, %get3A_606 : vector<16xi32>
      %add3A_608 = vector.broadcast %arg0 : i32 to vector<16xi32>
      %add3A_609 = arith.addi %add3A_607, %add3A_608 : vector<16xi32>
      %swap3A_610 = arith.constant 32 : index
      %swap3A_611 = tpu.vector_load %arg12[%swap3A_610] {strides = array<i32>} : memref<128xi32, #tpu.memory_space<vmem>>, vector<16xi32>,
      %swap3A_612 = vector.shape_cast %swap3A_611 : vector<16xi32> to vector<16xi32>
      %swap3A_613 = vector.shape_cast %add3A_609 : vector<16xi32> to vector<16xi32>
      tpu.vector_store %arg12[%swap3A_610], %swap3A_613 {strides = array<i32>} : memref<128xi32, #tpu.memory_space<vmem>>, vector<16xi32>,
      %get3A_614 = arith.constant 48 : index
      %get3A_615 = tpu.vector_load %arg8[%get3A_614] {strides = array<i32>} : memref<128xi32, #tpu.memory_space<vmem>>, vector<16xi32>,
      %get3A_616 = vector.shape_cast %get3A_615 : vector<16xi32> to vector<16xi32>
      %add3A_617 = arith.addi %get3A_616, %get3A_616 : vector<16xi32>
      %add3A_618 = vector.broadcast %arg0 : i32 to vector<16xi32>
      %add3A_619 = arith.addi %add3A_617, %add3A_618 : vector<16xi32>
      %swap3A_620 = arith.constant 48 : index
      %swap3A_621 = tpu.vector_load %arg12[%swap3A_620] {strides = array<i32>} : memref<128xi32, #tpu.memory_space<vmem>>, vector<16xi32>,
      %swap3A_622 = vector.shape_cast %swap3A_621 : vector<16xi32> to vector<16xi32>
      %swap3A_623 = vector.shape_cast %add3A_619 : vector<16xi32> to vector<16xi32>
      tpu.vector_store %arg12[%swap3A_620], %swap3A_623 {strides = array<i32>} : memref<128xi32, #tpu.memory_space<vmem>>, vector<16xi32>,
      %get3A_624 = arith.constant 64 : index
      %get3A_625 = tpu.vector_load %arg8[%get3A_624] {strides = array<i32>} : memref<128xi32, #tpu.memory_space<vmem>>, vector<16xi32>,
      %get3A_626 = vector.shape_cast %get3A_625 : vector<16xi32> to vector<16xi32>
      %add3A_627 = arith.addi %get3A_626, %get3A_626 : vector<16xi32>
      %add3A_628 = vector.broadcast %arg0 : i32 to vector<16xi32>
      %add3A_629 = arith.addi %add3A_627, %add3A_628 : vector<16xi32>
      %swap3A_630 = arith.constant 64 : index
      %swap3A_631 = tpu.vector_load %arg12[%swap3A_630] {strides = array<i32>} : memref<128xi32, #tpu.memory_space<vmem>>, vector<16xi32>,
      %swap3A_632 = vector.shape_cast %swap3A_631 : vector<16xi32> to vector<16xi32>
      %swap3A_633 = vector.shape_cast %add3A_629 : vector<16xi32> to vector<16xi32>
      tpu.vector_store %arg12[%swap3A_630], %swap3A_633 {strides = array<i32>} : memref<128xi32, #tpu.memory_space<vmem>>, vector<16xi32>,
      %get3A_634 = arith.constant 80 : index
      %get3A_635 = tpu.vector_load %arg8[%get3A_634] {strides = array<i32>} : memref<128xi32, #tpu.memory_space<vmem>>, vector<16xi32>,
      %get3A_636 = vector.shape_cast %get3A_635 : vector<16xi32> to vector<16xi32>
      %add3A_637 = arith.addi %get3A_636, %get3A_636 : vector<16xi32>
      %add3A_638 = vector.broadcast %arg0 : i32 to vector<16xi32>
      %add3A_639 = arith.addi %add3A_637, %add3A_638 : vector<16xi32>
      %swap3A_640 = arith.constant 80 : index
      %swap3A_641 = tpu.vector_load %arg12[%swap3A_640] {strides = array<i32>} : memref<128xi32, #tpu.memory_space<vmem>>, vector<16xi32>,
      %swap3A_642 = vector.shape_cast %swap3A_641 : vector<16xi32> to vector<16xi32>
      %swap3A_643 = vector.shape_cast %add3A_639 : vector<16xi32> to vector<16xi32>
      tpu.vector_store %arg12[%swap3A_640], %swap3A_643 {strides = array<i32>} : memref<128xi32, #tpu.memory_space<vmem>>, vector<16xi32>,
      %get3A_644 = arith.constant 96 : index
      %get3A_645 = tpu.vector_load %arg8[%get3A_644] {strides = array<i32>} : memref<128xi32, #tpu.memory_space<vmem>>, vector<16xi32>,
      %get3A_646 = vector.shape_cast %get3A_645 : vector<16xi32> to vector<16xi32>
      %add3A_647 = arith.addi %get3A_646, %get3A_646 : vector<16xi32>
      %add3A_648 = vector.broadcast %arg0 : i32 to vector<16xi32>
      %add3A_649 = arith.addi %add3A_647, %add3A_648 : vector<16xi32>
      %swap3A_650 = arith.constant 96 : index
      %swap3A_651 = tpu.vector_load %arg12[%swap3A_650] {strides = array<i32>} : memref<128xi32, #tpu.memory_space<vmem>>, vector<16xi32>,
      %swap3A_652 = vector.shape_cast %swap3A_651 : vector<16xi32> to vector<16xi32>
      %swap3A_653 = vector.shape_cast %add3A_649 : vector<16xi32> to vector<16xi32>
      tpu.vector_store %arg12[%swap3A_650], %swap3A_653 {strides = array<i32>} : memref<128xi32, #tpu.memory_space<vmem>>, vector<16xi32>,
      %get3A_654 = arith.constant 112 : index
      %get3A_655 = tpu.vector_load %arg8[%get3A_654] {strides = array<i32>} : memref<128xi32, #tpu.memory_space<vmem>>, vector<16xi32>,
      %get3A_656 = vector.shape_cast %get3A_655 : vector<16xi32> to vector<16xi32>
      %add3A_657 = arith.addi %get3A_656, %get3A_656 : vector<16xi32>
      %add3A_658 = vector.broadcast %arg0 : i32 to vector<16xi32>
      %add3A_659 = arith.addi %add3A_657, %add3A_658 : vector<16xi32>
      %swap3A_660 = arith.constant 112 : index
      %swap3A_661 = tpu.vector_load %arg12[%swap3A_660] {strides = array<i32>} : memref<128xi32, #tpu.memory_space<vmem>>, vector<16xi32>,
      %swap3A_662 = vector.shape_cast %swap3A_661 : vector<16xi32> to vector<16xi32>
      %swap3A_663 = vector.shape_cast %add3A_659 : vector<16xi32> to vector<16xi32>
      tpu.vector_store %arg12[%swap3A_660], %swap3A_663 {strides = array<i32>} : memref<128xi32, #tpu.memory_space<vmem>>, vector<16xi32>,
      %dma_start3A_664 = arith.constant 0 : i32
      %dma_start3A_665 = arith.constant 0 : i32
      %dma_start3A_666 = tpu.memref_slice %arg2[%dma_start3A_664, %dma_start3A_665] : memref<20000x128xf32, #tpu.memory_space<hbm>> -> memref<20000x128xf32, #tpu.memory_space<hbm>>
      tpu.enqueue_indirect_dma source(%dma_start3A_666 : memref<20000x128xf32, #tpu.memory_space<hbm>>) target(%arg6 : memref<128x128xf32, #tpu.memory_space<vmem>>) offsets(%arg12 : memref<128xi32, #tpu.memory_space<vmem>>) semaphore(%arg19 : memref<!tpu.dma_semaphore, #tpu.memory_space<semaphore_mem>>)
      %dma_wait3A_667 = arith.constant 0 : i32
      %dma_wait3A_668 = arith.constant 0 : i32
      %dma_wait3A_669 = tpu.memref_slice %arg2[%dma_wait3A_667, %dma_wait3A_668] : memref<20000x128xf32, #tpu.memory_space<hbm>> -> memref<20000x128xf32, #tpu.memory_space<hbm>>
      tpu.wait_indirect_dma semaphore(%arg20 : memref<!tpu.dma_semaphore, #tpu.memory_space<semaphore_mem>>) src(%dma_wait3A_669 : memref<20000x128xf32, #tpu.memory_space<hbm>>) dst(%arg7 : memref<128x128xf32, #tpu.memory_space<vmem>>)
      "tpu.region"() ({
        %run_scoped3A = tpu.sem_alloc : memref<!tpu.dma_semaphore, #tpu.memory_space<semaphore_mem>>
        %dma_start3A_1202 = arith.constant 0 : i32
        %dma_start3A_1203 = arith.constant 0 : i32
        %dma_start3A_1204 = tpu.memref_slice %arg18[%dma_start3A_1202, %dma_start3A_1203] : memref<10240x128xf32, #tpu.memory_space<vmem_shared>> -> memref<10240x128xf32, #tpu.memory_space<vmem_shared>>
        tpu.enqueue_indirect_dma source(%arg7 : memref<128x128xf32, #tpu.memory_space<vmem>>) target(%dma_start3A_1204 : memref<10240x128xf32, #tpu.memory_space<vmem_shared>>) offsets(%arg11 : memref<128xi32, #tpu.memory_space<vmem>>) semaphore(%run_scoped3A : memref<!tpu.dma_semaphore, #tpu.memory_space<semaphore_mem>>) {add = true}
        %dma_wait3A_1205 = arith.constant 0 : i32
        %dma_wait3A_1206 = arith.constant 0 : i32
        %dma_wait3A_1207 = tpu.memref_slice %arg18[%dma_wait3A_1205, %dma_wait3A_1206] : memref<10240x128xf32, #tpu.memory_space<vmem_shared>> -> memref<10240x128xf32, #tpu.memory_space<vmem_shared>>
        tpu.wait_indirect_dma semaphore(%run_scoped3A : memref<!tpu.dma_semaphore, #tpu.memory_space<semaphore_mem>>) src(%arg7 : memref<128x128xf32, #tpu.memory_space<vmem>>) dst(%dma_wait3A_1207 : memref<10240x128xf32, #tpu.memory_space<vmem_shared>>)
        tpu.yield
      }) : () -> ()
      %add3A_670 = arith.constant 896 : i32
      %add3A_671 = arith.addi %multiple_of3A_58, %add3A_670 : i32
      "tpu.region"() ({
        %run_scoped3A = tpu.sem_alloc : memref<!tpu.dma_semaphore, #tpu.memory_space<semaphore_mem>>
        %dma_start3A_1202 = tpu.memref_slice %arg3[%add3A_671] : memref<160000xi32, #tpu.memory_space<hbm>> -> memref<128xi32, #tpu.memory_space<hbm>>
        %dma_start3A_1203 = tpu.memref_slice %arg3[%add3A_671] : memref<160000xi32, #tpu.memory_space<hbm>> -> memref<128xi32, #tpu.memory_space<hbm>>
        tpu.enqueue_dma source(%dma_start3A_1203 : memref<128xi32, #tpu.memory_space<hbm>>) target(%arg9 : memref<128xi32, #tpu.memory_space<vmem>>) target_semaphore(%run_scoped3A : memref<!tpu.dma_semaphore, #tpu.memory_space<semaphore_mem>>)
        %dma_wait3A_1204 = tpu.memref_slice %arg3[%add3A_671] : memref<160000xi32, #tpu.memory_space<hbm>> -> memref<128xi32, #tpu.memory_space<hbm>>
        %dma_wait3A_1205 = tpu.memref_slice %arg3[%add3A_671] : memref<160000xi32, #tpu.memory_space<hbm>> -> memref<128xi32, #tpu.memory_space<hbm>>
        tpu.wait_dma2 semaphore(%run_scoped3A : memref<!tpu.dma_semaphore, #tpu.memory_space<semaphore_mem>>) src(%dma_wait3A_1205 : memref<128xi32, #tpu.memory_space<hbm>>) dst(%arg9 : memref<128xi32, #tpu.memory_space<vmem>>)
        tpu.yield
      }) : () -> ()
      "tpu.region"() ({
        %run_scoped3A = tpu.sem_alloc : memref<!tpu.dma_semaphore, #tpu.memory_space<semaphore_mem>>
        %dma_start3A_1202 = tpu.memref_slice %arg4[%add3A_671] : memref<160000xi32, #tpu.memory_space<hbm>> -> memref<128xi32, #tpu.memory_space<hbm>>
        %dma_start3A_1203 = tpu.memref_slice %arg4[%add3A_671] : memref<160000xi32, #tpu.memory_space<hbm>> -> memref<128xi32, #tpu.memory_space<hbm>>
        tpu.enqueue_dma source(%dma_start3A_1203 : memref<128xi32, #tpu.memory_space<hbm>>) target(%arg11 : memref<128xi32, #tpu.memory_space<vmem>>) target_semaphore(%run_scoped3A : memref<!tpu.dma_semaphore, #tpu.memory_space<semaphore_mem>>)
        %dma_wait3A_1204 = tpu.memref_slice %arg4[%add3A_671] : memref<160000xi32, #tpu.memory_space<hbm>> -> memref<128xi32, #tpu.memory_space<hbm>>
        %dma_wait3A_1205 = tpu.memref_slice %arg4[%add3A_671] : memref<160000xi32, #tpu.memory_space<hbm>> -> memref<128xi32, #tpu.memory_space<hbm>>
        tpu.wait_dma2 semaphore(%run_scoped3A : memref<!tpu.dma_semaphore, #tpu.memory_space<semaphore_mem>>) src(%dma_wait3A_1205 : memref<128xi32, #tpu.memory_space<hbm>>) dst(%arg11 : memref<128xi32, #tpu.memory_space<vmem>>)
        tpu.yield
      }) : () -> ()
      %get3A_672 = arith.constant 0 : index
      %get3A_673 = tpu.vector_load %arg9[%get3A_672] {strides = array<i32>} : memref<128xi32, #tpu.memory_space<vmem>>, vector<16xi32>,
      %get3A_674 = vector.shape_cast %get3A_673 : vector<16xi32> to vector<16xi32>
      %add3A_675 = arith.addi %get3A_674, %get3A_674 : vector<16xi32>
      %add3A_676 = vector.broadcast %arg0 : i32 to vector<16xi32>
      %add3A_677 = arith.addi %add3A_675, %add3A_676 : vector<16xi32>
      %swap3A_678 = arith.constant 0 : index
      %swap3A_679 = tpu.vector_load %arg13[%swap3A_678] {strides = array<i32>} : memref<128xi32, #tpu.memory_space<vmem>>, vector<16xi32>,
      %swap3A_680 = vector.shape_cast %swap3A_679 : vector<16xi32> to vector<16xi32>
      %swap3A_681 = vector.shape_cast %add3A_677 : vector<16xi32> to vector<16xi32>
      tpu.vector_store %arg13[%swap3A_678], %swap3A_681 {strides = array<i32>} : memref<128xi32, #tpu.memory_space<vmem>>, vector<16xi32>,
      %get3A_682 = arith.constant 16 : index
      %get3A_683 = tpu.vector_load %arg9[%get3A_682] {strides = array<i32>} : memref<128xi32, #tpu.memory_space<vmem>>, vector<16xi32>,
      %get3A_684 = vector.shape_cast %get3A_683 : vector<16xi32> to vector<16xi32>
      %add3A_685 = arith.addi %get3A_684, %get3A_684 : vector<16xi32>
      %add3A_686 = vector.broadcast %arg0 : i32 to vector<16xi32>
      %add3A_687 = arith.addi %add3A_685, %add3A_686 : vector<16xi32>
      %swap3A_688 = arith.constant 16 : index
      %swap3A_689 = tpu.vector_load %arg13[%swap3A_688] {strides = array<i32>} : memref<128xi32, #tpu.memory_space<vmem>>, vector<16xi32>,
      %swap3A_690 = vector.shape_cast %swap3A_689 : vector<16xi32> to vector<16xi32>
      %swap3A_691 = vector.shape_cast %add3A_687 : vector<16xi32> to vector<16xi32>
      tpu.vector_store %arg13[%swap3A_688], %swap3A_691 {strides = array<i32>} : memref<128xi32, #tpu.memory_space<vmem>>, vector<16xi32>,
      %get3A_692 = arith.constant 32 : index
      %get3A_693 = tpu.vector_load %arg9[%get3A_692] {strides = array<i32>} : memref<128xi32, #tpu.memory_space<vmem>>, vector<16xi32>,
      %get3A_694 = vector.shape_cast %get3A_693 : vector<16xi32> to vector<16xi32>
      %add3A_695 = arith.addi %get3A_694, %get3A_694 : vector<16xi32>
      %add3A_696 = vector.broadcast %arg0 : i32 to vector<16xi32>
      %add3A_697 = arith.addi %add3A_695, %add3A_696 : vector<16xi32>
      %swap3A_698 = arith.constant 32 : index
      %swap3A_699 = tpu.vector_load %arg13[%swap3A_698] {strides = array<i32>} : memref<128xi32, #tpu.memory_space<vmem>>, vector<16xi32>,
      %swap3A_700 = vector.shape_cast %swap3A_699 : vector<16xi32> to vector<16xi32>
      %swap3A_701 = vector.shape_cast %add3A_697 : vector<16xi32> to vector<16xi32>
      tpu.vector_store %arg13[%swap3A_698], %swap3A_701 {strides = array<i32>} : memref<128xi32, #tpu.memory_space<vmem>>, vector<16xi32>,
      %get3A_702 = arith.constant 48 : index
      %get3A_703 = tpu.vector_load %arg9[%get3A_702] {strides = array<i32>} : memref<128xi32, #tpu.memory_space<vmem>>, vector<16xi32>,
      %get3A_704 = vector.shape_cast %get3A_703 : vector<16xi32> to vector<16xi32>
      %add3A_705 = arith.addi %get3A_704, %get3A_704 : vector<16xi32>
      %add3A_706 = vector.broadcast %arg0 : i32 to vector<16xi32>
      %add3A_707 = arith.addi %add3A_705, %add3A_706 : vector<16xi32>
      %swap3A_708 = arith.constant 48 : index
      %swap3A_709 = tpu.vector_load %arg13[%swap3A_708] {strides = array<i32>} : memref<128xi32, #tpu.memory_space<vmem>>, vector<16xi32>,
      %swap3A_710 = vector.shape_cast %swap3A_709 : vector<16xi32> to vector<16xi32>
      %swap3A_711 = vector.shape_cast %add3A_707 : vector<16xi32> to vector<16xi32>
      tpu.vector_store %arg13[%swap3A_708], %swap3A_711 {strides = array<i32>} : memref<128xi32, #tpu.memory_space<vmem>>, vector<16xi32>,
      %get3A_712 = arith.constant 64 : index
      %get3A_713 = tpu.vector_load %arg9[%get3A_712] {strides = array<i32>} : memref<128xi32, #tpu.memory_space<vmem>>, vector<16xi32>,
      %get3A_714 = vector.shape_cast %get3A_713 : vector<16xi32> to vector<16xi32>
      %add3A_715 = arith.addi %get3A_714, %get3A_714 : vector<16xi32>
      %add3A_716 = vector.broadcast %arg0 : i32 to vector<16xi32>
      %add3A_717 = arith.addi %add3A_715, %add3A_716 : vector<16xi32>
      %swap3A_718 = arith.constant 64 : index
      %swap3A_719 = tpu.vector_load %arg13[%swap3A_718] {strides = array<i32>} : memref<128xi32, #tpu.memory_space<vmem>>, vector<16xi32>,
      %swap3A_720 = vector.shape_cast %swap3A_719 : vector<16xi32> to vector<16xi32>
      %swap3A_721 = vector.shape_cast %add3A_717 : vector<16xi32> to vector<16xi32>
      tpu.vector_store %arg13[%swap3A_718], %swap3A_721 {strides = array<i32>} : memref<128xi32, #tpu.memory_space<vmem>>, vector<16xi32>,
      %get3A_722 = arith.constant 80 : index
      %get3A_723 = tpu.vector_load %arg9[%get3A_722] {strides = array<i32>} : memref<128xi32, #tpu.memory_space<vmem>>, vector<16xi32>,
      %get3A_724 = vector.shape_cast %get3A_723 : vector<16xi32> to vector<16xi32>
      %add3A_725 = arith.addi %get3A_724, %get3A_724 : vector<16xi32>
      %add3A_726 = vector.broadcast %arg0 : i32 to vector<16xi32>
      %add3A_727 = arith.addi %add3A_725, %add3A_726 : vector<16xi32>
      %swap3A_728 = arith.constant 80 : index
      %swap3A_729 = tpu.vector_load %arg13[%swap3A_728] {strides = array<i32>} : memref<128xi32, #tpu.memory_space<vmem>>, vector<16xi32>,
      %swap3A_730 = vector.shape_cast %swap3A_729 : vector<16xi32> to vector<16xi32>
      %swap3A_731 = vector.shape_cast %add3A_727 : vector<16xi32> to vector<16xi32>
      tpu.vector_store %arg13[%swap3A_728], %swap3A_731 {strides = array<i32>} : memref<128xi32, #tpu.memory_space<vmem>>, vector<16xi32>,
      %get3A_732 = arith.constant 96 : index
      %get3A_733 = tpu.vector_load %arg9[%get3A_732] {strides = array<i32>} : memref<128xi32, #tpu.memory_space<vmem>>, vector<16xi32>,
      %get3A_734 = vector.shape_cast %get3A_733 : vector<16xi32> to vector<16xi32>
      %add3A_735 = arith.addi %get3A_734, %get3A_734 : vector<16xi32>
      %add3A_736 = vector.broadcast %arg0 : i32 to vector<16xi32>
      %add3A_737 = arith.addi %add3A_735, %add3A_736 : vector<16xi32>
      %swap3A_738 = arith.constant 96 : index
      %swap3A_739 = tpu.vector_load %arg13[%swap3A_738] {strides = array<i32>} : memref<128xi32, #tpu.memory_space<vmem>>, vector<16xi32>,
      %swap3A_740 = vector.shape_cast %swap3A_739 : vector<16xi32> to vector<16xi32>
      %swap3A_741 = vector.shape_cast %add3A_737 : vector<16xi32> to vector<16xi32>
      tpu.vector_store %arg13[%swap3A_738], %swap3A_741 {strides = array<i32>} : memref<128xi32, #tpu.memory_space<vmem>>, vector<16xi32>,
      %get3A_742 = arith.constant 112 : index
      %get3A_743 = tpu.vector_load %arg9[%get3A_742] {strides = array<i32>} : memref<128xi32, #tpu.memory_space<vmem>>, vector<16xi32>,
      %get3A_744 = vector.shape_cast %get3A_743 : vector<16xi32> to vector<16xi32>
      %add3A_745 = arith.addi %get3A_744, %get3A_744 : vector<16xi32>
      %add3A_746 = vector.broadcast %arg0 : i32 to vector<16xi32>
      %add3A_747 = arith.addi %add3A_745, %add3A_746 : vector<16xi32>
      %swap3A_748 = arith.constant 112 : index
      %swap3A_749 = tpu.vector_load %arg13[%swap3A_748] {strides = array<i32>} : memref<128xi32, #tpu.memory_space<vmem>>, vector<16xi32>,
      %swap3A_750 = vector.shape_cast %swap3A_749 : vector<16xi32> to vector<16xi32>
      %swap3A_751 = vector.shape_cast %add3A_747 : vector<16xi32> to vector<16xi32>
      tpu.vector_store %arg13[%swap3A_748], %swap3A_751 {strides = array<i32>} : memref<128xi32, #tpu.memory_space<vmem>>, vector<16xi32>,
      %dma_start3A_752 = arith.constant 0 : i32
      %dma_start3A_753 = arith.constant 0 : i32
      %dma_start3A_754 = tpu.memref_slice %arg2[%dma_start3A_752, %dma_start3A_753] : memref<20000x128xf32, #tpu.memory_space<hbm>> -> memref<20000x128xf32, #tpu.memory_space<hbm>>
      tpu.enqueue_indirect_dma source(%dma_start3A_754 : memref<20000x128xf32, #tpu.memory_space<hbm>>) target(%arg7 : memref<128x128xf32, #tpu.memory_space<vmem>>) offsets(%arg13 : memref<128xi32, #tpu.memory_space<vmem>>) semaphore(%arg20 : memref<!tpu.dma_semaphore, #tpu.memory_space<semaphore_mem>>)
      %dma_wait3A_755 = arith.constant 0 : i32
      %dma_wait3A_756 = arith.constant 0 : i32
      %dma_wait3A_757 = tpu.memref_slice %arg2[%dma_wait3A_755, %dma_wait3A_756] : memref<20000x128xf32, #tpu.memory_space<hbm>> -> memref<20000x128xf32, #tpu.memory_space<hbm>>
      tpu.wait_indirect_dma semaphore(%arg19 : memref<!tpu.dma_semaphore, #tpu.memory_space<semaphore_mem>>) src(%dma_wait3A_757 : memref<20000x128xf32, #tpu.memory_space<hbm>>) dst(%arg6 : memref<128x128xf32, #tpu.memory_space<vmem>>)
      "tpu.region"() ({
        %run_scoped3A = tpu.sem_alloc : memref<!tpu.dma_semaphore, #tpu.memory_space<semaphore_mem>>
        %dma_start3A_1202 = arith.constant 0 : i32
        %dma_start3A_1203 = arith.constant 0 : i32
        %dma_start3A_1204 = tpu.memref_slice %arg18[%dma_start3A_1202, %dma_start3A_1203] : memref<10240x128xf32, #tpu.memory_space<vmem_shared>> -> memref<10240x128xf32, #tpu.memory_space<vmem_shared>>
        tpu.enqueue_indirect_dma source(%arg6 : memref<128x128xf32, #tpu.memory_space<vmem>>) target(%dma_start3A_1204 : memref<10240x128xf32, #tpu.memory_space<vmem_shared>>) offsets(%arg10 : memref<128xi32, #tpu.memory_space<vmem>>) semaphore(%run_scoped3A : memref<!tpu.dma_semaphore, #tpu.memory_space<semaphore_mem>>) {add = true}
        %dma_wait3A_1205 = arith.constant 0 : i32
        %dma_wait3A_1206 = arith.constant 0 : i32
        %dma_wait3A_1207 = tpu.memref_slice %arg18[%dma_wait3A_1205, %dma_wait3A_1206] : memref<10240x128xf32, #tpu.memory_space<vmem_shared>> -> memref<10240x128xf32, #tpu.memory_space<vmem_shared>>
        tpu.wait_indirect_dma semaphore(%run_scoped3A : memref<!tpu.dma_semaphore, #tpu.memory_space<semaphore_mem>>) src(%arg6 : memref<128x128xf32, #tpu.memory_space<vmem>>) dst(%dma_wait3A_1207 : memref<10240x128xf32, #tpu.memory_space<vmem_shared>>)
        tpu.yield
      }) : () -> ()
      %add3A_758 = arith.constant 1024 : i32
      %add3A_759 = arith.addi %multiple_of3A_58, %add3A_758 : i32
      "tpu.region"() ({
        %run_scoped3A = tpu.sem_alloc : memref<!tpu.dma_semaphore, #tpu.memory_space<semaphore_mem>>
        %dma_start3A_1202 = tpu.memref_slice %arg3[%add3A_759] : memref<160000xi32, #tpu.memory_space<hbm>> -> memref<128xi32, #tpu.memory_space<hbm>>
        %dma_start3A_1203 = tpu.memref_slice %arg3[%add3A_759] : memref<160000xi32, #tpu.memory_space<hbm>> -> memref<128xi32, #tpu.memory_space<hbm>>
        tpu.enqueue_dma source(%dma_start3A_1203 : memref<128xi32, #tpu.memory_space<hbm>>) target(%arg8 : memref<128xi32, #tpu.memory_space<vmem>>) target_semaphore(%run_scoped3A : memref<!tpu.dma_semaphore, #tpu.memory_space<semaphore_mem>>)
        %dma_wait3A_1204 = tpu.memref_slice %arg3[%add3A_759] : memref<160000xi32, #tpu.memory_space<hbm>> -> memref<128xi32, #tpu.memory_space<hbm>>
        %dma_wait3A_1205 = tpu.memref_slice %arg3[%add3A_759] : memref<160000xi32, #tpu.memory_space<hbm>> -> memref<128xi32, #tpu.memory_space<hbm>>
        tpu.wait_dma2 semaphore(%run_scoped3A : memref<!tpu.dma_semaphore, #tpu.memory_space<semaphore_mem>>) src(%dma_wait3A_1205 : memref<128xi32, #tpu.memory_space<hbm>>) dst(%arg8 : memref<128xi32, #tpu.memory_space<vmem>>)
        tpu.yield
      }) : () -> ()
      "tpu.region"() ({
        %run_scoped3A = tpu.sem_alloc : memref<!tpu.dma_semaphore, #tpu.memory_space<semaphore_mem>>
        %dma_start3A_1202 = tpu.memref_slice %arg4[%add3A_759] : memref<160000xi32, #tpu.memory_space<hbm>> -> memref<128xi32, #tpu.memory_space<hbm>>
        %dma_start3A_1203 = tpu.memref_slice %arg4[%add3A_759] : memref<160000xi32, #tpu.memory_space<hbm>> -> memref<128xi32, #tpu.memory_space<hbm>>
        tpu.enqueue_dma source(%dma_start3A_1203 : memref<128xi32, #tpu.memory_space<hbm>>) target(%arg10 : memref<128xi32, #tpu.memory_space<vmem>>) target_semaphore(%run_scoped3A : memref<!tpu.dma_semaphore, #tpu.memory_space<semaphore_mem>>)
        %dma_wait3A_1204 = tpu.memref_slice %arg4[%add3A_759] : memref<160000xi32, #tpu.memory_space<hbm>> -> memref<128xi32, #tpu.memory_space<hbm>>
        %dma_wait3A_1205 = tpu.memref_slice %arg4[%add3A_759] : memref<160000xi32, #tpu.memory_space<hbm>> -> memref<128xi32, #tpu.memory_space<hbm>>
        tpu.wait_dma2 semaphore(%run_scoped3A : memref<!tpu.dma_semaphore, #tpu.memory_space<semaphore_mem>>) src(%dma_wait3A_1205 : memref<128xi32, #tpu.memory_space<hbm>>) dst(%arg10 : memref<128xi32, #tpu.memory_space<vmem>>)
        tpu.yield
      }) : () -> ()
      %get3A_760 = arith.constant 0 : index
      %get3A_761 = tpu.vector_load %arg8[%get3A_760] {strides = array<i32>} : memref<128xi32, #tpu.memory_space<vmem>>, vector<16xi32>,
      %get3A_762 = vector.shape_cast %get3A_761 : vector<16xi32> to vector<16xi32>
      %add3A_763 = arith.addi %get3A_762, %get3A_762 : vector<16xi32>
      %add3A_764 = vector.broadcast %arg0 : i32 to vector<16xi32>
      %add3A_765 = arith.addi %add3A_763, %add3A_764 : vector<16xi32>
      %swap3A_766 = arith.constant 0 : index
      %swap3A_767 = tpu.vector_load %arg12[%swap3A_766] {strides = array<i32>} : memref<128xi32, #tpu.memory_space<vmem>>, vector<16xi32>,
      %swap3A_768 = vector.shape_cast %swap3A_767 : vector<16xi32> to vector<16xi32>
      %swap3A_769 = vector.shape_cast %add3A_765 : vector<16xi32> to vector<16xi32>
      tpu.vector_store %arg12[%swap3A_766], %swap3A_769 {strides = array<i32>} : memref<128xi32, #tpu.memory_space<vmem>>, vector<16xi32>,
      %get3A_770 = arith.constant 16 : index
      %get3A_771 = tpu.vector_load %arg8[%get3A_770] {strides = array<i32>} : memref<128xi32, #tpu.memory_space<vmem>>, vector<16xi32>,
      %get3A_772 = vector.shape_cast %get3A_771 : vector<16xi32> to vector<16xi32>
      %add3A_773 = arith.addi %get3A_772, %get3A_772 : vector<16xi32>
      %add3A_774 = vector.broadcast %arg0 : i32 to vector<16xi32>
      %add3A_775 = arith.addi %add3A_773, %add3A_774 : vector<16xi32>
      %swap3A_776 = arith.constant 16 : index
      %swap3A_777 = tpu.vector_load %arg12[%swap3A_776] {strides = array<i32>} : memref<128xi32, #tpu.memory_space<vmem>>, vector<16xi32>,
      %swap3A_778 = vector.shape_cast %swap3A_777 : vector<16xi32> to vector<16xi32>
      %swap3A_779 = vector.shape_cast %add3A_775 : vector<16xi32> to vector<16xi32>
      tpu.vector_store %arg12[%swap3A_776], %swap3A_779 {strides = array<i32>} : memref<128xi32, #tpu.memory_space<vmem>>, vector<16xi32>,
      %get3A_780 = arith.constant 32 : index
      %get3A_781 = tpu.vector_load %arg8[%get3A_780] {strides = array<i32>} : memref<128xi32, #tpu.memory_space<vmem>>, vector<16xi32>,
      %get3A_782 = vector.shape_cast %get3A_781 : vector<16xi32> to vector<16xi32>
      %add3A_783 = arith.addi %get3A_782, %get3A_782 : vector<16xi32>
      %add3A_784 = vector.broadcast %arg0 : i32 to vector<16xi32>
      %add3A_785 = arith.addi %add3A_783, %add3A_784 : vector<16xi32>
      %swap3A_786 = arith.constant 32 : index
      %swap3A_787 = tpu.vector_load %arg12[%swap3A_786] {strides = array<i32>} : memref<128xi32, #tpu.memory_space<vmem>>, vector<16xi32>,
      %swap3A_788 = vector.shape_cast %swap3A_787 : vector<16xi32> to vector<16xi32>
      %swap3A_789 = vector.shape_cast %add3A_785 : vector<16xi32> to vector<16xi32>
      tpu.vector_store %arg12[%swap3A_786], %swap3A_789 {strides = array<i32>} : memref<128xi32, #tpu.memory_space<vmem>>, vector<16xi32>,
      %get3A_790 = arith.constant 48 : index
      %get3A_791 = tpu.vector_load %arg8[%get3A_790] {strides = array<i32>} : memref<128xi32, #tpu.memory_space<vmem>>, vector<16xi32>,
      %get3A_792 = vector.shape_cast %get3A_791 : vector<16xi32> to vector<16xi32>
      %add3A_793 = arith.addi %get3A_792, %get3A_792 : vector<16xi32>
      %add3A_794 = vector.broadcast %arg0 : i32 to vector<16xi32>
      %add3A_795 = arith.addi %add3A_793, %add3A_794 : vector<16xi32>
      %swap3A_796 = arith.constant 48 : index
      %swap3A_797 = tpu.vector_load %arg12[%swap3A_796] {strides = array<i32>} : memref<128xi32, #tpu.memory_space<vmem>>, vector<16xi32>,
      %swap3A_798 = vector.shape_cast %swap3A_797 : vector<16xi32> to vector<16xi32>
      %swap3A_799 = vector.shape_cast %add3A_795 : vector<16xi32> to vector<16xi32>
      tpu.vector_store %arg12[%swap3A_796], %swap3A_799 {strides = array<i32>} : memref<128xi32, #tpu.memory_space<vmem>>, vector<16xi32>,
      %get3A_800 = arith.constant 64 : index
      %get3A_801 = tpu.vector_load %arg8[%get3A_800] {strides = array<i32>} : memref<128xi32, #tpu.memory_space<vmem>>, vector<16xi32>,
      %get3A_802 = vector.shape_cast %get3A_801 : vector<16xi32> to vector<16xi32>
      %add3A_803 = arith.addi %get3A_802, %get3A_802 : vector<16xi32>
      %add3A_804 = vector.broadcast %arg0 : i32 to vector<16xi32>
      %add3A_805 = arith.addi %add3A_803, %add3A_804 : vector<16xi32>
      %swap3A_806 = arith.constant 64 : index
      %swap3A_807 = tpu.vector_load %arg12[%swap3A_806] {strides = array<i32>} : memref<128xi32, #tpu.memory_space<vmem>>, vector<16xi32>,
      %swap3A_808 = vector.shape_cast %swap3A_807 : vector<16xi32> to vector<16xi32>
      %swap3A_809 = vector.shape_cast %add3A_805 : vector<16xi32> to vector<16xi32>
      tpu.vector_store %arg12[%swap3A_806], %swap3A_809 {strides = array<i32>} : memref<128xi32, #tpu.memory_space<vmem>>, vector<16xi32>,
      %get3A_810 = arith.constant 80 : index
      %get3A_811 = tpu.vector_load %arg8[%get3A_810] {strides = array<i32>} : memref<128xi32, #tpu.memory_space<vmem>>, vector<16xi32>,
      %get3A_812 = vector.shape_cast %get3A_811 : vector<16xi32> to vector<16xi32>
      %add3A_813 = arith.addi %get3A_812, %get3A_812 : vector<16xi32>
      %add3A_814 = vector.broadcast %arg0 : i32 to vector<16xi32>
      %add3A_815 = arith.addi %add3A_813, %add3A_814 : vector<16xi32>
      %swap3A_816 = arith.constant 80 : index
      %swap3A_817 = tpu.vector_load %arg12[%swap3A_816] {strides = array<i32>} : memref<128xi32, #tpu.memory_space<vmem>>, vector<16xi32>,
      %swap3A_818 = vector.shape_cast %swap3A_817 : vector<16xi32> to vector<16xi32>
      %swap3A_819 = vector.shape_cast %add3A_815 : vector<16xi32> to vector<16xi32>
      tpu.vector_store %arg12[%swap3A_816], %swap3A_819 {strides = array<i32>} : memref<128xi32, #tpu.memory_space<vmem>>, vector<16xi32>,
      %get3A_820 = arith.constant 96 : index
      %get3A_821 = tpu.vector_load %arg8[%get3A_820] {strides = array<i32>} : memref<128xi32, #tpu.memory_space<vmem>>, vector<16xi32>,
      %get3A_822 = vector.shape_cast %get3A_821 : vector<16xi32> to vector<16xi32>
      %add3A_823 = arith.addi %get3A_822, %get3A_822 : vector<16xi32>
      %add3A_824 = vector.broadcast %arg0 : i32 to vector<16xi32>
      %add3A_825 = arith.addi %add3A_823, %add3A_824 : vector<16xi32>
      %swap3A_826 = arith.constant 96 : index
      %swap3A_827 = tpu.vector_load %arg12[%swap3A_826] {strides = array<i32>} : memref<128xi32, #tpu.memory_space<vmem>>, vector<16xi32>,
      %swap3A_828 = vector.shape_cast %swap3A_827 : vector<16xi32> to vector<16xi32>
      %swap3A_829 = vector.shape_cast %add3A_825 : vector<16xi32> to vector<16xi32>
      tpu.vector_store %arg12[%swap3A_826], %swap3A_829 {strides = array<i32>} : memref<128xi32, #tpu.memory_space<vmem>>, vector<16xi32>,
      %get3A_830 = arith.constant 112 : index
      %get3A_831 = tpu.vector_load %arg8[%get3A_830] {strides = array<i32>} : memref<128xi32, #tpu.memory_space<vmem>>, vector<16xi32>,
      %get3A_832 = vector.shape_cast %get3A_831 : vector<16xi32> to vector<16xi32>
      %add3A_833 = arith.addi %get3A_832, %get3A_832 : vector<16xi32>
      %add3A_834 = vector.broadcast %arg0 : i32 to vector<16xi32>
      %add3A_835 = arith.addi %add3A_833, %add3A_834 : vector<16xi32>
      %swap3A_836 = arith.constant 112 : index
      %swap3A_837 = tpu.vector_load %arg12[%swap3A_836] {strides = array<i32>} : memref<128xi32, #tpu.memory_space<vmem>>, vector<16xi32>,
      %swap3A_838 = vector.shape_cast %swap3A_837 : vector<16xi32> to vector<16xi32>
      %swap3A_839 = vector.shape_cast %add3A_835 : vector<16xi32> to vector<16xi32>
      tpu.vector_store %arg12[%swap3A_836], %swap3A_839 {strides = array<i32>} : memref<128xi32, #tpu.memory_space<vmem>>, vector<16xi32>,
      %dma_start3A_840 = arith.constant 0 : i32
      %dma_start3A_841 = arith.constant 0 : i32
      %dma_start3A_842 = tpu.memref_slice %arg2[%dma_start3A_840, %dma_start3A_841] : memref<20000x128xf32, #tpu.memory_space<hbm>> -> memref<20000x128xf32, #tpu.memory_space<hbm>>
      tpu.enqueue_indirect_dma source(%dma_start3A_842 : memref<20000x128xf32, #tpu.memory_space<hbm>>) target(%arg6 : memref<128x128xf32, #tpu.memory_space<vmem>>) offsets(%arg12 : memref<128xi32, #tpu.memory_space<vmem>>) semaphore(%arg19 : memref<!tpu.dma_semaphore, #tpu.memory_space<semaphore_mem>>)
      %dma_wait3A_843 = arith.constant 0 : i32
      %dma_wait3A_844 = arith.constant 0 : i32
      %dma_wait3A_845 = tpu.memref_slice %arg2[%dma_wait3A_843, %dma_wait3A_844] : memref<20000x128xf32, #tpu.memory_space<hbm>> -> memref<20000x128xf32, #tpu.memory_space<hbm>>
      tpu.wait_indirect_dma semaphore(%arg20 : memref<!tpu.dma_semaphore, #tpu.memory_space<semaphore_mem>>) src(%dma_wait3A_845 : memref<20000x128xf32, #tpu.memory_space<hbm>>) dst(%arg7 : memref<128x128xf32, #tpu.memory_space<vmem>>)
      "tpu.region"() ({
        %run_scoped3A = tpu.sem_alloc : memref<!tpu.dma_semaphore, #tpu.memory_space<semaphore_mem>>
        %dma_start3A_1202 = arith.constant 0 : i32
        %dma_start3A_1203 = arith.constant 0 : i32
        %dma_start3A_1204 = tpu.memref_slice %arg18[%dma_start3A_1202, %dma_start3A_1203] : memref<10240x128xf32, #tpu.memory_space<vmem_shared>> -> memref<10240x128xf32, #tpu.memory_space<vmem_shared>>
        tpu.enqueue_indirect_dma source(%arg7 : memref<128x128xf32, #tpu.memory_space<vmem>>) target(%dma_start3A_1204 : memref<10240x128xf32, #tpu.memory_space<vmem_shared>>) offsets(%arg11 : memref<128xi32, #tpu.memory_space<vmem>>) semaphore(%run_scoped3A : memref<!tpu.dma_semaphore, #tpu.memory_space<semaphore_mem>>) {add = true}
        %dma_wait3A_1205 = arith.constant 0 : i32
        %dma_wait3A_1206 = arith.constant 0 : i32
        %dma_wait3A_1207 = tpu.memref_slice %arg18[%dma_wait3A_1205, %dma_wait3A_1206] : memref<10240x128xf32, #tpu.memory_space<vmem_shared>> -> memref<10240x128xf32, #tpu.memory_space<vmem_shared>>
        tpu.wait_indirect_dma semaphore(%run_scoped3A : memref<!tpu.dma_semaphore, #tpu.memory_space<semaphore_mem>>) src(%arg7 : memref<128x128xf32, #tpu.memory_space<vmem>>) dst(%dma_wait3A_1207 : memref<10240x128xf32, #tpu.memory_space<vmem_shared>>)
        tpu.yield
      }) : () -> ()
      %add3A_846 = arith.constant 1152 : i32
      %add3A_847 = arith.addi %multiple_of3A_58, %add3A_846 : i32
      "tpu.region"() ({
        %run_scoped3A = tpu.sem_alloc : memref<!tpu.dma_semaphore, #tpu.memory_space<semaphore_mem>>
        %dma_start3A_1202 = tpu.memref_slice %arg3[%add3A_847] : memref<160000xi32, #tpu.memory_space<hbm>> -> memref<128xi32, #tpu.memory_space<hbm>>
        %dma_start3A_1203 = tpu.memref_slice %arg3[%add3A_847] : memref<160000xi32, #tpu.memory_space<hbm>> -> memref<128xi32, #tpu.memory_space<hbm>>
        tpu.enqueue_dma source(%dma_start3A_1203 : memref<128xi32, #tpu.memory_space<hbm>>) target(%arg9 : memref<128xi32, #tpu.memory_space<vmem>>) target_semaphore(%run_scoped3A : memref<!tpu.dma_semaphore, #tpu.memory_space<semaphore_mem>>)
        %dma_wait3A_1204 = tpu.memref_slice %arg3[%add3A_847] : memref<160000xi32, #tpu.memory_space<hbm>> -> memref<128xi32, #tpu.memory_space<hbm>>
        %dma_wait3A_1205 = tpu.memref_slice %arg3[%add3A_847] : memref<160000xi32, #tpu.memory_space<hbm>> -> memref<128xi32, #tpu.memory_space<hbm>>
        tpu.wait_dma2 semaphore(%run_scoped3A : memref<!tpu.dma_semaphore, #tpu.memory_space<semaphore_mem>>) src(%dma_wait3A_1205 : memref<128xi32, #tpu.memory_space<hbm>>) dst(%arg9 : memref<128xi32, #tpu.memory_space<vmem>>)
        tpu.yield
      }) : () -> ()
      "tpu.region"() ({
        %run_scoped3A = tpu.sem_alloc : memref<!tpu.dma_semaphore, #tpu.memory_space<semaphore_mem>>
        %dma_start3A_1202 = tpu.memref_slice %arg4[%add3A_847] : memref<160000xi32, #tpu.memory_space<hbm>> -> memref<128xi32, #tpu.memory_space<hbm>>
        %dma_start3A_1203 = tpu.memref_slice %arg4[%add3A_847] : memref<160000xi32, #tpu.memory_space<hbm>> -> memref<128xi32, #tpu.memory_space<hbm>>
        tpu.enqueue_dma source(%dma_start3A_1203 : memref<128xi32, #tpu.memory_space<hbm>>) target(%arg11 : memref<128xi32, #tpu.memory_space<vmem>>) target_semaphore(%run_scoped3A : memref<!tpu.dma_semaphore, #tpu.memory_space<semaphore_mem>>)
        %dma_wait3A_1204 = tpu.memref_slice %arg4[%add3A_847] : memref<160000xi32, #tpu.memory_space<hbm>> -> memref<128xi32, #tpu.memory_space<hbm>>
        %dma_wait3A_1205 = tpu.memref_slice %arg4[%add3A_847] : memref<160000xi32, #tpu.memory_space<hbm>> -> memref<128xi32, #tpu.memory_space<hbm>>
        tpu.wait_dma2 semaphore(%run_scoped3A : memref<!tpu.dma_semaphore, #tpu.memory_space<semaphore_mem>>) src(%dma_wait3A_1205 : memref<128xi32, #tpu.memory_space<hbm>>) dst(%arg11 : memref<128xi32, #tpu.memory_space<vmem>>)
        tpu.yield
      }) : () -> ()
      %get3A_848 = arith.constant 0 : index
      %get3A_849 = tpu.vector_load %arg9[%get3A_848] {strides = array<i32>} : memref<128xi32, #tpu.memory_space<vmem>>, vector<16xi32>,
      %get3A_850 = vector.shape_cast %get3A_849 : vector<16xi32> to vector<16xi32>
      %add3A_851 = arith.addi %get3A_850, %get3A_850 : vector<16xi32>
      %add3A_852 = vector.broadcast %arg0 : i32 to vector<16xi32>
      %add3A_853 = arith.addi %add3A_851, %add3A_852 : vector<16xi32>
      %swap3A_854 = arith.constant 0 : index
      %swap3A_855 = tpu.vector_load %arg13[%swap3A_854] {strides = array<i32>} : memref<128xi32, #tpu.memory_space<vmem>>, vector<16xi32>,
      %swap3A_856 = vector.shape_cast %swap3A_855 : vector<16xi32> to vector<16xi32>
      %swap3A_857 = vector.shape_cast %add3A_853 : vector<16xi32> to vector<16xi32>
      tpu.vector_store %arg13[%swap3A_854], %swap3A_857 {strides = array<i32>} : memref<128xi32, #tpu.memory_space<vmem>>, vector<16xi32>,
      %get3A_858 = arith.constant 16 : index
      %get3A_859 = tpu.vector_load %arg9[%get3A_858] {strides = array<i32>} : memref<128xi32, #tpu.memory_space<vmem>>, vector<16xi32>,
      %get3A_860 = vector.shape_cast %get3A_859 : vector<16xi32> to vector<16xi32>
      %add3A_861 = arith.addi %get3A_860, %get3A_860 : vector<16xi32>
      %add3A_862 = vector.broadcast %arg0 : i32 to vector<16xi32>
      %add3A_863 = arith.addi %add3A_861, %add3A_862 : vector<16xi32>
      %swap3A_864 = arith.constant 16 : index
      %swap3A_865 = tpu.vector_load %arg13[%swap3A_864] {strides = array<i32>} : memref<128xi32, #tpu.memory_space<vmem>>, vector<16xi32>,
      %swap3A_866 = vector.shape_cast %swap3A_865 : vector<16xi32> to vector<16xi32>
      %swap3A_867 = vector.shape_cast %add3A_863 : vector<16xi32> to vector<16xi32>
      tpu.vector_store %arg13[%swap3A_864], %swap3A_867 {strides = array<i32>} : memref<128xi32, #tpu.memory_space<vmem>>, vector<16xi32>,
      %get3A_868 = arith.constant 32 : index
      %get3A_869 = tpu.vector_load %arg9[%get3A_868] {strides = array<i32>} : memref<128xi32, #tpu.memory_space<vmem>>, vector<16xi32>,
      %get3A_870 = vector.shape_cast %get3A_869 : vector<16xi32> to vector<16xi32>
      %add3A_871 = arith.addi %get3A_870, %get3A_870 : vector<16xi32>
      %add3A_872 = vector.broadcast %arg0 : i32 to vector<16xi32>
      %add3A_873 = arith.addi %add3A_871, %add3A_872 : vector<16xi32>
      %swap3A_874 = arith.constant 32 : index
      %swap3A_875 = tpu.vector_load %arg13[%swap3A_874] {strides = array<i32>} : memref<128xi32, #tpu.memory_space<vmem>>, vector<16xi32>,
      %swap3A_876 = vector.shape_cast %swap3A_875 : vector<16xi32> to vector<16xi32>
      %swap3A_877 = vector.shape_cast %add3A_873 : vector<16xi32> to vector<16xi32>
      tpu.vector_store %arg13[%swap3A_874], %swap3A_877 {strides = array<i32>} : memref<128xi32, #tpu.memory_space<vmem>>, vector<16xi32>,
      %get3A_878 = arith.constant 48 : index
      %get3A_879 = tpu.vector_load %arg9[%get3A_878] {strides = array<i32>} : memref<128xi32, #tpu.memory_space<vmem>>, vector<16xi32>,
      %get3A_880 = vector.shape_cast %get3A_879 : vector<16xi32> to vector<16xi32>
      %add3A_881 = arith.addi %get3A_880, %get3A_880 : vector<16xi32>
      %add3A_882 = vector.broadcast %arg0 : i32 to vector<16xi32>
      %add3A_883 = arith.addi %add3A_881, %add3A_882 : vector<16xi32>
      %swap3A_884 = arith.constant 48 : index
      %swap3A_885 = tpu.vector_load %arg13[%swap3A_884] {strides = array<i32>} : memref<128xi32, #tpu.memory_space<vmem>>, vector<16xi32>,
      %swap3A_886 = vector.shape_cast %swap3A_885 : vector<16xi32> to vector<16xi32>
      %swap3A_887 = vector.shape_cast %add3A_883 : vector<16xi32> to vector<16xi32>
      tpu.vector_store %arg13[%swap3A_884], %swap3A_887 {strides = array<i32>} : memref<128xi32, #tpu.memory_space<vmem>>, vector<16xi32>,
      %get3A_888 = arith.constant 64 : index
      %get3A_889 = tpu.vector_load %arg9[%get3A_888] {strides = array<i32>} : memref<128xi32, #tpu.memory_space<vmem>>, vector<16xi32>,
      %get3A_890 = vector.shape_cast %get3A_889 : vector<16xi32> to vector<16xi32>
      %add3A_891 = arith.addi %get3A_890, %get3A_890 : vector<16xi32>
      %add3A_892 = vector.broadcast %arg0 : i32 to vector<16xi32>
      %add3A_893 = arith.addi %add3A_891, %add3A_892 : vector<16xi32>
      %swap3A_894 = arith.constant 64 : index
      %swap3A_895 = tpu.vector_load %arg13[%swap3A_894] {strides = array<i32>} : memref<128xi32, #tpu.memory_space<vmem>>, vector<16xi32>,
      %swap3A_896 = vector.shape_cast %swap3A_895 : vector<16xi32> to vector<16xi32>
      %swap3A_897 = vector.shape_cast %add3A_893 : vector<16xi32> to vector<16xi32>
      tpu.vector_store %arg13[%swap3A_894], %swap3A_897 {strides = array<i32>} : memref<128xi32, #tpu.memory_space<vmem>>, vector<16xi32>,
      %get3A_898 = arith.constant 80 : index
      %get3A_899 = tpu.vector_load %arg9[%get3A_898] {strides = array<i32>} : memref<128xi32, #tpu.memory_space<vmem>>, vector<16xi32>,
      %get3A_900 = vector.shape_cast %get3A_899 : vector<16xi32> to vector<16xi32>
      %add3A_901 = arith.addi %get3A_900, %get3A_900 : vector<16xi32>
      %add3A_902 = vector.broadcast %arg0 : i32 to vector<16xi32>
      %add3A_903 = arith.addi %add3A_901, %add3A_902 : vector<16xi32>
      %swap3A_904 = arith.constant 80 : index
      %swap3A_905 = tpu.vector_load %arg13[%swap3A_904] {strides = array<i32>} : memref<128xi32, #tpu.memory_space<vmem>>, vector<16xi32>,
      %swap3A_906 = vector.shape_cast %swap3A_905 : vector<16xi32> to vector<16xi32>
      %swap3A_907 = vector.shape_cast %add3A_903 : vector<16xi32> to vector<16xi32>
      tpu.vector_store %arg13[%swap3A_904], %swap3A_907 {strides = array<i32>} : memref<128xi32, #tpu.memory_space<vmem>>, vector<16xi32>,
      %get3A_908 = arith.constant 96 : index
      %get3A_909 = tpu.vector_load %arg9[%get3A_908] {strides = array<i32>} : memref<128xi32, #tpu.memory_space<vmem>>, vector<16xi32>,
      %get3A_910 = vector.shape_cast %get3A_909 : vector<16xi32> to vector<16xi32>
      %add3A_911 = arith.addi %get3A_910, %get3A_910 : vector<16xi32>
      %add3A_912 = vector.broadcast %arg0 : i32 to vector<16xi32>
      %add3A_913 = arith.addi %add3A_911, %add3A_912 : vector<16xi32>
      %swap3A_914 = arith.constant 96 : index
      %swap3A_915 = tpu.vector_load %arg13[%swap3A_914] {strides = array<i32>} : memref<128xi32, #tpu.memory_space<vmem>>, vector<16xi32>,
      %swap3A_916 = vector.shape_cast %swap3A_915 : vector<16xi32> to vector<16xi32>
      %swap3A_917 = vector.shape_cast %add3A_913 : vector<16xi32> to vector<16xi32>
      tpu.vector_store %arg13[%swap3A_914], %swap3A_917 {strides = array<i32>} : memref<128xi32, #tpu.memory_space<vmem>>, vector<16xi32>,
      %get3A_918 = arith.constant 112 : index
      %get3A_919 = tpu.vector_load %arg9[%get3A_918] {strides = array<i32>} : memref<128xi32, #tpu.memory_space<vmem>>, vector<16xi32>,
      %get3A_920 = vector.shape_cast %get3A_919 : vector<16xi32> to vector<16xi32>
      %add3A_921 = arith.addi %get3A_920, %get3A_920 : vector<16xi32>
      %add3A_922 = vector.broadcast %arg0 : i32 to vector<16xi32>
      %add3A_923 = arith.addi %add3A_921, %add3A_922 : vector<16xi32>
      %swap3A_924 = arith.constant 112 : index
      %swap3A_925 = tpu.vector_load %arg13[%swap3A_924] {strides = array<i32>} : memref<128xi32, #tpu.memory_space<vmem>>, vector<16xi32>,
      %swap3A_926 = vector.shape_cast %swap3A_925 : vector<16xi32> to vector<16xi32>
      %swap3A_927 = vector.shape_cast %add3A_923 : vector<16xi32> to vector<16xi32>
      tpu.vector_store %arg13[%swap3A_924], %swap3A_927 {strides = array<i32>} : memref<128xi32, #tpu.memory_space<vmem>>, vector<16xi32>,
      %dma_start3A_928 = arith.constant 0 : i32
      %dma_start3A_929 = arith.constant 0 : i32
      %dma_start3A_930 = tpu.memref_slice %arg2[%dma_start3A_928, %dma_start3A_929] : memref<20000x128xf32, #tpu.memory_space<hbm>> -> memref<20000x128xf32, #tpu.memory_space<hbm>>
      tpu.enqueue_indirect_dma source(%dma_start3A_930 : memref<20000x128xf32, #tpu.memory_space<hbm>>) target(%arg7 : memref<128x128xf32, #tpu.memory_space<vmem>>) offsets(%arg13 : memref<128xi32, #tpu.memory_space<vmem>>) semaphore(%arg20 : memref<!tpu.dma_semaphore, #tpu.memory_space<semaphore_mem>>)
      %dma_wait3A_931 = arith.constant 0 : i32
      %dma_wait3A_932 = arith.constant 0 : i32
      %dma_wait3A_933 = tpu.memref_slice %arg2[%dma_wait3A_931, %dma_wait3A_932] : memref<20000x128xf32, #tpu.memory_space<hbm>> -> memref<20000x128xf32, #tpu.memory_space<hbm>>
      tpu.wait_indirect_dma semaphore(%arg19 : memref<!tpu.dma_semaphore, #tpu.memory_space<semaphore_mem>>) src(%dma_wait3A_933 : memref<20000x128xf32, #tpu.memory_space<hbm>>) dst(%arg6 : memref<128x128xf32, #tpu.memory_space<vmem>>)
      "tpu.region"() ({
        %run_scoped3A = tpu.sem_alloc : memref<!tpu.dma_semaphore, #tpu.memory_space<semaphore_mem>>
        %dma_start3A_1202 = arith.constant 0 : i32
        %dma_start3A_1203 = arith.constant 0 : i32
        %dma_start3A_1204 = tpu.memref_slice %arg18[%dma_start3A_1202, %dma_start3A_1203] : memref<10240x128xf32, #tpu.memory_space<vmem_shared>> -> memref<10240x128xf32, #tpu.memory_space<vmem_shared>>
        tpu.enqueue_indirect_dma source(%arg6 : memref<128x128xf32, #tpu.memory_space<vmem>>) target(%dma_start3A_1204 : memref<10240x128xf32, #tpu.memory_space<vmem_shared>>) offsets(%arg10 : memref<128xi32, #tpu.memory_space<vmem>>) semaphore(%run_scoped3A : memref<!tpu.dma_semaphore, #tpu.memory_space<semaphore_mem>>) {add = true}
        %dma_wait3A_1205 = arith.constant 0 : i32
        %dma_wait3A_1206 = arith.constant 0 : i32
        %dma_wait3A_1207 = tpu.memref_slice %arg18[%dma_wait3A_1205, %dma_wait3A_1206] : memref<10240x128xf32, #tpu.memory_space<vmem_shared>> -> memref<10240x128xf32, #tpu.memory_space<vmem_shared>>
        tpu.wait_indirect_dma semaphore(%run_scoped3A : memref<!tpu.dma_semaphore, #tpu.memory_space<semaphore_mem>>) src(%arg6 : memref<128x128xf32, #tpu.memory_space<vmem>>) dst(%dma_wait3A_1207 : memref<10240x128xf32, #tpu.memory_space<vmem_shared>>)
        tpu.yield
      }) : () -> ()
      %add3A_934 = arith.constant 1280 : i32
      %add3A_935 = arith.addi %multiple_of3A_58, %add3A_934 : i32
      "tpu.region"() ({
        %run_scoped3A = tpu.sem_alloc : memref<!tpu.dma_semaphore, #tpu.memory_space<semaphore_mem>>
        %dma_start3A_1202 = tpu.memref_slice %arg3[%add3A_935] : memref<160000xi32, #tpu.memory_space<hbm>> -> memref<128xi32, #tpu.memory_space<hbm>>
        %dma_start3A_1203 = tpu.memref_slice %arg3[%add3A_935] : memref<160000xi32, #tpu.memory_space<hbm>> -> memref<128xi32, #tpu.memory_space<hbm>>
        tpu.enqueue_dma source(%dma_start3A_1203 : memref<128xi32, #tpu.memory_space<hbm>>) target(%arg8 : memref<128xi32, #tpu.memory_space<vmem>>) target_semaphore(%run_scoped3A : memref<!tpu.dma_semaphore, #tpu.memory_space<semaphore_mem>>)
        %dma_wait3A_1204 = tpu.memref_slice %arg3[%add3A_935] : memref<160000xi32, #tpu.memory_space<hbm>> -> memref<128xi32, #tpu.memory_space<hbm>>
        %dma_wait3A_1205 = tpu.memref_slice %arg3[%add3A_935] : memref<160000xi32, #tpu.memory_space<hbm>> -> memref<128xi32, #tpu.memory_space<hbm>>
        tpu.wait_dma2 semaphore(%run_scoped3A : memref<!tpu.dma_semaphore, #tpu.memory_space<semaphore_mem>>) src(%dma_wait3A_1205 : memref<128xi32, #tpu.memory_space<hbm>>) dst(%arg8 : memref<128xi32, #tpu.memory_space<vmem>>)
        tpu.yield
      }) : () -> ()
      "tpu.region"() ({
        %run_scoped3A = tpu.sem_alloc : memref<!tpu.dma_semaphore, #tpu.memory_space<semaphore_mem>>
        %dma_start3A_1202 = tpu.memref_slice %arg4[%add3A_935] : memref<160000xi32, #tpu.memory_space<hbm>> -> memref<128xi32, #tpu.memory_space<hbm>>
        %dma_start3A_1203 = tpu.memref_slice %arg4[%add3A_935] : memref<160000xi32, #tpu.memory_space<hbm>> -> memref<128xi32, #tpu.memory_space<hbm>>
        tpu.enqueue_dma source(%dma_start3A_1203 : memref<128xi32, #tpu.memory_space<hbm>>) target(%arg10 : memref<128xi32, #tpu.memory_space<vmem>>) target_semaphore(%run_scoped3A : memref<!tpu.dma_semaphore, #tpu.memory_space<semaphore_mem>>)
        %dma_wait3A_1204 = tpu.memref_slice %arg4[%add3A_935] : memref<160000xi32, #tpu.memory_space<hbm>> -> memref<128xi32, #tpu.memory_space<hbm>>
        %dma_wait3A_1205 = tpu.memref_slice %arg4[%add3A_935] : memref<160000xi32, #tpu.memory_space<hbm>> -> memref<128xi32, #tpu.memory_space<hbm>>
        tpu.wait_dma2 semaphore(%run_scoped3A : memref<!tpu.dma_semaphore, #tpu.memory_space<semaphore_mem>>) src(%dma_wait3A_1205 : memref<128xi32, #tpu.memory_space<hbm>>) dst(%arg10 : memref<128xi32, #tpu.memory_space<vmem>>)
        tpu.yield
      }) : () -> ()
      %get3A_936 = arith.constant 0 : index
      %get3A_937 = tpu.vector_load %arg8[%get3A_936] {strides = array<i32>} : memref<128xi32, #tpu.memory_space<vmem>>, vector<16xi32>,
      %get3A_938 = vector.shape_cast %get3A_937 : vector<16xi32> to vector<16xi32>
      %add3A_939 = arith.addi %get3A_938, %get3A_938 : vector<16xi32>
      %add3A_940 = vector.broadcast %arg0 : i32 to vector<16xi32>
      %add3A_941 = arith.addi %add3A_939, %add3A_940 : vector<16xi32>
      %swap3A_942 = arith.constant 0 : index
      %swap3A_943 = tpu.vector_load %arg12[%swap3A_942] {strides = array<i32>} : memref<128xi32, #tpu.memory_space<vmem>>, vector<16xi32>,
      %swap3A_944 = vector.shape_cast %swap3A_943 : vector<16xi32> to vector<16xi32>
      %swap3A_945 = vector.shape_cast %add3A_941 : vector<16xi32> to vector<16xi32>
      tpu.vector_store %arg12[%swap3A_942], %swap3A_945 {strides = array<i32>} : memref<128xi32, #tpu.memory_space<vmem>>, vector<16xi32>,
      %get3A_946 = arith.constant 16 : index
      %get3A_947 = tpu.vector_load %arg8[%get3A_946] {strides = array<i32>} : memref<128xi32, #tpu.memory_space<vmem>>, vector<16xi32>,
      %get3A_948 = vector.shape_cast %get3A_947 : vector<16xi32> to vector<16xi32>
      %add3A_949 = arith.addi %get3A_948, %get3A_948 : vector<16xi32>
      %add3A_950 = vector.broadcast %arg0 : i32 to vector<16xi32>
      %add3A_951 = arith.addi %add3A_949, %add3A_950 : vector<16xi32>
      %swap3A_952 = arith.constant 16 : index
      %swap3A_953 = tpu.vector_load %arg12[%swap3A_952] {strides = array<i32>} : memref<128xi32, #tpu.memory_space<vmem>>, vector<16xi32>,
      %swap3A_954 = vector.shape_cast %swap3A_953 : vector<16xi32> to vector<16xi32>
      %swap3A_955 = vector.shape_cast %add3A_951 : vector<16xi32> to vector<16xi32>
      tpu.vector_store %arg12[%swap3A_952], %swap3A_955 {strides = array<i32>} : memref<128xi32, #tpu.memory_space<vmem>>, vector<16xi32>,
      %get3A_956 = arith.constant 32 : index
      %get3A_957 = tpu.vector_load %arg8[%get3A_956] {strides = array<i32>} : memref<128xi32, #tpu.memory_space<vmem>>, vector<16xi32>,
      %get3A_958 = vector.shape_cast %get3A_957 : vector<16xi32> to vector<16xi32>
      %add3A_959 = arith.addi %get3A_958, %get3A_958 : vector<16xi32>
      %add3A_960 = vector.broadcast %arg0 : i32 to vector<16xi32>
      %add3A_961 = arith.addi %add3A_959, %add3A_960 : vector<16xi32>
      %swap3A_962 = arith.constant 32 : index
      %swap3A_963 = tpu.vector_load %arg12[%swap3A_962] {strides = array<i32>} : memref<128xi32, #tpu.memory_space<vmem>>, vector<16xi32>,
      %swap3A_964 = vector.shape_cast %swap3A_963 : vector<16xi32> to vector<16xi32>
      %swap3A_965 = vector.shape_cast %add3A_961 : vector<16xi32> to vector<16xi32>
      tpu.vector_store %arg12[%swap3A_962], %swap3A_965 {strides = array<i32>} : memref<128xi32, #tpu.memory_space<vmem>>, vector<16xi32>,
      %get3A_966 = arith.constant 48 : index
      %get3A_967 = tpu.vector_load %arg8[%get3A_966] {strides = array<i32>} : memref<128xi32, #tpu.memory_space<vmem>>, vector<16xi32>,
      %get3A_968 = vector.shape_cast %get3A_967 : vector<16xi32> to vector<16xi32>
      %add3A_969 = arith.addi %get3A_968, %get3A_968 : vector<16xi32>
      %add3A_970 = vector.broadcast %arg0 : i32 to vector<16xi32>
      %add3A_971 = arith.addi %add3A_969, %add3A_970 : vector<16xi32>
      %swap3A_972 = arith.constant 48 : index
      %swap3A_973 = tpu.vector_load %arg12[%swap3A_972] {strides = array<i32>} : memref<128xi32, #tpu.memory_space<vmem>>, vector<16xi32>,
      %swap3A_974 = vector.shape_cast %swap3A_973 : vector<16xi32> to vector<16xi32>
      %swap3A_975 = vector.shape_cast %add3A_971 : vector<16xi32> to vector<16xi32>
      tpu.vector_store %arg12[%swap3A_972], %swap3A_975 {strides = array<i32>} : memref<128xi32, #tpu.memory_space<vmem>>, vector<16xi32>,
      %get3A_976 = arith.constant 64 : index
      %get3A_977 = tpu.vector_load %arg8[%get3A_976] {strides = array<i32>} : memref<128xi32, #tpu.memory_space<vmem>>, vector<16xi32>,
      %get3A_978 = vector.shape_cast %get3A_977 : vector<16xi32> to vector<16xi32>
      %add3A_979 = arith.addi %get3A_978, %get3A_978 : vector<16xi32>
      %add3A_980 = vector.broadcast %arg0 : i32 to vector<16xi32>
      %add3A_981 = arith.addi %add3A_979, %add3A_980 : vector<16xi32>
      %swap3A_982 = arith.constant 64 : index
      %swap3A_983 = tpu.vector_load %arg12[%swap3A_982] {strides = array<i32>} : memref<128xi32, #tpu.memory_space<vmem>>, vector<16xi32>,
      %swap3A_984 = vector.shape_cast %swap3A_983 : vector<16xi32> to vector<16xi32>
      %swap3A_985 = vector.shape_cast %add3A_981 : vector<16xi32> to vector<16xi32>
      tpu.vector_store %arg12[%swap3A_982], %swap3A_985 {strides = array<i32>} : memref<128xi32, #tpu.memory_space<vmem>>, vector<16xi32>,
      %get3A_986 = arith.constant 80 : index
      %get3A_987 = tpu.vector_load %arg8[%get3A_986] {strides = array<i32>} : memref<128xi32, #tpu.memory_space<vmem>>, vector<16xi32>,
      %get3A_988 = vector.shape_cast %get3A_987 : vector<16xi32> to vector<16xi32>
      %add3A_989 = arith.addi %get3A_988, %get3A_988 : vector<16xi32>
      %add3A_990 = vector.broadcast %arg0 : i32 to vector<16xi32>
      %add3A_991 = arith.addi %add3A_989, %add3A_990 : vector<16xi32>
      %swap3A_992 = arith.constant 80 : index
      %swap3A_993 = tpu.vector_load %arg12[%swap3A_992] {strides = array<i32>} : memref<128xi32, #tpu.memory_space<vmem>>, vector<16xi32>,
      %swap3A_994 = vector.shape_cast %swap3A_993 : vector<16xi32> to vector<16xi32>
      %swap3A_995 = vector.shape_cast %add3A_991 : vector<16xi32> to vector<16xi32>
      tpu.vector_store %arg12[%swap3A_992], %swap3A_995 {strides = array<i32>} : memref<128xi32, #tpu.memory_space<vmem>>, vector<16xi32>,
      %get3A_996 = arith.constant 96 : index
      %get3A_997 = tpu.vector_load %arg8[%get3A_996] {strides = array<i32>} : memref<128xi32, #tpu.memory_space<vmem>>, vector<16xi32>,
      %get3A_998 = vector.shape_cast %get3A_997 : vector<16xi32> to vector<16xi32>
      %add3A_999 = arith.addi %get3A_998, %get3A_998 : vector<16xi32>
      %add3A_1000 = vector.broadcast %arg0 : i32 to vector<16xi32>
      %add3A_1001 = arith.addi %add3A_999, %add3A_1000 : vector<16xi32>
      %swap3A_1002 = arith.constant 96 : index
      %swap3A_1003 = tpu.vector_load %arg12[%swap3A_1002] {strides = array<i32>} : memref<128xi32, #tpu.memory_space<vmem>>, vector<16xi32>,
      %swap3A_1004 = vector.shape_cast %swap3A_1003 : vector<16xi32> to vector<16xi32>
      %swap3A_1005 = vector.shape_cast %add3A_1001 : vector<16xi32> to vector<16xi32>
      tpu.vector_store %arg12[%swap3A_1002], %swap3A_1005 {strides = array<i32>} : memref<128xi32, #tpu.memory_space<vmem>>, vector<16xi32>,
      %get3A_1006 = arith.constant 112 : index
      %get3A_1007 = tpu.vector_load %arg8[%get3A_1006] {strides = array<i32>} : memref<128xi32, #tpu.memory_space<vmem>>, vector<16xi32>,
      %get3A_1008 = vector.shape_cast %get3A_1007 : vector<16xi32> to vector<16xi32>
      %add3A_1009 = arith.addi %get3A_1008, %get3A_1008 : vector<16xi32>
      %add3A_1010 = vector.broadcast %arg0 : i32 to vector<16xi32>
      %add3A_1011 = arith.addi %add3A_1009, %add3A_1010 : vector<16xi32>
      %swap3A_1012 = arith.constant 112 : index
      %swap3A_1013 = tpu.vector_load %arg12[%swap3A_1012] {strides = array<i32>} : memref<128xi32, #tpu.memory_space<vmem>>, vector<16xi32>,
      %swap3A_1014 = vector.shape_cast %swap3A_1013 : vector<16xi32> to vector<16xi32>
      %swap3A_1015 = vector.shape_cast %add3A_1011 : vector<16xi32> to vector<16xi32>
      tpu.vector_store %arg12[%swap3A_1012], %swap3A_1015 {strides = array<i32>} : memref<128xi32, #tpu.memory_space<vmem>>, vector<16xi32>,
      %dma_start3A_1016 = arith.constant 0 : i32
      %dma_start3A_1017 = arith.constant 0 : i32
      %dma_start3A_1018 = tpu.memref_slice %arg2[%dma_start3A_1016, %dma_start3A_1017] : memref<20000x128xf32, #tpu.memory_space<hbm>> -> memref<20000x128xf32, #tpu.memory_space<hbm>>
      tpu.enqueue_indirect_dma source(%dma_start3A_1018 : memref<20000x128xf32, #tpu.memory_space<hbm>>) target(%arg6 : memref<128x128xf32, #tpu.memory_space<vmem>>) offsets(%arg12 : memref<128xi32, #tpu.memory_space<vmem>>) semaphore(%arg19 : memref<!tpu.dma_semaphore, #tpu.memory_space<semaphore_mem>>)
      %dma_wait3A_1019 = arith.constant 0 : i32
      %dma_wait3A_1020 = arith.constant 0 : i32
      %dma_wait3A_1021 = tpu.memref_slice %arg2[%dma_wait3A_1019, %dma_wait3A_1020] : memref<20000x128xf32, #tpu.memory_space<hbm>> -> memref<20000x128xf32, #tpu.memory_space<hbm>>
      tpu.wait_indirect_dma semaphore(%arg20 : memref<!tpu.dma_semaphore, #tpu.memory_space<semaphore_mem>>) src(%dma_wait3A_1021 : memref<20000x128xf32, #tpu.memory_space<hbm>>) dst(%arg7 : memref<128x128xf32, #tpu.memory_space<vmem>>)
      "tpu.region"() ({
        %run_scoped3A = tpu.sem_alloc : memref<!tpu.dma_semaphore, #tpu.memory_space<semaphore_mem>>
        %dma_start3A_1202 = arith.constant 0 : i32
        %dma_start3A_1203 = arith.constant 0 : i32
        %dma_start3A_1204 = tpu.memref_slice %arg18[%dma_start3A_1202, %dma_start3A_1203] : memref<10240x128xf32, #tpu.memory_space<vmem_shared>> -> memref<10240x128xf32, #tpu.memory_space<vmem_shared>>
        tpu.enqueue_indirect_dma source(%arg7 : memref<128x128xf32, #tpu.memory_space<vmem>>) target(%dma_start3A_1204 : memref<10240x128xf32, #tpu.memory_space<vmem_shared>>) offsets(%arg11 : memref<128xi32, #tpu.memory_space<vmem>>) semaphore(%run_scoped3A : memref<!tpu.dma_semaphore, #tpu.memory_space<semaphore_mem>>) {add = true}
        %dma_wait3A_1205 = arith.constant 0 : i32
        %dma_wait3A_1206 = arith.constant 0 : i32
        %dma_wait3A_1207 = tpu.memref_slice %arg18[%dma_wait3A_1205, %dma_wait3A_1206] : memref<10240x128xf32, #tpu.memory_space<vmem_shared>> -> memref<10240x128xf32, #tpu.memory_space<vmem_shared>>
        tpu.wait_indirect_dma semaphore(%run_scoped3A : memref<!tpu.dma_semaphore, #tpu.memory_space<semaphore_mem>>) src(%arg7 : memref<128x128xf32, #tpu.memory_space<vmem>>) dst(%dma_wait3A_1207 : memref<10240x128xf32, #tpu.memory_space<vmem_shared>>)
        tpu.yield
      }) : () -> ()
      %add3A_1022 = arith.constant 1408 : i32
      %add3A_1023 = arith.addi %multiple_of3A_58, %add3A_1022 : i32
      "tpu.region"() ({
        %run_scoped3A = tpu.sem_alloc : memref<!tpu.dma_semaphore, #tpu.memory_space<semaphore_mem>>
        %dma_start3A_1202 = tpu.memref_slice %arg3[%add3A_1023] : memref<160000xi32, #tpu.memory_space<hbm>> -> memref<128xi32, #tpu.memory_space<hbm>>
        %dma_start3A_1203 = tpu.memref_slice %arg3[%add3A_1023] : memref<160000xi32, #tpu.memory_space<hbm>> -> memref<128xi32, #tpu.memory_space<hbm>>
        tpu.enqueue_dma source(%dma_start3A_1203 : memref<128xi32, #tpu.memory_space<hbm>>) target(%arg9 : memref<128xi32, #tpu.memory_space<vmem>>) target_semaphore(%run_scoped3A : memref<!tpu.dma_semaphore, #tpu.memory_space<semaphore_mem>>)
        %dma_wait3A_1204 = tpu.memref_slice %arg3[%add3A_1023] : memref<160000xi32, #tpu.memory_space<hbm>> -> memref<128xi32, #tpu.memory_space<hbm>>
        %dma_wait3A_1205 = tpu.memref_slice %arg3[%add3A_1023] : memref<160000xi32, #tpu.memory_space<hbm>> -> memref<128xi32, #tpu.memory_space<hbm>>
        tpu.wait_dma2 semaphore(%run_scoped3A : memref<!tpu.dma_semaphore, #tpu.memory_space<semaphore_mem>>) src(%dma_wait3A_1205 : memref<128xi32, #tpu.memory_space<hbm>>) dst(%arg9 : memref<128xi32, #tpu.memory_space<vmem>>)
        tpu.yield
      }) : () -> ()
      "tpu.region"() ({
        %run_scoped3A = tpu.sem_alloc : memref<!tpu.dma_semaphore, #tpu.memory_space<semaphore_mem>>
        %dma_start3A_1202 = tpu.memref_slice %arg4[%add3A_1023] : memref<160000xi32, #tpu.memory_space<hbm>> -> memref<128xi32, #tpu.memory_space<hbm>>
        %dma_start3A_1203 = tpu.memref_slice %arg4[%add3A_1023] : memref<160000xi32, #tpu.memory_space<hbm>> -> memref<128xi32, #tpu.memory_space<hbm>>
        tpu.enqueue_dma source(%dma_start3A_1203 : memref<128xi32, #tpu.memory_space<hbm>>) target(%arg11 : memref<128xi32, #tpu.memory_space<vmem>>) target_semaphore(%run_scoped3A : memref<!tpu.dma_semaphore, #tpu.memory_space<semaphore_mem>>)
        %dma_wait3A_1204 = tpu.memref_slice %arg4[%add3A_1023] : memref<160000xi32, #tpu.memory_space<hbm>> -> memref<128xi32, #tpu.memory_space<hbm>>
        %dma_wait3A_1205 = tpu.memref_slice %arg4[%add3A_1023] : memref<160000xi32, #tpu.memory_space<hbm>> -> memref<128xi32, #tpu.memory_space<hbm>>
        tpu.wait_dma2 semaphore(%run_scoped3A : memref<!tpu.dma_semaphore, #tpu.memory_space<semaphore_mem>>) src(%dma_wait3A_1205 : memref<128xi32, #tpu.memory_space<hbm>>) dst(%arg11 : memref<128xi32, #tpu.memory_space<vmem>>)
        tpu.yield
      }) : () -> ()
      %get3A_1024 = arith.constant 0 : index
      %get3A_1025 = tpu.vector_load %arg9[%get3A_1024] {strides = array<i32>} : memref<128xi32, #tpu.memory_space<vmem>>, vector<16xi32>,
      %get3A_1026 = vector.shape_cast %get3A_1025 : vector<16xi32> to vector<16xi32>
      %add3A_1027 = arith.addi %get3A_1026, %get3A_1026 : vector<16xi32>
      %add3A_1028 = vector.broadcast %arg0 : i32 to vector<16xi32>
      %add3A_1029 = arith.addi %add3A_1027, %add3A_1028 : vector<16xi32>
      %swap3A_1030 = arith.constant 0 : index
      %swap3A_1031 = tpu.vector_load %arg13[%swap3A_1030] {strides = array<i32>} : memref<128xi32, #tpu.memory_space<vmem>>, vector<16xi32>,
      %swap3A_1032 = vector.shape_cast %swap3A_1031 : vector<16xi32> to vector<16xi32>
      %swap3A_1033 = vector.shape_cast %add3A_1029 : vector<16xi32> to vector<16xi32>
      tpu.vector_store %arg13[%swap3A_1030], %swap3A_1033 {strides = array<i32>} : memref<128xi32, #tpu.memory_space<vmem>>, vector<16xi32>,
      %get3A_1034 = arith.constant 16 : index
      %get3A_1035 = tpu.vector_load %arg9[%get3A_1034] {strides = array<i32>} : memref<128xi32, #tpu.memory_space<vmem>>, vector<16xi32>,
      %get3A_1036 = vector.shape_cast %get3A_1035 : vector<16xi32> to vector<16xi32>
      %add3A_1037 = arith.addi %get3A_1036, %get3A_1036 : vector<16xi32>
      %add3A_1038 = vector.broadcast %arg0 : i32 to vector<16xi32>
      %add3A_1039 = arith.addi %add3A_1037, %add3A_1038 : vector<16xi32>
      %swap3A_1040 = arith.constant 16 : index
      %swap3A_1041 = tpu.vector_load %arg13[%swap3A_1040] {strides = array<i32>} : memref<128xi32, #tpu.memory_space<vmem>>, vector<16xi32>,
      %swap3A_1042 = vector.shape_cast %swap3A_1041 : vector<16xi32> to vector<16xi32>
      %swap3A_1043 = vector.shape_cast %add3A_1039 : vector<16xi32> to vector<16xi32>
      tpu.vector_store %arg13[%swap3A_1040], %swap3A_1043 {strides = array<i32>} : memref<128xi32, #tpu.memory_space<vmem>>, vector<16xi32>,
      %get3A_1044 = arith.constant 32 : index
      %get3A_1045 = tpu.vector_load %arg9[%get3A_1044] {strides = array<i32>} : memref<128xi32, #tpu.memory_space<vmem>>, vector<16xi32>,
      %get3A_1046 = vector.shape_cast %get3A_1045 : vector<16xi32> to vector<16xi32>
      %add3A_1047 = arith.addi %get3A_1046, %get3A_1046 : vector<16xi32>
      %add3A_1048 = vector.broadcast %arg0 : i32 to vector<16xi32>
      %add3A_1049 = arith.addi %add3A_1047, %add3A_1048 : vector<16xi32>
      %swap3A_1050 = arith.constant 32 : index
      %swap3A_1051 = tpu.vector_load %arg13[%swap3A_1050] {strides = array<i32>} : memref<128xi32, #tpu.memory_space<vmem>>, vector<16xi32>,
      %swap3A_1052 = vector.shape_cast %swap3A_1051 : vector<16xi32> to vector<16xi32>
      %swap3A_1053 = vector.shape_cast %add3A_1049 : vector<16xi32> to vector<16xi32>
      tpu.vector_store %arg13[%swap3A_1050], %swap3A_1053 {strides = array<i32>} : memref<128xi32, #tpu.memory_space<vmem>>, vector<16xi32>,
      %get3A_1054 = arith.constant 48 : index
      %get3A_1055 = tpu.vector_load %arg9[%get3A_1054] {strides = array<i32>} : memref<128xi32, #tpu.memory_space<vmem>>, vector<16xi32>,
      %get3A_1056 = vector.shape_cast %get3A_1055 : vector<16xi32> to vector<16xi32>
      %add3A_1057 = arith.addi %get3A_1056, %get3A_1056 : vector<16xi32>
      %add3A_1058 = vector.broadcast %arg0 : i32 to vector<16xi32>
      %add3A_1059 = arith.addi %add3A_1057, %add3A_1058 : vector<16xi32>
      %swap3A_1060 = arith.constant 48 : index
      %swap3A_1061 = tpu.vector_load %arg13[%swap3A_1060] {strides = array<i32>} : memref<128xi32, #tpu.memory_space<vmem>>, vector<16xi32>,
      %swap3A_1062 = vector.shape_cast %swap3A_1061 : vector<16xi32> to vector<16xi32>
      %swap3A_1063 = vector.shape_cast %add3A_1059 : vector<16xi32> to vector<16xi32>
      tpu.vector_store %arg13[%swap3A_1060], %swap3A_1063 {strides = array<i32>} : memref<128xi32, #tpu.memory_space<vmem>>, vector<16xi32>,
      %get3A_1064 = arith.constant 64 : index
      %get3A_1065 = tpu.vector_load %arg9[%get3A_1064] {strides = array<i32>} : memref<128xi32, #tpu.memory_space<vmem>>, vector<16xi32>,
      %get3A_1066 = vector.shape_cast %get3A_1065 : vector<16xi32> to vector<16xi32>
      %add3A_1067 = arith.addi %get3A_1066, %get3A_1066 : vector<16xi32>
      %add3A_1068 = vector.broadcast %arg0 : i32 to vector<16xi32>
      %add3A_1069 = arith.addi %add3A_1067, %add3A_1068 : vector<16xi32>
      %swap3A_1070 = arith.constant 64 : index
      %swap3A_1071 = tpu.vector_load %arg13[%swap3A_1070] {strides = array<i32>} : memref<128xi32, #tpu.memory_space<vmem>>, vector<16xi32>,
      %swap3A_1072 = vector.shape_cast %swap3A_1071 : vector<16xi32> to vector<16xi32>
      %swap3A_1073 = vector.shape_cast %add3A_1069 : vector<16xi32> to vector<16xi32>
      tpu.vector_store %arg13[%swap3A_1070], %swap3A_1073 {strides = array<i32>} : memref<128xi32, #tpu.memory_space<vmem>>, vector<16xi32>,
      %get3A_1074 = arith.constant 80 : index
      %get3A_1075 = tpu.vector_load %arg9[%get3A_1074] {strides = array<i32>} : memref<128xi32, #tpu.memory_space<vmem>>, vector<16xi32>,
      %get3A_1076 = vector.shape_cast %get3A_1075 : vector<16xi32> to vector<16xi32>
      %add3A_1077 = arith.addi %get3A_1076, %get3A_1076 : vector<16xi32>
      %add3A_1078 = vector.broadcast %arg0 : i32 to vector<16xi32>
      %add3A_1079 = arith.addi %add3A_1077, %add3A_1078 : vector<16xi32>
      %swap3A_1080 = arith.constant 80 : index
      %swap3A_1081 = tpu.vector_load %arg13[%swap3A_1080] {strides = array<i32>} : memref<128xi32, #tpu.memory_space<vmem>>, vector<16xi32>,
      %swap3A_1082 = vector.shape_cast %swap3A_1081 : vector<16xi32> to vector<16xi32>
      %swap3A_1083 = vector.shape_cast %add3A_1079 : vector<16xi32> to vector<16xi32>
      tpu.vector_store %arg13[%swap3A_1080], %swap3A_1083 {strides = array<i32>} : memref<128xi32, #tpu.memory_space<vmem>>, vector<16xi32>,
      %get3A_1084 = arith.constant 96 : index
      %get3A_1085 = tpu.vector_load %arg9[%get3A_1084] {strides = array<i32>} : memref<128xi32, #tpu.memory_space<vmem>>, vector<16xi32>,
      %get3A_1086 = vector.shape_cast %get3A_1085 : vector<16xi32> to vector<16xi32>
      %add3A_1087 = arith.addi %get3A_1086, %get3A_1086 : vector<16xi32>
      %add3A_1088 = vector.broadcast %arg0 : i32 to vector<16xi32>
      %add3A_1089 = arith.addi %add3A_1087, %add3A_1088 : vector<16xi32>
      %swap3A_1090 = arith.constant 96 : index
      %swap3A_1091 = tpu.vector_load %arg13[%swap3A_1090] {strides = array<i32>} : memref<128xi32, #tpu.memory_space<vmem>>, vector<16xi32>,
      %swap3A_1092 = vector.shape_cast %swap3A_1091 : vector<16xi32> to vector<16xi32>
      %swap3A_1093 = vector.shape_cast %add3A_1089 : vector<16xi32> to vector<16xi32>
      tpu.vector_store %arg13[%swap3A_1090], %swap3A_1093 {strides = array<i32>} : memref<128xi32, #tpu.memory_space<vmem>>, vector<16xi32>,
      %get3A_1094 = arith.constant 112 : index
      %get3A_1095 = tpu.vector_load %arg9[%get3A_1094] {strides = array<i32>} : memref<128xi32, #tpu.memory_space<vmem>>, vector<16xi32>,
      %get3A_1096 = vector.shape_cast %get3A_1095 : vector<16xi32> to vector<16xi32>
      %add3A_1097 = arith.addi %get3A_1096, %get3A_1096 : vector<16xi32>
      %add3A_1098 = vector.broadcast %arg0 : i32 to vector<16xi32>
      %add3A_1099 = arith.addi %add3A_1097, %add3A_1098 : vector<16xi32>
      %swap3A_1100 = arith.constant 112 : index
      %swap3A_1101 = tpu.vector_load %arg13[%swap3A_1100] {strides = array<i32>} : memref<128xi32, #tpu.memory_space<vmem>>, vector<16xi32>,
      %swap3A_1102 = vector.shape_cast %swap3A_1101 : vector<16xi32> to vector<16xi32>
      %swap3A_1103 = vector.shape_cast %add3A_1099 : vector<16xi32> to vector<16xi32>
      tpu.vector_store %arg13[%swap3A_1100], %swap3A_1103 {strides = array<i32>} : memref<128xi32, #tpu.memory_space<vmem>>, vector<16xi32>,
      %dma_start3A_1104 = arith.constant 0 : i32
      %dma_start3A_1105 = arith.constant 0 : i32
      %dma_start3A_1106 = tpu.memref_slice %arg2[%dma_start3A_1104, %dma_start3A_1105] : memref<20000x128xf32, #tpu.memory_space<hbm>> -> memref<20000x128xf32, #tpu.memory_space<hbm>>
      tpu.enqueue_indirect_dma source(%dma_start3A_1106 : memref<20000x128xf32, #tpu.memory_space<hbm>>) target(%arg7 : memref<128x128xf32, #tpu.memory_space<vmem>>) offsets(%arg13 : memref<128xi32, #tpu.memory_space<vmem>>) semaphore(%arg20 : memref<!tpu.dma_semaphore, #tpu.memory_space<semaphore_mem>>)
      %dma_wait3A_1107 = arith.constant 0 : i32
      %dma_wait3A_1108 = arith.constant 0 : i32
      %dma_wait3A_1109 = tpu.memref_slice %arg2[%dma_wait3A_1107, %dma_wait3A_1108] : memref<20000x128xf32, #tpu.memory_space<hbm>> -> memref<20000x128xf32, #tpu.memory_space<hbm>>
      tpu.wait_indirect_dma semaphore(%arg19 : memref<!tpu.dma_semaphore, #tpu.memory_space<semaphore_mem>>) src(%dma_wait3A_1109 : memref<20000x128xf32, #tpu.memory_space<hbm>>) dst(%arg6 : memref<128x128xf32, #tpu.memory_space<vmem>>)
      "tpu.region"() ({
        %run_scoped3A = tpu.sem_alloc : memref<!tpu.dma_semaphore, #tpu.memory_space<semaphore_mem>>
        %dma_start3A_1202 = arith.constant 0 : i32
        %dma_start3A_1203 = arith.constant 0 : i32
        %dma_start3A_1204 = tpu.memref_slice %arg18[%dma_start3A_1202, %dma_start3A_1203] : memref<10240x128xf32, #tpu.memory_space<vmem_shared>> -> memref<10240x128xf32, #tpu.memory_space<vmem_shared>>
        tpu.enqueue_indirect_dma source(%arg6 : memref<128x128xf32, #tpu.memory_space<vmem>>) target(%dma_start3A_1204 : memref<10240x128xf32, #tpu.memory_space<vmem_shared>>) offsets(%arg10 : memref<128xi32, #tpu.memory_space<vmem>>) semaphore(%run_scoped3A : memref<!tpu.dma_semaphore, #tpu.memory_space<semaphore_mem>>) {add = true}
        %dma_wait3A_1205 = arith.constant 0 : i32
        %dma_wait3A_1206 = arith.constant 0 : i32
        %dma_wait3A_1207 = tpu.memref_slice %arg18[%dma_wait3A_1205, %dma_wait3A_1206] : memref<10240x128xf32, #tpu.memory_space<vmem_shared>> -> memref<10240x128xf32, #tpu.memory_space<vmem_shared>>
        tpu.wait_indirect_dma semaphore(%run_scoped3A : memref<!tpu.dma_semaphore, #tpu.memory_space<semaphore_mem>>) src(%arg6 : memref<128x128xf32, #tpu.memory_space<vmem>>) dst(%dma_wait3A_1207 : memref<10240x128xf32, #tpu.memory_space<vmem_shared>>)
        tpu.yield
      }) : () -> ()
      %add3A_1110 = arith.constant 1536 : i32
      %add3A_1111 = arith.addi %multiple_of3A_58, %add3A_1110 : i32
      "tpu.region"() ({
        %run_scoped3A = tpu.sem_alloc : memref<!tpu.dma_semaphore, #tpu.memory_space<semaphore_mem>>
        %dma_start3A_1202 = tpu.memref_slice %arg3[%add3A_1111] : memref<160000xi32, #tpu.memory_space<hbm>> -> memref<128xi32, #tpu.memory_space<hbm>>
        %dma_start3A_1203 = tpu.memref_slice %arg3[%add3A_1111] : memref<160000xi32, #tpu.memory_space<hbm>> -> memref<128xi32, #tpu.memory_space<hbm>>
        tpu.enqueue_dma source(%dma_start3A_1203 : memref<128xi32, #tpu.memory_space<hbm>>) target(%arg8 : memref<128xi32, #tpu.memory_space<vmem>>) target_semaphore(%run_scoped3A : memref<!tpu.dma_semaphore, #tpu.memory_space<semaphore_mem>>)
        %dma_wait3A_1204 = tpu.memref_slice %arg3[%add3A_1111] : memref<160000xi32, #tpu.memory_space<hbm>> -> memref<128xi32, #tpu.memory_space<hbm>>
        %dma_wait3A_1205 = tpu.memref_slice %arg3[%add3A_1111] : memref<160000xi32, #tpu.memory_space<hbm>> -> memref<128xi32, #tpu.memory_space<hbm>>
        tpu.wait_dma2 semaphore(%run_scoped3A : memref<!tpu.dma_semaphore, #tpu.memory_space<semaphore_mem>>) src(%dma_wait3A_1205 : memref<128xi32, #tpu.memory_space<hbm>>) dst(%arg8 : memref<128xi32, #tpu.memory_space<vmem>>)
        tpu.yield
      }) : () -> ()
      "tpu.region"() ({
        %run_scoped3A = tpu.sem_alloc : memref<!tpu.dma_semaphore, #tpu.memory_space<semaphore_mem>>
        %dma_start3A_1202 = tpu.memref_slice %arg4[%add3A_1111] : memref<160000xi32, #tpu.memory_space<hbm>> -> memref<128xi32, #tpu.memory_space<hbm>>
        %dma_start3A_1203 = tpu.memref_slice %arg4[%add3A_1111] : memref<160000xi32, #tpu.memory_space<hbm>> -> memref<128xi32, #tpu.memory_space<hbm>>
        tpu.enqueue_dma source(%dma_start3A_1203 : memref<128xi32, #tpu.memory_space<hbm>>) target(%arg10 : memref<128xi32, #tpu.memory_space<vmem>>) target_semaphore(%run_scoped3A : memref<!tpu.dma_semaphore, #tpu.memory_space<semaphore_mem>>)
        %dma_wait3A_1204 = tpu.memref_slice %arg4[%add3A_1111] : memref<160000xi32, #tpu.memory_space<hbm>> -> memref<128xi32, #tpu.memory_space<hbm>>
        %dma_wait3A_1205 = tpu.memref_slice %arg4[%add3A_1111] : memref<160000xi32, #tpu.memory_space<hbm>> -> memref<128xi32, #tpu.memory_space<hbm>>
        tpu.wait_dma2 semaphore(%run_scoped3A : memref<!tpu.dma_semaphore, #tpu.memory_space<semaphore_mem>>) src(%dma_wait3A_1205 : memref<128xi32, #tpu.memory_space<hbm>>) dst(%arg10 : memref<128xi32, #tpu.memory_space<vmem>>)
        tpu.yield
      }) : () -> ()
      %get3A_1112 = arith.constant 0 : index
      %get3A_1113 = tpu.vector_load %arg8[%get3A_1112] {strides = array<i32>} : memref<128xi32, #tpu.memory_space<vmem>>, vector<16xi32>,
      %get3A_1114 = vector.shape_cast %get3A_1113 : vector<16xi32> to vector<16xi32>
      %add3A_1115 = arith.addi %get3A_1114, %get3A_1114 : vector<16xi32>
      %add3A_1116 = vector.broadcast %arg0 : i32 to vector<16xi32>
      %add3A_1117 = arith.addi %add3A_1115, %add3A_1116 : vector<16xi32>
      %swap3A_1118 = arith.constant 0 : index
      %swap3A_1119 = tpu.vector_load %arg12[%swap3A_1118] {strides = array<i32>} : memref<128xi32, #tpu.memory_space<vmem>>, vector<16xi32>,
      %swap3A_1120 = vector.shape_cast %swap3A_1119 : vector<16xi32> to vector<16xi32>
      %swap3A_1121 = vector.shape_cast %add3A_1117 : vector<16xi32> to vector<16xi32>
      tpu.vector_store %arg12[%swap3A_1118], %swap3A_1121 {strides = array<i32>} : memref<128xi32, #tpu.memory_space<vmem>>, vector<16xi32>,
      %get3A_1122 = arith.constant 16 : index
      %get3A_1123 = tpu.vector_load %arg8[%get3A_1122] {strides = array<i32>} : memref<128xi32, #tpu.memory_space<vmem>>, vector<16xi32>,
      %get3A_1124 = vector.shape_cast %get3A_1123 : vector<16xi32> to vector<16xi32>
      %add3A_1125 = arith.addi %get3A_1124, %get3A_1124 : vector<16xi32>
      %add3A_1126 = vector.broadcast %arg0 : i32 to vector<16xi32>
      %add3A_1127 = arith.addi %add3A_1125, %add3A_1126 : vector<16xi32>
      %swap3A_1128 = arith.constant 16 : index
      %swap3A_1129 = tpu.vector_load %arg12[%swap3A_1128] {strides = array<i32>} : memref<128xi32, #tpu.memory_space<vmem>>, vector<16xi32>,
      %swap3A_1130 = vector.shape_cast %swap3A_1129 : vector<16xi32> to vector<16xi32>
      %swap3A_1131 = vector.shape_cast %add3A_1127 : vector<16xi32> to vector<16xi32>
      tpu.vector_store %arg12[%swap3A_1128], %swap3A_1131 {strides = array<i32>} : memref<128xi32, #tpu.memory_space<vmem>>, vector<16xi32>,
      %get3A_1132 = arith.constant 32 : index
      %get3A_1133 = tpu.vector_load %arg8[%get3A_1132] {strides = array<i32>} : memref<128xi32, #tpu.memory_space<vmem>>, vector<16xi32>,
      %get3A_1134 = vector.shape_cast %get3A_1133 : vector<16xi32> to vector<16xi32>
      %add3A_1135 = arith.addi %get3A_1134, %get3A_1134 : vector<16xi32>
      %add3A_1136 = vector.broadcast %arg0 : i32 to vector<16xi32>
      %add3A_1137 = arith.addi %add3A_1135, %add3A_1136 : vector<16xi32>
      %swap3A_1138 = arith.constant 32 : index
      %swap3A_1139 = tpu.vector_load %arg12[%swap3A_1138] {strides = array<i32>} : memref<128xi32, #tpu.memory_space<vmem>>, vector<16xi32>,
      %swap3A_1140 = vector.shape_cast %swap3A_1139 : vector<16xi32> to vector<16xi32>
      %swap3A_1141 = vector.shape_cast %add3A_1137 : vector<16xi32> to vector<16xi32>
      tpu.vector_store %arg12[%swap3A_1138], %swap3A_1141 {strides = array<i32>} : memref<128xi32, #tpu.memory_space<vmem>>, vector<16xi32>,
      %get3A_1142 = arith.constant 48 : index
      %get3A_1143 = tpu.vector_load %arg8[%get3A_1142] {strides = array<i32>} : memref<128xi32, #tpu.memory_space<vmem>>, vector<16xi32>,
      %get3A_1144 = vector.shape_cast %get3A_1143 : vector<16xi32> to vector<16xi32>
      %add3A_1145 = arith.addi %get3A_1144, %get3A_1144 : vector<16xi32>
      %add3A_1146 = vector.broadcast %arg0 : i32 to vector<16xi32>
      %add3A_1147 = arith.addi %add3A_1145, %add3A_1146 : vector<16xi32>
      %swap3A_1148 = arith.constant 48 : index
      %swap3A_1149 = tpu.vector_load %arg12[%swap3A_1148] {strides = array<i32>} : memref<128xi32, #tpu.memory_space<vmem>>, vector<16xi32>,
      %swap3A_1150 = vector.shape_cast %swap3A_1149 : vector<16xi32> to vector<16xi32>
      %swap3A_1151 = vector.shape_cast %add3A_1147 : vector<16xi32> to vector<16xi32>
      tpu.vector_store %arg12[%swap3A_1148], %swap3A_1151 {strides = array<i32>} : memref<128xi32, #tpu.memory_space<vmem>>, vector<16xi32>,
      %get3A_1152 = arith.constant 64 : index
      %get3A_1153 = tpu.vector_load %arg8[%get3A_1152] {strides = array<i32>} : memref<128xi32, #tpu.memory_space<vmem>>, vector<16xi32>,
      %get3A_1154 = vector.shape_cast %get3A_1153 : vector<16xi32> to vector<16xi32>
      %add3A_1155 = arith.addi %get3A_1154, %get3A_1154 : vector<16xi32>
      %add3A_1156 = vector.broadcast %arg0 : i32 to vector<16xi32>
      %add3A_1157 = arith.addi %add3A_1155, %add3A_1156 : vector<16xi32>
      %swap3A_1158 = arith.constant 64 : index
      %swap3A_1159 = tpu.vector_load %arg12[%swap3A_1158] {strides = array<i32>} : memref<128xi32, #tpu.memory_space<vmem>>, vector<16xi32>,
      %swap3A_1160 = vector.shape_cast %swap3A_1159 : vector<16xi32> to vector<16xi32>
      %swap3A_1161 = vector.shape_cast %add3A_1157 : vector<16xi32> to vector<16xi32>
      tpu.vector_store %arg12[%swap3A_1158], %swap3A_1161 {strides = array<i32>} : memref<128xi32, #tpu.memory_space<vmem>>, vector<16xi32>,
      %get3A_1162 = arith.constant 80 : index
      %get3A_1163 = tpu.vector_load %arg8[%get3A_1162] {strides = array<i32>} : memref<128xi32, #tpu.memory_space<vmem>>, vector<16xi32>,
      %get3A_1164 = vector.shape_cast %get3A_1163 : vector<16xi32> to vector<16xi32>
      %add3A_1165 = arith.addi %get3A_1164, %get3A_1164 : vector<16xi32>
      %add3A_1166 = vector.broadcast %arg0 : i32 to vector<16xi32>
      %add3A_1167 = arith.addi %add3A_1165, %add3A_1166 : vector<16xi32>
      %swap3A_1168 = arith.constant 80 : index
      %swap3A_1169 = tpu.vector_load %arg12[%swap3A_1168] {strides = array<i32>} : memref<128xi32, #tpu.memory_space<vmem>>, vector<16xi32>,
      %swap3A_1170 = vector.shape_cast %swap3A_1169 : vector<16xi32> to vector<16xi32>
      %swap3A_1171 = vector.shape_cast %add3A_1167 : vector<16xi32> to vector<16xi32>
      tpu.vector_store %arg12[%swap3A_1168], %swap3A_1171 {strides = array<i32>} : memref<128xi32, #tpu.memory_space<vmem>>, vector<16xi32>,
      %get3A_1172 = arith.constant 96 : index
      %get3A_1173 = tpu.vector_load %arg8[%get3A_1172] {strides = array<i32>} : memref<128xi32, #tpu.memory_space<vmem>>, vector<16xi32>,
      %get3A_1174 = vector.shape_cast %get3A_1173 : vector<16xi32> to vector<16xi32>
      %add3A_1175 = arith.addi %get3A_1174, %get3A_1174 : vector<16xi32>
      %add3A_1176 = vector.broadcast %arg0 : i32 to vector<16xi32>
      %add3A_1177 = arith.addi %add3A_1175, %add3A_1176 : vector<16xi32>
      %swap3A_1178 = arith.constant 96 : index
      %swap3A_1179 = tpu.vector_load %arg12[%swap3A_1178] {strides = array<i32>} : memref<128xi32, #tpu.memory_space<vmem>>, vector<16xi32>,
      %swap3A_1180 = vector.shape_cast %swap3A_1179 : vector<16xi32> to vector<16xi32>
      %swap3A_1181 = vector.shape_cast %add3A_1177 : vector<16xi32> to vector<16xi32>
      tpu.vector_store %arg12[%swap3A_1178], %swap3A_1181 {strides = array<i32>} : memref<128xi32, #tpu.memory_space<vmem>>, vector<16xi32>,
      %get3A_1182 = arith.constant 112 : index
      %get3A_1183 = tpu.vector_load %arg8[%get3A_1182] {strides = array<i32>} : memref<128xi32, #tpu.memory_space<vmem>>, vector<16xi32>,
      %get3A_1184 = vector.shape_cast %get3A_1183 : vector<16xi32> to vector<16xi32>
      %add3A_1185 = arith.addi %get3A_1184, %get3A_1184 : vector<16xi32>
      %add3A_1186 = vector.broadcast %arg0 : i32 to vector<16xi32>
      %add3A_1187 = arith.addi %add3A_1185, %add3A_1186 : vector<16xi32>
      %swap3A_1188 = arith.constant 112 : index
      %swap3A_1189 = tpu.vector_load %arg12[%swap3A_1188] {strides = array<i32>} : memref<128xi32, #tpu.memory_space<vmem>>, vector<16xi32>,
      %swap3A_1190 = vector.shape_cast %swap3A_1189 : vector<16xi32> to vector<16xi32>
      %swap3A_1191 = vector.shape_cast %add3A_1187 : vector<16xi32> to vector<16xi32>
      tpu.vector_store %arg12[%swap3A_1188], %swap3A_1191 {strides = array<i32>} : memref<128xi32, #tpu.memory_space<vmem>>, vector<16xi32>,
      %dma_start3A_1192 = arith.constant 0 : i32
      %dma_start3A_1193 = arith.constant 0 : i32
      %dma_start3A_1194 = tpu.memref_slice %arg2[%dma_start3A_1192, %dma_start3A_1193] : memref<20000x128xf32, #tpu.memory_space<hbm>> -> memref<20000x128xf32, #tpu.memory_space<hbm>>
      tpu.enqueue_indirect_dma source(%dma_start3A_1194 : memref<20000x128xf32, #tpu.memory_space<hbm>>) target(%arg6 : memref<128x128xf32, #tpu.memory_space<vmem>>) offsets(%arg12 : memref<128xi32, #tpu.memory_space<vmem>>) semaphore(%arg19 : memref<!tpu.dma_semaphore, #tpu.memory_space<semaphore_mem>>)
      %dma_wait3A_1195 = arith.constant 0 : i32
      %dma_wait3A_1196 = arith.constant 0 : i32
      %dma_wait3A_1197 = tpu.memref_slice %arg2[%dma_wait3A_1195, %dma_wait3A_1196] : memref<20000x128xf32, #tpu.memory_space<hbm>> -> memref<20000x128xf32, #tpu.memory_space<hbm>>
      tpu.wait_indirect_dma semaphore(%arg20 : memref<!tpu.dma_semaphore, #tpu.memory_space<semaphore_mem>>) src(%dma_wait3A_1197 : memref<20000x128xf32, #tpu.memory_space<hbm>>) dst(%arg7 : memref<128x128xf32, #tpu.memory_space<vmem>>)
      "tpu.region"() ({
        %run_scoped3A = tpu.sem_alloc : memref<!tpu.dma_semaphore, #tpu.memory_space<semaphore_mem>>
        %dma_start3A_1202 = arith.constant 0 : i32
        %dma_start3A_1203 = arith.constant 0 : i32
        %dma_start3A_1204 = tpu.memref_slice %arg18[%dma_start3A_1202, %dma_start3A_1203] : memref<10240x128xf32, #tpu.memory_space<vmem_shared>> -> memref<10240x128xf32, #tpu.memory_space<vmem_shared>>
        tpu.enqueue_indirect_dma source(%arg7 : memref<128x128xf32, #tpu.memory_space<vmem>>) target(%dma_start3A_1204 : memref<10240x128xf32, #tpu.memory_space<vmem_shared>>) offsets(%arg11 : memref<128xi32, #tpu.memory_space<vmem>>) semaphore(%run_scoped3A : memref<!tpu.dma_semaphore, #tpu.memory_space<semaphore_mem>>) {add = true}
        %dma_wait3A_1205 = arith.constant 0 : i32
        %dma_wait3A_1206 = arith.constant 0 : i32
        %dma_wait3A_1207 = tpu.memref_slice %arg18[%dma_wait3A_1205, %dma_wait3A_1206] : memref<10240x128xf32, #tpu.memory_space<vmem_shared>> -> memref<10240x128xf32, #tpu.memory_space<vmem_shared>>
        tpu.wait_indirect_dma semaphore(%run_scoped3A : memref<!tpu.dma_semaphore, #tpu.memory_space<semaphore_mem>>) src(%arg7 : memref<128x128xf32, #tpu.memory_space<vmem>>) dst(%dma_wait3A_1207 : memref<10240x128xf32, #tpu.memory_space<vmem_shared>>)
        tpu.yield
      }) : () -> ()
      %dma_wait3A_1198 = arith.constant 0 : i32
      %dma_wait3A_1199 = arith.constant 0 : i32
      %dma_wait3A_1200 = tpu.memref_slice %arg2[%dma_wait3A_1198, %dma_wait3A_1199] : memref<20000x128xf32, #tpu.memory_space<hbm>> -> memref<20000x128xf32, #tpu.memory_space<hbm>>
      tpu.wait_indirect_dma semaphore(%arg19 : memref<!tpu.dma_semaphore, #tpu.memory_space<semaphore_mem>>) src(%dma_wait3A_1200 : memref<20000x128xf32, #tpu.memory_space<hbm>>) dst(%arg6 : memref<128x128xf32, #tpu.memory_space<vmem>>)
      "tpu.region"() ({
        %run_scoped3A = tpu.sem_alloc : memref<!tpu.dma_semaphore, #tpu.memory_space<semaphore_mem>>
        %dma_start3A_1202 = arith.constant 0 : i32
        %dma_start3A_1203 = arith.constant 0 : i32
        %dma_start3A_1204 = tpu.memref_slice %arg18[%dma_start3A_1202, %dma_start3A_1203] : memref<10240x128xf32, #tpu.memory_space<vmem_shared>> -> memref<10240x128xf32, #tpu.memory_space<vmem_shared>>
        tpu.enqueue_indirect_dma source(%arg6 : memref<128x128xf32, #tpu.memory_space<vmem>>) target(%dma_start3A_1204 : memref<10240x128xf32, #tpu.memory_space<vmem_shared>>) offsets(%arg10 : memref<128xi32, #tpu.memory_space<vmem>>) semaphore(%run_scoped3A : memref<!tpu.dma_semaphore, #tpu.memory_space<semaphore_mem>>) {add = true}
        %dma_wait3A_1205 = arith.constant 0 : i32
        %dma_wait3A_1206 = arith.constant 0 : i32
        %dma_wait3A_1207 = tpu.memref_slice %arg18[%dma_wait3A_1205, %dma_wait3A_1206] : memref<10240x128xf32, #tpu.memory_space<vmem_shared>> -> memref<10240x128xf32, #tpu.memory_space<vmem_shared>>
        tpu.wait_indirect_dma semaphore(%run_scoped3A : memref<!tpu.dma_semaphore, #tpu.memory_space<semaphore_mem>>) src(%arg6 : memref<128x128xf32, #tpu.memory_space<vmem>>) dst(%dma_wait3A_1207 : memref<10240x128xf32, #tpu.memory_space<vmem_shared>>)
        tpu.yield
      }) : () -> ()
      %scan3A_1201 = arith.constant 0 : i32
      scf.yield %scan3A_1201 : i32
    }
    %scan3A_33 = arith.constant 6 : i32
    %add3A_34 = arith.constant 9984 : i32
    %add3A_35 = arith.addi %mul3A_26, %add3A_34 : i32
    %multiple_of3A = tpu.assume_multiple %add3A_35, 8 : i32
    "tpu.region"() ({
      %run_scoped3A = tpu.sem_alloc : memref<!tpu.dma_semaphore, #tpu.memory_space<semaphore_mem>>
      %dma_start3A_53 = tpu.memref_slice %arg3[%multiple_of3A] : memref<160000xi32, #tpu.memory_space<hbm>> -> memref<16xi32, #tpu.memory_space<hbm>>
      %dma_start3A_54 = tpu.memref_slice %arg3[%multiple_of3A] : memref<160000xi32, #tpu.memory_space<hbm>> -> memref<16xi32, #tpu.memory_space<hbm>>
      tpu.enqueue_dma source(%dma_start3A_54 : memref<16xi32, #tpu.memory_space<hbm>>) target(%arg15 : memref<16xi32, #tpu.memory_space<vmem>>) target_semaphore(%run_scoped3A : memref<!tpu.dma_semaphore, #tpu.memory_space<semaphore_mem>>)
      %dma_wait3A_55 = tpu.memref_slice %arg3[%multiple_of3A] : memref<160000xi32, #tpu.memory_space<hbm>> -> memref<16xi32, #tpu.memory_space<hbm>>
      %dma_wait3A_56 = tpu.memref_slice %arg3[%multiple_of3A] : memref<160000xi32, #tpu.memory_space<hbm>> -> memref<16xi32, #tpu.memory_space<hbm>>
      tpu.wait_dma2 semaphore(%run_scoped3A : memref<!tpu.dma_semaphore, #tpu.memory_space<semaphore_mem>>) src(%dma_wait3A_56 : memref<16xi32, #tpu.memory_space<hbm>>) dst(%arg15 : memref<16xi32, #tpu.memory_space<vmem>>)
      tpu.yield
    }) : () -> ()
    "tpu.region"() ({
      %run_scoped3A = tpu.sem_alloc : memref<!tpu.dma_semaphore, #tpu.memory_space<semaphore_mem>>
      %dma_start3A_53 = tpu.memref_slice %arg4[%multiple_of3A] : memref<160000xi32, #tpu.memory_space<hbm>> -> memref<16xi32, #tpu.memory_space<hbm>>
      %dma_start3A_54 = tpu.memref_slice %arg4[%multiple_of3A] : memref<160000xi32, #tpu.memory_space<hbm>> -> memref<16xi32, #tpu.memory_space<hbm>>
      tpu.enqueue_dma source(%dma_start3A_54 : memref<16xi32, #tpu.memory_space<hbm>>) target(%arg16 : memref<16xi32, #tpu.memory_space<vmem>>) target_semaphore(%run_scoped3A : memref<!tpu.dma_semaphore, #tpu.memory_space<semaphore_mem>>)
      %dma_wait3A_55 = tpu.memref_slice %arg4[%multiple_of3A] : memref<160000xi32, #tpu.memory_space<hbm>> -> memref<16xi32, #tpu.memory_space<hbm>>
      %dma_wait3A_56 = tpu.memref_slice %arg4[%multiple_of3A] : memref<160000xi32, #tpu.memory_space<hbm>> -> memref<16xi32, #tpu.memory_space<hbm>>
      tpu.wait_dma2 semaphore(%run_scoped3A : memref<!tpu.dma_semaphore, #tpu.memory_space<semaphore_mem>>) src(%dma_wait3A_56 : memref<16xi32, #tpu.memory_space<hbm>>) dst(%arg16 : memref<16xi32, #tpu.memory_space<vmem>>)
      tpu.yield
    }) : () -> ()
    %get3A = arith.constant 0 : index
    %get3A_36 = tpu.vector_load %arg15[%get3A] {strides = array<i32>} : memref<16xi32, #tpu.memory_space<vmem>>, vector<16xi32>,
    %get3A_37 = vector.shape_cast %get3A_36 : vector<16xi32> to vector<16xi32>
    %add3A_38 = arith.addi %get3A_37, %get3A_37 : vector<16xi32>
    %add3A_39 = vector.broadcast %arg0 : i32 to vector<16xi32>
    %add3A_40 = arith.addi %add3A_38, %add3A_39 : vector<16xi32>
    %swap3A = arith.constant 0 : index
    %swap3A_41 = tpu.vector_load %arg17[%swap3A] {strides = array<i32>} : memref<16xi32, #tpu.memory_space<vmem>>, vector<16xi32>,
    %swap3A_42 = vector.shape_cast %swap3A_41 : vector<16xi32> to vector<16xi32>
    %swap3A_43 = vector.shape_cast %add3A_40 : vector<16xi32> to vector<16xi32>
    tpu.vector_store %arg17[%swap3A], %swap3A_43 {strides = array<i32>} : memref<16xi32, #tpu.memory_space<vmem>>, vector<16xi32>,
    %dma_start3A = arith.constant 0 : i32
    %dma_start3A_44 = arith.constant 0 : i32
    %dma_start3A_45 = tpu.memref_slice %arg2[%dma_start3A, %dma_start3A_44] : memref<20000x128xf32, #tpu.memory_space<hbm>> -> memref<20000x128xf32, #tpu.memory_space<hbm>>
    tpu.enqueue_indirect_dma source(%dma_start3A_45 : memref<20000x128xf32, #tpu.memory_space<hbm>>) target(%arg14 : memref<16x128xf32, #tpu.memory_space<vmem>>) offsets(%arg17 : memref<16xi32, #tpu.memory_space<vmem>>) semaphore(%arg19 : memref<!tpu.dma_semaphore, #tpu.memory_space<semaphore_mem>>)
    %dma_wait3A = arith.constant 0 : i32
    %dma_wait3A_46 = arith.constant 0 : i32
    %dma_wait3A_47 = tpu.memref_slice %arg2[%dma_wait3A, %dma_wait3A_46] : memref<20000x128xf32, #tpu.memory_space<hbm>> -> memref<20000x128xf32, #tpu.memory_space<hbm>>
    tpu.wait_indirect_dma semaphore(%arg19 : memref<!tpu.dma_semaphore, #tpu.memory_space<semaphore_mem>>) src(%dma_wait3A_47 : memref<20000x128xf32, #tpu.memory_space<hbm>>) dst(%arg14 : memref<16x128xf32, #tpu.memory_space<vmem>>)
    "tpu.region"() ({
      %run_scoped3A = tpu.sem_alloc : memref<!tpu.dma_semaphore, #tpu.memory_space<semaphore_mem>>
      %dma_start3A_53 = arith.constant 0 : i32
      %dma_start3A_54 = arith.constant 0 : i32
      %dma_start3A_55 = tpu.memref_slice %arg18[%dma_start3A_53, %dma_start3A_54] : memref<10240x128xf32, #tpu.memory_space<vmem_shared>> -> memref<10240x128xf32, #tpu.memory_space<vmem_shared>>
      tpu.enqueue_indirect_dma source(%arg14 : memref<16x128xf32, #tpu.memory_space<vmem>>) target(%dma_start3A_55 : memref<10240x128xf32, #tpu.memory_space<vmem_shared>>) offsets(%arg16 : memref<16xi32, #tpu.memory_space<vmem>>) semaphore(%run_scoped3A : memref<!tpu.dma_semaphore, #tpu.memory_space<semaphore_mem>>) {add = true}
      %dma_wait3A_56 = arith.constant 0 : i32
      %dma_wait3A_57 = arith.constant 0 : i32
      %dma_wait3A_58 = tpu.memref_slice %arg18[%dma_wait3A_56, %dma_wait3A_57] : memref<10240x128xf32, #tpu.memory_space<vmem_shared>> -> memref<10240x128xf32, #tpu.memory_space<vmem_shared>>
      tpu.wait_indirect_dma semaphore(%run_scoped3A : memref<!tpu.dma_semaphore, #tpu.memory_space<semaphore_mem>>) src(%arg14 : memref<16x128xf32, #tpu.memory_space<vmem>>) dst(%dma_wait3A_58 : memref<10240x128xf32, #tpu.memory_space<vmem_shared>>)
      tpu.yield
    }) : () -> ()
    %barrier3A_48 = arith.constant 0 : index
    tpu.barrier barrier_id(%barrier3A_48)
    %mul3A_49 = arith.constant 640 : i32
    %mul3A_50 = arith.muli %arg1, %mul3A_49 : i32
    %mul3A_51 = arith.constant 640 : i32
    %mul3A_52 = arith.muli %arg1, %mul3A_51 : i32
    "tpu.region"() ({
      %run_scoped3A = tpu.sem_alloc : memref<!tpu.dma_semaphore, #tpu.memory_space<semaphore_mem>>
      %dma_start3A_53 = arith.constant 0 : i32
      %dma_start3A_54 = tpu.memref_slice %arg5[%arg0, %mul3A_52, %dma_start3A_53] : memref<2x10240x128xf32, #tpu.memory_space<hbm>> -> memref<1x640x128xf32, #tpu.memory_space<hbm>>
      %dma_start3A_55 = tpu.memref_squeeze %dma_start3A_54 : memref<1x640x128xf32, #tpu.memory_space<hbm>> -> memref<640x128xf32, #tpu.memory_space<hbm>>
      %dma_start3A_56 = arith.constant 0 : i32
      %dma_start3A_57 = tpu.memref_slice %arg18[%mul3A_50, %dma_start3A_56] : memref<10240x128xf32, #tpu.memory_space<vmem_shared>> -> memref<640x128xf32, #tpu.memory_space<vmem_shared>>
      tpu.enqueue_dma source(%dma_start3A_57 : memref<640x128xf32, #tpu.memory_space<vmem_shared>>) target(%dma_start3A_55 : memref<640x128xf32, #tpu.memory_space<hbm>>) target_semaphore(%run_scoped3A : memref<!tpu.dma_semaphore, #tpu.memory_space<semaphore_mem>>)
      %dma_wait3A_58 = arith.constant 0 : i32
      %dma_wait3A_59 = tpu.memref_slice %arg5[%arg0, %mul3A_52, %dma_wait3A_58] : memref<2x10240x128xf32, #tpu.memory_space<hbm>> -> memref<1x640x128xf32, #tpu.memory_space<hbm>>
      %dma_wait3A_60 = tpu.memref_squeeze %dma_wait3A_59 : memref<1x640x128xf32, #tpu.memory_space<hbm>> -> memref<640x128xf32, #tpu.memory_space<hbm>>
      %dma_wait3A_61 = arith.constant 0 : i32
      %dma_wait3A_62 = tpu.memref_slice %arg18[%mul3A_50, %dma_wait3A_61] : memref<10240x128xf32, #tpu.memory_space<vmem_shared>> -> memref<640x128xf32, #tpu.memory_space<vmem_shared>>
      tpu.wait_dma2 semaphore(%run_scoped3A : memref<!tpu.dma_semaphore, #tpu.memory_space<semaphore_mem>>) src(%dma_wait3A_62 : memref<640x128xf32, #tpu.memory_space<vmem_shared>>) dst(%dma_wait3A_60 : memref<640x128xf32, #tpu.memory_space<hbm>>)
      tpu.yield
    }) : () -> ()
    return
  }
}

#map = affine_map<(d0, d1) -> (0, 0)>
#map1 = affine_map<(d0, d1) -> (0)>
#map2 = affine_map<(d0, d1) -> (0, 0, 0)>
module attributes {stable_mosaic.version = 14 : i64} {
  func.func @_mp_kernel(%arg0: i32, %arg1: i32, %arg2: memref<20000x128xf32, #tpu.memory_space<hbm>>, %arg3: memref<160000xi32, #tpu.memory_space<hbm>>, %arg4: memref<160000xi32, #tpu.memory_space<hbm>>, %arg5: memref<2x10240x128xf32, #tpu.memory_space<hbm>>, %arg6: memref<128x128xf32, #tpu.memory_space<vmem>>, %arg7: memref<128x128xf32, #tpu.memory_space<vmem>>, %arg8: memref<128xi32, #tpu.memory_space<vmem>>, %arg9: memref<128xi32, #tpu.memory_space<vmem>>, %arg10: memref<128xi32, #tpu.memory_space<vmem>>, %arg11: memref<128xi32, #tpu.memory_space<vmem>>, %arg12: memref<128xi32, #tpu.memory_space<vmem>>, %arg13: memref<128xi32, #tpu.memory_space<vmem>>, %arg14: memref<16x128xf32, #tpu.memory_space<vmem>>, %arg15: memref<16xi32, #tpu.memory_space<vmem>>, %arg16: memref<16xi32, #tpu.memory_space<vmem>>, %arg17: memref<16xi32, #tpu.memory_space<vmem>>, %arg18: memref<10240x128xf32, #tpu.memory_space<vmem_shared>>, %arg19: memref<!tpu.dma_semaphore, #tpu.memory_space<semaphore_mem>>, %arg20: memref<!tpu.dma_semaphore, #tpu.memory_space<semaphore_mem>>) attributes {dimension_semantics = [#tpu.dimension_semantics<core_parallel>, #tpu.dimension_semantics<subcore_parallel>], iteration_bounds = array<i64: 2, 16>, scalar_prefetch = 0 : i64, scratch_operands = 15 : i64, tpu.core_type = #tpu.core_type<sc_vector_subcore>, window_params = [{transform_indices = #map}, {transform_indices = #map1}, {transform_indices = #map1}, {transform_indices = #map2}]} {
    %broadcast_in_dim3A = arith.constant 0.000000e+00 : f32
    %broadcast_in_dim3A_0 = vector.broadcast %broadcast_in_dim3A : f32 to vector<16xf32>
    %scan3A = arith.constant 0 : i32
    %scan3A_1 = arith.constant 0 : i32
    %scan3A_2 = arith.constant 128 : i32
    %scan3A_3 = arith.addi %scan3A_1, %scan3A_2 : i32
    %scan3A_4 = arith.constant 1 : i32
    %scan3A_5 = scf.for %scan3A_53 = %scan3A_1 to %scan3A_3 step %scan3A_4 iter_args(%scan3A_54 = %scan3A) -> (i32)  : i32 {
      %swap3A_55 = arith.index_cast %scan3A_53 : i32 to index
      %swap3A_56 = arith.constant 0 : index
      %swap3A_57 = tpu.vector_load %arg6[%swap3A_55, %swap3A_56] {strides = array<i32>} : memref<128x128xf32, #tpu.memory_space<vmem>>, vector<1x16xf32>,
      %swap3A_58 = vector.shape_cast %swap3A_57 : vector<1x16xf32> to vector<16xf32>
      %swap3A_59 = vector.shape_cast %broadcast_in_dim3A_0 : vector<16xf32> to vector<1x16xf32>
      tpu.vector_store %arg6[%swap3A_55, %swap3A_56], %swap3A_59 {strides = array<i32>} : memref<128x128xf32, #tpu.memory_space<vmem>>, vector<1x16xf32>,
      %swap3A_60 = arith.index_cast %scan3A_53 : i32 to index
      %swap3A_61 = arith.constant 16 : index
      %swap3A_62 = tpu.vector_load %arg6[%swap3A_60, %swap3A_61] {strides = array<i32>} : memref<128x128xf32, #tpu.memory_space<vmem>>, vector<1x16xf32>,
      %swap3A_63 = vector.shape_cast %swap3A_62 : vector<1x16xf32> to vector<16xf32>
      %swap3A_64 = vector.shape_cast %broadcast_in_dim3A_0 : vector<16xf32> to vector<1x16xf32>
      tpu.vector_store %arg6[%swap3A_60, %swap3A_61], %swap3A_64 {strides = array<i32>} : memref<128x128xf32, #tpu.memory_space<vmem>>, vector<1x16xf32>,
      %swap3A_65 = arith.index_cast %scan3A_53 : i32 to index
      %swap3A_66 = arith.constant 32 : index
      %swap3A_67 = tpu.vector_load %arg6[%swap3A_65, %swap3A_66] {strides = array<i32>} : memref<128x128xf32, #tpu.memory_space<vmem>>, vector<1x16xf32>,
      %swap3A_68 = vector.shape_cast %swap3A_67 : vector<1x16xf32> to vector<16xf32>
      %swap3A_69 = vector.shape_cast %broadcast_in_dim3A_0 : vector<16xf32> to vector<1x16xf32>
      tpu.vector_store %arg6[%swap3A_65, %swap3A_66], %swap3A_69 {strides = array<i32>} : memref<128x128xf32, #tpu.memory_space<vmem>>, vector<1x16xf32>,
      %swap3A_70 = arith.index_cast %scan3A_53 : i32 to index
      %swap3A_71 = arith.constant 48 : index
      %swap3A_72 = tpu.vector_load %arg6[%swap3A_70, %swap3A_71] {strides = array<i32>} : memref<128x128xf32, #tpu.memory_space<vmem>>, vector<1x16xf32>,
      %swap3A_73 = vector.shape_cast %swap3A_72 : vector<1x16xf32> to vector<16xf32>
      %swap3A_74 = vector.shape_cast %broadcast_in_dim3A_0 : vector<16xf32> to vector<1x16xf32>
      tpu.vector_store %arg6[%swap3A_70, %swap3A_71], %swap3A_74 {strides = array<i32>} : memref<128x128xf32, #tpu.memory_space<vmem>>, vector<1x16xf32>,
      %swap3A_75 = arith.index_cast %scan3A_53 : i32 to index
      %swap3A_76 = arith.constant 64 : index
      %swap3A_77 = tpu.vector_load %arg6[%swap3A_75, %swap3A_76] {strides = array<i32>} : memref<128x128xf32, #tpu.memory_space<vmem>>, vector<1x16xf32>,
      %swap3A_78 = vector.shape_cast %swap3A_77 : vector<1x16xf32> to vector<16xf32>
      %swap3A_79 = vector.shape_cast %broadcast_in_dim3A_0 : vector<16xf32> to vector<1x16xf32>
      tpu.vector_store %arg6[%swap3A_75, %swap3A_76], %swap3A_79 {strides = array<i32>} : memref<128x128xf32, #tpu.memory_space<vmem>>, vector<1x16xf32>,
      %swap3A_80 = arith.index_cast %scan3A_53 : i32 to index
      %swap3A_81 = arith.constant 80 : index
      %swap3A_82 = tpu.vector_load %arg6[%swap3A_80, %swap3A_81] {strides = array<i32>} : memref<128x128xf32, #tpu.memory_space<vmem>>, vector<1x16xf32>,
      %swap3A_83 = vector.shape_cast %swap3A_82 : vector<1x16xf32> to vector<16xf32>
      %swap3A_84 = vector.shape_cast %broadcast_in_dim3A_0 : vector<16xf32> to vector<1x16xf32>
      tpu.vector_store %arg6[%swap3A_80, %swap3A_81], %swap3A_84 {strides = array<i32>} : memref<128x128xf32, #tpu.memory_space<vmem>>, vector<1x16xf32>,
      %swap3A_85 = arith.index_cast %scan3A_53 : i32 to index
      %swap3A_86 = arith.constant 96 : index
      %swap3A_87 = tpu.vector_load %arg6[%swap3A_85, %swap3A_86] {strides = array<i32>} : memref<128x128xf32, #tpu.memory_space<vmem>>, vector<1x16xf32>,
      %swap3A_88 = vector.shape_cast %swap3A_87 : vector<1x16xf32> to vector<16xf32>
      %swap3A_89 = vector.shape_cast %broadcast_in_dim3A_0 : vector<16xf32> to vector<1x16xf32>
      tpu.vector_store %arg6[%swap3A_85, %swap3A_86], %swap3A_89 {strides = array<i32>} : memref<128x128xf32, #tpu.memory_space<vmem>>, vector<1x16xf32>,
      %swap3A_90 = arith.index_cast %scan3A_53 : i32 to index
      %swap3A_91 = arith.constant 112 : index
      %swap3A_92 = tpu.vector_load %arg6[%swap3A_90, %swap3A_91] {strides = array<i32>} : memref<128x128xf32, #tpu.memory_space<vmem>>, vector<1x16xf32>,
      %swap3A_93 = vector.shape_cast %swap3A_92 : vector<1x16xf32> to vector<16xf32>
      %swap3A_94 = vector.shape_cast %broadcast_in_dim3A_0 : vector<16xf32> to vector<1x16xf32>
      tpu.vector_store %arg6[%swap3A_90, %swap3A_91], %swap3A_94 {strides = array<i32>} : memref<128x128xf32, #tpu.memory_space<vmem>>, vector<1x16xf32>,
      %scan3A_95 = arith.constant 0 : i32
      scf.yield %scan3A_95 : i32
    }
    %scan3A_6 = arith.constant 128 : i32
    %mul3A = arith.constant 640 : i32
    %mul3A_7 = arith.muli %arg1, %mul3A : i32
    %add3A = arith.constant 0 : i32
    %add3A_8 = arith.addi %mul3A_7, %add3A : i32
    "tpu.region"() ({
      %run_scoped3A = tpu.sem_alloc : memref<!tpu.dma_semaphore, #tpu.memory_space<semaphore_mem>>
      %dma_start3A_53 = arith.constant 0 : i32
      %dma_start3A_54 = tpu.memref_slice %arg18[%add3A_8, %dma_start3A_53] : memref<10240x128xf32, #tpu.memory_space<vmem_shared>> -> memref<128x128xf32, #tpu.memory_space<vmem_shared>>
      %dma_start3A_55 = arith.constant 0 : i32
      %dma_start3A_56 = tpu.memref_slice %arg18[%add3A_8, %dma_start3A_55] : memref<10240x128xf32, #tpu.memory_space<vmem_shared>> -> memref<128x128xf32, #tpu.memory_space<vmem_shared>>
      tpu.enqueue_dma source(%arg6 : memref<128x128xf32, #tpu.memory_space<vmem>>) target(%dma_start3A_56 : memref<128x128xf32, #tpu.memory_space<vmem_shared>>) target_semaphore(%run_scoped3A : memref<!tpu.dma_semaphore, #tpu.memory_space<semaphore_mem>>)
      %dma_wait3A_57 = arith.constant 0 : i32
      %dma_wait3A_58 = tpu.memref_slice %arg18[%add3A_8, %dma_wait3A_57] : memref<10240x128xf32, #tpu.memory_space<vmem_shared>> -> memref<128x128xf32, #tpu.memory_space<vmem_shared>>
      %dma_wait3A_59 = arith.constant 0 : i32
      %dma_wait3A_60 = tpu.memref_slice %arg18[%add3A_8, %dma_wait3A_59] : memref<10240x128xf32, #tpu.memory_space<vmem_shared>> -> memref<128x128xf32, #tpu.memory_space<vmem_shared>>
      tpu.wait_dma2 semaphore(%run_scoped3A : memref<!tpu.dma_semaphore, #tpu.memory_space<semaphore_mem>>) src(%arg6 : memref<128x128xf32, #tpu.memory_space<vmem>>) dst(%dma_wait3A_60 : memref<128x128xf32, #tpu.memory_space<vmem_shared>>)
      tpu.yield
    }) : () -> ()
    %mul3A_9 = arith.constant 640 : i32
    %mul3A_10 = arith.muli %arg1, %mul3A_9 : i32
    %add3A_11 = arith.constant 128 : i32
    %add3A_12 = arith.addi %mul3A_10, %add3A_11 : i32
    "tpu.region"() ({
      %run_scoped3A = tpu.sem_alloc : memref<!tpu.dma_semaphore, #tpu.memory_space<semaphore_mem>>
      %dma_start3A_53 = arith.constant 0 : i32
      %dma_start3A_54 = tpu.memref_slice %arg18[%add3A_12, %dma_start3A_53] : memref<10240x128xf32, #tpu.memory_space<vmem_shared>> -> memref<128x128xf32, #tpu.memory_space<vmem_shared>>
      %dma_start3A_55 = arith.constant 0 : i32
      %dma_start3A_56 = tpu.memref_slice %arg18[%add3A_12, %dma_start3A_55] : memref<10240x128xf32, #tpu.memory_space<vmem_shared>> -> memref<128x128xf32, #tpu.memory_space<vmem_shared>>
      tpu.enqueue_dma source(%arg6 : memref<128x128xf32, #tpu.memory_space<vmem>>) target(%dma_start3A_56 : memref<128x128xf32, #tpu.memory_space<vmem_shared>>) target_semaphore(%run_scoped3A : memref<!tpu.dma_semaphore, #tpu.memory_space<semaphore_mem>>)
      %dma_wait3A_57 = arith.constant 0 : i32
      %dma_wait3A_58 = tpu.memref_slice %arg18[%add3A_12, %dma_wait3A_57] : memref<10240x128xf32, #tpu.memory_space<vmem_shared>> -> memref<128x128xf32, #tpu.memory_space<vmem_shared>>
      %dma_wait3A_59 = arith.constant 0 : i32
      %dma_wait3A_60 = tpu.memref_slice %arg18[%add3A_12, %dma_wait3A_59] : memref<10240x128xf32, #tpu.memory_space<vmem_shared>> -> memref<128x128xf32, #tpu.memory_space<vmem_shared>>
      tpu.wait_dma2 semaphore(%run_scoped3A : memref<!tpu.dma_semaphore, #tpu.memory_space<semaphore_mem>>) src(%arg6 : memref<128x128xf32, #tpu.memory_space<vmem>>) dst(%dma_wait3A_60 : memref<128x128xf32, #tpu.memory_space<vmem_shared>>)
      tpu.yield
    }) : () -> ()
    %mul3A_13 = arith.constant 640 : i32
    %mul3A_14 = arith.muli %arg1, %mul3A_13 : i32
    %add3A_15 = arith.constant 256 : i32
    %add3A_16 = arith.addi %mul3A_14, %add3A_15 : i32
    "tpu.region"() ({
      %run_scoped3A = tpu.sem_alloc : memref<!tpu.dma_semaphore, #tpu.memory_space<semaphore_mem>>
      %dma_start3A_53 = arith.constant 0 : i32
      %dma_start3A_54 = tpu.memref_slice %arg18[%add3A_16, %dma_start3A_53] : memref<10240x128xf32, #tpu.memory_space<vmem_shared>> -> memref<128x128xf32, #tpu.memory_space<vmem_shared>>
      %dma_start3A_55 = arith.constant 0 : i32
      %dma_start3A_56 = tpu.memref_slice %arg18[%add3A_16, %dma_start3A_55] : memref<10240x128xf32, #tpu.memory_space<vmem_shared>> -> memref<128x128xf32, #tpu.memory_space<vmem_shared>>
      tpu.enqueue_dma source(%arg6 : memref<128x128xf32, #tpu.memory_space<vmem>>) target(%dma_start3A_56 : memref<128x128xf32, #tpu.memory_space<vmem_shared>>) target_semaphore(%run_scoped3A : memref<!tpu.dma_semaphore, #tpu.memory_space<semaphore_mem>>)
      %dma_wait3A_57 = arith.constant 0 : i32
      %dma_wait3A_58 = tpu.memref_slice %arg18[%add3A_16, %dma_wait3A_57] : memref<10240x128xf32, #tpu.memory_space<vmem_shared>> -> memref<128x128xf32, #tpu.memory_space<vmem_shared>>
      %dma_wait3A_59 = arith.constant 0 : i32
      %dma_wait3A_60 = tpu.memref_slice %arg18[%add3A_16, %dma_wait3A_59] : memref<10240x128xf32, #tpu.memory_space<vmem_shared>> -> memref<128x128xf32, #tpu.memory_space<vmem_shared>>
      tpu.wait_dma2 semaphore(%run_scoped3A : memref<!tpu.dma_semaphore, #tpu.memory_space<semaphore_mem>>) src(%arg6 : memref<128x128xf32, #tpu.memory_space<vmem>>) dst(%dma_wait3A_60 : memref<128x128xf32, #tpu.memory_space<vmem_shared>>)
      tpu.yield
    }) : () -> ()
    %mul3A_17 = arith.constant 640 : i32
    %mul3A_18 = arith.muli %arg1, %mul3A_17 : i32
    %add3A_19 = arith.constant 384 : i32
    %add3A_20 = arith.addi %mul3A_18, %add3A_19 : i32
    "tpu.region"() ({
      %run_scoped3A = tpu.sem_alloc : memref<!tpu.dma_semaphore, #tpu.memory_space<semaphore_mem>>
      %dma_start3A_53 = arith.constant 0 : i32
      %dma_start3A_54 = tpu.memref_slice %arg18[%add3A_20, %dma_start3A_53] : memref<10240x128xf32, #tpu.memory_space<vmem_shared>> -> memref<128x128xf32, #tpu.memory_space<vmem_shared>>
      %dma_start3A_55 = arith.constant 0 : i32
      %dma_start3A_56 = tpu.memref_slice %arg18[%add3A_20, %dma_start3A_55] : memref<10240x128xf32, #tpu.memory_space<vmem_shared>> -> memref<128x128xf32, #tpu.memory_space<vmem_shared>>
      tpu.enqueue_dma source(%arg6 : memref<128x128xf32, #tpu.memory_space<vmem>>) target(%dma_start3A_56 : memref<128x128xf32, #tpu.memory_space<vmem_shared>>) target_semaphore(%run_scoped3A : memref<!tpu.dma_semaphore, #tpu.memory_space<semaphore_mem>>)
      %dma_wait3A_57 = arith.constant 0 : i32
      %dma_wait3A_58 = tpu.memref_slice %arg18[%add3A_20, %dma_wait3A_57] : memref<10240x128xf32, #tpu.memory_space<vmem_shared>> -> memref<128x128xf32, #tpu.memory_space<vmem_shared>>
      %dma_wait3A_59 = arith.constant 0 : i32
      %dma_wait3A_60 = tpu.memref_slice %arg18[%add3A_20, %dma_wait3A_59] : memref<10240x128xf32, #tpu.memory_space<vmem_shared>> -> memref<128x128xf32, #tpu.memory_space<vmem_shared>>
      tpu.wait_dma2 semaphore(%run_scoped3A : memref<!tpu.dma_semaphore, #tpu.memory_space<semaphore_mem>>) src(%arg6 : memref<128x128xf32, #tpu.memory_space<vmem>>) dst(%dma_wait3A_60 : memref<128x128xf32, #tpu.memory_space<vmem_shared>>)
      tpu.yield
    }) : () -> ()
    %mul3A_21 = arith.constant 640 : i32
    %mul3A_22 = arith.muli %arg1, %mul3A_21 : i32
    %add3A_23 = arith.constant 512 : i32
    %add3A_24 = arith.addi %mul3A_22, %add3A_23 : i32
    "tpu.region"() ({
      %run_scoped3A = tpu.sem_alloc : memref<!tpu.dma_semaphore, #tpu.memory_space<semaphore_mem>>
      %dma_start3A_53 = arith.constant 0 : i32
      %dma_start3A_54 = tpu.memref_slice %arg18[%add3A_24, %dma_start3A_53] : memref<10240x128xf32, #tpu.memory_space<vmem_shared>> -> memref<128x128xf32, #tpu.memory_space<vmem_shared>>
      %dma_start3A_55 = arith.constant 0 : i32
      %dma_start3A_56 = tpu.memref_slice %arg18[%add3A_24, %dma_start3A_55] : memref<10240x128xf32, #tpu.memory_space<vmem_shared>> -> memref<128x128xf32, #tpu.memory_space<vmem_shared>>
      tpu.enqueue_dma source(%arg6 : memref<128x128xf32, #tpu.memory_space<vmem>>) target(%dma_start3A_56 : memref<128x128xf32, #tpu.memory_space<vmem_shared>>) target_semaphore(%run_scoped3A : memref<!tpu.dma_semaphore, #tpu.memory_space<semaphore_mem>>)
      %dma_wait3A_57 = arith.constant 0 : i32
      %dma_wait3A_58 = tpu.memref_slice %arg18[%add3A_24, %dma_wait3A_57] : memref<10240x128xf32, #tpu.memory_space<vmem_shared>> -> memref<128x128xf32, #tpu.memory_space<vmem_shared>>
      %dma_wait3A_59 = arith.constant 0 : i32
      %dma_wait3A_60 = tpu.memref_slice %arg18[%add3A_24, %dma_wait3A_59] : memref<10240x128xf32, #tpu.memory_space<vmem_shared>> -> memref<128x128xf32, #tpu.memory_space<vmem_shared>>
      tpu.wait_dma2 semaphore(%run_scoped3A : memref<!tpu.dma_semaphore, #tpu.memory_space<semaphore_mem>>) src(%arg6 : memref<128x128xf32, #tpu.memory_space<vmem>>) dst(%dma_wait3A_60 : memref<128x128xf32, #tpu.memory_space<vmem_shared>>)
      tpu.yield
    }) : () -> ()
    %barrier3A = arith.constant 0 : index
    tpu.barrier barrier_id(%barrier3A)
    %mul3A_25 = arith.constant 10000 : i32
    %mul3A_26 = arith.muli %arg1, %mul3A_25 : i32
    %scan3A_27 = arith.constant 0 : i32
    %scan3A_28 = arith.constant 0 : i32
    %scan3A_29 = arith.constant 6 : i32
    %scan3A_30 = arith.addi %scan3A_28, %scan3A_29 : i32
    %scan3A_31 = arith.constant 1 : i32
    %scan3A_32 = scf.for %scan3A_53 = %scan3A_28 to %scan3A_30 step %scan3A_31 iter_args(%scan3A_54 = %scan3A_27) -> (i32)  : i32 {
      %mul3A_55 = arith.constant 1664 : i32
      %mul3A_56 = arith.muli %scan3A_53, %mul3A_55 : i32
      %add3A_57 = arith.addi %mul3A_26, %mul3A_56 : i32
      %multiple_of3A_58 = tpu.assume_multiple %add3A_57, 8 : i32
      "tpu.region"() ({
        %run_scoped3A = tpu.sem_alloc : memref<!tpu.dma_semaphore, #tpu.memory_space<semaphore_mem>>
        %dma_start3A_1202 = tpu.memref_slice %arg3[%multiple_of3A_58] : memref<160000xi32, #tpu.memory_space<hbm>> -> memref<128xi32, #tpu.memory_space<hbm>>
        %dma_start3A_1203 = tpu.memref_slice %arg3[%multiple_of3A_58] : memref<160000xi32, #tpu.memory_space<hbm>> -> memref<128xi32, #tpu.memory_space<hbm>>
        tpu.enqueue_dma source(%dma_start3A_1203 : memref<128xi32, #tpu.memory_space<hbm>>) target(%arg8 : memref<128xi32, #tpu.memory_space<vmem>>) target_semaphore(%run_scoped3A : memref<!tpu.dma_semaphore, #tpu.memory_space<semaphore_mem>>)
        %dma_wait3A_1204 = tpu.memref_slice %arg3[%multiple_of3A_58] : memref<160000xi32, #tpu.memory_space<hbm>> -> memref<128xi32, #tpu.memory_space<hbm>>
        %dma_wait3A_1205 = tpu.memref_slice %arg3[%multiple_of3A_58] : memref<160000xi32, #tpu.memory_space<hbm>> -> memref<128xi32, #tpu.memory_space<hbm>>
        tpu.wait_dma2 semaphore(%run_scoped3A : memref<!tpu.dma_semaphore, #tpu.memory_space<semaphore_mem>>) src(%dma_wait3A_1205 : memref<128xi32, #tpu.memory_space<hbm>>) dst(%arg8 : memref<128xi32, #tpu.memory_space<vmem>>)
        tpu.yield
      }) : () -> ()
      "tpu.region"() ({
        %run_scoped3A = tpu.sem_alloc : memref<!tpu.dma_semaphore, #tpu.memory_space<semaphore_mem>>
        %dma_start3A_1202 = tpu.memref_slice %arg4[%multiple_of3A_58] : memref<160000xi32, #tpu.memory_space<hbm>> -> memref<128xi32, #tpu.memory_space<hbm>>
        %dma_start3A_1203 = tpu.memref_slice %arg4[%multiple_of3A_58] : memref<160000xi32, #tpu.memory_space<hbm>> -> memref<128xi32, #tpu.memory_space<hbm>>
        tpu.enqueue_dma source(%dma_start3A_1203 : memref<128xi32, #tpu.memory_space<hbm>>) target(%arg10 : memref<128xi32, #tpu.memory_space<vmem>>) target_semaphore(%run_scoped3A : memref<!tpu.dma_semaphore, #tpu.memory_space<semaphore_mem>>)
        %dma_wait3A_1204 = tpu.memref_slice %arg4[%multiple_of3A_58] : memref<160000xi32, #tpu.memory_space<hbm>> -> memref<128xi32, #tpu.memory_space<hbm>>
        %dma_wait3A_1205 = tpu.memref_slice %arg4[%multiple_of3A_58] : memref<160000xi32, #tpu.memory_space<hbm>> -> memref<128xi32, #tpu.memory_space<hbm>>
        tpu.wait_dma2 semaphore(%run_scoped3A : memref<!tpu.dma_semaphore, #tpu.memory_space<semaphore_mem>>) src(%dma_wait3A_1205 : memref<128xi32, #tpu.memory_space<hbm>>) dst(%arg10 : memref<128xi32, #tpu.memory_space<vmem>>)
        tpu.yield
      }) : () -> ()
      %get3A_59 = arith.constant 0 : index
      %get3A_60 = tpu.vector_load %arg8[%get3A_59] {strides = array<i32>} : memref<128xi32, #tpu.memory_space<vmem>>, vector<16xi32>,
      %get3A_61 = vector.shape_cast %get3A_60 : vector<16xi32> to vector<16xi32>
      %add3A_62 = arith.addi %get3A_61, %get3A_61 : vector<16xi32>
      %add3A_63 = vector.broadcast %arg0 : i32 to vector<16xi32>
      %add3A_64 = arith.addi %add3A_62, %add3A_63 : vector<16xi32>
      %swap3A_65 = arith.constant 0 : index
      %swap3A_66 = tpu.vector_load %arg12[%swap3A_65] {strides = array<i32>} : memref<128xi32, #tpu.memory_space<vmem>>, vector<16xi32>,
      %swap3A_67 = vector.shape_cast %swap3A_66 : vector<16xi32> to vector<16xi32>
      %swap3A_68 = vector.shape_cast %add3A_64 : vector<16xi32> to vector<16xi32>
      tpu.vector_store %arg12[%swap3A_65], %swap3A_68 {strides = array<i32>} : memref<128xi32, #tpu.memory_space<vmem>>, vector<16xi32>,
      %get3A_69 = arith.constant 16 : index
      %get3A_70 = tpu.vector_load %arg8[%get3A_69] {strides = array<i32>} : memref<128xi32, #tpu.memory_space<vmem>>, vector<16xi32>,
      %get3A_71 = vector.shape_cast %get3A_70 : vector<16xi32> to vector<16xi32>
      %add3A_72 = arith.addi %get3A_71, %get3A_71 : vector<16xi32>
      %add3A_73 = vector.broadcast %arg0 : i32 to vector<16xi32>
      %add3A_74 = arith.addi %add3A_72, %add3A_73 : vector<16xi32>
      %swap3A_75 = arith.constant 16 : index
      %swap3A_76 = tpu.vector_load %arg12[%swap3A_75] {strides = array<i32>} : memref<128xi32, #tpu.memory_space<vmem>>, vector<16xi32>,
      %swap3A_77 = vector.shape_cast %swap3A_76 : vector<16xi32> to vector<16xi32>
      %swap3A_78 = vector.shape_cast %add3A_74 : vector<16xi32> to vector<16xi32>
      tpu.vector_store %arg12[%swap3A_75], %swap3A_78 {strides = array<i32>} : memref<128xi32, #tpu.memory_space<vmem>>, vector<16xi32>,
      %get3A_79 = arith.constant 32 : index
      %get3A_80 = tpu.vector_load %arg8[%get3A_79] {strides = array<i32>} : memref<128xi32, #tpu.memory_space<vmem>>, vector<16xi32>,
      %get3A_81 = vector.shape_cast %get3A_80 : vector<16xi32> to vector<16xi32>
      %add3A_82 = arith.addi %get3A_81, %get3A_81 : vector<16xi32>
      %add3A_83 = vector.broadcast %arg0 : i32 to vector<16xi32>
      %add3A_84 = arith.addi %add3A_82, %add3A_83 : vector<16xi32>
      %swap3A_85 = arith.constant 32 : index
      %swap3A_86 = tpu.vector_load %arg12[%swap3A_85] {strides = array<i32>} : memref<128xi32, #tpu.memory_space<vmem>>, vector<16xi32>,
      %swap3A_87 = vector.shape_cast %swap3A_86 : vector<16xi32> to vector<16xi32>
      %swap3A_88 = vector.shape_cast %add3A_84 : vector<16xi32> to vector<16xi32>
      tpu.vector_store %arg12[%swap3A_85], %swap3A_88 {strides = array<i32>} : memref<128xi32, #tpu.memory_space<vmem>>, vector<16xi32>,
      %get3A_89 = arith.constant 48 : index
      %get3A_90 = tpu.vector_load %arg8[%get3A_89] {strides = array<i32>} : memref<128xi32, #tpu.memory_space<vmem>>, vector<16xi32>,
      %get3A_91 = vector.shape_cast %get3A_90 : vector<16xi32> to vector<16xi32>
      %add3A_92 = arith.addi %get3A_91, %get3A_91 : vector<16xi32>
      %add3A_93 = vector.broadcast %arg0 : i32 to vector<16xi32>
      %add3A_94 = arith.addi %add3A_92, %add3A_93 : vector<16xi32>
      %swap3A_95 = arith.constant 48 : index
      %swap3A_96 = tpu.vector_load %arg12[%swap3A_95] {strides = array<i32>} : memref<128xi32, #tpu.memory_space<vmem>>, vector<16xi32>,
      %swap3A_97 = vector.shape_cast %swap3A_96 : vector<16xi32> to vector<16xi32>
      %swap3A_98 = vector.shape_cast %add3A_94 : vector<16xi32> to vector<16xi32>
      tpu.vector_store %arg12[%swap3A_95], %swap3A_98 {strides = array<i32>} : memref<128xi32, #tpu.memory_space<vmem>>, vector<16xi32>,
      %get3A_99 = arith.constant 64 : index
      %get3A_100 = tpu.vector_load %arg8[%get3A_99] {strides = array<i32>} : memref<128xi32, #tpu.memory_space<vmem>>, vector<16xi32>,
      %get3A_101 = vector.shape_cast %get3A_100 : vector<16xi32> to vector<16xi32>
      %add3A_102 = arith.addi %get3A_101, %get3A_101 : vector<16xi32>
      %add3A_103 = vector.broadcast %arg0 : i32 to vector<16xi32>
      %add3A_104 = arith.addi %add3A_102, %add3A_103 : vector<16xi32>
      %swap3A_105 = arith.constant 64 : index
      %swap3A_106 = tpu.vector_load %arg12[%swap3A_105] {strides = array<i32>} : memref<128xi32, #tpu.memory_space<vmem>>, vector<16xi32>,
      %swap3A_107 = vector.shape_cast %swap3A_106 : vector<16xi32> to vector<16xi32>
      %swap3A_108 = vector.shape_cast %add3A_104 : vector<16xi32> to vector<16xi32>
      tpu.vector_store %arg12[%swap3A_105], %swap3A_108 {strides = array<i32>} : memref<128xi32, #tpu.memory_space<vmem>>, vector<16xi32>,
      %get3A_109 = arith.constant 80 : index
      %get3A_110 = tpu.vector_load %arg8[%get3A_109] {strides = array<i32>} : memref<128xi32, #tpu.memory_space<vmem>>, vector<16xi32>,
      %get3A_111 = vector.shape_cast %get3A_110 : vector<16xi32> to vector<16xi32>
      %add3A_112 = arith.addi %get3A_111, %get3A_111 : vector<16xi32>
      %add3A_113 = vector.broadcast %arg0 : i32 to vector<16xi32>
      %add3A_114 = arith.addi %add3A_112, %add3A_113 : vector<16xi32>
      %swap3A_115 = arith.constant 80 : index
      %swap3A_116 = tpu.vector_load %arg12[%swap3A_115] {strides = array<i32>} : memref<128xi32, #tpu.memory_space<vmem>>, vector<16xi32>,
      %swap3A_117 = vector.shape_cast %swap3A_116 : vector<16xi32> to vector<16xi32>
      %swap3A_118 = vector.shape_cast %add3A_114 : vector<16xi32> to vector<16xi32>
      tpu.vector_store %arg12[%swap3A_115], %swap3A_118 {strides = array<i32>} : memref<128xi32, #tpu.memory_space<vmem>>, vector<16xi32>,
      %get3A_119 = arith.constant 96 : index
      %get3A_120 = tpu.vector_load %arg8[%get3A_119] {strides = array<i32>} : memref<128xi32, #tpu.memory_space<vmem>>, vector<16xi32>,
      %get3A_121 = vector.shape_cast %get3A_120 : vector<16xi32> to vector<16xi32>
      %add3A_122 = arith.addi %get3A_121, %get3A_121 : vector<16xi32>
      %add3A_123 = vector.broadcast %arg0 : i32 to vector<16xi32>
      %add3A_124 = arith.addi %add3A_122, %add3A_123 : vector<16xi32>
      %swap3A_125 = arith.constant 96 : index
      %swap3A_126 = tpu.vector_load %arg12[%swap3A_125] {strides = array<i32>} : memref<128xi32, #tpu.memory_space<vmem>>, vector<16xi32>,
      %swap3A_127 = vector.shape_cast %swap3A_126 : vector<16xi32> to vector<16xi32>
      %swap3A_128 = vector.shape_cast %add3A_124 : vector<16xi32> to vector<16xi32>
      tpu.vector_store %arg12[%swap3A_125], %swap3A_128 {strides = array<i32>} : memref<128xi32, #tpu.memory_space<vmem>>, vector<16xi32>,
      %get3A_129 = arith.constant 112 : index
      %get3A_130 = tpu.vector_load %arg8[%get3A_129] {strides = array<i32>} : memref<128xi32, #tpu.memory_space<vmem>>, vector<16xi32>,
      %get3A_131 = vector.shape_cast %get3A_130 : vector<16xi32> to vector<16xi32>
      %add3A_132 = arith.addi %get3A_131, %get3A_131 : vector<16xi32>
      %add3A_133 = vector.broadcast %arg0 : i32 to vector<16xi32>
      %add3A_134 = arith.addi %add3A_132, %add3A_133 : vector<16xi32>
      %swap3A_135 = arith.constant 112 : index
      %swap3A_136 = tpu.vector_load %arg12[%swap3A_135] {strides = array<i32>} : memref<128xi32, #tpu.memory_space<vmem>>, vector<16xi32>,
      %swap3A_137 = vector.shape_cast %swap3A_136 : vector<16xi32> to vector<16xi32>
      %swap3A_138 = vector.shape_cast %add3A_134 : vector<16xi32> to vector<16xi32>
      tpu.vector_store %arg12[%swap3A_135], %swap3A_138 {strides = array<i32>} : memref<128xi32, #tpu.memory_space<vmem>>, vector<16xi32>,
      %dma_start3A_139 = arith.constant 0 : i32
      %dma_start3A_140 = arith.constant 0 : i32
      %dma_start3A_141 = tpu.memref_slice %arg2[%dma_start3A_139, %dma_start3A_140] : memref<20000x128xf32, #tpu.memory_space<hbm>> -> memref<20000x128xf32, #tpu.memory_space<hbm>>
      tpu.enqueue_indirect_dma source(%dma_start3A_141 : memref<20000x128xf32, #tpu.memory_space<hbm>>) target(%arg6 : memref<128x128xf32, #tpu.memory_space<vmem>>) offsets(%arg12 : memref<128xi32, #tpu.memory_space<vmem>>) semaphore(%arg19 : memref<!tpu.dma_semaphore, #tpu.memory_space<semaphore_mem>>)
      %add3A_142 = arith.constant 128 : i32
      %add3A_143 = arith.addi %multiple_of3A_58, %add3A_142 : i32
      "tpu.region"() ({
        %run_scoped3A = tpu.sem_alloc : memref<!tpu.dma_semaphore, #tpu.memory_space<semaphore_mem>>
        %dma_start3A_1202 = tpu.memref_slice %arg3[%add3A_143] : memref<160000xi32, #tpu.memory_space<hbm>> -> memref<128xi32, #tpu.memory_space<hbm>>
        %dma_start3A_1203 = tpu.memref_slice %arg3[%add3A_143] : memref<160000xi32, #tpu.memory_space<hbm>> -> memref<128xi32, #tpu.memory_space<hbm>>
        tpu.enqueue_dma source(%dma_start3A_1203 : memref<128xi32, #tpu.memory_space<hbm>>) target(%arg9 : memref<128xi32, #tpu.memory_space<vmem>>) target_semaphore(%run_scoped3A : memref<!tpu.dma_semaphore, #tpu.memory_space<semaphore_mem>>)
        %dma_wait3A_1204 = tpu.memref_slice %arg3[%add3A_143] : memref<160000xi32, #tpu.memory_space<hbm>> -> memref<128xi32, #tpu.memory_space<hbm>>
        %dma_wait3A_1205 = tpu.memref_slice %arg3[%add3A_143] : memref<160000xi32, #tpu.memory_space<hbm>> -> memref<128xi32, #tpu.memory_space<hbm>>
        tpu.wait_dma2 semaphore(%run_scoped3A : memref<!tpu.dma_semaphore, #tpu.memory_space<semaphore_mem>>) src(%dma_wait3A_1205 : memref<128xi32, #tpu.memory_space<hbm>>) dst(%arg9 : memref<128xi32, #tpu.memory_space<vmem>>)
        tpu.yield
      }) : () -> ()
      "tpu.region"() ({
        %run_scoped3A = tpu.sem_alloc : memref<!tpu.dma_semaphore, #tpu.memory_space<semaphore_mem>>
        %dma_start3A_1202 = tpu.memref_slice %arg4[%add3A_143] : memref<160000xi32, #tpu.memory_space<hbm>> -> memref<128xi32, #tpu.memory_space<hbm>>
        %dma_start3A_1203 = tpu.memref_slice %arg4[%add3A_143] : memref<160000xi32, #tpu.memory_space<hbm>> -> memref<128xi32, #tpu.memory_space<hbm>>
        tpu.enqueue_dma source(%dma_start3A_1203 : memref<128xi32, #tpu.memory_space<hbm>>) target(%arg11 : memref<128xi32, #tpu.memory_space<vmem>>) target_semaphore(%run_scoped3A : memref<!tpu.dma_semaphore, #tpu.memory_space<semaphore_mem>>)
        %dma_wait3A_1204 = tpu.memref_slice %arg4[%add3A_143] : memref<160000xi32, #tpu.memory_space<hbm>> -> memref<128xi32, #tpu.memory_space<hbm>>
        %dma_wait3A_1205 = tpu.memref_slice %arg4[%add3A_143] : memref<160000xi32, #tpu.memory_space<hbm>> -> memref<128xi32, #tpu.memory_space<hbm>>
        tpu.wait_dma2 semaphore(%run_scoped3A : memref<!tpu.dma_semaphore, #tpu.memory_space<semaphore_mem>>) src(%dma_wait3A_1205 : memref<128xi32, #tpu.memory_space<hbm>>) dst(%arg11 : memref<128xi32, #tpu.memory_space<vmem>>)
        tpu.yield
      }) : () -> ()
      %get3A_144 = arith.constant 0 : index
      %get3A_145 = tpu.vector_load %arg9[%get3A_144] {strides = array<i32>} : memref<128xi32, #tpu.memory_space<vmem>>, vector<16xi32>,
      %get3A_146 = vector.shape_cast %get3A_145 : vector<16xi32> to vector<16xi32>
      %add3A_147 = arith.addi %get3A_146, %get3A_146 : vector<16xi32>
      %add3A_148 = vector.broadcast %arg0 : i32 to vector<16xi32>
      %add3A_149 = arith.addi %add3A_147, %add3A_148 : vector<16xi32>
      %swap3A_150 = arith.constant 0 : index
      %swap3A_151 = tpu.vector_load %arg13[%swap3A_150] {strides = array<i32>} : memref<128xi32, #tpu.memory_space<vmem>>, vector<16xi32>,
      %swap3A_152 = vector.shape_cast %swap3A_151 : vector<16xi32> to vector<16xi32>
      %swap3A_153 = vector.shape_cast %add3A_149 : vector<16xi32> to vector<16xi32>
      tpu.vector_store %arg13[%swap3A_150], %swap3A_153 {strides = array<i32>} : memref<128xi32, #tpu.memory_space<vmem>>, vector<16xi32>,
      %get3A_154 = arith.constant 16 : index
      %get3A_155 = tpu.vector_load %arg9[%get3A_154] {strides = array<i32>} : memref<128xi32, #tpu.memory_space<vmem>>, vector<16xi32>,
      %get3A_156 = vector.shape_cast %get3A_155 : vector<16xi32> to vector<16xi32>
      %add3A_157 = arith.addi %get3A_156, %get3A_156 : vector<16xi32>
      %add3A_158 = vector.broadcast %arg0 : i32 to vector<16xi32>
      %add3A_159 = arith.addi %add3A_157, %add3A_158 : vector<16xi32>
      %swap3A_160 = arith.constant 16 : index
      %swap3A_161 = tpu.vector_load %arg13[%swap3A_160] {strides = array<i32>} : memref<128xi32, #tpu.memory_space<vmem>>, vector<16xi32>,
      %swap3A_162 = vector.shape_cast %swap3A_161 : vector<16xi32> to vector<16xi32>
      %swap3A_163 = vector.shape_cast %add3A_159 : vector<16xi32> to vector<16xi32>
      tpu.vector_store %arg13[%swap3A_160], %swap3A_163 {strides = array<i32>} : memref<128xi32, #tpu.memory_space<vmem>>, vector<16xi32>,
      %get3A_164 = arith.constant 32 : index
      %get3A_165 = tpu.vector_load %arg9[%get3A_164] {strides = array<i32>} : memref<128xi32, #tpu.memory_space<vmem>>, vector<16xi32>,
      %get3A_166 = vector.shape_cast %get3A_165 : vector<16xi32> to vector<16xi32>
      %add3A_167 = arith.addi %get3A_166, %get3A_166 : vector<16xi32>
      %add3A_168 = vector.broadcast %arg0 : i32 to vector<16xi32>
      %add3A_169 = arith.addi %add3A_167, %add3A_168 : vector<16xi32>
      %swap3A_170 = arith.constant 32 : index
      %swap3A_171 = tpu.vector_load %arg13[%swap3A_170] {strides = array<i32>} : memref<128xi32, #tpu.memory_space<vmem>>, vector<16xi32>,
      %swap3A_172 = vector.shape_cast %swap3A_171 : vector<16xi32> to vector<16xi32>
      %swap3A_173 = vector.shape_cast %add3A_169 : vector<16xi32> to vector<16xi32>
      tpu.vector_store %arg13[%swap3A_170], %swap3A_173 {strides = array<i32>} : memref<128xi32, #tpu.memory_space<vmem>>, vector<16xi32>,
      %get3A_174 = arith.constant 48 : index
      %get3A_175 = tpu.vector_load %arg9[%get3A_174] {strides = array<i32>} : memref<128xi32, #tpu.memory_space<vmem>>, vector<16xi32>,
      %get3A_176 = vector.shape_cast %get3A_175 : vector<16xi32> to vector<16xi32>
      %add3A_177 = arith.addi %get3A_176, %get3A_176 : vector<16xi32>
      %add3A_178 = vector.broadcast %arg0 : i32 to vector<16xi32>
      %add3A_179 = arith.addi %add3A_177, %add3A_178 : vector<16xi32>
      %swap3A_180 = arith.constant 48 : index
      %swap3A_181 = tpu.vector_load %arg13[%swap3A_180] {strides = array<i32>} : memref<128xi32, #tpu.memory_space<vmem>>, vector<16xi32>,
      %swap3A_182 = vector.shape_cast %swap3A_181 : vector<16xi32> to vector<16xi32>
      %swap3A_183 = vector.shape_cast %add3A_179 : vector<16xi32> to vector<16xi32>
      tpu.vector_store %arg13[%swap3A_180], %swap3A_183 {strides = array<i32>} : memref<128xi32, #tpu.memory_space<vmem>>, vector<16xi32>,
      %get3A_184 = arith.constant 64 : index
      %get3A_185 = tpu.vector_load %arg9[%get3A_184] {strides = array<i32>} : memref<128xi32, #tpu.memory_space<vmem>>, vector<16xi32>,
      %get3A_186 = vector.shape_cast %get3A_185 : vector<16xi32> to vector<16xi32>
      %add3A_187 = arith.addi %get3A_186, %get3A_186 : vector<16xi32>
      %add3A_188 = vector.broadcast %arg0 : i32 to vector<16xi32>
      %add3A_189 = arith.addi %add3A_187, %add3A_188 : vector<16xi32>
      %swap3A_190 = arith.constant 64 : index
      %swap3A_191 = tpu.vector_load %arg13[%swap3A_190] {strides = array<i32>} : memref<128xi32, #tpu.memory_space<vmem>>, vector<16xi32>,
      %swap3A_192 = vector.shape_cast %swap3A_191 : vector<16xi32> to vector<16xi32>
      %swap3A_193 = vector.shape_cast %add3A_189 : vector<16xi32> to vector<16xi32>
      tpu.vector_store %arg13[%swap3A_190], %swap3A_193 {strides = array<i32>} : memref<128xi32, #tpu.memory_space<vmem>>, vector<16xi32>,
      %get3A_194 = arith.constant 80 : index
      %get3A_195 = tpu.vector_load %arg9[%get3A_194] {strides = array<i32>} : memref<128xi32, #tpu.memory_space<vmem>>, vector<16xi32>,
      %get3A_196 = vector.shape_cast %get3A_195 : vector<16xi32> to vector<16xi32>
      %add3A_197 = arith.addi %get3A_196, %get3A_196 : vector<16xi32>
      %add3A_198 = vector.broadcast %arg0 : i32 to vector<16xi32>
      %add3A_199 = arith.addi %add3A_197, %add3A_198 : vector<16xi32>
      %swap3A_200 = arith.constant 80 : index
      %swap3A_201 = tpu.vector_load %arg13[%swap3A_200] {strides = array<i32>} : memref<128xi32, #tpu.memory_space<vmem>>, vector<16xi32>,
      %swap3A_202 = vector.shape_cast %swap3A_201 : vector<16xi32> to vector<16xi32>
      %swap3A_203 = vector.shape_cast %add3A_199 : vector<16xi32> to vector<16xi32>
      tpu.vector_store %arg13[%swap3A_200], %swap3A_203 {strides = array<i32>} : memref<128xi32, #tpu.memory_space<vmem>>, vector<16xi32>,
      %get3A_204 = arith.constant 96 : index
      %get3A_205 = tpu.vector_load %arg9[%get3A_204] {strides = array<i32>} : memref<128xi32, #tpu.memory_space<vmem>>, vector<16xi32>,
      %get3A_206 = vector.shape_cast %get3A_205 : vector<16xi32> to vector<16xi32>
      %add3A_207 = arith.addi %get3A_206, %get3A_206 : vector<16xi32>
      %add3A_208 = vector.broadcast %arg0 : i32 to vector<16xi32>
      %add3A_209 = arith.addi %add3A_207, %add3A_208 : vector<16xi32>
      %swap3A_210 = arith.constant 96 : index
      %swap3A_211 = tpu.vector_load %arg13[%swap3A_210] {strides = array<i32>} : memref<128xi32, #tpu.memory_space<vmem>>, vector<16xi32>,
      %swap3A_212 = vector.shape_cast %swap3A_211 : vector<16xi32> to vector<16xi32>
      %swap3A_213 = vector.shape_cast %add3A_209 : vector<16xi32> to vector<16xi32>
      tpu.vector_store %arg13[%swap3A_210], %swap3A_213 {strides = array<i32>} : memref<128xi32, #tpu.memory_space<vmem>>, vector<16xi32>,
      %get3A_214 = arith.constant 112 : index
      %get3A_215 = tpu.vector_load %arg9[%get3A_214] {strides = array<i32>} : memref<128xi32, #tpu.memory_space<vmem>>, vector<16xi32>,
      %get3A_216 = vector.shape_cast %get3A_215 : vector<16xi32> to vector<16xi32>
      %add3A_217 = arith.addi %get3A_216, %get3A_216 : vector<16xi32>
      %add3A_218 = vector.broadcast %arg0 : i32 to vector<16xi32>
      %add3A_219 = arith.addi %add3A_217, %add3A_218 : vector<16xi32>
      %swap3A_220 = arith.constant 112 : index
      %swap3A_221 = tpu.vector_load %arg13[%swap3A_220] {strides = array<i32>} : memref<128xi32, #tpu.memory_space<vmem>>, vector<16xi32>,
      %swap3A_222 = vector.shape_cast %swap3A_221 : vector<16xi32> to vector<16xi32>
      %swap3A_223 = vector.shape_cast %add3A_219 : vector<16xi32> to vector<16xi32>
      tpu.vector_store %arg13[%swap3A_220], %swap3A_223 {strides = array<i32>} : memref<128xi32, #tpu.memory_space<vmem>>, vector<16xi32>,
      %dma_start3A_224 = arith.constant 0 : i32
      %dma_start3A_225 = arith.constant 0 : i32
      %dma_start3A_226 = tpu.memref_slice %arg2[%dma_start3A_224, %dma_start3A_225] : memref<20000x128xf32, #tpu.memory_space<hbm>> -> memref<20000x128xf32, #tpu.memory_space<hbm>>
      tpu.enqueue_indirect_dma source(%dma_start3A_226 : memref<20000x128xf32, #tpu.memory_space<hbm>>) target(%arg7 : memref<128x128xf32, #tpu.memory_space<vmem>>) offsets(%arg13 : memref<128xi32, #tpu.memory_space<vmem>>) semaphore(%arg20 : memref<!tpu.dma_semaphore, #tpu.memory_space<semaphore_mem>>)
      %dma_wait3A_227 = arith.constant 0 : i32
      %dma_wait3A_228 = arith.constant 0 : i32
      %dma_wait3A_229 = tpu.memref_slice %arg2[%dma_wait3A_227, %dma_wait3A_228] : memref<20000x128xf32, #tpu.memory_space<hbm>> -> memref<20000x128xf32, #tpu.memory_space<hbm>>
      tpu.wait_indirect_dma semaphore(%arg19 : memref<!tpu.dma_semaphore, #tpu.memory_space<semaphore_mem>>) src(%dma_wait3A_229 : memref<20000x128xf32, #tpu.memory_space<hbm>>) dst(%arg6 : memref<128x128xf32, #tpu.memory_space<vmem>>)
      "tpu.region"() ({
        %run_scoped3A = tpu.sem_alloc : memref<!tpu.dma_semaphore, #tpu.memory_space<semaphore_mem>>
        %dma_start3A_1202 = arith.constant 0 : i32
        %dma_start3A_1203 = arith.constant 0 : i32
        %dma_start3A_1204 = tpu.memref_slice %arg18[%dma_start3A_1202, %dma_start3A_1203] : memref<10240x128xf32, #tpu.memory_space<vmem_shared>> -> memref<10240x128xf32, #tpu.memory_space<vmem_shared>>
        tpu.enqueue_indirect_dma source(%arg6 : memref<128x128xf32, #tpu.memory_space<vmem>>) target(%dma_start3A_1204 : memref<10240x128xf32, #tpu.memory_space<vmem_shared>>) offsets(%arg10 : memref<128xi32, #tpu.memory_space<vmem>>) semaphore(%run_scoped3A : memref<!tpu.dma_semaphore, #tpu.memory_space<semaphore_mem>>) {add = true}
        %dma_wait3A_1205 = arith.constant 0 : i32
        %dma_wait3A_1206 = arith.constant 0 : i32
        %dma_wait3A_1207 = tpu.memref_slice %arg18[%dma_wait3A_1205, %dma_wait3A_1206] : memref<10240x128xf32, #tpu.memory_space<vmem_shared>> -> memref<10240x128xf32, #tpu.memory_space<vmem_shared>>
        tpu.wait_indirect_dma semaphore(%run_scoped3A : memref<!tpu.dma_semaphore, #tpu.memory_space<semaphore_mem>>) src(%arg6 : memref<128x128xf32, #tpu.memory_space<vmem>>) dst(%dma_wait3A_1207 : memref<10240x128xf32, #tpu.memory_space<vmem_shared>>)
        tpu.yield
      }) : () -> ()
      %add3A_230 = arith.constant 256 : i32
      %add3A_231 = arith.addi %multiple_of3A_58, %add3A_230 : i32
      "tpu.region"() ({
        %run_scoped3A = tpu.sem_alloc : memref<!tpu.dma_semaphore, #tpu.memory_space<semaphore_mem>>
        %dma_start3A_1202 = tpu.memref_slice %arg3[%add3A_231] : memref<160000xi32, #tpu.memory_space<hbm>> -> memref<128xi32, #tpu.memory_space<hbm>>
        %dma_start3A_1203 = tpu.memref_slice %arg3[%add3A_231] : memref<160000xi32, #tpu.memory_space<hbm>> -> memref<128xi32, #tpu.memory_space<hbm>>
        tpu.enqueue_dma source(%dma_start3A_1203 : memref<128xi32, #tpu.memory_space<hbm>>) target(%arg8 : memref<128xi32, #tpu.memory_space<vmem>>) target_semaphore(%run_scoped3A : memref<!tpu.dma_semaphore, #tpu.memory_space<semaphore_mem>>)
        %dma_wait3A_1204 = tpu.memref_slice %arg3[%add3A_231] : memref<160000xi32, #tpu.memory_space<hbm>> -> memref<128xi32, #tpu.memory_space<hbm>>
        %dma_wait3A_1205 = tpu.memref_slice %arg3[%add3A_231] : memref<160000xi32, #tpu.memory_space<hbm>> -> memref<128xi32, #tpu.memory_space<hbm>>
        tpu.wait_dma2 semaphore(%run_scoped3A : memref<!tpu.dma_semaphore, #tpu.memory_space<semaphore_mem>>) src(%dma_wait3A_1205 : memref<128xi32, #tpu.memory_space<hbm>>) dst(%arg8 : memref<128xi32, #tpu.memory_space<vmem>>)
        tpu.yield
      }) : () -> ()
      "tpu.region"() ({
        %run_scoped3A = tpu.sem_alloc : memref<!tpu.dma_semaphore, #tpu.memory_space<semaphore_mem>>
        %dma_start3A_1202 = tpu.memref_slice %arg4[%add3A_231] : memref<160000xi32, #tpu.memory_space<hbm>> -> memref<128xi32, #tpu.memory_space<hbm>>
        %dma_start3A_1203 = tpu.memref_slice %arg4[%add3A_231] : memref<160000xi32, #tpu.memory_space<hbm>> -> memref<128xi32, #tpu.memory_space<hbm>>
        tpu.enqueue_dma source(%dma_start3A_1203 : memref<128xi32, #tpu.memory_space<hbm>>) target(%arg10 : memref<128xi32, #tpu.memory_space<vmem>>) target_semaphore(%run_scoped3A : memref<!tpu.dma_semaphore, #tpu.memory_space<semaphore_mem>>)
        %dma_wait3A_1204 = tpu.memref_slice %arg4[%add3A_231] : memref<160000xi32, #tpu.memory_space<hbm>> -> memref<128xi32, #tpu.memory_space<hbm>>
        %dma_wait3A_1205 = tpu.memref_slice %arg4[%add3A_231] : memref<160000xi32, #tpu.memory_space<hbm>> -> memref<128xi32, #tpu.memory_space<hbm>>
        tpu.wait_dma2 semaphore(%run_scoped3A : memref<!tpu.dma_semaphore, #tpu.memory_space<semaphore_mem>>) src(%dma_wait3A_1205 : memref<128xi32, #tpu.memory_space<hbm>>) dst(%arg10 : memref<128xi32, #tpu.memory_space<vmem>>)
        tpu.yield
      }) : () -> ()
      %get3A_232 = arith.constant 0 : index
      %get3A_233 = tpu.vector_load %arg8[%get3A_232] {strides = array<i32>} : memref<128xi32, #tpu.memory_space<vmem>>, vector<16xi32>,
      %get3A_234 = vector.shape_cast %get3A_233 : vector<16xi32> to vector<16xi32>
      %add3A_235 = arith.addi %get3A_234, %get3A_234 : vector<16xi32>
      %add3A_236 = vector.broadcast %arg0 : i32 to vector<16xi32>
      %add3A_237 = arith.addi %add3A_235, %add3A_236 : vector<16xi32>
      %swap3A_238 = arith.constant 0 : index
      %swap3A_239 = tpu.vector_load %arg12[%swap3A_238] {strides = array<i32>} : memref<128xi32, #tpu.memory_space<vmem>>, vector<16xi32>,
      %swap3A_240 = vector.shape_cast %swap3A_239 : vector<16xi32> to vector<16xi32>
      %swap3A_241 = vector.shape_cast %add3A_237 : vector<16xi32> to vector<16xi32>
      tpu.vector_store %arg12[%swap3A_238], %swap3A_241 {strides = array<i32>} : memref<128xi32, #tpu.memory_space<vmem>>, vector<16xi32>,
      %get3A_242 = arith.constant 16 : index
      %get3A_243 = tpu.vector_load %arg8[%get3A_242] {strides = array<i32>} : memref<128xi32, #tpu.memory_space<vmem>>, vector<16xi32>,
      %get3A_244 = vector.shape_cast %get3A_243 : vector<16xi32> to vector<16xi32>
      %add3A_245 = arith.addi %get3A_244, %get3A_244 : vector<16xi32>
      %add3A_246 = vector.broadcast %arg0 : i32 to vector<16xi32>
      %add3A_247 = arith.addi %add3A_245, %add3A_246 : vector<16xi32>
      %swap3A_248 = arith.constant 16 : index
      %swap3A_249 = tpu.vector_load %arg12[%swap3A_248] {strides = array<i32>} : memref<128xi32, #tpu.memory_space<vmem>>, vector<16xi32>,
      %swap3A_250 = vector.shape_cast %swap3A_249 : vector<16xi32> to vector<16xi32>
      %swap3A_251 = vector.shape_cast %add3A_247 : vector<16xi32> to vector<16xi32>
      tpu.vector_store %arg12[%swap3A_248], %swap3A_251 {strides = array<i32>} : memref<128xi32, #tpu.memory_space<vmem>>, vector<16xi32>,
      %get3A_252 = arith.constant 32 : index
      %get3A_253 = tpu.vector_load %arg8[%get3A_252] {strides = array<i32>} : memref<128xi32, #tpu.memory_space<vmem>>, vector<16xi32>,
      %get3A_254 = vector.shape_cast %get3A_253 : vector<16xi32> to vector<16xi32>
      %add3A_255 = arith.addi %get3A_254, %get3A_254 : vector<16xi32>
      %add3A_256 = vector.broadcast %arg0 : i32 to vector<16xi32>
      %add3A_257 = arith.addi %add3A_255, %add3A_256 : vector<16xi32>
      %swap3A_258 = arith.constant 32 : index
      %swap3A_259 = tpu.vector_load %arg12[%swap3A_258] {strides = array<i32>} : memref<128xi32, #tpu.memory_space<vmem>>, vector<16xi32>,
      %swap3A_260 = vector.shape_cast %swap3A_259 : vector<16xi32> to vector<16xi32>
      %swap3A_261 = vector.shape_cast %add3A_257 : vector<16xi32> to vector<16xi32>
      tpu.vector_store %arg12[%swap3A_258], %swap3A_261 {strides = array<i32>} : memref<128xi32, #tpu.memory_space<vmem>>, vector<16xi32>,
      %get3A_262 = arith.constant 48 : index
      %get3A_263 = tpu.vector_load %arg8[%get3A_262] {strides = array<i32>} : memref<128xi32, #tpu.memory_space<vmem>>, vector<16xi32>,
      %get3A_264 = vector.shape_cast %get3A_263 : vector<16xi32> to vector<16xi32>
      %add3A_265 = arith.addi %get3A_264, %get3A_264 : vector<16xi32>
      %add3A_266 = vector.broadcast %arg0 : i32 to vector<16xi32>
      %add3A_267 = arith.addi %add3A_265, %add3A_266 : vector<16xi32>
      %swap3A_268 = arith.constant 48 : index
      %swap3A_269 = tpu.vector_load %arg12[%swap3A_268] {strides = array<i32>} : memref<128xi32, #tpu.memory_space<vmem>>, vector<16xi32>,
      %swap3A_270 = vector.shape_cast %swap3A_269 : vector<16xi32> to vector<16xi32>
      %swap3A_271 = vector.shape_cast %add3A_267 : vector<16xi32> to vector<16xi32>
      tpu.vector_store %arg12[%swap3A_268], %swap3A_271 {strides = array<i32>} : memref<128xi32, #tpu.memory_space<vmem>>, vector<16xi32>,
      %get3A_272 = arith.constant 64 : index
      %get3A_273 = tpu.vector_load %arg8[%get3A_272] {strides = array<i32>} : memref<128xi32, #tpu.memory_space<vmem>>, vector<16xi32>,
      %get3A_274 = vector.shape_cast %get3A_273 : vector<16xi32> to vector<16xi32>
      %add3A_275 = arith.addi %get3A_274, %get3A_274 : vector<16xi32>
      %add3A_276 = vector.broadcast %arg0 : i32 to vector<16xi32>
      %add3A_277 = arith.addi %add3A_275, %add3A_276 : vector<16xi32>
      %swap3A_278 = arith.constant 64 : index
      %swap3A_279 = tpu.vector_load %arg12[%swap3A_278] {strides = array<i32>} : memref<128xi32, #tpu.memory_space<vmem>>, vector<16xi32>,
      %swap3A_280 = vector.shape_cast %swap3A_279 : vector<16xi32> to vector<16xi32>
      %swap3A_281 = vector.shape_cast %add3A_277 : vector<16xi32> to vector<16xi32>
      tpu.vector_store %arg12[%swap3A_278], %swap3A_281 {strides = array<i32>} : memref<128xi32, #tpu.memory_space<vmem>>, vector<16xi32>,
      %get3A_282 = arith.constant 80 : index
      %get3A_283 = tpu.vector_load %arg8[%get3A_282] {strides = array<i32>} : memref<128xi32, #tpu.memory_space<vmem>>, vector<16xi32>,
      %get3A_284 = vector.shape_cast %get3A_283 : vector<16xi32> to vector<16xi32>
      %add3A_285 = arith.addi %get3A_284, %get3A_284 : vector<16xi32>
      %add3A_286 = vector.broadcast %arg0 : i32 to vector<16xi32>
      %add3A_287 = arith.addi %add3A_285, %add3A_286 : vector<16xi32>
      %swap3A_288 = arith.constant 80 : index
      %swap3A_289 = tpu.vector_load %arg12[%swap3A_288] {strides = array<i32>} : memref<128xi32, #tpu.memory_space<vmem>>, vector<16xi32>,
      %swap3A_290 = vector.shape_cast %swap3A_289 : vector<16xi32> to vector<16xi32>
      %swap3A_291 = vector.shape_cast %add3A_287 : vector<16xi32> to vector<16xi32>
      tpu.vector_store %arg12[%swap3A_288], %swap3A_291 {strides = array<i32>} : memref<128xi32, #tpu.memory_space<vmem>>, vector<16xi32>,
      %get3A_292 = arith.constant 96 : index
      %get3A_293 = tpu.vector_load %arg8[%get3A_292] {strides = array<i32>} : memref<128xi32, #tpu.memory_space<vmem>>, vector<16xi32>,
      %get3A_294 = vector.shape_cast %get3A_293 : vector<16xi32> to vector<16xi32>
      %add3A_295 = arith.addi %get3A_294, %get3A_294 : vector<16xi32>
      %add3A_296 = vector.broadcast %arg0 : i32 to vector<16xi32>
      %add3A_297 = arith.addi %add3A_295, %add3A_296 : vector<16xi32>
      %swap3A_298 = arith.constant 96 : index
      %swap3A_299 = tpu.vector_load %arg12[%swap3A_298] {strides = array<i32>} : memref<128xi32, #tpu.memory_space<vmem>>, vector<16xi32>,
      %swap3A_300 = vector.shape_cast %swap3A_299 : vector<16xi32> to vector<16xi32>
      %swap3A_301 = vector.shape_cast %add3A_297 : vector<16xi32> to vector<16xi32>
      tpu.vector_store %arg12[%swap3A_298], %swap3A_301 {strides = array<i32>} : memref<128xi32, #tpu.memory_space<vmem>>, vector<16xi32>,
      %get3A_302 = arith.constant 112 : index
      %get3A_303 = tpu.vector_load %arg8[%get3A_302] {strides = array<i32>} : memref<128xi32, #tpu.memory_space<vmem>>, vector<16xi32>,
      %get3A_304 = vector.shape_cast %get3A_303 : vector<16xi32> to vector<16xi32>
      %add3A_305 = arith.addi %get3A_304, %get3A_304 : vector<16xi32>
      %add3A_306 = vector.broadcast %arg0 : i32 to vector<16xi32>
      %add3A_307 = arith.addi %add3A_305, %add3A_306 : vector<16xi32>
      %swap3A_308 = arith.constant 112 : index
      %swap3A_309 = tpu.vector_load %arg12[%swap3A_308] {strides = array<i32>} : memref<128xi32, #tpu.memory_space<vmem>>, vector<16xi32>,
      %swap3A_310 = vector.shape_cast %swap3A_309 : vector<16xi32> to vector<16xi32>
      %swap3A_311 = vector.shape_cast %add3A_307 : vector<16xi32> to vector<16xi32>
      tpu.vector_store %arg12[%swap3A_308], %swap3A_311 {strides = array<i32>} : memref<128xi32, #tpu.memory_space<vmem>>, vector<16xi32>,
      %dma_start3A_312 = arith.constant 0 : i32
      %dma_start3A_313 = arith.constant 0 : i32
      %dma_start3A_314 = tpu.memref_slice %arg2[%dma_start3A_312, %dma_start3A_313] : memref<20000x128xf32, #tpu.memory_space<hbm>> -> memref<20000x128xf32, #tpu.memory_space<hbm>>
      tpu.enqueue_indirect_dma source(%dma_start3A_314 : memref<20000x128xf32, #tpu.memory_space<hbm>>) target(%arg6 : memref<128x128xf32, #tpu.memory_space<vmem>>) offsets(%arg12 : memref<128xi32, #tpu.memory_space<vmem>>) semaphore(%arg19 : memref<!tpu.dma_semaphore, #tpu.memory_space<semaphore_mem>>)
      %dma_wait3A_315 = arith.constant 0 : i32
      %dma_wait3A_316 = arith.constant 0 : i32
      %dma_wait3A_317 = tpu.memref_slice %arg2[%dma_wait3A_315, %dma_wait3A_316] : memref<20000x128xf32, #tpu.memory_space<hbm>> -> memref<20000x128xf32, #tpu.memory_space<hbm>>
      tpu.wait_indirect_dma semaphore(%arg20 : memref<!tpu.dma_semaphore, #tpu.memory_space<semaphore_mem>>) src(%dma_wait3A_317 : memref<20000x128xf32, #tpu.memory_space<hbm>>) dst(%arg7 : memref<128x128xf32, #tpu.memory_space<vmem>>)
      "tpu.region"() ({
        %run_scoped3A = tpu.sem_alloc : memref<!tpu.dma_semaphore, #tpu.memory_space<semaphore_mem>>
        %dma_start3A_1202 = arith.constant 0 : i32
        %dma_start3A_1203 = arith.constant 0 : i32
        %dma_start3A_1204 = tpu.memref_slice %arg18[%dma_start3A_1202, %dma_start3A_1203] : memref<10240x128xf32, #tpu.memory_space<vmem_shared>> -> memref<10240x128xf32, #tpu.memory_space<vmem_shared>>
        tpu.enqueue_indirect_dma source(%arg7 : memref<128x128xf32, #tpu.memory_space<vmem>>) target(%dma_start3A_1204 : memref<10240x128xf32, #tpu.memory_space<vmem_shared>>) offsets(%arg11 : memref<128xi32, #tpu.memory_space<vmem>>) semaphore(%run_scoped3A : memref<!tpu.dma_semaphore, #tpu.memory_space<semaphore_mem>>) {add = true}
        %dma_wait3A_1205 = arith.constant 0 : i32
        %dma_wait3A_1206 = arith.constant 0 : i32
        %dma_wait3A_1207 = tpu.memref_slice %arg18[%dma_wait3A_1205, %dma_wait3A_1206] : memref<10240x128xf32, #tpu.memory_space<vmem_shared>> -> memref<10240x128xf32, #tpu.memory_space<vmem_shared>>
        tpu.wait_indirect_dma semaphore(%run_scoped3A : memref<!tpu.dma_semaphore, #tpu.memory_space<semaphore_mem>>) src(%arg7 : memref<128x128xf32, #tpu.memory_space<vmem>>) dst(%dma_wait3A_1207 : memref<10240x128xf32, #tpu.memory_space<vmem_shared>>)
        tpu.yield
      }) : () -> ()
      %add3A_318 = arith.constant 384 : i32
      %add3A_319 = arith.addi %multiple_of3A_58, %add3A_318 : i32
      "tpu.region"() ({
        %run_scoped3A = tpu.sem_alloc : memref<!tpu.dma_semaphore, #tpu.memory_space<semaphore_mem>>
        %dma_start3A_1202 = tpu.memref_slice %arg3[%add3A_319] : memref<160000xi32, #tpu.memory_space<hbm>> -> memref<128xi32, #tpu.memory_space<hbm>>
        %dma_start3A_1203 = tpu.memref_slice %arg3[%add3A_319] : memref<160000xi32, #tpu.memory_space<hbm>> -> memref<128xi32, #tpu.memory_space<hbm>>
        tpu.enqueue_dma source(%dma_start3A_1203 : memref<128xi32, #tpu.memory_space<hbm>>) target(%arg9 : memref<128xi32, #tpu.memory_space<vmem>>) target_semaphore(%run_scoped3A : memref<!tpu.dma_semaphore, #tpu.memory_space<semaphore_mem>>)
        %dma_wait3A_1204 = tpu.memref_slice %arg3[%add3A_319] : memref<160000xi32, #tpu.memory_space<hbm>> -> memref<128xi32, #tpu.memory_space<hbm>>
        %dma_wait3A_1205 = tpu.memref_slice %arg3[%add3A_319] : memref<160000xi32, #tpu.memory_space<hbm>> -> memref<128xi32, #tpu.memory_space<hbm>>
        tpu.wait_dma2 semaphore(%run_scoped3A : memref<!tpu.dma_semaphore, #tpu.memory_space<semaphore_mem>>) src(%dma_wait3A_1205 : memref<128xi32, #tpu.memory_space<hbm>>) dst(%arg9 : memref<128xi32, #tpu.memory_space<vmem>>)
        tpu.yield
      }) : () -> ()
      "tpu.region"() ({
        %run_scoped3A = tpu.sem_alloc : memref<!tpu.dma_semaphore, #tpu.memory_space<semaphore_mem>>
        %dma_start3A_1202 = tpu.memref_slice %arg4[%add3A_319] : memref<160000xi32, #tpu.memory_space<hbm>> -> memref<128xi32, #tpu.memory_space<hbm>>
        %dma_start3A_1203 = tpu.memref_slice %arg4[%add3A_319] : memref<160000xi32, #tpu.memory_space<hbm>> -> memref<128xi32, #tpu.memory_space<hbm>>
        tpu.enqueue_dma source(%dma_start3A_1203 : memref<128xi32, #tpu.memory_space<hbm>>) target(%arg11 : memref<128xi32, #tpu.memory_space<vmem>>) target_semaphore(%run_scoped3A : memref<!tpu.dma_semaphore, #tpu.memory_space<semaphore_mem>>)
        %dma_wait3A_1204 = tpu.memref_slice %arg4[%add3A_319] : memref<160000xi32, #tpu.memory_space<hbm>> -> memref<128xi32, #tpu.memory_space<hbm>>
        %dma_wait3A_1205 = tpu.memref_slice %arg4[%add3A_319] : memref<160000xi32, #tpu.memory_space<hbm>> -> memref<128xi32, #tpu.memory_space<hbm>>
        tpu.wait_dma2 semaphore(%run_scoped3A : memref<!tpu.dma_semaphore, #tpu.memory_space<semaphore_mem>>) src(%dma_wait3A_1205 : memref<128xi32, #tpu.memory_space<hbm>>) dst(%arg11 : memref<128xi32, #tpu.memory_space<vmem>>)
        tpu.yield
      }) : () -> ()
      %get3A_320 = arith.constant 0 : index
      %get3A_321 = tpu.vector_load %arg9[%get3A_320] {strides = array<i32>} : memref<128xi32, #tpu.memory_space<vmem>>, vector<16xi32>,
      %get3A_322 = vector.shape_cast %get3A_321 : vector<16xi32> to vector<16xi32>
      %add3A_323 = arith.addi %get3A_322, %get3A_322 : vector<16xi32>
      %add3A_324 = vector.broadcast %arg0 : i32 to vector<16xi32>
      %add3A_325 = arith.addi %add3A_323, %add3A_324 : vector<16xi32>
      %swap3A_326 = arith.constant 0 : index
      %swap3A_327 = tpu.vector_load %arg13[%swap3A_326] {strides = array<i32>} : memref<128xi32, #tpu.memory_space<vmem>>, vector<16xi32>,
      %swap3A_328 = vector.shape_cast %swap3A_327 : vector<16xi32> to vector<16xi32>
      %swap3A_329 = vector.shape_cast %add3A_325 : vector<16xi32> to vector<16xi32>
      tpu.vector_store %arg13[%swap3A_326], %swap3A_329 {strides = array<i32>} : memref<128xi32, #tpu.memory_space<vmem>>, vector<16xi32>,
      %get3A_330 = arith.constant 16 : index
      %get3A_331 = tpu.vector_load %arg9[%get3A_330] {strides = array<i32>} : memref<128xi32, #tpu.memory_space<vmem>>, vector<16xi32>,
      %get3A_332 = vector.shape_cast %get3A_331 : vector<16xi32> to vector<16xi32>
      %add3A_333 = arith.addi %get3A_332, %get3A_332 : vector<16xi32>
      %add3A_334 = vector.broadcast %arg0 : i32 to vector<16xi32>
      %add3A_335 = arith.addi %add3A_333, %add3A_334 : vector<16xi32>
      %swap3A_336 = arith.constant 16 : index
      %swap3A_337 = tpu.vector_load %arg13[%swap3A_336] {strides = array<i32>} : memref<128xi32, #tpu.memory_space<vmem>>, vector<16xi32>,
      %swap3A_338 = vector.shape_cast %swap3A_337 : vector<16xi32> to vector<16xi32>
      %swap3A_339 = vector.shape_cast %add3A_335 : vector<16xi32> to vector<16xi32>
      tpu.vector_store %arg13[%swap3A_336], %swap3A_339 {strides = array<i32>} : memref<128xi32, #tpu.memory_space<vmem>>, vector<16xi32>,
      %get3A_340 = arith.constant 32 : index
      %get3A_341 = tpu.vector_load %arg9[%get3A_340] {strides = array<i32>} : memref<128xi32, #tpu.memory_space<vmem>>, vector<16xi32>,
      %get3A_342 = vector.shape_cast %get3A_341 : vector<16xi32> to vector<16xi32>
      %add3A_343 = arith.addi %get3A_342, %get3A_342 : vector<16xi32>
      %add3A_344 = vector.broadcast %arg0 : i32 to vector<16xi32>
      %add3A_345 = arith.addi %add3A_343, %add3A_344 : vector<16xi32>
      %swap3A_346 = arith.constant 32 : index
      %swap3A_347 = tpu.vector_load %arg13[%swap3A_346] {strides = array<i32>} : memref<128xi32, #tpu.memory_space<vmem>>, vector<16xi32>,
      %swap3A_348 = vector.shape_cast %swap3A_347 : vector<16xi32> to vector<16xi32>
      %swap3A_349 = vector.shape_cast %add3A_345 : vector<16xi32> to vector<16xi32>
      tpu.vector_store %arg13[%swap3A_346], %swap3A_349 {strides = array<i32>} : memref<128xi32, #tpu.memory_space<vmem>>, vector<16xi32>,
      %get3A_350 = arith.constant 48 : index
      %get3A_351 = tpu.vector_load %arg9[%get3A_350] {strides = array<i32>} : memref<128xi32, #tpu.memory_space<vmem>>, vector<16xi32>,
      %get3A_352 = vector.shape_cast %get3A_351 : vector<16xi32> to vector<16xi32>
      %add3A_353 = arith.addi %get3A_352, %get3A_352 : vector<16xi32>
      %add3A_354 = vector.broadcast %arg0 : i32 to vector<16xi32>
      %add3A_355 = arith.addi %add3A_353, %add3A_354 : vector<16xi32>
      %swap3A_356 = arith.constant 48 : index
      %swap3A_357 = tpu.vector_load %arg13[%swap3A_356] {strides = array<i32>} : memref<128xi32, #tpu.memory_space<vmem>>, vector<16xi32>,
      %swap3A_358 = vector.shape_cast %swap3A_357 : vector<16xi32> to vector<16xi32>
      %swap3A_359 = vector.shape_cast %add3A_355 : vector<16xi32> to vector<16xi32>
      tpu.vector_store %arg13[%swap3A_356], %swap3A_359 {strides = array<i32>} : memref<128xi32, #tpu.memory_space<vmem>>, vector<16xi32>,
      %get3A_360 = arith.constant 64 : index
      %get3A_361 = tpu.vector_load %arg9[%get3A_360] {strides = array<i32>} : memref<128xi32, #tpu.memory_space<vmem>>, vector<16xi32>,
      %get3A_362 = vector.shape_cast %get3A_361 : vector<16xi32> to vector<16xi32>
      %add3A_363 = arith.addi %get3A_362, %get3A_362 : vector<16xi32>
      %add3A_364 = vector.broadcast %arg0 : i32 to vector<16xi32>
      %add3A_365 = arith.addi %add3A_363, %add3A_364 : vector<16xi32>
      %swap3A_366 = arith.constant 64 : index
      %swap3A_367 = tpu.vector_load %arg13[%swap3A_366] {strides = array<i32>} : memref<128xi32, #tpu.memory_space<vmem>>, vector<16xi32>,
      %swap3A_368 = vector.shape_cast %swap3A_367 : vector<16xi32> to vector<16xi32>
      %swap3A_369 = vector.shape_cast %add3A_365 : vector<16xi32> to vector<16xi32>
      tpu.vector_store %arg13[%swap3A_366], %swap3A_369 {strides = array<i32>} : memref<128xi32, #tpu.memory_space<vmem>>, vector<16xi32>,
      %get3A_370 = arith.constant 80 : index
      %get3A_371 = tpu.vector_load %arg9[%get3A_370] {strides = array<i32>} : memref<128xi32, #tpu.memory_space<vmem>>, vector<16xi32>,
      %get3A_372 = vector.shape_cast %get3A_371 : vector<16xi32> to vector<16xi32>
      %add3A_373 = arith.addi %get3A_372, %get3A_372 : vector<16xi32>
      %add3A_374 = vector.broadcast %arg0 : i32 to vector<16xi32>
      %add3A_375 = arith.addi %add3A_373, %add3A_374 : vector<16xi32>
      %swap3A_376 = arith.constant 80 : index
      %swap3A_377 = tpu.vector_load %arg13[%swap3A_376] {strides = array<i32>} : memref<128xi32, #tpu.memory_space<vmem>>, vector<16xi32>,
      %swap3A_378 = vector.shape_cast %swap3A_377 : vector<16xi32> to vector<16xi32>
      %swap3A_379 = vector.shape_cast %add3A_375 : vector<16xi32> to vector<16xi32>
      tpu.vector_store %arg13[%swap3A_376], %swap3A_379 {strides = array<i32>} : memref<128xi32, #tpu.memory_space<vmem>>, vector<16xi32>,
      %get3A_380 = arith.constant 96 : index
      %get3A_381 = tpu.vector_load %arg9[%get3A_380] {strides = array<i32>} : memref<128xi32, #tpu.memory_space<vmem>>, vector<16xi32>,
      %get3A_382 = vector.shape_cast %get3A_381 : vector<16xi32> to vector<16xi32>
      %add3A_383 = arith.addi %get3A_382, %get3A_382 : vector<16xi32>
      %add3A_384 = vector.broadcast %arg0 : i32 to vector<16xi32>
      %add3A_385 = arith.addi %add3A_383, %add3A_384 : vector<16xi32>
      %swap3A_386 = arith.constant 96 : index
      %swap3A_387 = tpu.vector_load %arg13[%swap3A_386] {strides = array<i32>} : memref<128xi32, #tpu.memory_space<vmem>>, vector<16xi32>,
      %swap3A_388 = vector.shape_cast %swap3A_387 : vector<16xi32> to vector<16xi32>
      %swap3A_389 = vector.shape_cast %add3A_385 : vector<16xi32> to vector<16xi32>
      tpu.vector_store %arg13[%swap3A_386], %swap3A_389 {strides = array<i32>} : memref<128xi32, #tpu.memory_space<vmem>>, vector<16xi32>,
      %get3A_390 = arith.constant 112 : index
      %get3A_391 = tpu.vector_load %arg9[%get3A_390] {strides = array<i32>} : memref<128xi32, #tpu.memory_space<vmem>>, vector<16xi32>,
      %get3A_392 = vector.shape_cast %get3A_391 : vector<16xi32> to vector<16xi32>
      %add3A_393 = arith.addi %get3A_392, %get3A_392 : vector<16xi32>
      %add3A_394 = vector.broadcast %arg0 : i32 to vector<16xi32>
      %add3A_395 = arith.addi %add3A_393, %add3A_394 : vector<16xi32>
      %swap3A_396 = arith.constant 112 : index
      %swap3A_397 = tpu.vector_load %arg13[%swap3A_396] {strides = array<i32>} : memref<128xi32, #tpu.memory_space<vmem>>, vector<16xi32>,
      %swap3A_398 = vector.shape_cast %swap3A_397 : vector<16xi32> to vector<16xi32>
      %swap3A_399 = vector.shape_cast %add3A_395 : vector<16xi32> to vector<16xi32>
      tpu.vector_store %arg13[%swap3A_396], %swap3A_399 {strides = array<i32>} : memref<128xi32, #tpu.memory_space<vmem>>, vector<16xi32>,
      %dma_start3A_400 = arith.constant 0 : i32
      %dma_start3A_401 = arith.constant 0 : i32
      %dma_start3A_402 = tpu.memref_slice %arg2[%dma_start3A_400, %dma_start3A_401] : memref<20000x128xf32, #tpu.memory_space<hbm>> -> memref<20000x128xf32, #tpu.memory_space<hbm>>
      tpu.enqueue_indirect_dma source(%dma_start3A_402 : memref<20000x128xf32, #tpu.memory_space<hbm>>) target(%arg7 : memref<128x128xf32, #tpu.memory_space<vmem>>) offsets(%arg13 : memref<128xi32, #tpu.memory_space<vmem>>) semaphore(%arg20 : memref<!tpu.dma_semaphore, #tpu.memory_space<semaphore_mem>>)
      %dma_wait3A_403 = arith.constant 0 : i32
      %dma_wait3A_404 = arith.constant 0 : i32
      %dma_wait3A_405 = tpu.memref_slice %arg2[%dma_wait3A_403, %dma_wait3A_404] : memref<20000x128xf32, #tpu.memory_space<hbm>> -> memref<20000x128xf32, #tpu.memory_space<hbm>>
      tpu.wait_indirect_dma semaphore(%arg19 : memref<!tpu.dma_semaphore, #tpu.memory_space<semaphore_mem>>) src(%dma_wait3A_405 : memref<20000x128xf32, #tpu.memory_space<hbm>>) dst(%arg6 : memref<128x128xf32, #tpu.memory_space<vmem>>)
      "tpu.region"() ({
        %run_scoped3A = tpu.sem_alloc : memref<!tpu.dma_semaphore, #tpu.memory_space<semaphore_mem>>
        %dma_start3A_1202 = arith.constant 0 : i32
        %dma_start3A_1203 = arith.constant 0 : i32
        %dma_start3A_1204 = tpu.memref_slice %arg18[%dma_start3A_1202, %dma_start3A_1203] : memref<10240x128xf32, #tpu.memory_space<vmem_shared>> -> memref<10240x128xf32, #tpu.memory_space<vmem_shared>>
        tpu.enqueue_indirect_dma source(%arg6 : memref<128x128xf32, #tpu.memory_space<vmem>>) target(%dma_start3A_1204 : memref<10240x128xf32, #tpu.memory_space<vmem_shared>>) offsets(%arg10 : memref<128xi32, #tpu.memory_space<vmem>>) semaphore(%run_scoped3A : memref<!tpu.dma_semaphore, #tpu.memory_space<semaphore_mem>>) {add = true}
        %dma_wait3A_1205 = arith.constant 0 : i32
        %dma_wait3A_1206 = arith.constant 0 : i32
        %dma_wait3A_1207 = tpu.memref_slice %arg18[%dma_wait3A_1205, %dma_wait3A_1206] : memref<10240x128xf32, #tpu.memory_space<vmem_shared>> -> memref<10240x128xf32, #tpu.memory_space<vmem_shared>>
        tpu.wait_indirect_dma semaphore(%run_scoped3A : memref<!tpu.dma_semaphore, #tpu.memory_space<semaphore_mem>>) src(%arg6 : memref<128x128xf32, #tpu.memory_space<vmem>>) dst(%dma_wait3A_1207 : memref<10240x128xf32, #tpu.memory_space<vmem_shared>>)
        tpu.yield
      }) : () -> ()
      %add3A_406 = arith.constant 512 : i32
      %add3A_407 = arith.addi %multiple_of3A_58, %add3A_406 : i32
      "tpu.region"() ({
        %run_scoped3A = tpu.sem_alloc : memref<!tpu.dma_semaphore, #tpu.memory_space<semaphore_mem>>
        %dma_start3A_1202 = tpu.memref_slice %arg3[%add3A_407] : memref<160000xi32, #tpu.memory_space<hbm>> -> memref<128xi32, #tpu.memory_space<hbm>>
        %dma_start3A_1203 = tpu.memref_slice %arg3[%add3A_407] : memref<160000xi32, #tpu.memory_space<hbm>> -> memref<128xi32, #tpu.memory_space<hbm>>
        tpu.enqueue_dma source(%dma_start3A_1203 : memref<128xi32, #tpu.memory_space<hbm>>) target(%arg8 : memref<128xi32, #tpu.memory_space<vmem>>) target_semaphore(%run_scoped3A : memref<!tpu.dma_semaphore, #tpu.memory_space<semaphore_mem>>)
        %dma_wait3A_1204 = tpu.memref_slice %arg3[%add3A_407] : memref<160000xi32, #tpu.memory_space<hbm>> -> memref<128xi32, #tpu.memory_space<hbm>>
        %dma_wait3A_1205 = tpu.memref_slice %arg3[%add3A_407] : memref<160000xi32, #tpu.memory_space<hbm>> -> memref<128xi32, #tpu.memory_space<hbm>>
        tpu.wait_dma2 semaphore(%run_scoped3A : memref<!tpu.dma_semaphore, #tpu.memory_space<semaphore_mem>>) src(%dma_wait3A_1205 : memref<128xi32, #tpu.memory_space<hbm>>) dst(%arg8 : memref<128xi32, #tpu.memory_space<vmem>>)
        tpu.yield
      }) : () -> ()
      "tpu.region"() ({
        %run_scoped3A = tpu.sem_alloc : memref<!tpu.dma_semaphore, #tpu.memory_space<semaphore_mem>>
        %dma_start3A_1202 = tpu.memref_slice %arg4[%add3A_407] : memref<160000xi32, #tpu.memory_space<hbm>> -> memref<128xi32, #tpu.memory_space<hbm>>
        %dma_start3A_1203 = tpu.memref_slice %arg4[%add3A_407] : memref<160000xi32, #tpu.memory_space<hbm>> -> memref<128xi32, #tpu.memory_space<hbm>>
        tpu.enqueue_dma source(%dma_start3A_1203 : memref<128xi32, #tpu.memory_space<hbm>>) target(%arg10 : memref<128xi32, #tpu.memory_space<vmem>>) target_semaphore(%run_scoped3A : memref<!tpu.dma_semaphore, #tpu.memory_space<semaphore_mem>>)
        %dma_wait3A_1204 = tpu.memref_slice %arg4[%add3A_407] : memref<160000xi32, #tpu.memory_space<hbm>> -> memref<128xi32, #tpu.memory_space<hbm>>
        %dma_wait3A_1205 = tpu.memref_slice %arg4[%add3A_407] : memref<160000xi32, #tpu.memory_space<hbm>> -> memref<128xi32, #tpu.memory_space<hbm>>
        tpu.wait_dma2 semaphore(%run_scoped3A : memref<!tpu.dma_semaphore, #tpu.memory_space<semaphore_mem>>) src(%dma_wait3A_1205 : memref<128xi32, #tpu.memory_space<hbm>>) dst(%arg10 : memref<128xi32, #tpu.memory_space<vmem>>)
        tpu.yield
      }) : () -> ()
      %get3A_408 = arith.constant 0 : index
      %get3A_409 = tpu.vector_load %arg8[%get3A_408] {strides = array<i32>} : memref<128xi32, #tpu.memory_space<vmem>>, vector<16xi32>,
      %get3A_410 = vector.shape_cast %get3A_409 : vector<16xi32> to vector<16xi32>
      %add3A_411 = arith.addi %get3A_410, %get3A_410 : vector<16xi32>
      %add3A_412 = vector.broadcast %arg0 : i32 to vector<16xi32>
      %add3A_413 = arith.addi %add3A_411, %add3A_412 : vector<16xi32>
      %swap3A_414 = arith.constant 0 : index
      %swap3A_415 = tpu.vector_load %arg12[%swap3A_414] {strides = array<i32>} : memref<128xi32, #tpu.memory_space<vmem>>, vector<16xi32>,
      %swap3A_416 = vector.shape_cast %swap3A_415 : vector<16xi32> to vector<16xi32>
      %swap3A_417 = vector.shape_cast %add3A_413 : vector<16xi32> to vector<16xi32>
      tpu.vector_store %arg12[%swap3A_414], %swap3A_417 {strides = array<i32>} : memref<128xi32, #tpu.memory_space<vmem>>, vector<16xi32>,
      %get3A_418 = arith.constant 16 : index
      %get3A_419 = tpu.vector_load %arg8[%get3A_418] {strides = array<i32>} : memref<128xi32, #tpu.memory_space<vmem>>, vector<16xi32>,
      %get3A_420 = vector.shape_cast %get3A_419 : vector<16xi32> to vector<16xi32>
      %add3A_421 = arith.addi %get3A_420, %get3A_420 : vector<16xi32>
      %add3A_422 = vector.broadcast %arg0 : i32 to vector<16xi32>
      %add3A_423 = arith.addi %add3A_421, %add3A_422 : vector<16xi32>
      %swap3A_424 = arith.constant 16 : index
      %swap3A_425 = tpu.vector_load %arg12[%swap3A_424] {strides = array<i32>} : memref<128xi32, #tpu.memory_space<vmem>>, vector<16xi32>,
      %swap3A_426 = vector.shape_cast %swap3A_425 : vector<16xi32> to vector<16xi32>
      %swap3A_427 = vector.shape_cast %add3A_423 : vector<16xi32> to vector<16xi32>
      tpu.vector_store %arg12[%swap3A_424], %swap3A_427 {strides = array<i32>} : memref<128xi32, #tpu.memory_space<vmem>>, vector<16xi32>,
      %get3A_428 = arith.constant 32 : index
      %get3A_429 = tpu.vector_load %arg8[%get3A_428] {strides = array<i32>} : memref<128xi32, #tpu.memory_space<vmem>>, vector<16xi32>,
      %get3A_430 = vector.shape_cast %get3A_429 : vector<16xi32> to vector<16xi32>
      %add3A_431 = arith.addi %get3A_430, %get3A_430 : vector<16xi32>
      %add3A_432 = vector.broadcast %arg0 : i32 to vector<16xi32>
      %add3A_433 = arith.addi %add3A_431, %add3A_432 : vector<16xi32>
      %swap3A_434 = arith.constant 32 : index
      %swap3A_435 = tpu.vector_load %arg12[%swap3A_434] {strides = array<i32>} : memref<128xi32, #tpu.memory_space<vmem>>, vector<16xi32>,
      %swap3A_436 = vector.shape_cast %swap3A_435 : vector<16xi32> to vector<16xi32>
      %swap3A_437 = vector.shape_cast %add3A_433 : vector<16xi32> to vector<16xi32>
      tpu.vector_store %arg12[%swap3A_434], %swap3A_437 {strides = array<i32>} : memref<128xi32, #tpu.memory_space<vmem>>, vector<16xi32>,
      %get3A_438 = arith.constant 48 : index
      %get3A_439 = tpu.vector_load %arg8[%get3A_438] {strides = array<i32>} : memref<128xi32, #tpu.memory_space<vmem>>, vector<16xi32>,
      %get3A_440 = vector.shape_cast %get3A_439 : vector<16xi32> to vector<16xi32>
      %add3A_441 = arith.addi %get3A_440, %get3A_440 : vector<16xi32>
      %add3A_442 = vector.broadcast %arg0 : i32 to vector<16xi32>
      %add3A_443 = arith.addi %add3A_441, %add3A_442 : vector<16xi32>
      %swap3A_444 = arith.constant 48 : index
      %swap3A_445 = tpu.vector_load %arg12[%swap3A_444] {strides = array<i32>} : memref<128xi32, #tpu.memory_space<vmem>>, vector<16xi32>,
      %swap3A_446 = vector.shape_cast %swap3A_445 : vector<16xi32> to vector<16xi32>
      %swap3A_447 = vector.shape_cast %add3A_443 : vector<16xi32> to vector<16xi32>
      tpu.vector_store %arg12[%swap3A_444], %swap3A_447 {strides = array<i32>} : memref<128xi32, #tpu.memory_space<vmem>>, vector<16xi32>,
      %get3A_448 = arith.constant 64 : index
      %get3A_449 = tpu.vector_load %arg8[%get3A_448] {strides = array<i32>} : memref<128xi32, #tpu.memory_space<vmem>>, vector<16xi32>,
      %get3A_450 = vector.shape_cast %get3A_449 : vector<16xi32> to vector<16xi32>
      %add3A_451 = arith.addi %get3A_450, %get3A_450 : vector<16xi32>
      %add3A_452 = vector.broadcast %arg0 : i32 to vector<16xi32>
      %add3A_453 = arith.addi %add3A_451, %add3A_452 : vector<16xi32>
      %swap3A_454 = arith.constant 64 : index
      %swap3A_455 = tpu.vector_load %arg12[%swap3A_454] {strides = array<i32>} : memref<128xi32, #tpu.memory_space<vmem>>, vector<16xi32>,
      %swap3A_456 = vector.shape_cast %swap3A_455 : vector<16xi32> to vector<16xi32>
      %swap3A_457 = vector.shape_cast %add3A_453 : vector<16xi32> to vector<16xi32>
      tpu.vector_store %arg12[%swap3A_454], %swap3A_457 {strides = array<i32>} : memref<128xi32, #tpu.memory_space<vmem>>, vector<16xi32>,
      %get3A_458 = arith.constant 80 : index
      %get3A_459 = tpu.vector_load %arg8[%get3A_458] {strides = array<i32>} : memref<128xi32, #tpu.memory_space<vmem>>, vector<16xi32>,
      %get3A_460 = vector.shape_cast %get3A_459 : vector<16xi32> to vector<16xi32>
      %add3A_461 = arith.addi %get3A_460, %get3A_460 : vector<16xi32>
      %add3A_462 = vector.broadcast %arg0 : i32 to vector<16xi32>
      %add3A_463 = arith.addi %add3A_461, %add3A_462 : vector<16xi32>
      %swap3A_464 = arith.constant 80 : index
      %swap3A_465 = tpu.vector_load %arg12[%swap3A_464] {strides = array<i32>} : memref<128xi32, #tpu.memory_space<vmem>>, vector<16xi32>,
      %swap3A_466 = vector.shape_cast %swap3A_465 : vector<16xi32> to vector<16xi32>
      %swap3A_467 = vector.shape_cast %add3A_463 : vector<16xi32> to vector<16xi32>
      tpu.vector_store %arg12[%swap3A_464], %swap3A_467 {strides = array<i32>} : memref<128xi32, #tpu.memory_space<vmem>>, vector<16xi32>,
      %get3A_468 = arith.constant 96 : index
      %get3A_469 = tpu.vector_load %arg8[%get3A_468] {strides = array<i32>} : memref<128xi32, #tpu.memory_space<vmem>>, vector<16xi32>,
      %get3A_470 = vector.shape_cast %get3A_469 : vector<16xi32> to vector<16xi32>
      %add3A_471 = arith.addi %get3A_470, %get3A_470 : vector<16xi32>
      %add3A_472 = vector.broadcast %arg0 : i32 to vector<16xi32>
      %add3A_473 = arith.addi %add3A_471, %add3A_472 : vector<16xi32>
      %swap3A_474 = arith.constant 96 : index
      %swap3A_475 = tpu.vector_load %arg12[%swap3A_474] {strides = array<i32>} : memref<128xi32, #tpu.memory_space<vmem>>, vector<16xi32>,
      %swap3A_476 = vector.shape_cast %swap3A_475 : vector<16xi32> to vector<16xi32>
      %swap3A_477 = vector.shape_cast %add3A_473 : vector<16xi32> to vector<16xi32>
      tpu.vector_store %arg12[%swap3A_474], %swap3A_477 {strides = array<i32>} : memref<128xi32, #tpu.memory_space<vmem>>, vector<16xi32>,
      %get3A_478 = arith.constant 112 : index
      %get3A_479 = tpu.vector_load %arg8[%get3A_478] {strides = array<i32>} : memref<128xi32, #tpu.memory_space<vmem>>, vector<16xi32>,
      %get3A_480 = vector.shape_cast %get3A_479 : vector<16xi32> to vector<16xi32>
      %add3A_481 = arith.addi %get3A_480, %get3A_480 : vector<16xi32>
      %add3A_482 = vector.broadcast %arg0 : i32 to vector<16xi32>
      %add3A_483 = arith.addi %add3A_481, %add3A_482 : vector<16xi32>
      %swap3A_484 = arith.constant 112 : index
      %swap3A_485 = tpu.vector_load %arg12[%swap3A_484] {strides = array<i32>} : memref<128xi32, #tpu.memory_space<vmem>>, vector<16xi32>,
      %swap3A_486 = vector.shape_cast %swap3A_485 : vector<16xi32> to vector<16xi32>
      %swap3A_487 = vector.shape_cast %add3A_483 : vector<16xi32> to vector<16xi32>
      tpu.vector_store %arg12[%swap3A_484], %swap3A_487 {strides = array<i32>} : memref<128xi32, #tpu.memory_space<vmem>>, vector<16xi32>,
      %dma_start3A_488 = arith.constant 0 : i32
      %dma_start3A_489 = arith.constant 0 : i32
      %dma_start3A_490 = tpu.memref_slice %arg2[%dma_start3A_488, %dma_start3A_489] : memref<20000x128xf32, #tpu.memory_space<hbm>> -> memref<20000x128xf32, #tpu.memory_space<hbm>>
      tpu.enqueue_indirect_dma source(%dma_start3A_490 : memref<20000x128xf32, #tpu.memory_space<hbm>>) target(%arg6 : memref<128x128xf32, #tpu.memory_space<vmem>>) offsets(%arg12 : memref<128xi32, #tpu.memory_space<vmem>>) semaphore(%arg19 : memref<!tpu.dma_semaphore, #tpu.memory_space<semaphore_mem>>)
      %dma_wait3A_491 = arith.constant 0 : i32
      %dma_wait3A_492 = arith.constant 0 : i32
      %dma_wait3A_493 = tpu.memref_slice %arg2[%dma_wait3A_491, %dma_wait3A_492] : memref<20000x128xf32, #tpu.memory_space<hbm>> -> memref<20000x128xf32, #tpu.memory_space<hbm>>
      tpu.wait_indirect_dma semaphore(%arg20 : memref<!tpu.dma_semaphore, #tpu.memory_space<semaphore_mem>>) src(%dma_wait3A_493 : memref<20000x128xf32, #tpu.memory_space<hbm>>) dst(%arg7 : memref<128x128xf32, #tpu.memory_space<vmem>>)
      "tpu.region"() ({
        %run_scoped3A = tpu.sem_alloc : memref<!tpu.dma_semaphore, #tpu.memory_space<semaphore_mem>>
        %dma_start3A_1202 = arith.constant 0 : i32
        %dma_start3A_1203 = arith.constant 0 : i32
        %dma_start3A_1204 = tpu.memref_slice %arg18[%dma_start3A_1202, %dma_start3A_1203] : memref<10240x128xf32, #tpu.memory_space<vmem_shared>> -> memref<10240x128xf32, #tpu.memory_space<vmem_shared>>
        tpu.enqueue_indirect_dma source(%arg7 : memref<128x128xf32, #tpu.memory_space<vmem>>) target(%dma_start3A_1204 : memref<10240x128xf32, #tpu.memory_space<vmem_shared>>) offsets(%arg11 : memref<128xi32, #tpu.memory_space<vmem>>) semaphore(%run_scoped3A : memref<!tpu.dma_semaphore, #tpu.memory_space<semaphore_mem>>) {add = true}
        %dma_wait3A_1205 = arith.constant 0 : i32
        %dma_wait3A_1206 = arith.constant 0 : i32
        %dma_wait3A_1207 = tpu.memref_slice %arg18[%dma_wait3A_1205, %dma_wait3A_1206] : memref<10240x128xf32, #tpu.memory_space<vmem_shared>> -> memref<10240x128xf32, #tpu.memory_space<vmem_shared>>
        tpu.wait_indirect_dma semaphore(%run_scoped3A : memref<!tpu.dma_semaphore, #tpu.memory_space<semaphore_mem>>) src(%arg7 : memref<128x128xf32, #tpu.memory_space<vmem>>) dst(%dma_wait3A_1207 : memref<10240x128xf32, #tpu.memory_space<vmem_shared>>)
        tpu.yield
      }) : () -> ()
      %add3A_494 = arith.constant 640 : i32
      %add3A_495 = arith.addi %multiple_of3A_58, %add3A_494 : i32
      "tpu.region"() ({
        %run_scoped3A = tpu.sem_alloc : memref<!tpu.dma_semaphore, #tpu.memory_space<semaphore_mem>>
        %dma_start3A_1202 = tpu.memref_slice %arg3[%add3A_495] : memref<160000xi32, #tpu.memory_space<hbm>> -> memref<128xi32, #tpu.memory_space<hbm>>
        %dma_start3A_1203 = tpu.memref_slice %arg3[%add3A_495] : memref<160000xi32, #tpu.memory_space<hbm>> -> memref<128xi32, #tpu.memory_space<hbm>>
        tpu.enqueue_dma source(%dma_start3A_1203 : memref<128xi32, #tpu.memory_space<hbm>>) target(%arg9 : memref<128xi32, #tpu.memory_space<vmem>>) target_semaphore(%run_scoped3A : memref<!tpu.dma_semaphore, #tpu.memory_space<semaphore_mem>>)
        %dma_wait3A_1204 = tpu.memref_slice %arg3[%add3A_495] : memref<160000xi32, #tpu.memory_space<hbm>> -> memref<128xi32, #tpu.memory_space<hbm>>
        %dma_wait3A_1205 = tpu.memref_slice %arg3[%add3A_495] : memref<160000xi32, #tpu.memory_space<hbm>> -> memref<128xi32, #tpu.memory_space<hbm>>
        tpu.wait_dma2 semaphore(%run_scoped3A : memref<!tpu.dma_semaphore, #tpu.memory_space<semaphore_mem>>) src(%dma_wait3A_1205 : memref<128xi32, #tpu.memory_space<hbm>>) dst(%arg9 : memref<128xi32, #tpu.memory_space<vmem>>)
        tpu.yield
      }) : () -> ()
      "tpu.region"() ({
        %run_scoped3A = tpu.sem_alloc : memref<!tpu.dma_semaphore, #tpu.memory_space<semaphore_mem>>
        %dma_start3A_1202 = tpu.memref_slice %arg4[%add3A_495] : memref<160000xi32, #tpu.memory_space<hbm>> -> memref<128xi32, #tpu.memory_space<hbm>>
        %dma_start3A_1203 = tpu.memref_slice %arg4[%add3A_495] : memref<160000xi32, #tpu.memory_space<hbm>> -> memref<128xi32, #tpu.memory_space<hbm>>
        tpu.enqueue_dma source(%dma_start3A_1203 : memref<128xi32, #tpu.memory_space<hbm>>) target(%arg11 : memref<128xi32, #tpu.memory_space<vmem>>) target_semaphore(%run_scoped3A : memref<!tpu.dma_semaphore, #tpu.memory_space<semaphore_mem>>)
        %dma_wait3A_1204 = tpu.memref_slice %arg4[%add3A_495] : memref<160000xi32, #tpu.memory_space<hbm>> -> memref<128xi32, #tpu.memory_space<hbm>>
        %dma_wait3A_1205 = tpu.memref_slice %arg4[%add3A_495] : memref<160000xi32, #tpu.memory_space<hbm>> -> memref<128xi32, #tpu.memory_space<hbm>>
        tpu.wait_dma2 semaphore(%run_scoped3A : memref<!tpu.dma_semaphore, #tpu.memory_space<semaphore_mem>>) src(%dma_wait3A_1205 : memref<128xi32, #tpu.memory_space<hbm>>) dst(%arg11 : memref<128xi32, #tpu.memory_space<vmem>>)
        tpu.yield
      }) : () -> ()
      %get3A_496 = arith.constant 0 : index
      %get3A_497 = tpu.vector_load %arg9[%get3A_496] {strides = array<i32>} : memref<128xi32, #tpu.memory_space<vmem>>, vector<16xi32>,
      %get3A_498 = vector.shape_cast %get3A_497 : vector<16xi32> to vector<16xi32>
      %add3A_499 = arith.addi %get3A_498, %get3A_498 : vector<16xi32>
      %add3A_500 = vector.broadcast %arg0 : i32 to vector<16xi32>
      %add3A_501 = arith.addi %add3A_499, %add3A_500 : vector<16xi32>
      %swap3A_502 = arith.constant 0 : index
      %swap3A_503 = tpu.vector_load %arg13[%swap3A_502] {strides = array<i32>} : memref<128xi32, #tpu.memory_space<vmem>>, vector<16xi32>,
      %swap3A_504 = vector.shape_cast %swap3A_503 : vector<16xi32> to vector<16xi32>
      %swap3A_505 = vector.shape_cast %add3A_501 : vector<16xi32> to vector<16xi32>
      tpu.vector_store %arg13[%swap3A_502], %swap3A_505 {strides = array<i32>} : memref<128xi32, #tpu.memory_space<vmem>>, vector<16xi32>,
      %get3A_506 = arith.constant 16 : index
      %get3A_507 = tpu.vector_load %arg9[%get3A_506] {strides = array<i32>} : memref<128xi32, #tpu.memory_space<vmem>>, vector<16xi32>,
      %get3A_508 = vector.shape_cast %get3A_507 : vector<16xi32> to vector<16xi32>
      %add3A_509 = arith.addi %get3A_508, %get3A_508 : vector<16xi32>
      %add3A_510 = vector.broadcast %arg0 : i32 to vector<16xi32>
      %add3A_511 = arith.addi %add3A_509, %add3A_510 : vector<16xi32>
      %swap3A_512 = arith.constant 16 : index
      %swap3A_513 = tpu.vector_load %arg13[%swap3A_512] {strides = array<i32>} : memref<128xi32, #tpu.memory_space<vmem>>, vector<16xi32>,
      %swap3A_514 = vector.shape_cast %swap3A_513 : vector<16xi32> to vector<16xi32>
      %swap3A_515 = vector.shape_cast %add3A_511 : vector<16xi32> to vector<16xi32>
      tpu.vector_store %arg13[%swap3A_512], %swap3A_515 {strides = array<i32>} : memref<128xi32, #tpu.memory_space<vmem>>, vector<16xi32>,
      %get3A_516 = arith.constant 32 : index
      %get3A_517 = tpu.vector_load %arg9[%get3A_516] {strides = array<i32>} : memref<128xi32, #tpu.memory_space<vmem>>, vector<16xi32>,
      %get3A_518 = vector.shape_cast %get3A_517 : vector<16xi32> to vector<16xi32>
      %add3A_519 = arith.addi %get3A_518, %get3A_518 : vector<16xi32>
      %add3A_520 = vector.broadcast %arg0 : i32 to vector<16xi32>
      %add3A_521 = arith.addi %add3A_519, %add3A_520 : vector<16xi32>
      %swap3A_522 = arith.constant 32 : index
      %swap3A_523 = tpu.vector_load %arg13[%swap3A_522] {strides = array<i32>} : memref<128xi32, #tpu.memory_space<vmem>>, vector<16xi32>,
      %swap3A_524 = vector.shape_cast %swap3A_523 : vector<16xi32> to vector<16xi32>
      %swap3A_525 = vector.shape_cast %add3A_521 : vector<16xi32> to vector<16xi32>
      tpu.vector_store %arg13[%swap3A_522], %swap3A_525 {strides = array<i32>} : memref<128xi32, #tpu.memory_space<vmem>>, vector<16xi32>,
      %get3A_526 = arith.constant 48 : index
      %get3A_527 = tpu.vector_load %arg9[%get3A_526] {strides = array<i32>} : memref<128xi32, #tpu.memory_space<vmem>>, vector<16xi32>,
      %get3A_528 = vector.shape_cast %get3A_527 : vector<16xi32> to vector<16xi32>
      %add3A_529 = arith.addi %get3A_528, %get3A_528 : vector<16xi32>
      %add3A_530 = vector.broadcast %arg0 : i32 to vector<16xi32>
      %add3A_531 = arith.addi %add3A_529, %add3A_530 : vector<16xi32>
      %swap3A_532 = arith.constant 48 : index
      %swap3A_533 = tpu.vector_load %arg13[%swap3A_532] {strides = array<i32>} : memref<128xi32, #tpu.memory_space<vmem>>, vector<16xi32>,
      %swap3A_534 = vector.shape_cast %swap3A_533 : vector<16xi32> to vector<16xi32>
      %swap3A_535 = vector.shape_cast %add3A_531 : vector<16xi32> to vector<16xi32>
      tpu.vector_store %arg13[%swap3A_532], %swap3A_535 {strides = array<i32>} : memref<128xi32, #tpu.memory_space<vmem>>, vector<16xi32>,
      %get3A_536 = arith.constant 64 : index
      %get3A_537 = tpu.vector_load %arg9[%get3A_536] {strides = array<i32>} : memref<128xi32, #tpu.memory_space<vmem>>, vector<16xi32>,
      %get3A_538 = vector.shape_cast %get3A_537 : vector<16xi32> to vector<16xi32>
      %add3A_539 = arith.addi %get3A_538, %get3A_538 : vector<16xi32>
      %add3A_540 = vector.broadcast %arg0 : i32 to vector<16xi32>
      %add3A_541 = arith.addi %add3A_539, %add3A_540 : vector<16xi32>
      %swap3A_542 = arith.constant 64 : index
      %swap3A_543 = tpu.vector_load %arg13[%swap3A_542] {strides = array<i32>} : memref<128xi32, #tpu.memory_space<vmem>>, vector<16xi32>,
      %swap3A_544 = vector.shape_cast %swap3A_543 : vector<16xi32> to vector<16xi32>
      %swap3A_545 = vector.shape_cast %add3A_541 : vector<16xi32> to vector<16xi32>
      tpu.vector_store %arg13[%swap3A_542], %swap3A_545 {strides = array<i32>} : memref<128xi32, #tpu.memory_space<vmem>>, vector<16xi32>,
      %get3A_546 = arith.constant 80 : index
      %get3A_547 = tpu.vector_load %arg9[%get3A_546] {strides = array<i32>} : memref<128xi32, #tpu.memory_space<vmem>>, vector<16xi32>,
      %get3A_548 = vector.shape_cast %get3A_547 : vector<16xi32> to vector<16xi32>
      %add3A_549 = arith.addi %get3A_548, %get3A_548 : vector<16xi32>
      %add3A_550 = vector.broadcast %arg0 : i32 to vector<16xi32>
      %add3A_551 = arith.addi %add3A_549, %add3A_550 : vector<16xi32>
      %swap3A_552 = arith.constant 80 : index
      %swap3A_553 = tpu.vector_load %arg13[%swap3A_552] {strides = array<i32>} : memref<128xi32, #tpu.memory_space<vmem>>, vector<16xi32>,
      %swap3A_554 = vector.shape_cast %swap3A_553 : vector<16xi32> to vector<16xi32>
      %swap3A_555 = vector.shape_cast %add3A_551 : vector<16xi32> to vector<16xi32>
      tpu.vector_store %arg13[%swap3A_552], %swap3A_555 {strides = array<i32>} : memref<128xi32, #tpu.memory_space<vmem>>, vector<16xi32>,
      %get3A_556 = arith.constant 96 : index
      %get3A_557 = tpu.vector_load %arg9[%get3A_556] {strides = array<i32>} : memref<128xi32, #tpu.memory_space<vmem>>, vector<16xi32>,
      %get3A_558 = vector.shape_cast %get3A_557 : vector<16xi32> to vector<16xi32>
      %add3A_559 = arith.addi %get3A_558, %get3A_558 : vector<16xi32>
      %add3A_560 = vector.broadcast %arg0 : i32 to vector<16xi32>
      %add3A_561 = arith.addi %add3A_559, %add3A_560 : vector<16xi32>
      %swap3A_562 = arith.constant 96 : index
      %swap3A_563 = tpu.vector_load %arg13[%swap3A_562] {strides = array<i32>} : memref<128xi32, #tpu.memory_space<vmem>>, vector<16xi32>,
      %swap3A_564 = vector.shape_cast %swap3A_563 : vector<16xi32> to vector<16xi32>
      %swap3A_565 = vector.shape_cast %add3A_561 : vector<16xi32> to vector<16xi32>
      tpu.vector_store %arg13[%swap3A_562], %swap3A_565 {strides = array<i32>} : memref<128xi32, #tpu.memory_space<vmem>>, vector<16xi32>,
      %get3A_566 = arith.constant 112 : index
      %get3A_567 = tpu.vector_load %arg9[%get3A_566] {strides = array<i32>} : memref<128xi32, #tpu.memory_space<vmem>>, vector<16xi32>,
      %get3A_568 = vector.shape_cast %get3A_567 : vector<16xi32> to vector<16xi32>
      %add3A_569 = arith.addi %get3A_568, %get3A_568 : vector<16xi32>
      %add3A_570 = vector.broadcast %arg0 : i32 to vector<16xi32>
      %add3A_571 = arith.addi %add3A_569, %add3A_570 : vector<16xi32>
      %swap3A_572 = arith.constant 112 : index
      %swap3A_573 = tpu.vector_load %arg13[%swap3A_572] {strides = array<i32>} : memref<128xi32, #tpu.memory_space<vmem>>, vector<16xi32>,
      %swap3A_574 = vector.shape_cast %swap3A_573 : vector<16xi32> to vector<16xi32>
      %swap3A_575 = vector.shape_cast %add3A_571 : vector<16xi32> to vector<16xi32>
      tpu.vector_store %arg13[%swap3A_572], %swap3A_575 {strides = array<i32>} : memref<128xi32, #tpu.memory_space<vmem>>, vector<16xi32>,
      %dma_start3A_576 = arith.constant 0 : i32
      %dma_start3A_577 = arith.constant 0 : i32
      %dma_start3A_578 = tpu.memref_slice %arg2[%dma_start3A_576, %dma_start3A_577] : memref<20000x128xf32, #tpu.memory_space<hbm>> -> memref<20000x128xf32, #tpu.memory_space<hbm>>
      tpu.enqueue_indirect_dma source(%dma_start3A_578 : memref<20000x128xf32, #tpu.memory_space<hbm>>) target(%arg7 : memref<128x128xf32, #tpu.memory_space<vmem>>) offsets(%arg13 : memref<128xi32, #tpu.memory_space<vmem>>) semaphore(%arg20 : memref<!tpu.dma_semaphore, #tpu.memory_space<semaphore_mem>>)
      %dma_wait3A_579 = arith.constant 0 : i32
      %dma_wait3A_580 = arith.constant 0 : i32
      %dma_wait3A_581 = tpu.memref_slice %arg2[%dma_wait3A_579, %dma_wait3A_580] : memref<20000x128xf32, #tpu.memory_space<hbm>> -> memref<20000x128xf32, #tpu.memory_space<hbm>>
      tpu.wait_indirect_dma semaphore(%arg19 : memref<!tpu.dma_semaphore, #tpu.memory_space<semaphore_mem>>) src(%dma_wait3A_581 : memref<20000x128xf32, #tpu.memory_space<hbm>>) dst(%arg6 : memref<128x128xf32, #tpu.memory_space<vmem>>)
      "tpu.region"() ({
        %run_scoped3A = tpu.sem_alloc : memref<!tpu.dma_semaphore, #tpu.memory_space<semaphore_mem>>
        %dma_start3A_1202 = arith.constant 0 : i32
        %dma_start3A_1203 = arith.constant 0 : i32
        %dma_start3A_1204 = tpu.memref_slice %arg18[%dma_start3A_1202, %dma_start3A_1203] : memref<10240x128xf32, #tpu.memory_space<vmem_shared>> -> memref<10240x128xf32, #tpu.memory_space<vmem_shared>>
        tpu.enqueue_indirect_dma source(%arg6 : memref<128x128xf32, #tpu.memory_space<vmem>>) target(%dma_start3A_1204 : memref<10240x128xf32, #tpu.memory_space<vmem_shared>>) offsets(%arg10 : memref<128xi32, #tpu.memory_space<vmem>>) semaphore(%run_scoped3A : memref<!tpu.dma_semaphore, #tpu.memory_space<semaphore_mem>>) {add = true}
        %dma_wait3A_1205 = arith.constant 0 : i32
        %dma_wait3A_1206 = arith.constant 0 : i32
        %dma_wait3A_1207 = tpu.memref_slice %arg18[%dma_wait3A_1205, %dma_wait3A_1206] : memref<10240x128xf32, #tpu.memory_space<vmem_shared>> -> memref<10240x128xf32, #tpu.memory_space<vmem_shared>>
        tpu.wait_indirect_dma semaphore(%run_scoped3A : memref<!tpu.dma_semaphore, #tpu.memory_space<semaphore_mem>>) src(%arg6 : memref<128x128xf32, #tpu.memory_space<vmem>>) dst(%dma_wait3A_1207 : memref<10240x128xf32, #tpu.memory_space<vmem_shared>>)
        tpu.yield
      }) : () -> ()
      %add3A_582 = arith.constant 768 : i32
      %add3A_583 = arith.addi %multiple_of3A_58, %add3A_582 : i32
      "tpu.region"() ({
        %run_scoped3A = tpu.sem_alloc : memref<!tpu.dma_semaphore, #tpu.memory_space<semaphore_mem>>
        %dma_start3A_1202 = tpu.memref_slice %arg3[%add3A_583] : memref<160000xi32, #tpu.memory_space<hbm>> -> memref<128xi32, #tpu.memory_space<hbm>>
        %dma_start3A_1203 = tpu.memref_slice %arg3[%add3A_583] : memref<160000xi32, #tpu.memory_space<hbm>> -> memref<128xi32, #tpu.memory_space<hbm>>
        tpu.enqueue_dma source(%dma_start3A_1203 : memref<128xi32, #tpu.memory_space<hbm>>) target(%arg8 : memref<128xi32, #tpu.memory_space<vmem>>) target_semaphore(%run_scoped3A : memref<!tpu.dma_semaphore, #tpu.memory_space<semaphore_mem>>)
        %dma_wait3A_1204 = tpu.memref_slice %arg3[%add3A_583] : memref<160000xi32, #tpu.memory_space<hbm>> -> memref<128xi32, #tpu.memory_space<hbm>>
        %dma_wait3A_1205 = tpu.memref_slice %arg3[%add3A_583] : memref<160000xi32, #tpu.memory_space<hbm>> -> memref<128xi32, #tpu.memory_space<hbm>>
        tpu.wait_dma2 semaphore(%run_scoped3A : memref<!tpu.dma_semaphore, #tpu.memory_space<semaphore_mem>>) src(%dma_wait3A_1205 : memref<128xi32, #tpu.memory_space<hbm>>) dst(%arg8 : memref<128xi32, #tpu.memory_space<vmem>>)
        tpu.yield
      }) : () -> ()
      "tpu.region"() ({
        %run_scoped3A = tpu.sem_alloc : memref<!tpu.dma_semaphore, #tpu.memory_space<semaphore_mem>>
        %dma_start3A_1202 = tpu.memref_slice %arg4[%add3A_583] : memref<160000xi32, #tpu.memory_space<hbm>> -> memref<128xi32, #tpu.memory_space<hbm>>
        %dma_start3A_1203 = tpu.memref_slice %arg4[%add3A_583] : memref<160000xi32, #tpu.memory_space<hbm>> -> memref<128xi32, #tpu.memory_space<hbm>>
        tpu.enqueue_dma source(%dma_start3A_1203 : memref<128xi32, #tpu.memory_space<hbm>>) target(%arg10 : memref<128xi32, #tpu.memory_space<vmem>>) target_semaphore(%run_scoped3A : memref<!tpu.dma_semaphore, #tpu.memory_space<semaphore_mem>>)
        %dma_wait3A_1204 = tpu.memref_slice %arg4[%add3A_583] : memref<160000xi32, #tpu.memory_space<hbm>> -> memref<128xi32, #tpu.memory_space<hbm>>
        %dma_wait3A_1205 = tpu.memref_slice %arg4[%add3A_583] : memref<160000xi32, #tpu.memory_space<hbm>> -> memref<128xi32, #tpu.memory_space<hbm>>
        tpu.wait_dma2 semaphore(%run_scoped3A : memref<!tpu.dma_semaphore, #tpu.memory_space<semaphore_mem>>) src(%dma_wait3A_1205 : memref<128xi32, #tpu.memory_space<hbm>>) dst(%arg10 : memref<128xi32, #tpu.memory_space<vmem>>)
        tpu.yield
      }) : () -> ()
      %get3A_584 = arith.constant 0 : index
      %get3A_585 = tpu.vector_load %arg8[%get3A_584] {strides = array<i32>} : memref<128xi32, #tpu.memory_space<vmem>>, vector<16xi32>,
      %get3A_586 = vector.shape_cast %get3A_585 : vector<16xi32> to vector<16xi32>
      %add3A_587 = arith.addi %get3A_586, %get3A_586 : vector<16xi32>
      %add3A_588 = vector.broadcast %arg0 : i32 to vector<16xi32>
      %add3A_589 = arith.addi %add3A_587, %add3A_588 : vector<16xi32>
      %swap3A_590 = arith.constant 0 : index
      %swap3A_591 = tpu.vector_load %arg12[%swap3A_590] {strides = array<i32>} : memref<128xi32, #tpu.memory_space<vmem>>, vector<16xi32>,
      %swap3A_592 = vector.shape_cast %swap3A_591 : vector<16xi32> to vector<16xi32>
      %swap3A_593 = vector.shape_cast %add3A_589 : vector<16xi32> to vector<16xi32>
      tpu.vector_store %arg12[%swap3A_590], %swap3A_593 {strides = array<i32>} : memref<128xi32, #tpu.memory_space<vmem>>, vector<16xi32>,
      %get3A_594 = arith.constant 16 : index
      %get3A_595 = tpu.vector_load %arg8[%get3A_594] {strides = array<i32>} : memref<128xi32, #tpu.memory_space<vmem>>, vector<16xi32>,
      %get3A_596 = vector.shape_cast %get3A_595 : vector<16xi32> to vector<16xi32>
      %add3A_597 = arith.addi %get3A_596, %get3A_596 : vector<16xi32>
      %add3A_598 = vector.broadcast %arg0 : i32 to vector<16xi32>
      %add3A_599 = arith.addi %add3A_597, %add3A_598 : vector<16xi32>
      %swap3A_600 = arith.constant 16 : index
      %swap3A_601 = tpu.vector_load %arg12[%swap3A_600] {strides = array<i32>} : memref<128xi32, #tpu.memory_space<vmem>>, vector<16xi32>,
      %swap3A_602 = vector.shape_cast %swap3A_601 : vector<16xi32> to vector<16xi32>
      %swap3A_603 = vector.shape_cast %add3A_599 : vector<16xi32> to vector<16xi32>
      tpu.vector_store %arg12[%swap3A_600], %swap3A_603 {strides = array<i32>} : memref<128xi32, #tpu.memory_space<vmem>>, vector<16xi32>,
      %get3A_604 = arith.constant 32 : index
      %get3A_605 = tpu.vector_load %arg8[%get3A_604] {strides = array<i32>} : memref<128xi32, #tpu.memory_space<vmem>>, vector<16xi32>,
      %get3A_606 = vector.shape_cast %get3A_605 : vector<16xi32> to vector<16xi32>
      %add3A_607 = arith.addi %get3A_606, %get3A_606 : vector<16xi32>
      %add3A_608 = vector.broadcast %arg0 : i32 to vector<16xi32>
      %add3A_609 = arith.addi %add3A_607, %add3A_608 : vector<16xi32>
      %swap3A_610 = arith.constant 32 : index
      %swap3A_611 = tpu.vector_load %arg12[%swap3A_610] {strides = array<i32>} : memref<128xi32, #tpu.memory_space<vmem>>, vector<16xi32>,
      %swap3A_612 = vector.shape_cast %swap3A_611 : vector<16xi32> to vector<16xi32>
      %swap3A_613 = vector.shape_cast %add3A_609 : vector<16xi32> to vector<16xi32>
      tpu.vector_store %arg12[%swap3A_610], %swap3A_613 {strides = array<i32>} : memref<128xi32, #tpu.memory_space<vmem>>, vector<16xi32>,
      %get3A_614 = arith.constant 48 : index
      %get3A_615 = tpu.vector_load %arg8[%get3A_614] {strides = array<i32>} : memref<128xi32, #tpu.memory_space<vmem>>, vector<16xi32>,
      %get3A_616 = vector.shape_cast %get3A_615 : vector<16xi32> to vector<16xi32>
      %add3A_617 = arith.addi %get3A_616, %get3A_616 : vector<16xi32>
      %add3A_618 = vector.broadcast %arg0 : i32 to vector<16xi32>
      %add3A_619 = arith.addi %add3A_617, %add3A_618 : vector<16xi32>
      %swap3A_620 = arith.constant 48 : index
      %swap3A_621 = tpu.vector_load %arg12[%swap3A_620] {strides = array<i32>} : memref<128xi32, #tpu.memory_space<vmem>>, vector<16xi32>,
      %swap3A_622 = vector.shape_cast %swap3A_621 : vector<16xi32> to vector<16xi32>
      %swap3A_623 = vector.shape_cast %add3A_619 : vector<16xi32> to vector<16xi32>
      tpu.vector_store %arg12[%swap3A_620], %swap3A_623 {strides = array<i32>} : memref<128xi32, #tpu.memory_space<vmem>>, vector<16xi32>,
      %get3A_624 = arith.constant 64 : index
      %get3A_625 = tpu.vector_load %arg8[%get3A_624] {strides = array<i32>} : memref<128xi32, #tpu.memory_space<vmem>>, vector<16xi32>,
      %get3A_626 = vector.shape_cast %get3A_625 : vector<16xi32> to vector<16xi32>
      %add3A_627 = arith.addi %get3A_626, %get3A_626 : vector<16xi32>
      %add3A_628 = vector.broadcast %arg0 : i32 to vector<16xi32>
      %add3A_629 = arith.addi %add3A_627, %add3A_628 : vector<16xi32>
      %swap3A_630 = arith.constant 64 : index
      %swap3A_631 = tpu.vector_load %arg12[%swap3A_630] {strides = array<i32>} : memref<128xi32, #tpu.memory_space<vmem>>, vector<16xi32>,
      %swap3A_632 = vector.shape_cast %swap3A_631 : vector<16xi32> to vector<16xi32>
      %swap3A_633 = vector.shape_cast %add3A_629 : vector<16xi32> to vector<16xi32>
      tpu.vector_store %arg12[%swap3A_630], %swap3A_633 {strides = array<i32>} : memref<128xi32, #tpu.memory_space<vmem>>, vector<16xi32>,
      %get3A_634 = arith.constant 80 : index
      %get3A_635 = tpu.vector_load %arg8[%get3A_634] {strides = array<i32>} : memref<128xi32, #tpu.memory_space<vmem>>, vector<16xi32>,
      %get3A_636 = vector.shape_cast %get3A_635 : vector<16xi32> to vector<16xi32>
      %add3A_637 = arith.addi %get3A_636, %get3A_636 : vector<16xi32>
      %add3A_638 = vector.broadcast %arg0 : i32 to vector<16xi32>
      %add3A_639 = arith.addi %add3A_637, %add3A_638 : vector<16xi32>
      %swap3A_640 = arith.constant 80 : index
      %swap3A_641 = tpu.vector_load %arg12[%swap3A_640] {strides = array<i32>} : memref<128xi32, #tpu.memory_space<vmem>>, vector<16xi32>,
      %swap3A_642 = vector.shape_cast %swap3A_641 : vector<16xi32> to vector<16xi32>
      %swap3A_643 = vector.shape_cast %add3A_639 : vector<16xi32> to vector<16xi32>
      tpu.vector_store %arg12[%swap3A_640], %swap3A_643 {strides = array<i32>} : memref<128xi32, #tpu.memory_space<vmem>>, vector<16xi32>,
      %get3A_644 = arith.constant 96 : index
      %get3A_645 = tpu.vector_load %arg8[%get3A_644] {strides = array<i32>} : memref<128xi32, #tpu.memory_space<vmem>>, vector<16xi32>,
      %get3A_646 = vector.shape_cast %get3A_645 : vector<16xi32> to vector<16xi32>
      %add3A_647 = arith.addi %get3A_646, %get3A_646 : vector<16xi32>
      %add3A_648 = vector.broadcast %arg0 : i32 to vector<16xi32>
      %add3A_649 = arith.addi %add3A_647, %add3A_648 : vector<16xi32>
      %swap3A_650 = arith.constant 96 : index
      %swap3A_651 = tpu.vector_load %arg12[%swap3A_650] {strides = array<i32>} : memref<128xi32, #tpu.memory_space<vmem>>, vector<16xi32>,
      %swap3A_652 = vector.shape_cast %swap3A_651 : vector<16xi32> to vector<16xi32>
      %swap3A_653 = vector.shape_cast %add3A_649 : vector<16xi32> to vector<16xi32>
      tpu.vector_store %arg12[%swap3A_650], %swap3A_653 {strides = array<i32>} : memref<128xi32, #tpu.memory_space<vmem>>, vector<16xi32>,
      %get3A_654 = arith.constant 112 : index
      %get3A_655 = tpu.vector_load %arg8[%get3A_654] {strides = array<i32>} : memref<128xi32, #tpu.memory_space<vmem>>, vector<16xi32>,
      %get3A_656 = vector.shape_cast %get3A_655 : vector<16xi32> to vector<16xi32>
      %add3A_657 = arith.addi %get3A_656, %get3A_656 : vector<16xi32>
      %add3A_658 = vector.broadcast %arg0 : i32 to vector<16xi32>
      %add3A_659 = arith.addi %add3A_657, %add3A_658 : vector<16xi32>
      %swap3A_660 = arith.constant 112 : index
      %swap3A_661 = tpu.vector_load %arg12[%swap3A_660] {strides = array<i32>} : memref<128xi32, #tpu.memory_space<vmem>>, vector<16xi32>,
      %swap3A_662 = vector.shape_cast %swap3A_661 : vector<16xi32> to vector<16xi32>
      %swap3A_663 = vector.shape_cast %add3A_659 : vector<16xi32> to vector<16xi32>
      tpu.vector_store %arg12[%swap3A_660], %swap3A_663 {strides = array<i32>} : memref<128xi32, #tpu.memory_space<vmem>>, vector<16xi32>,
      %dma_start3A_664 = arith.constant 0 : i32
      %dma_start3A_665 = arith.constant 0 : i32
      %dma_start3A_666 = tpu.memref_slice %arg2[%dma_start3A_664, %dma_start3A_665] : memref<20000x128xf32, #tpu.memory_space<hbm>> -> memref<20000x128xf32, #tpu.memory_space<hbm>>
      tpu.enqueue_indirect_dma source(%dma_start3A_666 : memref<20000x128xf32, #tpu.memory_space<hbm>>) target(%arg6 : memref<128x128xf32, #tpu.memory_space<vmem>>) offsets(%arg12 : memref<128xi32, #tpu.memory_space<vmem>>) semaphore(%arg19 : memref<!tpu.dma_semaphore, #tpu.memory_space<semaphore_mem>>)
      %dma_wait3A_667 = arith.constant 0 : i32
      %dma_wait3A_668 = arith.constant 0 : i32
      %dma_wait3A_669 = tpu.memref_slice %arg2[%dma_wait3A_667, %dma_wait3A_668] : memref<20000x128xf32, #tpu.memory_space<hbm>> -> memref<20000x128xf32, #tpu.memory_space<hbm>>
      tpu.wait_indirect_dma semaphore(%arg20 : memref<!tpu.dma_semaphore, #tpu.memory_space<semaphore_mem>>) src(%dma_wait3A_669 : memref<20000x128xf32, #tpu.memory_space<hbm>>) dst(%arg7 : memref<128x128xf32, #tpu.memory_space<vmem>>)
      "tpu.region"() ({
        %run_scoped3A = tpu.sem_alloc : memref<!tpu.dma_semaphore, #tpu.memory_space<semaphore_mem>>
        %dma_start3A_1202 = arith.constant 0 : i32
        %dma_start3A_1203 = arith.constant 0 : i32
        %dma_start3A_1204 = tpu.memref_slice %arg18[%dma_start3A_1202, %dma_start3A_1203] : memref<10240x128xf32, #tpu.memory_space<vmem_shared>> -> memref<10240x128xf32, #tpu.memory_space<vmem_shared>>
        tpu.enqueue_indirect_dma source(%arg7 : memref<128x128xf32, #tpu.memory_space<vmem>>) target(%dma_start3A_1204 : memref<10240x128xf32, #tpu.memory_space<vmem_shared>>) offsets(%arg11 : memref<128xi32, #tpu.memory_space<vmem>>) semaphore(%run_scoped3A : memref<!tpu.dma_semaphore, #tpu.memory_space<semaphore_mem>>) {add = true}
        %dma_wait3A_1205 = arith.constant 0 : i32
        %dma_wait3A_1206 = arith.constant 0 : i32
        %dma_wait3A_1207 = tpu.memref_slice %arg18[%dma_wait3A_1205, %dma_wait3A_1206] : memref<10240x128xf32, #tpu.memory_space<vmem_shared>> -> memref<10240x128xf32, #tpu.memory_space<vmem_shared>>
        tpu.wait_indirect_dma semaphore(%run_scoped3A : memref<!tpu.dma_semaphore, #tpu.memory_space<semaphore_mem>>) src(%arg7 : memref<128x128xf32, #tpu.memory_space<vmem>>) dst(%dma_wait3A_1207 : memref<10240x128xf32, #tpu.memory_space<vmem_shared>>)
        tpu.yield
      }) : () -> ()
      %add3A_670 = arith.constant 896 : i32
      %add3A_671 = arith.addi %multiple_of3A_58, %add3A_670 : i32
      "tpu.region"() ({
        %run_scoped3A = tpu.sem_alloc : memref<!tpu.dma_semaphore, #tpu.memory_space<semaphore_mem>>
        %dma_start3A_1202 = tpu.memref_slice %arg3[%add3A_671] : memref<160000xi32, #tpu.memory_space<hbm>> -> memref<128xi32, #tpu.memory_space<hbm>>
        %dma_start3A_1203 = tpu.memref_slice %arg3[%add3A_671] : memref<160000xi32, #tpu.memory_space<hbm>> -> memref<128xi32, #tpu.memory_space<hbm>>
        tpu.enqueue_dma source(%dma_start3A_1203 : memref<128xi32, #tpu.memory_space<hbm>>) target(%arg9 : memref<128xi32, #tpu.memory_space<vmem>>) target_semaphore(%run_scoped3A : memref<!tpu.dma_semaphore, #tpu.memory_space<semaphore_mem>>)
        %dma_wait3A_1204 = tpu.memref_slice %arg3[%add3A_671] : memref<160000xi32, #tpu.memory_space<hbm>> -> memref<128xi32, #tpu.memory_space<hbm>>
        %dma_wait3A_1205 = tpu.memref_slice %arg3[%add3A_671] : memref<160000xi32, #tpu.memory_space<hbm>> -> memref<128xi32, #tpu.memory_space<hbm>>
        tpu.wait_dma2 semaphore(%run_scoped3A : memref<!tpu.dma_semaphore, #tpu.memory_space<semaphore_mem>>) src(%dma_wait3A_1205 : memref<128xi32, #tpu.memory_space<hbm>>) dst(%arg9 : memref<128xi32, #tpu.memory_space<vmem>>)
        tpu.yield
      }) : () -> ()
      "tpu.region"() ({
        %run_scoped3A = tpu.sem_alloc : memref<!tpu.dma_semaphore, #tpu.memory_space<semaphore_mem>>
        %dma_start3A_1202 = tpu.memref_slice %arg4[%add3A_671] : memref<160000xi32, #tpu.memory_space<hbm>> -> memref<128xi32, #tpu.memory_space<hbm>>
        %dma_start3A_1203 = tpu.memref_slice %arg4[%add3A_671] : memref<160000xi32, #tpu.memory_space<hbm>> -> memref<128xi32, #tpu.memory_space<hbm>>
        tpu.enqueue_dma source(%dma_start3A_1203 : memref<128xi32, #tpu.memory_space<hbm>>) target(%arg11 : memref<128xi32, #tpu.memory_space<vmem>>) target_semaphore(%run_scoped3A : memref<!tpu.dma_semaphore, #tpu.memory_space<semaphore_mem>>)
        %dma_wait3A_1204 = tpu.memref_slice %arg4[%add3A_671] : memref<160000xi32, #tpu.memory_space<hbm>> -> memref<128xi32, #tpu.memory_space<hbm>>
        %dma_wait3A_1205 = tpu.memref_slice %arg4[%add3A_671] : memref<160000xi32, #tpu.memory_space<hbm>> -> memref<128xi32, #tpu.memory_space<hbm>>
        tpu.wait_dma2 semaphore(%run_scoped3A : memref<!tpu.dma_semaphore, #tpu.memory_space<semaphore_mem>>) src(%dma_wait3A_1205 : memref<128xi32, #tpu.memory_space<hbm>>) dst(%arg11 : memref<128xi32, #tpu.memory_space<vmem>>)
        tpu.yield
      }) : () -> ()
      %get3A_672 = arith.constant 0 : index
      %get3A_673 = tpu.vector_load %arg9[%get3A_672] {strides = array<i32>} : memref<128xi32, #tpu.memory_space<vmem>>, vector<16xi32>,
      %get3A_674 = vector.shape_cast %get3A_673 : vector<16xi32> to vector<16xi32>
      %add3A_675 = arith.addi %get3A_674, %get3A_674 : vector<16xi32>
      %add3A_676 = vector.broadcast %arg0 : i32 to vector<16xi32>
      %add3A_677 = arith.addi %add3A_675, %add3A_676 : vector<16xi32>
      %swap3A_678 = arith.constant 0 : index
      %swap3A_679 = tpu.vector_load %arg13[%swap3A_678] {strides = array<i32>} : memref<128xi32, #tpu.memory_space<vmem>>, vector<16xi32>,
      %swap3A_680 = vector.shape_cast %swap3A_679 : vector<16xi32> to vector<16xi32>
      %swap3A_681 = vector.shape_cast %add3A_677 : vector<16xi32> to vector<16xi32>
      tpu.vector_store %arg13[%swap3A_678], %swap3A_681 {strides = array<i32>} : memref<128xi32, #tpu.memory_space<vmem>>, vector<16xi32>,
      %get3A_682 = arith.constant 16 : index
      %get3A_683 = tpu.vector_load %arg9[%get3A_682] {strides = array<i32>} : memref<128xi32, #tpu.memory_space<vmem>>, vector<16xi32>,
      %get3A_684 = vector.shape_cast %get3A_683 : vector<16xi32> to vector<16xi32>
      %add3A_685 = arith.addi %get3A_684, %get3A_684 : vector<16xi32>
      %add3A_686 = vector.broadcast %arg0 : i32 to vector<16xi32>
      %add3A_687 = arith.addi %add3A_685, %add3A_686 : vector<16xi32>
      %swap3A_688 = arith.constant 16 : index
      %swap3A_689 = tpu.vector_load %arg13[%swap3A_688] {strides = array<i32>} : memref<128xi32, #tpu.memory_space<vmem>>, vector<16xi32>,
      %swap3A_690 = vector.shape_cast %swap3A_689 : vector<16xi32> to vector<16xi32>
      %swap3A_691 = vector.shape_cast %add3A_687 : vector<16xi32> to vector<16xi32>
      tpu.vector_store %arg13[%swap3A_688], %swap3A_691 {strides = array<i32>} : memref<128xi32, #tpu.memory_space<vmem>>, vector<16xi32>,
      %get3A_692 = arith.constant 32 : index
      %get3A_693 = tpu.vector_load %arg9[%get3A_692] {strides = array<i32>} : memref<128xi32, #tpu.memory_space<vmem>>, vector<16xi32>,
      %get3A_694 = vector.shape_cast %get3A_693 : vector<16xi32> to vector<16xi32>
      %add3A_695 = arith.addi %get3A_694, %get3A_694 : vector<16xi32>
      %add3A_696 = vector.broadcast %arg0 : i32 to vector<16xi32>
      %add3A_697 = arith.addi %add3A_695, %add3A_696 : vector<16xi32>
      %swap3A_698 = arith.constant 32 : index
      %swap3A_699 = tpu.vector_load %arg13[%swap3A_698] {strides = array<i32>} : memref<128xi32, #tpu.memory_space<vmem>>, vector<16xi32>,
      %swap3A_700 = vector.shape_cast %swap3A_699 : vector<16xi32> to vector<16xi32>
      %swap3A_701 = vector.shape_cast %add3A_697 : vector<16xi32> to vector<16xi32>
      tpu.vector_store %arg13[%swap3A_698], %swap3A_701 {strides = array<i32>} : memref<128xi32, #tpu.memory_space<vmem>>, vector<16xi32>,
      %get3A_702 = arith.constant 48 : index
      %get3A_703 = tpu.vector_load %arg9[%get3A_702] {strides = array<i32>} : memref<128xi32, #tpu.memory_space<vmem>>, vector<16xi32>,
      %get3A_704 = vector.shape_cast %get3A_703 : vector<16xi32> to vector<16xi32>
      %add3A_705 = arith.addi %get3A_704, %get3A_704 : vector<16xi32>
      %add3A_706 = vector.broadcast %arg0 : i32 to vector<16xi32>
      %add3A_707 = arith.addi %add3A_705, %add3A_706 : vector<16xi32>
      %swap3A_708 = arith.constant 48 : index
      %swap3A_709 = tpu.vector_load %arg13[%swap3A_708] {strides = array<i32>} : memref<128xi32, #tpu.memory_space<vmem>>, vector<16xi32>,
      %swap3A_710 = vector.shape_cast %swap3A_709 : vector<16xi32> to vector<16xi32>
      %swap3A_711 = vector.shape_cast %add3A_707 : vector<16xi32> to vector<16xi32>
      tpu.vector_store %arg13[%swap3A_708], %swap3A_711 {strides = array<i32>} : memref<128xi32, #tpu.memory_space<vmem>>, vector<16xi32>,
      %get3A_712 = arith.constant 64 : index
      %get3A_713 = tpu.vector_load %arg9[%get3A_712] {strides = array<i32>} : memref<128xi32, #tpu.memory_space<vmem>>, vector<16xi32>,
      %get3A_714 = vector.shape_cast %get3A_713 : vector<16xi32> to vector<16xi32>
      %add3A_715 = arith.addi %get3A_714, %get3A_714 : vector<16xi32>
      %add3A_716 = vector.broadcast %arg0 : i32 to vector<16xi32>
      %add3A_717 = arith.addi %add3A_715, %add3A_716 : vector<16xi32>
      %swap3A_718 = arith.constant 64 : index
      %swap3A_719 = tpu.vector_load %arg13[%swap3A_718] {strides = array<i32>} : memref<128xi32, #tpu.memory_space<vmem>>, vector<16xi32>,
      %swap3A_720 = vector.shape_cast %swap3A_719 : vector<16xi32> to vector<16xi32>
      %swap3A_721 = vector.shape_cast %add3A_717 : vector<16xi32> to vector<16xi32>
      tpu.vector_store %arg13[%swap3A_718], %swap3A_721 {strides = array<i32>} : memref<128xi32, #tpu.memory_space<vmem>>, vector<16xi32>,
      %get3A_722 = arith.constant 80 : index
      %get3A_723 = tpu.vector_load %arg9[%get3A_722] {strides = array<i32>} : memref<128xi32, #tpu.memory_space<vmem>>, vector<16xi32>,
      %get3A_724 = vector.shape_cast %get3A_723 : vector<16xi32> to vector<16xi32>
      %add3A_725 = arith.addi %get3A_724, %get3A_724 : vector<16xi32>
      %add3A_726 = vector.broadcast %arg0 : i32 to vector<16xi32>
      %add3A_727 = arith.addi %add3A_725, %add3A_726 : vector<16xi32>
      %swap3A_728 = arith.constant 80 : index
      %swap3A_729 = tpu.vector_load %arg13[%swap3A_728] {strides = array<i32>} : memref<128xi32, #tpu.memory_space<vmem>>, vector<16xi32>,
      %swap3A_730 = vector.shape_cast %swap3A_729 : vector<16xi32> to vector<16xi32>
      %swap3A_731 = vector.shape_cast %add3A_727 : vector<16xi32> to vector<16xi32>
      tpu.vector_store %arg13[%swap3A_728], %swap3A_731 {strides = array<i32>} : memref<128xi32, #tpu.memory_space<vmem>>, vector<16xi32>,
      %get3A_732 = arith.constant 96 : index
      %get3A_733 = tpu.vector_load %arg9[%get3A_732] {strides = array<i32>} : memref<128xi32, #tpu.memory_space<vmem>>, vector<16xi32>,
      %get3A_734 = vector.shape_cast %get3A_733 : vector<16xi32> to vector<16xi32>
      %add3A_735 = arith.addi %get3A_734, %get3A_734 : vector<16xi32>
      %add3A_736 = vector.broadcast %arg0 : i32 to vector<16xi32>
      %add3A_737 = arith.addi %add3A_735, %add3A_736 : vector<16xi32>
      %swap3A_738 = arith.constant 96 : index
      %swap3A_739 = tpu.vector_load %arg13[%swap3A_738] {strides = array<i32>} : memref<128xi32, #tpu.memory_space<vmem>>, vector<16xi32>,
      %swap3A_740 = vector.shape_cast %swap3A_739 : vector<16xi32> to vector<16xi32>
      %swap3A_741 = vector.shape_cast %add3A_737 : vector<16xi32> to vector<16xi32>
      tpu.vector_store %arg13[%swap3A_738], %swap3A_741 {strides = array<i32>} : memref<128xi32, #tpu.memory_space<vmem>>, vector<16xi32>,
      %get3A_742 = arith.constant 112 : index
      %get3A_743 = tpu.vector_load %arg9[%get3A_742] {strides = array<i32>} : memref<128xi32, #tpu.memory_space<vmem>>, vector<16xi32>,
      %get3A_744 = vector.shape_cast %get3A_743 : vector<16xi32> to vector<16xi32>
      %add3A_745 = arith.addi %get3A_744, %get3A_744 : vector<16xi32>
      %add3A_746 = vector.broadcast %arg0 : i32 to vector<16xi32>
      %add3A_747 = arith.addi %add3A_745, %add3A_746 : vector<16xi32>
      %swap3A_748 = arith.constant 112 : index
      %swap3A_749 = tpu.vector_load %arg13[%swap3A_748] {strides = array<i32>} : memref<128xi32, #tpu.memory_space<vmem>>, vector<16xi32>,
      %swap3A_750 = vector.shape_cast %swap3A_749 : vector<16xi32> to vector<16xi32>
      %swap3A_751 = vector.shape_cast %add3A_747 : vector<16xi32> to vector<16xi32>
      tpu.vector_store %arg13[%swap3A_748], %swap3A_751 {strides = array<i32>} : memref<128xi32, #tpu.memory_space<vmem>>, vector<16xi32>,
      %dma_start3A_752 = arith.constant 0 : i32
      %dma_start3A_753 = arith.constant 0 : i32
      %dma_start3A_754 = tpu.memref_slice %arg2[%dma_start3A_752, %dma_start3A_753] : memref<20000x128xf32, #tpu.memory_space<hbm>> -> memref<20000x128xf32, #tpu.memory_space<hbm>>
      tpu.enqueue_indirect_dma source(%dma_start3A_754 : memref<20000x128xf32, #tpu.memory_space<hbm>>) target(%arg7 : memref<128x128xf32, #tpu.memory_space<vmem>>) offsets(%arg13 : memref<128xi32, #tpu.memory_space<vmem>>) semaphore(%arg20 : memref<!tpu.dma_semaphore, #tpu.memory_space<semaphore_mem>>)
      %dma_wait3A_755 = arith.constant 0 : i32
      %dma_wait3A_756 = arith.constant 0 : i32
      %dma_wait3A_757 = tpu.memref_slice %arg2[%dma_wait3A_755, %dma_wait3A_756] : memref<20000x128xf32, #tpu.memory_space<hbm>> -> memref<20000x128xf32, #tpu.memory_space<hbm>>
      tpu.wait_indirect_dma semaphore(%arg19 : memref<!tpu.dma_semaphore, #tpu.memory_space<semaphore_mem>>) src(%dma_wait3A_757 : memref<20000x128xf32, #tpu.memory_space<hbm>>) dst(%arg6 : memref<128x128xf32, #tpu.memory_space<vmem>>)
      "tpu.region"() ({
        %run_scoped3A = tpu.sem_alloc : memref<!tpu.dma_semaphore, #tpu.memory_space<semaphore_mem>>
        %dma_start3A_1202 = arith.constant 0 : i32
        %dma_start3A_1203 = arith.constant 0 : i32
        %dma_start3A_1204 = tpu.memref_slice %arg18[%dma_start3A_1202, %dma_start3A_1203] : memref<10240x128xf32, #tpu.memory_space<vmem_shared>> -> memref<10240x128xf32, #tpu.memory_space<vmem_shared>>
        tpu.enqueue_indirect_dma source(%arg6 : memref<128x128xf32, #tpu.memory_space<vmem>>) target(%dma_start3A_1204 : memref<10240x128xf32, #tpu.memory_space<vmem_shared>>) offsets(%arg10 : memref<128xi32, #tpu.memory_space<vmem>>) semaphore(%run_scoped3A : memref<!tpu.dma_semaphore, #tpu.memory_space<semaphore_mem>>) {add = true}
        %dma_wait3A_1205 = arith.constant 0 : i32
        %dma_wait3A_1206 = arith.constant 0 : i32
        %dma_wait3A_1207 = tpu.memref_slice %arg18[%dma_wait3A_1205, %dma_wait3A_1206] : memref<10240x128xf32, #tpu.memory_space<vmem_shared>> -> memref<10240x128xf32, #tpu.memory_space<vmem_shared>>
        tpu.wait_indirect_dma semaphore(%run_scoped3A : memref<!tpu.dma_semaphore, #tpu.memory_space<semaphore_mem>>) src(%arg6 : memref<128x128xf32, #tpu.memory_space<vmem>>) dst(%dma_wait3A_1207 : memref<10240x128xf32, #tpu.memory_space<vmem_shared>>)
        tpu.yield
      }) : () -> ()
      %add3A_758 = arith.constant 1024 : i32
      %add3A_759 = arith.addi %multiple_of3A_58, %add3A_758 : i32
      "tpu.region"() ({
        %run_scoped3A = tpu.sem_alloc : memref<!tpu.dma_semaphore, #tpu.memory_space<semaphore_mem>>
        %dma_start3A_1202 = tpu.memref_slice %arg3[%add3A_759] : memref<160000xi32, #tpu.memory_space<hbm>> -> memref<128xi32, #tpu.memory_space<hbm>>
        %dma_start3A_1203 = tpu.memref_slice %arg3[%add3A_759] : memref<160000xi32, #tpu.memory_space<hbm>> -> memref<128xi32, #tpu.memory_space<hbm>>
        tpu.enqueue_dma source(%dma_start3A_1203 : memref<128xi32, #tpu.memory_space<hbm>>) target(%arg8 : memref<128xi32, #tpu.memory_space<vmem>>) target_semaphore(%run_scoped3A : memref<!tpu.dma_semaphore, #tpu.memory_space<semaphore_mem>>)
        %dma_wait3A_1204 = tpu.memref_slice %arg3[%add3A_759] : memref<160000xi32, #tpu.memory_space<hbm>> -> memref<128xi32, #tpu.memory_space<hbm>>
        %dma_wait3A_1205 = tpu.memref_slice %arg3[%add3A_759] : memref<160000xi32, #tpu.memory_space<hbm>> -> memref<128xi32, #tpu.memory_space<hbm>>
        tpu.wait_dma2 semaphore(%run_scoped3A : memref<!tpu.dma_semaphore, #tpu.memory_space<semaphore_mem>>) src(%dma_wait3A_1205 : memref<128xi32, #tpu.memory_space<hbm>>) dst(%arg8 : memref<128xi32, #tpu.memory_space<vmem>>)
        tpu.yield
      }) : () -> ()
      "tpu.region"() ({
        %run_scoped3A = tpu.sem_alloc : memref<!tpu.dma_semaphore, #tpu.memory_space<semaphore_mem>>
        %dma_start3A_1202 = tpu.memref_slice %arg4[%add3A_759] : memref<160000xi32, #tpu.memory_space<hbm>> -> memref<128xi32, #tpu.memory_space<hbm>>
        %dma_start3A_1203 = tpu.memref_slice %arg4[%add3A_759] : memref<160000xi32, #tpu.memory_space<hbm>> -> memref<128xi32, #tpu.memory_space<hbm>>
        tpu.enqueue_dma source(%dma_start3A_1203 : memref<128xi32, #tpu.memory_space<hbm>>) target(%arg10 : memref<128xi32, #tpu.memory_space<vmem>>) target_semaphore(%run_scoped3A : memref<!tpu.dma_semaphore, #tpu.memory_space<semaphore_mem>>)
        %dma_wait3A_1204 = tpu.memref_slice %arg4[%add3A_759] : memref<160000xi32, #tpu.memory_space<hbm>> -> memref<128xi32, #tpu.memory_space<hbm>>
        %dma_wait3A_1205 = tpu.memref_slice %arg4[%add3A_759] : memref<160000xi32, #tpu.memory_space<hbm>> -> memref<128xi32, #tpu.memory_space<hbm>>
        tpu.wait_dma2 semaphore(%run_scoped3A : memref<!tpu.dma_semaphore, #tpu.memory_space<semaphore_mem>>) src(%dma_wait3A_1205 : memref<128xi32, #tpu.memory_space<hbm>>) dst(%arg10 : memref<128xi32, #tpu.memory_space<vmem>>)
        tpu.yield
      }) : () -> ()
      %get3A_760 = arith.constant 0 : index
      %get3A_761 = tpu.vector_load %arg8[%get3A_760] {strides = array<i32>} : memref<128xi32, #tpu.memory_space<vmem>>, vector<16xi32>,
      %get3A_762 = vector.shape_cast %get3A_761 : vector<16xi32> to vector<16xi32>
      %add3A_763 = arith.addi %get3A_762, %get3A_762 : vector<16xi32>
      %add3A_764 = vector.broadcast %arg0 : i32 to vector<16xi32>
      %add3A_765 = arith.addi %add3A_763, %add3A_764 : vector<16xi32>
      %swap3A_766 = arith.constant 0 : index
      %swap3A_767 = tpu.vector_load %arg12[%swap3A_766] {strides = array<i32>} : memref<128xi32, #tpu.memory_space<vmem>>, vector<16xi32>,
      %swap3A_768 = vector.shape_cast %swap3A_767 : vector<16xi32> to vector<16xi32>
      %swap3A_769 = vector.shape_cast %add3A_765 : vector<16xi32> to vector<16xi32>
      tpu.vector_store %arg12[%swap3A_766], %swap3A_769 {strides = array<i32>} : memref<128xi32, #tpu.memory_space<vmem>>, vector<16xi32>,
      %get3A_770 = arith.constant 16 : index
      %get3A_771 = tpu.vector_load %arg8[%get3A_770] {strides = array<i32>} : memref<128xi32, #tpu.memory_space<vmem>>, vector<16xi32>,
      %get3A_772 = vector.shape_cast %get3A_771 : vector<16xi32> to vector<16xi32>
      %add3A_773 = arith.addi %get3A_772, %get3A_772 : vector<16xi32>
      %add3A_774 = vector.broadcast %arg0 : i32 to vector<16xi32>
      %add3A_775 = arith.addi %add3A_773, %add3A_774 : vector<16xi32>
      %swap3A_776 = arith.constant 16 : index
      %swap3A_777 = tpu.vector_load %arg12[%swap3A_776] {strides = array<i32>} : memref<128xi32, #tpu.memory_space<vmem>>, vector<16xi32>,
      %swap3A_778 = vector.shape_cast %swap3A_777 : vector<16xi32> to vector<16xi32>
      %swap3A_779 = vector.shape_cast %add3A_775 : vector<16xi32> to vector<16xi32>
      tpu.vector_store %arg12[%swap3A_776], %swap3A_779 {strides = array<i32>} : memref<128xi32, #tpu.memory_space<vmem>>, vector<16xi32>,
      %get3A_780 = arith.constant 32 : index
      %get3A_781 = tpu.vector_load %arg8[%get3A_780] {strides = array<i32>} : memref<128xi32, #tpu.memory_space<vmem>>, vector<16xi32>,
      %get3A_782 = vector.shape_cast %get3A_781 : vector<16xi32> to vector<16xi32>
      %add3A_783 = arith.addi %get3A_782, %get3A_782 : vector<16xi32>
      %add3A_784 = vector.broadcast %arg0 : i32 to vector<16xi32>
      %add3A_785 = arith.addi %add3A_783, %add3A_784 : vector<16xi32>
      %swap3A_786 = arith.constant 32 : index
      %swap3A_787 = tpu.vector_load %arg12[%swap3A_786] {strides = array<i32>} : memref<128xi32, #tpu.memory_space<vmem>>, vector<16xi32>,
      %swap3A_788 = vector.shape_cast %swap3A_787 : vector<16xi32> to vector<16xi32>
      %swap3A_789 = vector.shape_cast %add3A_785 : vector<16xi32> to vector<16xi32>
      tpu.vector_store %arg12[%swap3A_786], %swap3A_789 {strides = array<i32>} : memref<128xi32, #tpu.memory_space<vmem>>, vector<16xi32>,
      %get3A_790 = arith.constant 48 : index
      %get3A_791 = tpu.vector_load %arg8[%get3A_790] {strides = array<i32>} : memref<128xi32, #tpu.memory_space<vmem>>, vector<16xi32>,
      %get3A_792 = vector.shape_cast %get3A_791 : vector<16xi32> to vector<16xi32>
      %add3A_793 = arith.addi %get3A_792, %get3A_792 : vector<16xi32>
      %add3A_794 = vector.broadcast %arg0 : i32 to vector<16xi32>
      %add3A_795 = arith.addi %add3A_793, %add3A_794 : vector<16xi32>
      %swap3A_796 = arith.constant 48 : index
      %swap3A_797 = tpu.vector_load %arg12[%swap3A_796] {strides = array<i32>} : memref<128xi32, #tpu.memory_space<vmem>>, vector<16xi32>,
      %swap3A_798 = vector.shape_cast %swap3A_797 : vector<16xi32> to vector<16xi32>
      %swap3A_799 = vector.shape_cast %add3A_795 : vector<16xi32> to vector<16xi32>
      tpu.vector_store %arg12[%swap3A_796], %swap3A_799 {strides = array<i32>} : memref<128xi32, #tpu.memory_space<vmem>>, vector<16xi32>,
      %get3A_800 = arith.constant 64 : index
      %get3A_801 = tpu.vector_load %arg8[%get3A_800] {strides = array<i32>} : memref<128xi32, #tpu.memory_space<vmem>>, vector<16xi32>,
      %get3A_802 = vector.shape_cast %get3A_801 : vector<16xi32> to vector<16xi32>
      %add3A_803 = arith.addi %get3A_802, %get3A_802 : vector<16xi32>
      %add3A_804 = vector.broadcast %arg0 : i32 to vector<16xi32>
      %add3A_805 = arith.addi %add3A_803, %add3A_804 : vector<16xi32>
      %swap3A_806 = arith.constant 64 : index
      %swap3A_807 = tpu.vector_load %arg12[%swap3A_806] {strides = array<i32>} : memref<128xi32, #tpu.memory_space<vmem>>, vector<16xi32>,
      %swap3A_808 = vector.shape_cast %swap3A_807 : vector<16xi32> to vector<16xi32>
      %swap3A_809 = vector.shape_cast %add3A_805 : vector<16xi32> to vector<16xi32>
      tpu.vector_store %arg12[%swap3A_806], %swap3A_809 {strides = array<i32>} : memref<128xi32, #tpu.memory_space<vmem>>, vector<16xi32>,
      %get3A_810 = arith.constant 80 : index
      %get3A_811 = tpu.vector_load %arg8[%get3A_810] {strides = array<i32>} : memref<128xi32, #tpu.memory_space<vmem>>, vector<16xi32>,
      %get3A_812 = vector.shape_cast %get3A_811 : vector<16xi32> to vector<16xi32>
      %add3A_813 = arith.addi %get3A_812, %get3A_812 : vector<16xi32>
      %add3A_814 = vector.broadcast %arg0 : i32 to vector<16xi32>
      %add3A_815 = arith.addi %add3A_813, %add3A_814 : vector<16xi32>
      %swap3A_816 = arith.constant 80 : index
      %swap3A_817 = tpu.vector_load %arg12[%swap3A_816] {strides = array<i32>} : memref<128xi32, #tpu.memory_space<vmem>>, vector<16xi32>,
      %swap3A_818 = vector.shape_cast %swap3A_817 : vector<16xi32> to vector<16xi32>
      %swap3A_819 = vector.shape_cast %add3A_815 : vector<16xi32> to vector<16xi32>
      tpu.vector_store %arg12[%swap3A_816], %swap3A_819 {strides = array<i32>} : memref<128xi32, #tpu.memory_space<vmem>>, vector<16xi32>,
      %get3A_820 = arith.constant 96 : index
      %get3A_821 = tpu.vector_load %arg8[%get3A_820] {strides = array<i32>} : memref<128xi32, #tpu.memory_space<vmem>>, vector<16xi32>,
      %get3A_822 = vector.shape_cast %get3A_821 : vector<16xi32> to vector<16xi32>
      %add3A_823 = arith.addi %get3A_822, %get3A_822 : vector<16xi32>
      %add3A_824 = vector.broadcast %arg0 : i32 to vector<16xi32>
      %add3A_825 = arith.addi %add3A_823, %add3A_824 : vector<16xi32>
      %swap3A_826 = arith.constant 96 : index
      %swap3A_827 = tpu.vector_load %arg12[%swap3A_826] {strides = array<i32>} : memref<128xi32, #tpu.memory_space<vmem>>, vector<16xi32>,
      %swap3A_828 = vector.shape_cast %swap3A_827 : vector<16xi32> to vector<16xi32>
      %swap3A_829 = vector.shape_cast %add3A_825 : vector<16xi32> to vector<16xi32>
      tpu.vector_store %arg12[%swap3A_826], %swap3A_829 {strides = array<i32>} : memref<128xi32, #tpu.memory_space<vmem>>, vector<16xi32>,
      %get3A_830 = arith.constant 112 : index
      %get3A_831 = tpu.vector_load %arg8[%get3A_830] {strides = array<i32>} : memref<128xi32, #tpu.memory_space<vmem>>, vector<16xi32>,
      %get3A_832 = vector.shape_cast %get3A_831 : vector<16xi32> to vector<16xi32>
      %add3A_833 = arith.addi %get3A_832, %get3A_832 : vector<16xi32>
      %add3A_834 = vector.broadcast %arg0 : i32 to vector<16xi32>
      %add3A_835 = arith.addi %add3A_833, %add3A_834 : vector<16xi32>
      %swap3A_836 = arith.constant 112 : index
      %swap3A_837 = tpu.vector_load %arg12[%swap3A_836] {strides = array<i32>} : memref<128xi32, #tpu.memory_space<vmem>>, vector<16xi32>,
      %swap3A_838 = vector.shape_cast %swap3A_837 : vector<16xi32> to vector<16xi32>
      %swap3A_839 = vector.shape_cast %add3A_835 : vector<16xi32> to vector<16xi32>
      tpu.vector_store %arg12[%swap3A_836], %swap3A_839 {strides = array<i32>} : memref<128xi32, #tpu.memory_space<vmem>>, vector<16xi32>,
      %dma_start3A_840 = arith.constant 0 : i32
      %dma_start3A_841 = arith.constant 0 : i32
      %dma_start3A_842 = tpu.memref_slice %arg2[%dma_start3A_840, %dma_start3A_841] : memref<20000x128xf32, #tpu.memory_space<hbm>> -> memref<20000x128xf32, #tpu.memory_space<hbm>>
      tpu.enqueue_indirect_dma source(%dma_start3A_842 : memref<20000x128xf32, #tpu.memory_space<hbm>>) target(%arg6 : memref<128x128xf32, #tpu.memory_space<vmem>>) offsets(%arg12 : memref<128xi32, #tpu.memory_space<vmem>>) semaphore(%arg19 : memref<!tpu.dma_semaphore, #tpu.memory_space<semaphore_mem>>)
      %dma_wait3A_843 = arith.constant 0 : i32
      %dma_wait3A_844 = arith.constant 0 : i32
      %dma_wait3A_845 = tpu.memref_slice %arg2[%dma_wait3A_843, %dma_wait3A_844] : memref<20000x128xf32, #tpu.memory_space<hbm>> -> memref<20000x128xf32, #tpu.memory_space<hbm>>
      tpu.wait_indirect_dma semaphore(%arg20 : memref<!tpu.dma_semaphore, #tpu.memory_space<semaphore_mem>>) src(%dma_wait3A_845 : memref<20000x128xf32, #tpu.memory_space<hbm>>) dst(%arg7 : memref<128x128xf32, #tpu.memory_space<vmem>>)
      "tpu.region"() ({
        %run_scoped3A = tpu.sem_alloc : memref<!tpu.dma_semaphore, #tpu.memory_space<semaphore_mem>>
        %dma_start3A_1202 = arith.constant 0 : i32
        %dma_start3A_1203 = arith.constant 0 : i32
        %dma_start3A_1204 = tpu.memref_slice %arg18[%dma_start3A_1202, %dma_start3A_1203] : memref<10240x128xf32, #tpu.memory_space<vmem_shared>> -> memref<10240x128xf32, #tpu.memory_space<vmem_shared>>
        tpu.enqueue_indirect_dma source(%arg7 : memref<128x128xf32, #tpu.memory_space<vmem>>) target(%dma_start3A_1204 : memref<10240x128xf32, #tpu.memory_space<vmem_shared>>) offsets(%arg11 : memref<128xi32, #tpu.memory_space<vmem>>) semaphore(%run_scoped3A : memref<!tpu.dma_semaphore, #tpu.memory_space<semaphore_mem>>) {add = true}
        %dma_wait3A_1205 = arith.constant 0 : i32
        %dma_wait3A_1206 = arith.constant 0 : i32
        %dma_wait3A_1207 = tpu.memref_slice %arg18[%dma_wait3A_1205, %dma_wait3A_1206] : memref<10240x128xf32, #tpu.memory_space<vmem_shared>> -> memref<10240x128xf32, #tpu.memory_space<vmem_shared>>
        tpu.wait_indirect_dma semaphore(%run_scoped3A : memref<!tpu.dma_semaphore, #tpu.memory_space<semaphore_mem>>) src(%arg7 : memref<128x128xf32, #tpu.memory_space<vmem>>) dst(%dma_wait3A_1207 : memref<10240x128xf32, #tpu.memory_space<vmem_shared>>)
        tpu.yield
      }) : () -> ()
      %add3A_846 = arith.constant 1152 : i32
      %add3A_847 = arith.addi %multiple_of3A_58, %add3A_846 : i32
      "tpu.region"() ({
        %run_scoped3A = tpu.sem_alloc : memref<!tpu.dma_semaphore, #tpu.memory_space<semaphore_mem>>
        %dma_start3A_1202 = tpu.memref_slice %arg3[%add3A_847] : memref<160000xi32, #tpu.memory_space<hbm>> -> memref<128xi32, #tpu.memory_space<hbm>>
        %dma_start3A_1203 = tpu.memref_slice %arg3[%add3A_847] : memref<160000xi32, #tpu.memory_space<hbm>> -> memref<128xi32, #tpu.memory_space<hbm>>
        tpu.enqueue_dma source(%dma_start3A_1203 : memref<128xi32, #tpu.memory_space<hbm>>) target(%arg9 : memref<128xi32, #tpu.memory_space<vmem>>) target_semaphore(%run_scoped3A : memref<!tpu.dma_semaphore, #tpu.memory_space<semaphore_mem>>)
        %dma_wait3A_1204 = tpu.memref_slice %arg3[%add3A_847] : memref<160000xi32, #tpu.memory_space<hbm>> -> memref<128xi32, #tpu.memory_space<hbm>>
        %dma_wait3A_1205 = tpu.memref_slice %arg3[%add3A_847] : memref<160000xi32, #tpu.memory_space<hbm>> -> memref<128xi32, #tpu.memory_space<hbm>>
        tpu.wait_dma2 semaphore(%run_scoped3A : memref<!tpu.dma_semaphore, #tpu.memory_space<semaphore_mem>>) src(%dma_wait3A_1205 : memref<128xi32, #tpu.memory_space<hbm>>) dst(%arg9 : memref<128xi32, #tpu.memory_space<vmem>>)
        tpu.yield
      }) : () -> ()
      "tpu.region"() ({
        %run_scoped3A = tpu.sem_alloc : memref<!tpu.dma_semaphore, #tpu.memory_space<semaphore_mem>>
        %dma_start3A_1202 = tpu.memref_slice %arg4[%add3A_847] : memref<160000xi32, #tpu.memory_space<hbm>> -> memref<128xi32, #tpu.memory_space<hbm>>
        %dma_start3A_1203 = tpu.memref_slice %arg4[%add3A_847] : memref<160000xi32, #tpu.memory_space<hbm>> -> memref<128xi32, #tpu.memory_space<hbm>>
        tpu.enqueue_dma source(%dma_start3A_1203 : memref<128xi32, #tpu.memory_space<hbm>>) target(%arg11 : memref<128xi32, #tpu.memory_space<vmem>>) target_semaphore(%run_scoped3A : memref<!tpu.dma_semaphore, #tpu.memory_space<semaphore_mem>>)
        %dma_wait3A_1204 = tpu.memref_slice %arg4[%add3A_847] : memref<160000xi32, #tpu.memory_space<hbm>> -> memref<128xi32, #tpu.memory_space<hbm>>
        %dma_wait3A_1205 = tpu.memref_slice %arg4[%add3A_847] : memref<160000xi32, #tpu.memory_space<hbm>> -> memref<128xi32, #tpu.memory_space<hbm>>
        tpu.wait_dma2 semaphore(%run_scoped3A : memref<!tpu.dma_semaphore, #tpu.memory_space<semaphore_mem>>) src(%dma_wait3A_1205 : memref<128xi32, #tpu.memory_space<hbm>>) dst(%arg11 : memref<128xi32, #tpu.memory_space<vmem>>)
        tpu.yield
      }) : () -> ()
      %get3A_848 = arith.constant 0 : index
      %get3A_849 = tpu.vector_load %arg9[%get3A_848] {strides = array<i32>} : memref<128xi32, #tpu.memory_space<vmem>>, vector<16xi32>,
      %get3A_850 = vector.shape_cast %get3A_849 : vector<16xi32> to vector<16xi32>
      %add3A_851 = arith.addi %get3A_850, %get3A_850 : vector<16xi32>
      %add3A_852 = vector.broadcast %arg0 : i32 to vector<16xi32>
      %add3A_853 = arith.addi %add3A_851, %add3A_852 : vector<16xi32>
      %swap3A_854 = arith.constant 0 : index
      %swap3A_855 = tpu.vector_load %arg13[%swap3A_854] {strides = array<i32>} : memref<128xi32, #tpu.memory_space<vmem>>, vector<16xi32>,
      %swap3A_856 = vector.shape_cast %swap3A_855 : vector<16xi32> to vector<16xi32>
      %swap3A_857 = vector.shape_cast %add3A_853 : vector<16xi32> to vector<16xi32>
      tpu.vector_store %arg13[%swap3A_854], %swap3A_857 {strides = array<i32>} : memref<128xi32, #tpu.memory_space<vmem>>, vector<16xi32>,
      %get3A_858 = arith.constant 16 : index
      %get3A_859 = tpu.vector_load %arg9[%get3A_858] {strides = array<i32>} : memref<128xi32, #tpu.memory_space<vmem>>, vector<16xi32>,
      %get3A_860 = vector.shape_cast %get3A_859 : vector<16xi32> to vector<16xi32>
      %add3A_861 = arith.addi %get3A_860, %get3A_860 : vector<16xi32>
      %add3A_862 = vector.broadcast %arg0 : i32 to vector<16xi32>
      %add3A_863 = arith.addi %add3A_861, %add3A_862 : vector<16xi32>
      %swap3A_864 = arith.constant 16 : index
      %swap3A_865 = tpu.vector_load %arg13[%swap3A_864] {strides = array<i32>} : memref<128xi32, #tpu.memory_space<vmem>>, vector<16xi32>,
      %swap3A_866 = vector.shape_cast %swap3A_865 : vector<16xi32> to vector<16xi32>
      %swap3A_867 = vector.shape_cast %add3A_863 : vector<16xi32> to vector<16xi32>
      tpu.vector_store %arg13[%swap3A_864], %swap3A_867 {strides = array<i32>} : memref<128xi32, #tpu.memory_space<vmem>>, vector<16xi32>,
      %get3A_868 = arith.constant 32 : index
      %get3A_869 = tpu.vector_load %arg9[%get3A_868] {strides = array<i32>} : memref<128xi32, #tpu.memory_space<vmem>>, vector<16xi32>,
      %get3A_870 = vector.shape_cast %get3A_869 : vector<16xi32> to vector<16xi32>
      %add3A_871 = arith.addi %get3A_870, %get3A_870 : vector<16xi32>
      %add3A_872 = vector.broadcast %arg0 : i32 to vector<16xi32>
      %add3A_873 = arith.addi %add3A_871, %add3A_872 : vector<16xi32>
      %swap3A_874 = arith.constant 32 : index
      %swap3A_875 = tpu.vector_load %arg13[%swap3A_874] {strides = array<i32>} : memref<128xi32, #tpu.memory_space<vmem>>, vector<16xi32>,
      %swap3A_876 = vector.shape_cast %swap3A_875 : vector<16xi32> to vector<16xi32>
      %swap3A_877 = vector.shape_cast %add3A_873 : vector<16xi32> to vector<16xi32>
      tpu.vector_store %arg13[%swap3A_874], %swap3A_877 {strides = array<i32>} : memref<128xi32, #tpu.memory_space<vmem>>, vector<16xi32>,
      %get3A_878 = arith.constant 48 : index
      %get3A_879 = tpu.vector_load %arg9[%get3A_878] {strides = array<i32>} : memref<128xi32, #tpu.memory_space<vmem>>, vector<16xi32>,
      %get3A_880 = vector.shape_cast %get3A_879 : vector<16xi32> to vector<16xi32>
      %add3A_881 = arith.addi %get3A_880, %get3A_880 : vector<16xi32>
      %add3A_882 = vector.broadcast %arg0 : i32 to vector<16xi32>
      %add3A_883 = arith.addi %add3A_881, %add3A_882 : vector<16xi32>
      %swap3A_884 = arith.constant 48 : index
      %swap3A_885 = tpu.vector_load %arg13[%swap3A_884] {strides = array<i32>} : memref<128xi32, #tpu.memory_space<vmem>>, vector<16xi32>,
      %swap3A_886 = vector.shape_cast %swap3A_885 : vector<16xi32> to vector<16xi32>
      %swap3A_887 = vector.shape_cast %add3A_883 : vector<16xi32> to vector<16xi32>
      tpu.vector_store %arg13[%swap3A_884], %swap3A_887 {strides = array<i32>} : memref<128xi32, #tpu.memory_space<vmem>>, vector<16xi32>,
      %get3A_888 = arith.constant 64 : index
      %get3A_889 = tpu.vector_load %arg9[%get3A_888] {strides = array<i32>} : memref<128xi32, #tpu.memory_space<vmem>>, vector<16xi32>,
      %get3A_890 = vector.shape_cast %get3A_889 : vector<16xi32> to vector<16xi32>
      %add3A_891 = arith.addi %get3A_890, %get3A_890 : vector<16xi32>
      %add3A_892 = vector.broadcast %arg0 : i32 to vector<16xi32>
      %add3A_893 = arith.addi %add3A_891, %add3A_892 : vector<16xi32>
      %swap3A_894 = arith.constant 64 : index
      %swap3A_895 = tpu.vector_load %arg13[%swap3A_894] {strides = array<i32>} : memref<128xi32, #tpu.memory_space<vmem>>, vector<16xi32>,
      %swap3A_896 = vector.shape_cast %swap3A_895 : vector<16xi32> to vector<16xi32>
      %swap3A_897 = vector.shape_cast %add3A_893 : vector<16xi32> to vector<16xi32>
      tpu.vector_store %arg13[%swap3A_894], %swap3A_897 {strides = array<i32>} : memref<128xi32, #tpu.memory_space<vmem>>, vector<16xi32>,
      %get3A_898 = arith.constant 80 : index
      %get3A_899 = tpu.vector_load %arg9[%get3A_898] {strides = array<i32>} : memref<128xi32, #tpu.memory_space<vmem>>, vector<16xi32>,
      %get3A_900 = vector.shape_cast %get3A_899 : vector<16xi32> to vector<16xi32>
      %add3A_901 = arith.addi %get3A_900, %get3A_900 : vector<16xi32>
      %add3A_902 = vector.broadcast %arg0 : i32 to vector<16xi32>
      %add3A_903 = arith.addi %add3A_901, %add3A_902 : vector<16xi32>
      %swap3A_904 = arith.constant 80 : index
      %swap3A_905 = tpu.vector_load %arg13[%swap3A_904] {strides = array<i32>} : memref<128xi32, #tpu.memory_space<vmem>>, vector<16xi32>,
      %swap3A_906 = vector.shape_cast %swap3A_905 : vector<16xi32> to vector<16xi32>
      %swap3A_907 = vector.shape_cast %add3A_903 : vector<16xi32> to vector<16xi32>
      tpu.vector_store %arg13[%swap3A_904], %swap3A_907 {strides = array<i32>} : memref<128xi32, #tpu.memory_space<vmem>>, vector<16xi32>,
      %get3A_908 = arith.constant 96 : index
      %get3A_909 = tpu.vector_load %arg9[%get3A_908] {strides = array<i32>} : memref<128xi32, #tpu.memory_space<vmem>>, vector<16xi32>,
      %get3A_910 = vector.shape_cast %get3A_909 : vector<16xi32> to vector<16xi32>
      %add3A_911 = arith.addi %get3A_910, %get3A_910 : vector<16xi32>
      %add3A_912 = vector.broadcast %arg0 : i32 to vector<16xi32>
      %add3A_913 = arith.addi %add3A_911, %add3A_912 : vector<16xi32>
      %swap3A_914 = arith.constant 96 : index
      %swap3A_915 = tpu.vector_load %arg13[%swap3A_914] {strides = array<i32>} : memref<128xi32, #tpu.memory_space<vmem>>, vector<16xi32>,
      %swap3A_916 = vector.shape_cast %swap3A_915 : vector<16xi32> to vector<16xi32>
      %swap3A_917 = vector.shape_cast %add3A_913 : vector<16xi32> to vector<16xi32>
      tpu.vector_store %arg13[%swap3A_914], %swap3A_917 {strides = array<i32>} : memref<128xi32, #tpu.memory_space<vmem>>, vector<16xi32>,
      %get3A_918 = arith.constant 112 : index
      %get3A_919 = tpu.vector_load %arg9[%get3A_918] {strides = array<i32>} : memref<128xi32, #tpu.memory_space<vmem>>, vector<16xi32>,
      %get3A_920 = vector.shape_cast %get3A_919 : vector<16xi32> to vector<16xi32>
      %add3A_921 = arith.addi %get3A_920, %get3A_920 : vector<16xi32>
      %add3A_922 = vector.broadcast %arg0 : i32 to vector<16xi32>
      %add3A_923 = arith.addi %add3A_921, %add3A_922 : vector<16xi32>
      %swap3A_924 = arith.constant 112 : index
      %swap3A_925 = tpu.vector_load %arg13[%swap3A_924] {strides = array<i32>} : memref<128xi32, #tpu.memory_space<vmem>>, vector<16xi32>,
      %swap3A_926 = vector.shape_cast %swap3A_925 : vector<16xi32> to vector<16xi32>
      %swap3A_927 = vector.shape_cast %add3A_923 : vector<16xi32> to vector<16xi32>
      tpu.vector_store %arg13[%swap3A_924], %swap3A_927 {strides = array<i32>} : memref<128xi32, #tpu.memory_space<vmem>>, vector<16xi32>,
      %dma_start3A_928 = arith.constant 0 : i32
      %dma_start3A_929 = arith.constant 0 : i32
      %dma_start3A_930 = tpu.memref_slice %arg2[%dma_start3A_928, %dma_start3A_929] : memref<20000x128xf32, #tpu.memory_space<hbm>> -> memref<20000x128xf32, #tpu.memory_space<hbm>>
      tpu.enqueue_indirect_dma source(%dma_start3A_930 : memref<20000x128xf32, #tpu.memory_space<hbm>>) target(%arg7 : memref<128x128xf32, #tpu.memory_space<vmem>>) offsets(%arg13 : memref<128xi32, #tpu.memory_space<vmem>>) semaphore(%arg20 : memref<!tpu.dma_semaphore, #tpu.memory_space<semaphore_mem>>)
      %dma_wait3A_931 = arith.constant 0 : i32
      %dma_wait3A_932 = arith.constant 0 : i32
      %dma_wait3A_933 = tpu.memref_slice %arg2[%dma_wait3A_931, %dma_wait3A_932] : memref<20000x128xf32, #tpu.memory_space<hbm>> -> memref<20000x128xf32, #tpu.memory_space<hbm>>
      tpu.wait_indirect_dma semaphore(%arg19 : memref<!tpu.dma_semaphore, #tpu.memory_space<semaphore_mem>>) src(%dma_wait3A_933 : memref<20000x128xf32, #tpu.memory_space<hbm>>) dst(%arg6 : memref<128x128xf32, #tpu.memory_space<vmem>>)
      "tpu.region"() ({
        %run_scoped3A = tpu.sem_alloc : memref<!tpu.dma_semaphore, #tpu.memory_space<semaphore_mem>>
        %dma_start3A_1202 = arith.constant 0 : i32
        %dma_start3A_1203 = arith.constant 0 : i32
        %dma_start3A_1204 = tpu.memref_slice %arg18[%dma_start3A_1202, %dma_start3A_1203] : memref<10240x128xf32, #tpu.memory_space<vmem_shared>> -> memref<10240x128xf32, #tpu.memory_space<vmem_shared>>
        tpu.enqueue_indirect_dma source(%arg6 : memref<128x128xf32, #tpu.memory_space<vmem>>) target(%dma_start3A_1204 : memref<10240x128xf32, #tpu.memory_space<vmem_shared>>) offsets(%arg10 : memref<128xi32, #tpu.memory_space<vmem>>) semaphore(%run_scoped3A : memref<!tpu.dma_semaphore, #tpu.memory_space<semaphore_mem>>) {add = true}
        %dma_wait3A_1205 = arith.constant 0 : i32
        %dma_wait3A_1206 = arith.constant 0 : i32
        %dma_wait3A_1207 = tpu.memref_slice %arg18[%dma_wait3A_1205, %dma_wait3A_1206] : memref<10240x128xf32, #tpu.memory_space<vmem_shared>> -> memref<10240x128xf32, #tpu.memory_space<vmem_shared>>
        tpu.wait_indirect_dma semaphore(%run_scoped3A : memref<!tpu.dma_semaphore, #tpu.memory_space<semaphore_mem>>) src(%arg6 : memref<128x128xf32, #tpu.memory_space<vmem>>) dst(%dma_wait3A_1207 : memref<10240x128xf32, #tpu.memory_space<vmem_shared>>)
        tpu.yield
      }) : () -> ()
      %add3A_934 = arith.constant 1280 : i32
      %add3A_935 = arith.addi %multiple_of3A_58, %add3A_934 : i32
      "tpu.region"() ({
        %run_scoped3A = tpu.sem_alloc : memref<!tpu.dma_semaphore, #tpu.memory_space<semaphore_mem>>
        %dma_start3A_1202 = tpu.memref_slice %arg3[%add3A_935] : memref<160000xi32, #tpu.memory_space<hbm>> -> memref<128xi32, #tpu.memory_space<hbm>>
        %dma_start3A_1203 = tpu.memref_slice %arg3[%add3A_935] : memref<160000xi32, #tpu.memory_space<hbm>> -> memref<128xi32, #tpu.memory_space<hbm>>
        tpu.enqueue_dma source(%dma_start3A_1203 : memref<128xi32, #tpu.memory_space<hbm>>) target(%arg8 : memref<128xi32, #tpu.memory_space<vmem>>) target_semaphore(%run_scoped3A : memref<!tpu.dma_semaphore, #tpu.memory_space<semaphore_mem>>)
        %dma_wait3A_1204 = tpu.memref_slice %arg3[%add3A_935] : memref<160000xi32, #tpu.memory_space<hbm>> -> memref<128xi32, #tpu.memory_space<hbm>>
        %dma_wait3A_1205 = tpu.memref_slice %arg3[%add3A_935] : memref<160000xi32, #tpu.memory_space<hbm>> -> memref<128xi32, #tpu.memory_space<hbm>>
        tpu.wait_dma2 semaphore(%run_scoped3A : memref<!tpu.dma_semaphore, #tpu.memory_space<semaphore_mem>>) src(%dma_wait3A_1205 : memref<128xi32, #tpu.memory_space<hbm>>) dst(%arg8 : memref<128xi32, #tpu.memory_space<vmem>>)
        tpu.yield
      }) : () -> ()
      "tpu.region"() ({
        %run_scoped3A = tpu.sem_alloc : memref<!tpu.dma_semaphore, #tpu.memory_space<semaphore_mem>>
        %dma_start3A_1202 = tpu.memref_slice %arg4[%add3A_935] : memref<160000xi32, #tpu.memory_space<hbm>> -> memref<128xi32, #tpu.memory_space<hbm>>
        %dma_start3A_1203 = tpu.memref_slice %arg4[%add3A_935] : memref<160000xi32, #tpu.memory_space<hbm>> -> memref<128xi32, #tpu.memory_space<hbm>>
        tpu.enqueue_dma source(%dma_start3A_1203 : memref<128xi32, #tpu.memory_space<hbm>>) target(%arg10 : memref<128xi32, #tpu.memory_space<vmem>>) target_semaphore(%run_scoped3A : memref<!tpu.dma_semaphore, #tpu.memory_space<semaphore_mem>>)
        %dma_wait3A_1204 = tpu.memref_slice %arg4[%add3A_935] : memref<160000xi32, #tpu.memory_space<hbm>> -> memref<128xi32, #tpu.memory_space<hbm>>
        %dma_wait3A_1205 = tpu.memref_slice %arg4[%add3A_935] : memref<160000xi32, #tpu.memory_space<hbm>> -> memref<128xi32, #tpu.memory_space<hbm>>
        tpu.wait_dma2 semaphore(%run_scoped3A : memref<!tpu.dma_semaphore, #tpu.memory_space<semaphore_mem>>) src(%dma_wait3A_1205 : memref<128xi32, #tpu.memory_space<hbm>>) dst(%arg10 : memref<128xi32, #tpu.memory_space<vmem>>)
        tpu.yield
      }) : () -> ()
      %get3A_936 = arith.constant 0 : index
      %get3A_937 = tpu.vector_load %arg8[%get3A_936] {strides = array<i32>} : memref<128xi32, #tpu.memory_space<vmem>>, vector<16xi32>,
      %get3A_938 = vector.shape_cast %get3A_937 : vector<16xi32> to vector<16xi32>
      %add3A_939 = arith.addi %get3A_938, %get3A_938 : vector<16xi32>
      %add3A_940 = vector.broadcast %arg0 : i32 to vector<16xi32>
      %add3A_941 = arith.addi %add3A_939, %add3A_940 : vector<16xi32>
      %swap3A_942 = arith.constant 0 : index
      %swap3A_943 = tpu.vector_load %arg12[%swap3A_942] {strides = array<i32>} : memref<128xi32, #tpu.memory_space<vmem>>, vector<16xi32>,
      %swap3A_944 = vector.shape_cast %swap3A_943 : vector<16xi32> to vector<16xi32>
      %swap3A_945 = vector.shape_cast %add3A_941 : vector<16xi32> to vector<16xi32>
      tpu.vector_store %arg12[%swap3A_942], %swap3A_945 {strides = array<i32>} : memref<128xi32, #tpu.memory_space<vmem>>, vector<16xi32>,
      %get3A_946 = arith.constant 16 : index
      %get3A_947 = tpu.vector_load %arg8[%get3A_946] {strides = array<i32>} : memref<128xi32, #tpu.memory_space<vmem>>, vector<16xi32>,
      %get3A_948 = vector.shape_cast %get3A_947 : vector<16xi32> to vector<16xi32>
      %add3A_949 = arith.addi %get3A_948, %get3A_948 : vector<16xi32>
      %add3A_950 = vector.broadcast %arg0 : i32 to vector<16xi32>
      %add3A_951 = arith.addi %add3A_949, %add3A_950 : vector<16xi32>
      %swap3A_952 = arith.constant 16 : index
      %swap3A_953 = tpu.vector_load %arg12[%swap3A_952] {strides = array<i32>} : memref<128xi32, #tpu.memory_space<vmem>>, vector<16xi32>,
      %swap3A_954 = vector.shape_cast %swap3A_953 : vector<16xi32> to vector<16xi32>
      %swap3A_955 = vector.shape_cast %add3A_951 : vector<16xi32> to vector<16xi32>
      tpu.vector_store %arg12[%swap3A_952], %swap3A_955 {strides = array<i32>} : memref<128xi32, #tpu.memory_space<vmem>>, vector<16xi32>,
      %get3A_956 = arith.constant 32 : index
      %get3A_957 = tpu.vector_load %arg8[%get3A_956] {strides = array<i32>} : memref<128xi32, #tpu.memory_space<vmem>>, vector<16xi32>,
      %get3A_958 = vector.shape_cast %get3A_957 : vector<16xi32> to vector<16xi32>
      %add3A_959 = arith.addi %get3A_958, %get3A_958 : vector<16xi32>
      %add3A_960 = vector.broadcast %arg0 : i32 to vector<16xi32>
      %add3A_961 = arith.addi %add3A_959, %add3A_960 : vector<16xi32>
      %swap3A_962 = arith.constant 32 : index
      %swap3A_963 = tpu.vector_load %arg12[%swap3A_962] {strides = array<i32>} : memref<128xi32, #tpu.memory_space<vmem>>, vector<16xi32>,
      %swap3A_964 = vector.shape_cast %swap3A_963 : vector<16xi32> to vector<16xi32>
      %swap3A_965 = vector.shape_cast %add3A_961 : vector<16xi32> to vector<16xi32>
      tpu.vector_store %arg12[%swap3A_962], %swap3A_965 {strides = array<i32>} : memref<128xi32, #tpu.memory_space<vmem>>, vector<16xi32>,
      %get3A_966 = arith.constant 48 : index
      %get3A_967 = tpu.vector_load %arg8[%get3A_966] {strides = array<i32>} : memref<128xi32, #tpu.memory_space<vmem>>, vector<16xi32>,
      %get3A_968 = vector.shape_cast %get3A_967 : vector<16xi32> to vector<16xi32>
      %add3A_969 = arith.addi %get3A_968, %get3A_968 : vector<16xi32>
      %add3A_970 = vector.broadcast %arg0 : i32 to vector<16xi32>
      %add3A_971 = arith.addi %add3A_969, %add3A_970 : vector<16xi32>
      %swap3A_972 = arith.constant 48 : index
      %swap3A_973 = tpu.vector_load %arg12[%swap3A_972] {strides = array<i32>} : memref<128xi32, #tpu.memory_space<vmem>>, vector<16xi32>,
      %swap3A_974 = vector.shape_cast %swap3A_973 : vector<16xi32> to vector<16xi32>
      %swap3A_975 = vector.shape_cast %add3A_971 : vector<16xi32> to vector<16xi32>
      tpu.vector_store %arg12[%swap3A_972], %swap3A_975 {strides = array<i32>} : memref<128xi32, #tpu.memory_space<vmem>>, vector<16xi32>,
      %get3A_976 = arith.constant 64 : index
      %get3A_977 = tpu.vector_load %arg8[%get3A_976] {strides = array<i32>} : memref<128xi32, #tpu.memory_space<vmem>>, vector<16xi32>,
      %get3A_978 = vector.shape_cast %get3A_977 : vector<16xi32> to vector<16xi32>
      %add3A_979 = arith.addi %get3A_978, %get3A_978 : vector<16xi32>
      %add3A_980 = vector.broadcast %arg0 : i32 to vector<16xi32>
      %add3A_981 = arith.addi %add3A_979, %add3A_980 : vector<16xi32>
      %swap3A_982 = arith.constant 64 : index
      %swap3A_983 = tpu.vector_load %arg12[%swap3A_982] {strides = array<i32>} : memref<128xi32, #tpu.memory_space<vmem>>, vector<16xi32>,
      %swap3A_984 = vector.shape_cast %swap3A_983 : vector<16xi32> to vector<16xi32>
      %swap3A_985 = vector.shape_cast %add3A_981 : vector<16xi32> to vector<16xi32>
      tpu.vector_store %arg12[%swap3A_982], %swap3A_985 {strides = array<i32>} : memref<128xi32, #tpu.memory_space<vmem>>, vector<16xi32>,
      %get3A_986 = arith.constant 80 : index
      %get3A_987 = tpu.vector_load %arg8[%get3A_986] {strides = array<i32>} : memref<128xi32, #tpu.memory_space<vmem>>, vector<16xi32>,
      %get3A_988 = vector.shape_cast %get3A_987 : vector<16xi32> to vector<16xi32>
      %add3A_989 = arith.addi %get3A_988, %get3A_988 : vector<16xi32>
      %add3A_990 = vector.broadcast %arg0 : i32 to vector<16xi32>
      %add3A_991 = arith.addi %add3A_989, %add3A_990 : vector<16xi32>
      %swap3A_992 = arith.constant 80 : index
      %swap3A_993 = tpu.vector_load %arg12[%swap3A_992] {strides = array<i32>} : memref<128xi32, #tpu.memory_space<vmem>>, vector<16xi32>,
      %swap3A_994 = vector.shape_cast %swap3A_993 : vector<16xi32> to vector<16xi32>
      %swap3A_995 = vector.shape_cast %add3A_991 : vector<16xi32> to vector<16xi32>
      tpu.vector_store %arg12[%swap3A_992], %swap3A_995 {strides = array<i32>} : memref<128xi32, #tpu.memory_space<vmem>>, vector<16xi32>,
      %get3A_996 = arith.constant 96 : index
      %get3A_997 = tpu.vector_load %arg8[%get3A_996] {strides = array<i32>} : memref<128xi32, #tpu.memory_space<vmem>>, vector<16xi32>,
      %get3A_998 = vector.shape_cast %get3A_997 : vector<16xi32> to vector<16xi32>
      %add3A_999 = arith.addi %get3A_998, %get3A_998 : vector<16xi32>
      %add3A_1000 = vector.broadcast %arg0 : i32 to vector<16xi32>
      %add3A_1001 = arith.addi %add3A_999, %add3A_1000 : vector<16xi32>
      %swap3A_1002 = arith.constant 96 : index
      %swap3A_1003 = tpu.vector_load %arg12[%swap3A_1002] {strides = array<i32>} : memref<128xi32, #tpu.memory_space<vmem>>, vector<16xi32>,
      %swap3A_1004 = vector.shape_cast %swap3A_1003 : vector<16xi32> to vector<16xi32>
      %swap3A_1005 = vector.shape_cast %add3A_1001 : vector<16xi32> to vector<16xi32>
      tpu.vector_store %arg12[%swap3A_1002], %swap3A_1005 {strides = array<i32>} : memref<128xi32, #tpu.memory_space<vmem>>, vector<16xi32>,
      %get3A_1006 = arith.constant 112 : index
      %get3A_1007 = tpu.vector_load %arg8[%get3A_1006] {strides = array<i32>} : memref<128xi32, #tpu.memory_space<vmem>>, vector<16xi32>,
      %get3A_1008 = vector.shape_cast %get3A_1007 : vector<16xi32> to vector<16xi32>
      %add3A_1009 = arith.addi %get3A_1008, %get3A_1008 : vector<16xi32>
      %add3A_1010 = vector.broadcast %arg0 : i32 to vector<16xi32>
      %add3A_1011 = arith.addi %add3A_1009, %add3A_1010 : vector<16xi32>
      %swap3A_1012 = arith.constant 112 : index
      %swap3A_1013 = tpu.vector_load %arg12[%swap3A_1012] {strides = array<i32>} : memref<128xi32, #tpu.memory_space<vmem>>, vector<16xi32>,
      %swap3A_1014 = vector.shape_cast %swap3A_1013 : vector<16xi32> to vector<16xi32>
      %swap3A_1015 = vector.shape_cast %add3A_1011 : vector<16xi32> to vector<16xi32>
      tpu.vector_store %arg12[%swap3A_1012], %swap3A_1015 {strides = array<i32>} : memref<128xi32, #tpu.memory_space<vmem>>, vector<16xi32>,
      %dma_start3A_1016 = arith.constant 0 : i32
      %dma_start3A_1017 = arith.constant 0 : i32
      %dma_start3A_1018 = tpu.memref_slice %arg2[%dma_start3A_1016, %dma_start3A_1017] : memref<20000x128xf32, #tpu.memory_space<hbm>> -> memref<20000x128xf32, #tpu.memory_space<hbm>>
      tpu.enqueue_indirect_dma source(%dma_start3A_1018 : memref<20000x128xf32, #tpu.memory_space<hbm>>) target(%arg6 : memref<128x128xf32, #tpu.memory_space<vmem>>) offsets(%arg12 : memref<128xi32, #tpu.memory_space<vmem>>) semaphore(%arg19 : memref<!tpu.dma_semaphore, #tpu.memory_space<semaphore_mem>>)
      %dma_wait3A_1019 = arith.constant 0 : i32
      %dma_wait3A_1020 = arith.constant 0 : i32
      %dma_wait3A_1021 = tpu.memref_slice %arg2[%dma_wait3A_1019, %dma_wait3A_1020] : memref<20000x128xf32, #tpu.memory_space<hbm>> -> memref<20000x128xf32, #tpu.memory_space<hbm>>
      tpu.wait_indirect_dma semaphore(%arg20 : memref<!tpu.dma_semaphore, #tpu.memory_space<semaphore_mem>>) src(%dma_wait3A_1021 : memref<20000x128xf32, #tpu.memory_space<hbm>>) dst(%arg7 : memref<128x128xf32, #tpu.memory_space<vmem>>)
      "tpu.region"() ({
        %run_scoped3A = tpu.sem_alloc : memref<!tpu.dma_semaphore, #tpu.memory_space<semaphore_mem>>
        %dma_start3A_1202 = arith.constant 0 : i32
        %dma_start3A_1203 = arith.constant 0 : i32
        %dma_start3A_1204 = tpu.memref_slice %arg18[%dma_start3A_1202, %dma_start3A_1203] : memref<10240x128xf32, #tpu.memory_space<vmem_shared>> -> memref<10240x128xf32, #tpu.memory_space<vmem_shared>>
        tpu.enqueue_indirect_dma source(%arg7 : memref<128x128xf32, #tpu.memory_space<vmem>>) target(%dma_start3A_1204 : memref<10240x128xf32, #tpu.memory_space<vmem_shared>>) offsets(%arg11 : memref<128xi32, #tpu.memory_space<vmem>>) semaphore(%run_scoped3A : memref<!tpu.dma_semaphore, #tpu.memory_space<semaphore_mem>>) {add = true}
        %dma_wait3A_1205 = arith.constant 0 : i32
        %dma_wait3A_1206 = arith.constant 0 : i32
        %dma_wait3A_1207 = tpu.memref_slice %arg18[%dma_wait3A_1205, %dma_wait3A_1206] : memref<10240x128xf32, #tpu.memory_space<vmem_shared>> -> memref<10240x128xf32, #tpu.memory_space<vmem_shared>>
        tpu.wait_indirect_dma semaphore(%run_scoped3A : memref<!tpu.dma_semaphore, #tpu.memory_space<semaphore_mem>>) src(%arg7 : memref<128x128xf32, #tpu.memory_space<vmem>>) dst(%dma_wait3A_1207 : memref<10240x128xf32, #tpu.memory_space<vmem_shared>>)
        tpu.yield
      }) : () -> ()
      %add3A_1022 = arith.constant 1408 : i32
      %add3A_1023 = arith.addi %multiple_of3A_58, %add3A_1022 : i32
      "tpu.region"() ({
        %run_scoped3A = tpu.sem_alloc : memref<!tpu.dma_semaphore, #tpu.memory_space<semaphore_mem>>
        %dma_start3A_1202 = tpu.memref_slice %arg3[%add3A_1023] : memref<160000xi32, #tpu.memory_space<hbm>> -> memref<128xi32, #tpu.memory_space<hbm>>
        %dma_start3A_1203 = tpu.memref_slice %arg3[%add3A_1023] : memref<160000xi32, #tpu.memory_space<hbm>> -> memref<128xi32, #tpu.memory_space<hbm>>
        tpu.enqueue_dma source(%dma_start3A_1203 : memref<128xi32, #tpu.memory_space<hbm>>) target(%arg9 : memref<128xi32, #tpu.memory_space<vmem>>) target_semaphore(%run_scoped3A : memref<!tpu.dma_semaphore, #tpu.memory_space<semaphore_mem>>)
        %dma_wait3A_1204 = tpu.memref_slice %arg3[%add3A_1023] : memref<160000xi32, #tpu.memory_space<hbm>> -> memref<128xi32, #tpu.memory_space<hbm>>
        %dma_wait3A_1205 = tpu.memref_slice %arg3[%add3A_1023] : memref<160000xi32, #tpu.memory_space<hbm>> -> memref<128xi32, #tpu.memory_space<hbm>>
        tpu.wait_dma2 semaphore(%run_scoped3A : memref<!tpu.dma_semaphore, #tpu.memory_space<semaphore_mem>>) src(%dma_wait3A_1205 : memref<128xi32, #tpu.memory_space<hbm>>) dst(%arg9 : memref<128xi32, #tpu.memory_space<vmem>>)
        tpu.yield
      }) : () -> ()
      "tpu.region"() ({
        %run_scoped3A = tpu.sem_alloc : memref<!tpu.dma_semaphore, #tpu.memory_space<semaphore_mem>>
        %dma_start3A_1202 = tpu.memref_slice %arg4[%add3A_1023] : memref<160000xi32, #tpu.memory_space<hbm>> -> memref<128xi32, #tpu.memory_space<hbm>>
        %dma_start3A_1203 = tpu.memref_slice %arg4[%add3A_1023] : memref<160000xi32, #tpu.memory_space<hbm>> -> memref<128xi32, #tpu.memory_space<hbm>>
        tpu.enqueue_dma source(%dma_start3A_1203 : memref<128xi32, #tpu.memory_space<hbm>>) target(%arg11 : memref<128xi32, #tpu.memory_space<vmem>>) target_semaphore(%run_scoped3A : memref<!tpu.dma_semaphore, #tpu.memory_space<semaphore_mem>>)
        %dma_wait3A_1204 = tpu.memref_slice %arg4[%add3A_1023] : memref<160000xi32, #tpu.memory_space<hbm>> -> memref<128xi32, #tpu.memory_space<hbm>>
        %dma_wait3A_1205 = tpu.memref_slice %arg4[%add3A_1023] : memref<160000xi32, #tpu.memory_space<hbm>> -> memref<128xi32, #tpu.memory_space<hbm>>
        tpu.wait_dma2 semaphore(%run_scoped3A : memref<!tpu.dma_semaphore, #tpu.memory_space<semaphore_mem>>) src(%dma_wait3A_1205 : memref<128xi32, #tpu.memory_space<hbm>>) dst(%arg11 : memref<128xi32, #tpu.memory_space<vmem>>)
        tpu.yield
      }) : () -> ()
      %get3A_1024 = arith.constant 0 : index
      %get3A_1025 = tpu.vector_load %arg9[%get3A_1024] {strides = array<i32>} : memref<128xi32, #tpu.memory_space<vmem>>, vector<16xi32>,
      %get3A_1026 = vector.shape_cast %get3A_1025 : vector<16xi32> to vector<16xi32>
      %add3A_1027 = arith.addi %get3A_1026, %get3A_1026 : vector<16xi32>
      %add3A_1028 = vector.broadcast %arg0 : i32 to vector<16xi32>
      %add3A_1029 = arith.addi %add3A_1027, %add3A_1028 : vector<16xi32>
      %swap3A_1030 = arith.constant 0 : index
      %swap3A_1031 = tpu.vector_load %arg13[%swap3A_1030] {strides = array<i32>} : memref<128xi32, #tpu.memory_space<vmem>>, vector<16xi32>,
      %swap3A_1032 = vector.shape_cast %swap3A_1031 : vector<16xi32> to vector<16xi32>
      %swap3A_1033 = vector.shape_cast %add3A_1029 : vector<16xi32> to vector<16xi32>
      tpu.vector_store %arg13[%swap3A_1030], %swap3A_1033 {strides = array<i32>} : memref<128xi32, #tpu.memory_space<vmem>>, vector<16xi32>,
      %get3A_1034 = arith.constant 16 : index
      %get3A_1035 = tpu.vector_load %arg9[%get3A_1034] {strides = array<i32>} : memref<128xi32, #tpu.memory_space<vmem>>, vector<16xi32>,
      %get3A_1036 = vector.shape_cast %get3A_1035 : vector<16xi32> to vector<16xi32>
      %add3A_1037 = arith.addi %get3A_1036, %get3A_1036 : vector<16xi32>
      %add3A_1038 = vector.broadcast %arg0 : i32 to vector<16xi32>
      %add3A_1039 = arith.addi %add3A_1037, %add3A_1038 : vector<16xi32>
      %swap3A_1040 = arith.constant 16 : index
      %swap3A_1041 = tpu.vector_load %arg13[%swap3A_1040] {strides = array<i32>} : memref<128xi32, #tpu.memory_space<vmem>>, vector<16xi32>,
      %swap3A_1042 = vector.shape_cast %swap3A_1041 : vector<16xi32> to vector<16xi32>
      %swap3A_1043 = vector.shape_cast %add3A_1039 : vector<16xi32> to vector<16xi32>
      tpu.vector_store %arg13[%swap3A_1040], %swap3A_1043 {strides = array<i32>} : memref<128xi32, #tpu.memory_space<vmem>>, vector<16xi32>,
      %get3A_1044 = arith.constant 32 : index
      %get3A_1045 = tpu.vector_load %arg9[%get3A_1044] {strides = array<i32>} : memref<128xi32, #tpu.memory_space<vmem>>, vector<16xi32>,
      %get3A_1046 = vector.shape_cast %get3A_1045 : vector<16xi32> to vector<16xi32>
      %add3A_1047 = arith.addi %get3A_1046, %get3A_1046 : vector<16xi32>
      %add3A_1048 = vector.broadcast %arg0 : i32 to vector<16xi32>
      %add3A_1049 = arith.addi %add3A_1047, %add3A_1048 : vector<16xi32>
      %swap3A_1050 = arith.constant 32 : index
      %swap3A_1051 = tpu.vector_load %arg13[%swap3A_1050] {strides = array<i32>} : memref<128xi32, #tpu.memory_space<vmem>>, vector<16xi32>,
      %swap3A_1052 = vector.shape_cast %swap3A_1051 : vector<16xi32> to vector<16xi32>
      %swap3A_1053 = vector.shape_cast %add3A_1049 : vector<16xi32> to vector<16xi32>
      tpu.vector_store %arg13[%swap3A_1050], %swap3A_1053 {strides = array<i32>} : memref<128xi32, #tpu.memory_space<vmem>>, vector<16xi32>,
      %get3A_1054 = arith.constant 48 : index
      %get3A_1055 = tpu.vector_load %arg9[%get3A_1054] {strides = array<i32>} : memref<128xi32, #tpu.memory_space<vmem>>, vector<16xi32>,
      %get3A_1056 = vector.shape_cast %get3A_1055 : vector<16xi32> to vector<16xi32>
      %add3A_1057 = arith.addi %get3A_1056, %get3A_1056 : vector<16xi32>
      %add3A_1058 = vector.broadcast %arg0 : i32 to vector<16xi32>
      %add3A_1059 = arith.addi %add3A_1057, %add3A_1058 : vector<16xi32>
      %swap3A_1060 = arith.constant 48 : index
      %swap3A_1061 = tpu.vector_load %arg13[%swap3A_1060] {strides = array<i32>} : memref<128xi32, #tpu.memory_space<vmem>>, vector<16xi32>,
      %swap3A_1062 = vector.shape_cast %swap3A_1061 : vector<16xi32> to vector<16xi32>
      %swap3A_1063 = vector.shape_cast %add3A_1059 : vector<16xi32> to vector<16xi32>
      tpu.vector_store %arg13[%swap3A_1060], %swap3A_1063 {strides = array<i32>} : memref<128xi32, #tpu.memory_space<vmem>>, vector<16xi32>,
      %get3A_1064 = arith.constant 64 : index
      %get3A_1065 = tpu.vector_load %arg9[%get3A_1064] {strides = array<i32>} : memref<128xi32, #tpu.memory_space<vmem>>, vector<16xi32>,
      %get3A_1066 = vector.shape_cast %get3A_1065 : vector<16xi32> to vector<16xi32>
      %add3A_1067 = arith.addi %get3A_1066, %get3A_1066 : vector<16xi32>
      %add3A_1068 = vector.broadcast %arg0 : i32 to vector<16xi32>
      %add3A_1069 = arith.addi %add3A_1067, %add3A_1068 : vector<16xi32>
      %swap3A_1070 = arith.constant 64 : index
      %swap3A_1071 = tpu.vector_load %arg13[%swap3A_1070] {strides = array<i32>} : memref<128xi32, #tpu.memory_space<vmem>>, vector<16xi32>,
      %swap3A_1072 = vector.shape_cast %swap3A_1071 : vector<16xi32> to vector<16xi32>
      %swap3A_1073 = vector.shape_cast %add3A_1069 : vector<16xi32> to vector<16xi32>
      tpu.vector_store %arg13[%swap3A_1070], %swap3A_1073 {strides = array<i32>} : memref<128xi32, #tpu.memory_space<vmem>>, vector<16xi32>,
      %get3A_1074 = arith.constant 80 : index
      %get3A_1075 = tpu.vector_load %arg9[%get3A_1074] {strides = array<i32>} : memref<128xi32, #tpu.memory_space<vmem>>, vector<16xi32>,
      %get3A_1076 = vector.shape_cast %get3A_1075 : vector<16xi32> to vector<16xi32>
      %add3A_1077 = arith.addi %get3A_1076, %get3A_1076 : vector<16xi32>
      %add3A_1078 = vector.broadcast %arg0 : i32 to vector<16xi32>
      %add3A_1079 = arith.addi %add3A_1077, %add3A_1078 : vector<16xi32>
      %swap3A_1080 = arith.constant 80 : index
      %swap3A_1081 = tpu.vector_load %arg13[%swap3A_1080] {strides = array<i32>} : memref<128xi32, #tpu.memory_space<vmem>>, vector<16xi32>,
      %swap3A_1082 = vector.shape_cast %swap3A_1081 : vector<16xi32> to vector<16xi32>
      %swap3A_1083 = vector.shape_cast %add3A_1079 : vector<16xi32> to vector<16xi32>
      tpu.vector_store %arg13[%swap3A_1080], %swap3A_1083 {strides = array<i32>} : memref<128xi32, #tpu.memory_space<vmem>>, vector<16xi32>,
      %get3A_1084 = arith.constant 96 : index
      %get3A_1085 = tpu.vector_load %arg9[%get3A_1084] {strides = array<i32>} : memref<128xi32, #tpu.memory_space<vmem>>, vector<16xi32>,
      %get3A_1086 = vector.shape_cast %get3A_1085 : vector<16xi32> to vector<16xi32>
      %add3A_1087 = arith.addi %get3A_1086, %get3A_1086 : vector<16xi32>
      %add3A_1088 = vector.broadcast %arg0 : i32 to vector<16xi32>
      %add3A_1089 = arith.addi %add3A_1087, %add3A_1088 : vector<16xi32>
      %swap3A_1090 = arith.constant 96 : index
      %swap3A_1091 = tpu.vector_load %arg13[%swap3A_1090] {strides = array<i32>} : memref<128xi32, #tpu.memory_space<vmem>>, vector<16xi32>,
      %swap3A_1092 = vector.shape_cast %swap3A_1091 : vector<16xi32> to vector<16xi32>
      %swap3A_1093 = vector.shape_cast %add3A_1089 : vector<16xi32> to vector<16xi32>
      tpu.vector_store %arg13[%swap3A_1090], %swap3A_1093 {strides = array<i32>} : memref<128xi32, #tpu.memory_space<vmem>>, vector<16xi32>,
      %get3A_1094 = arith.constant 112 : index
      %get3A_1095 = tpu.vector_load %arg9[%get3A_1094] {strides = array<i32>} : memref<128xi32, #tpu.memory_space<vmem>>, vector<16xi32>,
      %get3A_1096 = vector.shape_cast %get3A_1095 : vector<16xi32> to vector<16xi32>
      %add3A_1097 = arith.addi %get3A_1096, %get3A_1096 : vector<16xi32>
      %add3A_1098 = vector.broadcast %arg0 : i32 to vector<16xi32>
      %add3A_1099 = arith.addi %add3A_1097, %add3A_1098 : vector<16xi32>
      %swap3A_1100 = arith.constant 112 : index
      %swap3A_1101 = tpu.vector_load %arg13[%swap3A_1100] {strides = array<i32>} : memref<128xi32, #tpu.memory_space<vmem>>, vector<16xi32>,
      %swap3A_1102 = vector.shape_cast %swap3A_1101 : vector<16xi32> to vector<16xi32>
      %swap3A_1103 = vector.shape_cast %add3A_1099 : vector<16xi32> to vector<16xi32>
      tpu.vector_store %arg13[%swap3A_1100], %swap3A_1103 {strides = array<i32>} : memref<128xi32, #tpu.memory_space<vmem>>, vector<16xi32>,
      %dma_start3A_1104 = arith.constant 0 : i32
      %dma_start3A_1105 = arith.constant 0 : i32
      %dma_start3A_1106 = tpu.memref_slice %arg2[%dma_start3A_1104, %dma_start3A_1105] : memref<20000x128xf32, #tpu.memory_space<hbm>> -> memref<20000x128xf32, #tpu.memory_space<hbm>>
      tpu.enqueue_indirect_dma source(%dma_start3A_1106 : memref<20000x128xf32, #tpu.memory_space<hbm>>) target(%arg7 : memref<128x128xf32, #tpu.memory_space<vmem>>) offsets(%arg13 : memref<128xi32, #tpu.memory_space<vmem>>) semaphore(%arg20 : memref<!tpu.dma_semaphore, #tpu.memory_space<semaphore_mem>>)
      %dma_wait3A_1107 = arith.constant 0 : i32
      %dma_wait3A_1108 = arith.constant 0 : i32
      %dma_wait3A_1109 = tpu.memref_slice %arg2[%dma_wait3A_1107, %dma_wait3A_1108] : memref<20000x128xf32, #tpu.memory_space<hbm>> -> memref<20000x128xf32, #tpu.memory_space<hbm>>
      tpu.wait_indirect_dma semaphore(%arg19 : memref<!tpu.dma_semaphore, #tpu.memory_space<semaphore_mem>>) src(%dma_wait3A_1109 : memref<20000x128xf32, #tpu.memory_space<hbm>>) dst(%arg6 : memref<128x128xf32, #tpu.memory_space<vmem>>)
      "tpu.region"() ({
        %run_scoped3A = tpu.sem_alloc : memref<!tpu.dma_semaphore, #tpu.memory_space<semaphore_mem>>
        %dma_start3A_1202 = arith.constant 0 : i32
        %dma_start3A_1203 = arith.constant 0 : i32
        %dma_start3A_1204 = tpu.memref_slice %arg18[%dma_start3A_1202, %dma_start3A_1203] : memref<10240x128xf32, #tpu.memory_space<vmem_shared>> -> memref<10240x128xf32, #tpu.memory_space<vmem_shared>>
        tpu.enqueue_indirect_dma source(%arg6 : memref<128x128xf32, #tpu.memory_space<vmem>>) target(%dma_start3A_1204 : memref<10240x128xf32, #tpu.memory_space<vmem_shared>>) offsets(%arg10 : memref<128xi32, #tpu.memory_space<vmem>>) semaphore(%run_scoped3A : memref<!tpu.dma_semaphore, #tpu.memory_space<semaphore_mem>>) {add = true}
        %dma_wait3A_1205 = arith.constant 0 : i32
        %dma_wait3A_1206 = arith.constant 0 : i32
        %dma_wait3A_1207 = tpu.memref_slice %arg18[%dma_wait3A_1205, %dma_wait3A_1206] : memref<10240x128xf32, #tpu.memory_space<vmem_shared>> -> memref<10240x128xf32, #tpu.memory_space<vmem_shared>>
        tpu.wait_indirect_dma semaphore(%run_scoped3A : memref<!tpu.dma_semaphore, #tpu.memory_space<semaphore_mem>>) src(%arg6 : memref<128x128xf32, #tpu.memory_space<vmem>>) dst(%dma_wait3A_1207 : memref<10240x128xf32, #tpu.memory_space<vmem_shared>>)
        tpu.yield
      }) : () -> ()
      %add3A_1110 = arith.constant 1536 : i32
      %add3A_1111 = arith.addi %multiple_of3A_58, %add3A_1110 : i32
      "tpu.region"() ({
        %run_scoped3A = tpu.sem_alloc : memref<!tpu.dma_semaphore, #tpu.memory_space<semaphore_mem>>
        %dma_start3A_1202 = tpu.memref_slice %arg3[%add3A_1111] : memref<160000xi32, #tpu.memory_space<hbm>> -> memref<128xi32, #tpu.memory_space<hbm>>
        %dma_start3A_1203 = tpu.memref_slice %arg3[%add3A_1111] : memref<160000xi32, #tpu.memory_space<hbm>> -> memref<128xi32, #tpu.memory_space<hbm>>
        tpu.enqueue_dma source(%dma_start3A_1203 : memref<128xi32, #tpu.memory_space<hbm>>) target(%arg8 : memref<128xi32, #tpu.memory_space<vmem>>) target_semaphore(%run_scoped3A : memref<!tpu.dma_semaphore, #tpu.memory_space<semaphore_mem>>)
        %dma_wait3A_1204 = tpu.memref_slice %arg3[%add3A_1111] : memref<160000xi32, #tpu.memory_space<hbm>> -> memref<128xi32, #tpu.memory_space<hbm>>
        %dma_wait3A_1205 = tpu.memref_slice %arg3[%add3A_1111] : memref<160000xi32, #tpu.memory_space<hbm>> -> memref<128xi32, #tpu.memory_space<hbm>>
        tpu.wait_dma2 semaphore(%run_scoped3A : memref<!tpu.dma_semaphore, #tpu.memory_space<semaphore_mem>>) src(%dma_wait3A_1205 : memref<128xi32, #tpu.memory_space<hbm>>) dst(%arg8 : memref<128xi32, #tpu.memory_space<vmem>>)
        tpu.yield
      }) : () -> ()
      "tpu.region"() ({
        %run_scoped3A = tpu.sem_alloc : memref<!tpu.dma_semaphore, #tpu.memory_space<semaphore_mem>>
        %dma_start3A_1202 = tpu.memref_slice %arg4[%add3A_1111] : memref<160000xi32, #tpu.memory_space<hbm>> -> memref<128xi32, #tpu.memory_space<hbm>>
        %dma_start3A_1203 = tpu.memref_slice %arg4[%add3A_1111] : memref<160000xi32, #tpu.memory_space<hbm>> -> memref<128xi32, #tpu.memory_space<hbm>>
        tpu.enqueue_dma source(%dma_start3A_1203 : memref<128xi32, #tpu.memory_space<hbm>>) target(%arg10 : memref<128xi32, #tpu.memory_space<vmem>>) target_semaphore(%run_scoped3A : memref<!tpu.dma_semaphore, #tpu.memory_space<semaphore_mem>>)
        %dma_wait3A_1204 = tpu.memref_slice %arg4[%add3A_1111] : memref<160000xi32, #tpu.memory_space<hbm>> -> memref<128xi32, #tpu.memory_space<hbm>>
        %dma_wait3A_1205 = tpu.memref_slice %arg4[%add3A_1111] : memref<160000xi32, #tpu.memory_space<hbm>> -> memref<128xi32, #tpu.memory_space<hbm>>
        tpu.wait_dma2 semaphore(%run_scoped3A : memref<!tpu.dma_semaphore, #tpu.memory_space<semaphore_mem>>) src(%dma_wait3A_1205 : memref<128xi32, #tpu.memory_space<hbm>>) dst(%arg10 : memref<128xi32, #tpu.memory_space<vmem>>)
        tpu.yield
      }) : () -> ()
      %get3A_1112 = arith.constant 0 : index
      %get3A_1113 = tpu.vector_load %arg8[%get3A_1112] {strides = array<i32>} : memref<128xi32, #tpu.memory_space<vmem>>, vector<16xi32>,
      %get3A_1114 = vector.shape_cast %get3A_1113 : vector<16xi32> to vector<16xi32>
      %add3A_1115 = arith.addi %get3A_1114, %get3A_1114 : vector<16xi32>
      %add3A_1116 = vector.broadcast %arg0 : i32 to vector<16xi32>
      %add3A_1117 = arith.addi %add3A_1115, %add3A_1116 : vector<16xi32>
      %swap3A_1118 = arith.constant 0 : index
      %swap3A_1119 = tpu.vector_load %arg12[%swap3A_1118] {strides = array<i32>} : memref<128xi32, #tpu.memory_space<vmem>>, vector<16xi32>,
      %swap3A_1120 = vector.shape_cast %swap3A_1119 : vector<16xi32> to vector<16xi32>
      %swap3A_1121 = vector.shape_cast %add3A_1117 : vector<16xi32> to vector<16xi32>
      tpu.vector_store %arg12[%swap3A_1118], %swap3A_1121 {strides = array<i32>} : memref<128xi32, #tpu.memory_space<vmem>>, vector<16xi32>,
      %get3A_1122 = arith.constant 16 : index
      %get3A_1123 = tpu.vector_load %arg8[%get3A_1122] {strides = array<i32>} : memref<128xi32, #tpu.memory_space<vmem>>, vector<16xi32>,
      %get3A_1124 = vector.shape_cast %get3A_1123 : vector<16xi32> to vector<16xi32>
      %add3A_1125 = arith.addi %get3A_1124, %get3A_1124 : vector<16xi32>
      %add3A_1126 = vector.broadcast %arg0 : i32 to vector<16xi32>
      %add3A_1127 = arith.addi %add3A_1125, %add3A_1126 : vector<16xi32>
      %swap3A_1128 = arith.constant 16 : index
      %swap3A_1129 = tpu.vector_load %arg12[%swap3A_1128] {strides = array<i32>} : memref<128xi32, #tpu.memory_space<vmem>>, vector<16xi32>,
      %swap3A_1130 = vector.shape_cast %swap3A_1129 : vector<16xi32> to vector<16xi32>
      %swap3A_1131 = vector.shape_cast %add3A_1127 : vector<16xi32> to vector<16xi32>
      tpu.vector_store %arg12[%swap3A_1128], %swap3A_1131 {strides = array<i32>} : memref<128xi32, #tpu.memory_space<vmem>>, vector<16xi32>,
      %get3A_1132 = arith.constant 32 : index
      %get3A_1133 = tpu.vector_load %arg8[%get3A_1132] {strides = array<i32>} : memref<128xi32, #tpu.memory_space<vmem>>, vector<16xi32>,
      %get3A_1134 = vector.shape_cast %get3A_1133 : vector<16xi32> to vector<16xi32>
      %add3A_1135 = arith.addi %get3A_1134, %get3A_1134 : vector<16xi32>
      %add3A_1136 = vector.broadcast %arg0 : i32 to vector<16xi32>
      %add3A_1137 = arith.addi %add3A_1135, %add3A_1136 : vector<16xi32>
      %swap3A_1138 = arith.constant 32 : index
      %swap3A_1139 = tpu.vector_load %arg12[%swap3A_1138] {strides = array<i32>} : memref<128xi32, #tpu.memory_space<vmem>>, vector<16xi32>,
      %swap3A_1140 = vector.shape_cast %swap3A_1139 : vector<16xi32> to vector<16xi32>
      %swap3A_1141 = vector.shape_cast %add3A_1137 : vector<16xi32> to vector<16xi32>
      tpu.vector_store %arg12[%swap3A_1138], %swap3A_1141 {strides = array<i32>} : memref<128xi32, #tpu.memory_space<vmem>>, vector<16xi32>,
      %get3A_1142 = arith.constant 48 : index
      %get3A_1143 = tpu.vector_load %arg8[%get3A_1142] {strides = array<i32>} : memref<128xi32, #tpu.memory_space<vmem>>, vector<16xi32>,
      %get3A_1144 = vector.shape_cast %get3A_1143 : vector<16xi32> to vector<16xi32>
      %add3A_1145 = arith.addi %get3A_1144, %get3A_1144 : vector<16xi32>
      %add3A_1146 = vector.broadcast %arg0 : i32 to vector<16xi32>
      %add3A_1147 = arith.addi %add3A_1145, %add3A_1146 : vector<16xi32>
      %swap3A_1148 = arith.constant 48 : index
      %swap3A_1149 = tpu.vector_load %arg12[%swap3A_1148] {strides = array<i32>} : memref<128xi32, #tpu.memory_space<vmem>>, vector<16xi32>,
      %swap3A_1150 = vector.shape_cast %swap3A_1149 : vector<16xi32> to vector<16xi32>
      %swap3A_1151 = vector.shape_cast %add3A_1147 : vector<16xi32> to vector<16xi32>
      tpu.vector_store %arg12[%swap3A_1148], %swap3A_1151 {strides = array<i32>} : memref<128xi32, #tpu.memory_space<vmem>>, vector<16xi32>,
      %get3A_1152 = arith.constant 64 : index
      %get3A_1153 = tpu.vector_load %arg8[%get3A_1152] {strides = array<i32>} : memref<128xi32, #tpu.memory_space<vmem>>, vector<16xi32>,
      %get3A_1154 = vector.shape_cast %get3A_1153 : vector<16xi32> to vector<16xi32>
      %add3A_1155 = arith.addi %get3A_1154, %get3A_1154 : vector<16xi32>
      %add3A_1156 = vector.broadcast %arg0 : i32 to vector<16xi32>
      %add3A_1157 = arith.addi %add3A_1155, %add3A_1156 : vector<16xi32>
      %swap3A_1158 = arith.constant 64 : index
      %swap3A_1159 = tpu.vector_load %arg12[%swap3A_1158] {strides = array<i32>} : memref<128xi32, #tpu.memory_space<vmem>>, vector<16xi32>,
      %swap3A_1160 = vector.shape_cast %swap3A_1159 : vector<16xi32> to vector<16xi32>
      %swap3A_1161 = vector.shape_cast %add3A_1157 : vector<16xi32> to vector<16xi32>
      tpu.vector_store %arg12[%swap3A_1158], %swap3A_1161 {strides = array<i32>} : memref<128xi32, #tpu.memory_space<vmem>>, vector<16xi32>,
      %get3A_1162 = arith.constant 80 : index
      %get3A_1163 = tpu.vector_load %arg8[%get3A_1162] {strides = array<i32>} : memref<128xi32, #tpu.memory_space<vmem>>, vector<16xi32>,
      %get3A_1164 = vector.shape_cast %get3A_1163 : vector<16xi32> to vector<16xi32>
      %add3A_1165 = arith.addi %get3A_1164, %get3A_1164 : vector<16xi32>
      %add3A_1166 = vector.broadcast %arg0 : i32 to vector<16xi32>
      %add3A_1167 = arith.addi %add3A_1165, %add3A_1166 : vector<16xi32>
      %swap3A_1168 = arith.constant 80 : index
      %swap3A_1169 = tpu.vector_load %arg12[%swap3A_1168] {strides = array<i32>} : memref<128xi32, #tpu.memory_space<vmem>>, vector<16xi32>,
      %swap3A_1170 = vector.shape_cast %swap3A_1169 : vector<16xi32> to vector<16xi32>
      %swap3A_1171 = vector.shape_cast %add3A_1167 : vector<16xi32> to vector<16xi32>
      tpu.vector_store %arg12[%swap3A_1168], %swap3A_1171 {strides = array<i32>} : memref<128xi32, #tpu.memory_space<vmem>>, vector<16xi32>,
      %get3A_1172 = arith.constant 96 : index
      %get3A_1173 = tpu.vector_load %arg8[%get3A_1172] {strides = array<i32>} : memref<128xi32, #tpu.memory_space<vmem>>, vector<16xi32>,
      %get3A_1174 = vector.shape_cast %get3A_1173 : vector<16xi32> to vector<16xi32>
      %add3A_1175 = arith.addi %get3A_1174, %get3A_1174 : vector<16xi32>
      %add3A_1176 = vector.broadcast %arg0 : i32 to vector<16xi32>
      %add3A_1177 = arith.addi %add3A_1175, %add3A_1176 : vector<16xi32>
      %swap3A_1178 = arith.constant 96 : index
      %swap3A_1179 = tpu.vector_load %arg12[%swap3A_1178] {strides = array<i32>} : memref<128xi32, #tpu.memory_space<vmem>>, vector<16xi32>,
      %swap3A_1180 = vector.shape_cast %swap3A_1179 : vector<16xi32> to vector<16xi32>
      %swap3A_1181 = vector.shape_cast %add3A_1177 : vector<16xi32> to vector<16xi32>
      tpu.vector_store %arg12[%swap3A_1178], %swap3A_1181 {strides = array<i32>} : memref<128xi32, #tpu.memory_space<vmem>>, vector<16xi32>,
      %get3A_1182 = arith.constant 112 : index
      %get3A_1183 = tpu.vector_load %arg8[%get3A_1182] {strides = array<i32>} : memref<128xi32, #tpu.memory_space<vmem>>, vector<16xi32>,
      %get3A_1184 = vector.shape_cast %get3A_1183 : vector<16xi32> to vector<16xi32>
      %add3A_1185 = arith.addi %get3A_1184, %get3A_1184 : vector<16xi32>
      %add3A_1186 = vector.broadcast %arg0 : i32 to vector<16xi32>
      %add3A_1187 = arith.addi %add3A_1185, %add3A_1186 : vector<16xi32>
      %swap3A_1188 = arith.constant 112 : index
      %swap3A_1189 = tpu.vector_load %arg12[%swap3A_1188] {strides = array<i32>} : memref<128xi32, #tpu.memory_space<vmem>>, vector<16xi32>,
      %swap3A_1190 = vector.shape_cast %swap3A_1189 : vector<16xi32> to vector<16xi32>
      %swap3A_1191 = vector.shape_cast %add3A_1187 : vector<16xi32> to vector<16xi32>
      tpu.vector_store %arg12[%swap3A_1188], %swap3A_1191 {strides = array<i32>} : memref<128xi32, #tpu.memory_space<vmem>>, vector<16xi32>,
      %dma_start3A_1192 = arith.constant 0 : i32
      %dma_start3A_1193 = arith.constant 0 : i32
      %dma_start3A_1194 = tpu.memref_slice %arg2[%dma_start3A_1192, %dma_start3A_1193] : memref<20000x128xf32, #tpu.memory_space<hbm>> -> memref<20000x128xf32, #tpu.memory_space<hbm>>
      tpu.enqueue_indirect_dma source(%dma_start3A_1194 : memref<20000x128xf32, #tpu.memory_space<hbm>>) target(%arg6 : memref<128x128xf32, #tpu.memory_space<vmem>>) offsets(%arg12 : memref<128xi32, #tpu.memory_space<vmem>>) semaphore(%arg19 : memref<!tpu.dma_semaphore, #tpu.memory_space<semaphore_mem>>)
      %dma_wait3A_1195 = arith.constant 0 : i32
      %dma_wait3A_1196 = arith.constant 0 : i32
      %dma_wait3A_1197 = tpu.memref_slice %arg2[%dma_wait3A_1195, %dma_wait3A_1196] : memref<20000x128xf32, #tpu.memory_space<hbm>> -> memref<20000x128xf32, #tpu.memory_space<hbm>>
      tpu.wait_indirect_dma semaphore(%arg20 : memref<!tpu.dma_semaphore, #tpu.memory_space<semaphore_mem>>) src(%dma_wait3A_1197 : memref<20000x128xf32, #tpu.memory_space<hbm>>) dst(%arg7 : memref<128x128xf32, #tpu.memory_space<vmem>>)
      "tpu.region"() ({
        %run_scoped3A = tpu.sem_alloc : memref<!tpu.dma_semaphore, #tpu.memory_space<semaphore_mem>>
        %dma_start3A_1202 = arith.constant 0 : i32
        %dma_start3A_1203 = arith.constant 0 : i32
        %dma_start3A_1204 = tpu.memref_slice %arg18[%dma_start3A_1202, %dma_start3A_1203] : memref<10240x128xf32, #tpu.memory_space<vmem_shared>> -> memref<10240x128xf32, #tpu.memory_space<vmem_shared>>
        tpu.enqueue_indirect_dma source(%arg7 : memref<128x128xf32, #tpu.memory_space<vmem>>) target(%dma_start3A_1204 : memref<10240x128xf32, #tpu.memory_space<vmem_shared>>) offsets(%arg11 : memref<128xi32, #tpu.memory_space<vmem>>) semaphore(%run_scoped3A : memref<!tpu.dma_semaphore, #tpu.memory_space<semaphore_mem>>) {add = true}
        %dma_wait3A_1205 = arith.constant 0 : i32
        %dma_wait3A_1206 = arith.constant 0 : i32
        %dma_wait3A_1207 = tpu.memref_slice %arg18[%dma_wait3A_1205, %dma_wait3A_1206] : memref<10240x128xf32, #tpu.memory_space<vmem_shared>> -> memref<10240x128xf32, #tpu.memory_space<vmem_shared>>
        tpu.wait_indirect_dma semaphore(%run_scoped3A : memref<!tpu.dma_semaphore, #tpu.memory_space<semaphore_mem>>) src(%arg7 : memref<128x128xf32, #tpu.memory_space<vmem>>) dst(%dma_wait3A_1207 : memref<10240x128xf32, #tpu.memory_space<vmem_shared>>)
        tpu.yield
      }) : () -> ()
      %dma_wait3A_1198 = arith.constant 0 : i32
      %dma_wait3A_1199 = arith.constant 0 : i32
      %dma_wait3A_1200 = tpu.memref_slice %arg2[%dma_wait3A_1198, %dma_wait3A_1199] : memref<20000x128xf32, #tpu.memory_space<hbm>> -> memref<20000x128xf32, #tpu.memory_space<hbm>>
      tpu.wait_indirect_dma semaphore(%arg19 : memref<!tpu.dma_semaphore, #tpu.memory_space<semaphore_mem>>) src(%dma_wait3A_1200 : memref<20000x128xf32, #tpu.memory_space<hbm>>) dst(%arg6 : memref<128x128xf32, #tpu.memory_space<vmem>>)
      "tpu.region"() ({
        %run_scoped3A = tpu.sem_alloc : memref<!tpu.dma_semaphore, #tpu.memory_space<semaphore_mem>>
        %dma_start3A_1202 = arith.constant 0 : i32
        %dma_start3A_1203 = arith.constant 0 : i32
        %dma_start3A_1204 = tpu.memref_slice %arg18[%dma_start3A_1202, %dma_start3A_1203] : memref<10240x128xf32, #tpu.memory_space<vmem_shared>> -> memref<10240x128xf32, #tpu.memory_space<vmem_shared>>
        tpu.enqueue_indirect_dma source(%arg6 : memref<128x128xf32, #tpu.memory_space<vmem>>) target(%dma_start3A_1204 : memref<10240x128xf32, #tpu.memory_space<vmem_shared>>) offsets(%arg10 : memref<128xi32, #tpu.memory_space<vmem>>) semaphore(%run_scoped3A : memref<!tpu.dma_semaphore, #tpu.memory_space<semaphore_mem>>) {add = true}
        %dma_wait3A_1205 = arith.constant 0 : i32
        %dma_wait3A_1206 = arith.constant 0 : i32
        %dma_wait3A_1207 = tpu.memref_slice %arg18[%dma_wait3A_1205, %dma_wait3A_1206] : memref<10240x128xf32, #tpu.memory_space<vmem_shared>> -> memref<10240x128xf32, #tpu.memory_space<vmem_shared>>
        tpu.wait_indirect_dma semaphore(%run_scoped3A : memref<!tpu.dma_semaphore, #tpu.memory_space<semaphore_mem>>) src(%arg6 : memref<128x128xf32, #tpu.memory_space<vmem>>) dst(%dma_wait3A_1207 : memref<10240x128xf32, #tpu.memory_space<vmem_shared>>)
        tpu.yield
      }) : () -> ()
      %scan3A_1201 = arith.constant 0 : i32
      scf.yield %scan3A_1201 : i32
    }
    %scan3A_33 = arith.constant 6 : i32
    %add3A_34 = arith.constant 9984 : i32
    %add3A_35 = arith.addi %mul3A_26, %add3A_34 : i32
    %multiple_of3A = tpu.assume_multiple %add3A_35, 8 : i32
    "tpu.region"() ({
      %run_scoped3A = tpu.sem_alloc : memref<!tpu.dma_semaphore, #tpu.memory_space<semaphore_mem>>
      %dma_start3A_53 = tpu.memref_slice %arg3[%multiple_of3A] : memref<160000xi32, #tpu.memory_space<hbm>> -> memref<16xi32, #tpu.memory_space<hbm>>
      %dma_start3A_54 = tpu.memref_slice %arg3[%multiple_of3A] : memref<160000xi32, #tpu.memory_space<hbm>> -> memref<16xi32, #tpu.memory_space<hbm>>
      tpu.enqueue_dma source(%dma_start3A_54 : memref<16xi32, #tpu.memory_space<hbm>>) target(%arg15 : memref<16xi32, #tpu.memory_space<vmem>>) target_semaphore(%run_scoped3A : memref<!tpu.dma_semaphore, #tpu.memory_space<semaphore_mem>>)
      %dma_wait3A_55 = tpu.memref_slice %arg3[%multiple_of3A] : memref<160000xi32, #tpu.memory_space<hbm>> -> memref<16xi32, #tpu.memory_space<hbm>>
      %dma_wait3A_56 = tpu.memref_slice %arg3[%multiple_of3A] : memref<160000xi32, #tpu.memory_space<hbm>> -> memref<16xi32, #tpu.memory_space<hbm>>
      tpu.wait_dma2 semaphore(%run_scoped3A : memref<!tpu.dma_semaphore, #tpu.memory_space<semaphore_mem>>) src(%dma_wait3A_56 : memref<16xi32, #tpu.memory_space<hbm>>) dst(%arg15 : memref<16xi32, #tpu.memory_space<vmem>>)
      tpu.yield
    }) : () -> ()
    "tpu.region"() ({
      %run_scoped3A = tpu.sem_alloc : memref<!tpu.dma_semaphore, #tpu.memory_space<semaphore_mem>>
      %dma_start3A_53 = tpu.memref_slice %arg4[%multiple_of3A] : memref<160000xi32, #tpu.memory_space<hbm>> -> memref<16xi32, #tpu.memory_space<hbm>>
      %dma_start3A_54 = tpu.memref_slice %arg4[%multiple_of3A] : memref<160000xi32, #tpu.memory_space<hbm>> -> memref<16xi32, #tpu.memory_space<hbm>>
      tpu.enqueue_dma source(%dma_start3A_54 : memref<16xi32, #tpu.memory_space<hbm>>) target(%arg16 : memref<16xi32, #tpu.memory_space<vmem>>) target_semaphore(%run_scoped3A : memref<!tpu.dma_semaphore, #tpu.memory_space<semaphore_mem>>)
      %dma_wait3A_55 = tpu.memref_slice %arg4[%multiple_of3A] : memref<160000xi32, #tpu.memory_space<hbm>> -> memref<16xi32, #tpu.memory_space<hbm>>
      %dma_wait3A_56 = tpu.memref_slice %arg4[%multiple_of3A] : memref<160000xi32, #tpu.memory_space<hbm>> -> memref<16xi32, #tpu.memory_space<hbm>>
      tpu.wait_dma2 semaphore(%run_scoped3A : memref<!tpu.dma_semaphore, #tpu.memory_space<semaphore_mem>>) src(%dma_wait3A_56 : memref<16xi32, #tpu.memory_space<hbm>>) dst(%arg16 : memref<16xi32, #tpu.memory_space<vmem>>)
      tpu.yield
    }) : () -> ()
    %get3A = arith.constant 0 : index
    %get3A_36 = tpu.vector_load %arg15[%get3A] {strides = array<i32>} : memref<16xi32, #tpu.memory_space<vmem>>, vector<16xi32>,
    %get3A_37 = vector.shape_cast %get3A_36 : vector<16xi32> to vector<16xi32>
    %add3A_38 = arith.addi %get3A_37, %get3A_37 : vector<16xi32>
    %add3A_39 = vector.broadcast %arg0 : i32 to vector<16xi32>
    %add3A_40 = arith.addi %add3A_38, %add3A_39 : vector<16xi32>
    %swap3A = arith.constant 0 : index
    %swap3A_41 = tpu.vector_load %arg17[%swap3A] {strides = array<i32>} : memref<16xi32, #tpu.memory_space<vmem>>, vector<16xi32>,
    %swap3A_42 = vector.shape_cast %swap3A_41 : vector<16xi32> to vector<16xi32>
    %swap3A_43 = vector.shape_cast %add3A_40 : vector<16xi32> to vector<16xi32>
    tpu.vector_store %arg17[%swap3A], %swap3A_43 {strides = array<i32>} : memref<16xi32, #tpu.memory_space<vmem>>, vector<16xi32>,
    %dma_start3A = arith.constant 0 : i32
    %dma_start3A_44 = arith.constant 0 : i32
    %dma_start3A_45 = tpu.memref_slice %arg2[%dma_start3A, %dma_start3A_44] : memref<20000x128xf32, #tpu.memory_space<hbm>> -> memref<20000x128xf32, #tpu.memory_space<hbm>>
    tpu.enqueue_indirect_dma source(%dma_start3A_45 : memref<20000x128xf32, #tpu.memory_space<hbm>>) target(%arg14 : memref<16x128xf32, #tpu.memory_space<vmem>>) offsets(%arg17 : memref<16xi32, #tpu.memory_space<vmem>>) semaphore(%arg19 : memref<!tpu.dma_semaphore, #tpu.memory_space<semaphore_mem>>)
    %dma_wait3A = arith.constant 0 : i32
    %dma_wait3A_46 = arith.constant 0 : i32
    %dma_wait3A_47 = tpu.memref_slice %arg2[%dma_wait3A, %dma_wait3A_46] : memref<20000x128xf32, #tpu.memory_space<hbm>> -> memref<20000x128xf32, #tpu.memory_space<hbm>>
    tpu.wait_indirect_dma semaphore(%arg19 : memref<!tpu.dma_semaphore, #tpu.memory_space<semaphore_mem>>) src(%dma_wait3A_47 : memref<20000x128xf32, #tpu.memory_space<hbm>>) dst(%arg14 : memref<16x128xf32, #tpu.memory_space<vmem>>)
    "tpu.region"() ({
      %run_scoped3A = tpu.sem_alloc : memref<!tpu.dma_semaphore, #tpu.memory_space<semaphore_mem>>
      %dma_start3A_53 = arith.constant 0 : i32
      %dma_start3A_54 = arith.constant 0 : i32
      %dma_start3A_55 = tpu.memref_slice %arg18[%dma_start3A_53, %dma_start3A_54] : memref<10240x128xf32, #tpu.memory_space<vmem_shared>> -> memref<10240x128xf32, #tpu.memory_space<vmem_shared>>
      tpu.enqueue_indirect_dma source(%arg14 : memref<16x128xf32, #tpu.memory_space<vmem>>) target(%dma_start3A_55 : memref<10240x128xf32, #tpu.memory_space<vmem_shared>>) offsets(%arg16 : memref<16xi32, #tpu.memory_space<vmem>>) semaphore(%run_scoped3A : memref<!tpu.dma_semaphore, #tpu.memory_space<semaphore_mem>>) {add = true}
      %dma_wait3A_56 = arith.constant 0 : i32
      %dma_wait3A_57 = arith.constant 0 : i32
      %dma_wait3A_58 = tpu.memref_slice %arg18[%dma_wait3A_56, %dma_wait3A_57] : memref<10240x128xf32, #tpu.memory_space<vmem_shared>> -> memref<10240x128xf32, #tpu.memory_space<vmem_shared>>
      tpu.wait_indirect_dma semaphore(%run_scoped3A : memref<!tpu.dma_semaphore, #tpu.memory_space<semaphore_mem>>) src(%arg14 : memref<16x128xf32, #tpu.memory_space<vmem>>) dst(%dma_wait3A_58 : memref<10240x128xf32, #tpu.memory_space<vmem_shared>>)
      tpu.yield
    }) : () -> ()
    %barrier3A_48 = arith.constant 0 : index
    tpu.barrier barrier_id(%barrier3A_48)
    %mul3A_49 = arith.constant 640 : i32
    %mul3A_50 = arith.muli %arg1, %mul3A_49 : i32
    %mul3A_51 = arith.constant 640 : i32
    %mul3A_52 = arith.muli %arg1, %mul3A_51 : i32
    "tpu.region"() ({
      %run_scoped3A = tpu.sem_alloc : memref<!tpu.dma_semaphore, #tpu.memory_space<semaphore_mem>>
      %dma_start3A_53 = arith.constant 0 : i32
      %dma_start3A_54 = tpu.memref_slice %arg5[%arg0, %mul3A_52, %dma_start3A_53] : memref<2x10240x128xf32, #tpu.memory_space<hbm>> -> memref<1x640x128xf32, #tpu.memory_space<hbm>>
      %dma_start3A_55 = tpu.memref_squeeze %dma_start3A_54 : memref<1x640x128xf32, #tpu.memory_space<hbm>> -> memref<640x128xf32, #tpu.memory_space<hbm>>
      %dma_start3A_56 = arith.constant 0 : i32
      %dma_start3A_57 = tpu.memref_slice %arg18[%mul3A_50, %dma_start3A_56] : memref<10240x128xf32, #tpu.memory_space<vmem_shared>> -> memref<640x128xf32, #tpu.memory_space<vmem_shared>>
      tpu.enqueue_dma source(%dma_start3A_57 : memref<640x128xf32, #tpu.memory_space<vmem_shared>>) target(%dma_start3A_55 : memref<640x128xf32, #tpu.memory_space<hbm>>) target_semaphore(%run_scoped3A : memref<!tpu.dma_semaphore, #tpu.memory_space<semaphore_mem>>)
      %dma_wait3A_58 = arith.constant 0 : i32
      %dma_wait3A_59 = tpu.memref_slice %arg5[%arg0, %mul3A_52, %dma_wait3A_58] : memref<2x10240x128xf32, #tpu.memory_space<hbm>> -> memref<1x640x128xf32, #tpu.memory_space<hbm>>
      %dma_wait3A_60 = tpu.memref_squeeze %dma_wait3A_59 : memref<1x640x128xf32, #tpu.memory_space<hbm>> -> memref<640x128xf32, #tpu.memory_space<hbm>>
      %dma_wait3A_61 = arith.constant 0 : i32
      %dma_wait3A_62 = tpu.memref_slice %arg18[%mul3A_50, %dma_wait3A_61] : memref<10240x128xf32, #tpu.memory_space<vmem_shared>> -> memref<640x128xf32, #tpu.memory_space<vmem_shared>>
      tpu.wait_dma2 semaphore(%run_scoped3A : memref<!tpu.dma_semaphore, #tpu.memory_space<semaphore_mem>>) src(%dma_wait3A_62 : memref<640x128xf32, #tpu.memory_space<vmem_shared>>) dst(%dma_wait3A_60 : memref<640x128xf32, #tpu.memory_space<hbm>>)
      tpu.yield
    }) : () -> ()
    return
  }
}

module attributes {stable_mosaic.version = 14 : i64} {
  func.func @_gru_body(%arg0: memref<256x256xf32, #tpu.memory_space<vmem>>, %arg1: memref<768x256xf32, #tpu.memory_space<vmem>>, %arg2: memref<768x256xf32, #tpu.memory_space<vmem>>, %arg3: memref<1x768xf32, #tpu.memory_space<vmem>>, %arg4: memref<1x768xf32, #tpu.memory_space<vmem>>, %arg5: memref<256x256xf32, #tpu.memory_space<vmem>>) attributes {dimension_semantics = [], scalar_prefetch = 0 : i64, scratch_operands = 0 : i64, tpu.core_type = #tpu.core_type<tc>} {
    %get3A = arith.constant 0 : index
    %get3A_0 = arith.constant 0 : index
    %get3A_1 = vector.load %arg0[%get3A, %get3A_0] : memref<256x256xf32, #tpu.memory_space<vmem>>, vector<256x256xf32>
    %get3A_2 = arith.constant 0 : index
    %get3A_3 = arith.constant 0 : index
    %get3A_4 = vector.load %arg1[%get3A_2, %get3A_3] : memref<768x256xf32, #tpu.memory_space<vmem>>, vector<768x256xf32>
    %dot_general3A = arith.constant dense<0.000000e+00> : vector<256x768xf32>
    %dot_general3A_5 = tpu.matmul %get3A_1, %get3A_4, %dot_general3A {dimension_numbers = #tpu.dot_dimension_numbers<[1], [1], [0], [0], [0, 0, 1, 0], [], []>, transpose_lhs_hint = false} : vector<256x256xf32>, vector<768x256xf32>, vector<256x768xf32> -> vector<256x768xf32>
    %get3A_6 = arith.constant 0 : index
    %get3A_7 = arith.constant 0 : index
    %get3A_8 = vector.load %arg3[%get3A_6, %get3A_7] : memref<1x768xf32, #tpu.memory_space<vmem>>, vector<1x768xf32>
    %add3A = vector.broadcast %get3A_8 : vector<1x768xf32> to vector<256x768xf32>
    %add3A_9 = arith.addf %dot_general3A_5, %add3A : vector<256x768xf32>
    %get3A_10 = arith.constant 0 : index
    %get3A_11 = arith.constant 0 : index
    %get3A_12 = vector.load %arg2[%get3A_10, %get3A_11] : memref<768x256xf32, #tpu.memory_space<vmem>>, vector<768x256xf32>
    %dot_general3A_13 = arith.constant dense<0.000000e+00> : vector<256x768xf32>
    %dot_general3A_14 = tpu.matmul %get3A_1, %get3A_12, %dot_general3A_13 {dimension_numbers = #tpu.dot_dimension_numbers<[1], [1], [0], [0], [0, 0, 1, 0], [], []>, transpose_lhs_hint = false} : vector<256x256xf32>, vector<768x256xf32>, vector<256x768xf32> -> vector<256x768xf32>
    %get3A_15 = arith.constant 0 : index
    %get3A_16 = arith.constant 0 : index
    %get3A_17 = vector.load %arg4[%get3A_15, %get3A_16] : memref<1x768xf32, #tpu.memory_space<vmem>>, vector<1x768xf32>
    %add3A_18 = vector.broadcast %get3A_17 : vector<1x768xf32> to vector<256x768xf32>
    %add3A_19 = arith.addf %dot_general3A_14, %add3A_18 : vector<256x768xf32>
    %slice3A = vector.extract_strided_slice %add3A_9 {offsets = [0, 0], sizes = [256, 256], strides = [1, 1]} : vector<256x768xf32> to vector<256x256xf32>
    %slice3A_20 = vector.extract_strided_slice %add3A_19 {offsets = [0, 0], sizes = [256, 256], strides = [1, 1]} : vector<256x768xf32> to vector<256x256xf32>
    %add3A_21 = arith.addf %slice3A, %slice3A_20 : vector<256x256xf32>
    %logistic3A = arith.negf %add3A_21 : vector<256x256xf32>
    %logistic3A_22 = math.exp %logistic3A : vector<256x256xf32>
    %logistic3A_23 = arith.constant 1.000000e+00 : f32
    %logistic3A_24 = vector.broadcast %logistic3A_23 : f32 to vector<256x256xf32>
    %logistic3A_25 = arith.addf %logistic3A_24, %logistic3A_22 : vector<256x256xf32>
    %logistic3A_26 = arith.divf %logistic3A_24, %logistic3A_25 : vector<256x256xf32>
    %slice3A_27 = vector.extract_strided_slice %add3A_9 {offsets = [0, 256], sizes = [256, 256], strides = [1, 1]} : vector<256x768xf32> to vector<256x256xf32>
    %slice3A_28 = vector.extract_strided_slice %add3A_19 {offsets = [0, 256], sizes = [256, 256], strides = [1, 1]} : vector<256x768xf32> to vector<256x256xf32>
    %add3A_29 = arith.addf %slice3A_27, %slice3A_28 : vector<256x256xf32>
    %logistic3A_30 = arith.negf %add3A_29 : vector<256x256xf32>
    %logistic3A_31 = math.exp %logistic3A_30 : vector<256x256xf32>
    %logistic3A_32 = arith.constant 1.000000e+00 : f32
    %logistic3A_33 = vector.broadcast %logistic3A_32 : f32 to vector<256x256xf32>
    %logistic3A_34 = arith.addf %logistic3A_33, %logistic3A_31 : vector<256x256xf32>
    %logistic3A_35 = arith.divf %logistic3A_33, %logistic3A_34 : vector<256x256xf32>
    %slice3A_36 = vector.extract_strided_slice %add3A_9 {offsets = [0, 512], sizes = [256, 256], strides = [1, 1]} : vector<256x768xf32> to vector<256x256xf32>
    %slice3A_37 = vector.extract_strided_slice %add3A_19 {offsets = [0, 512], sizes = [256, 256], strides = [1, 1]} : vector<256x768xf32> to vector<256x256xf32>
    %mul3A = arith.mulf %logistic3A_26, %slice3A_37 : vector<256x256xf32>
    %add3A_38 = arith.addf %slice3A_36, %mul3A : vector<256x256xf32>
    %tanh3A = math.tanh %add3A_38 : vector<256x256xf32>
    %sub3A = arith.constant 1.000000e+00 : f32
    %sub3A_39 = vector.broadcast %sub3A : f32 to vector<256x256xf32>
    %sub3A_40 = arith.subf %sub3A_39, %logistic3A_35 : vector<256x256xf32>
    %mul3A_41 = arith.mulf %sub3A_40, %tanh3A : vector<256x256xf32>
    %mul3A_42 = arith.mulf %logistic3A_35, %get3A_1 : vector<256x256xf32>
    %add3A_43 = arith.addf %mul3A_41, %mul3A_42 : vector<256x256xf32>
    %swap3A = arith.constant 0 : index
    %swap3A_44 = arith.constant 0 : index
    %swap3A_45 = vector.load %arg5[%swap3A, %swap3A_44] : memref<256x256xf32, #tpu.memory_space<vmem>>, vector<256x256xf32>
    tpu.vector_store %arg5[%swap3A, %swap3A_44], %add3A_43 {strides = array<i32>} : memref<256x256xf32, #tpu.memory_space<vmem>>, vector<256x256xf32>,
    return
  }
}

module attributes {stable_mosaic.version = 14 : i64} {
  func.func @_tc1_body(%arg0: i32, %arg1: memref<256x256xf32, #tpu.memory_space<vmem>>, %arg2: memref<256x256xf32, #tpu.memory_space<vmem>>, %arg3: memref<2x256x1xf32, #tpu.memory_space<vmem>>, %arg4: memref<256x256xf32, #tpu.memory_space<vmem>>) attributes {dimension_semantics = [#tpu.dimension_semantics<arbitrary>], iteration_bounds = array<i64: 40>, scalar_prefetch = 0 : i64, scratch_operands = 0 : i64, tpu.core_type = #tpu.core_type<tc>, window_params = [{transform_indices = @transform_0, window_bounds = array<i64: 256, 256>}, {pipeline_mode = #tpu.pipeline_mode<synchronous>, transform_indices = @transform_1, window_bounds = array<i64: 256, 256>}, {transform_indices = @transform_2, window_bounds = array<i64: 2, 256, 1>}, {transform_indices = @transform_3, window_bounds = array<i64: 256, 256>}]} {
    %get3A = arith.constant 0 : index
    %get3A_0 = arith.constant 0 : index
    %get3A_1 = arith.constant 0 : index
    %get3A_2 = vector.load %arg3[%get3A, %get3A_0, %get3A_1] : memref<2x256x1xf32, #tpu.memory_space<vmem>>, vector<2x256x1xf32>
    %slice3A = vector.extract_strided_slice %get3A_2 {offsets = [0, 0, 0], sizes = [1, 256, 1], strides = [1, 1, 1]} : vector<2x256x1xf32> to vector<1x256x1xf32>
    %squeeze3A = vector.shape_cast %slice3A : vector<1x256x1xf32> to vector<256x1xf32>
    %slice3A_3 = vector.extract_strided_slice %get3A_2 {offsets = [1, 0, 0], sizes = [1, 256, 1], strides = [1, 1, 1]} : vector<2x256x1xf32> to vector<1x256x1xf32>
    %squeeze3A_4 = vector.shape_cast %slice3A_3 : vector<1x256x1xf32> to vector<256x1xf32>
    %add3A = arith.addf %squeeze3A, %squeeze3A_4 : vector<256x1xf32>
    %add3A_5 = arith.constant 1.000000e+00 : f32
    %add3A_6 = vector.broadcast %add3A_5 : f32 to vector<256x1xf32>
    %add3A_7 = arith.addf %add3A, %add3A_6 : vector<256x1xf32>
    %rsqrt3A = math.rsqrt %add3A_7 : vector<256x1xf32>
    %get3A_8 = arith.constant 0 : index
    %get3A_9 = arith.constant 0 : index
    %get3A_10 = vector.load %arg1[%get3A_8, %get3A_9] : memref<256x256xf32, #tpu.memory_space<vmem>>, vector<256x256xf32>
    %get3A_11 = arith.constant 0 : index
    %get3A_12 = arith.constant 0 : index
    %get3A_13 = vector.load %arg2[%get3A_11, %get3A_12] : memref<256x256xf32, #tpu.memory_space<vmem>>, vector<256x256xf32>
    %dot_general3A = arith.constant dense<0.000000e+00> : vector<256x256xf32>
    %dot_general3A_14 = tpu.matmul %get3A_10, %get3A_13, %dot_general3A {dimension_numbers = #tpu.dot_dimension_numbers<[1], [0], [0], [1], [0, 0, 1, 1], [], []>, transpose_lhs_hint = false} : vector<256x256xf32>, vector<256x256xf32>, vector<256x256xf32> -> vector<256x256xf32>
    %mul3A = vector.broadcast %rsqrt3A : vector<256x1xf32> to vector<256x256xf32>
    %mul3A_15 = arith.mulf %mul3A, %dot_general3A_14 : vector<256x256xf32>
    %swap3A = arith.constant 0 : index
    %swap3A_16 = arith.constant 0 : index
    %swap3A_17 = vector.load %arg4[%swap3A, %swap3A_16] : memref<256x256xf32, #tpu.memory_space<vmem>>, vector<256x256xf32>
    tpu.vector_store %arg4[%swap3A, %swap3A_16], %mul3A_15 {strides = array<i32>} : memref<256x256xf32, #tpu.memory_space<vmem>>, vector<256x256xf32>,
    return
  }
  func.func @transform_0(%arg0: i32) -> (i32, i32) {
    %c0_i32 = arith.constant 0 : i32
    %c0_i32_0 = arith.constant 0 : i32
    return %arg0, %c0_i32 : i32, i32
  }
  func.func @transform_1(%arg0: i32) -> (i32, i32) {
    %c0_i32 = arith.constant 0 : i32
    %c0_i32_0 = arith.constant 0 : i32
    %c0_i32_1 = arith.constant 0 : i32
    return %c0_i32, %c0_i32_0 : i32, i32
  }
  func.func @transform_2(%arg0: i32) -> (i32, i32, i32) {
    %c0_i32 = arith.constant 0 : i32
    %c0_i32_0 = arith.constant 0 : i32
    %c0_i32_1 = arith.constant 0 : i32
    return %c0_i32, %arg0, %c0_i32_0 : i32, i32, i32
  }
  func.func @transform_3(%arg0: i32) -> (i32, i32) {
    %c0_i32 = arith.constant 0 : i32
    %c0_i32_0 = arith.constant 0 : i32
    return %arg0, %c0_i32 : i32, i32
  }
}

module attributes {stable_mosaic.version = 14 : i64} {
  func.func @_tc2_body(%arg0: i32, %arg1: memref<2x256x128xf32, #tpu.memory_space<vmem>>, %arg2: memref<256x256xf32, #tpu.memory_space<vmem>>, %arg3: memref<2x256x1xf32, #tpu.memory_space<vmem>>, %arg4: memref<256x256xf32, #tpu.memory_space<vmem>>, %arg5: memref<1x256xf32, #tpu.memory_space<vmem>>, %arg6: memref<256x256xf32, #tpu.memory_space<vmem>>, %arg7: memref<256x256xf32, #tpu.memory_space<vmem>>) attributes {dimension_semantics = [#tpu.dimension_semantics<arbitrary>], iteration_bounds = array<i64: 40>, scalar_prefetch = 0 : i64, scratch_operands = 0 : i64, tpu.core_type = #tpu.core_type<tc>, window_params = [{transform_indices = @transform_0, window_bounds = array<i64: 2, 256, 128>}, {transform_indices = @transform_1, window_bounds = array<i64: 256, 256>}, {transform_indices = @transform_2, window_bounds = array<i64: 2, 256, 1>}, {pipeline_mode = #tpu.pipeline_mode<synchronous>, transform_indices = @transform_3, window_bounds = array<i64: 256, 256>}, {pipeline_mode = #tpu.pipeline_mode<synchronous>, transform_indices = @transform_4, window_bounds = array<i64: 1, 256>}, {pipeline_mode = #tpu.pipeline_mode<synchronous>, transform_indices = @transform_5, window_bounds = array<i64: 256, 256>}, {transform_indices = @transform_6, window_bounds = array<i64: 256, 256>}]} {
    %get3A = arith.constant 0 : index
    %get3A_0 = arith.constant 0 : index
    %get3A_1 = arith.constant 0 : index
    %get3A_2 = vector.load %arg3[%get3A, %get3A_0, %get3A_1] : memref<2x256x1xf32, #tpu.memory_space<vmem>>, vector<2x256x1xf32>
    %slice3A = vector.extract_strided_slice %get3A_2 {offsets = [0, 0, 0], sizes = [1, 256, 1], strides = [1, 1, 1]} : vector<2x256x1xf32> to vector<1x256x1xf32>
    %squeeze3A = vector.shape_cast %slice3A : vector<1x256x1xf32> to vector<256x1xf32>
    %slice3A_3 = vector.extract_strided_slice %get3A_2 {offsets = [1, 0, 0], sizes = [1, 256, 1], strides = [1, 1, 1]} : vector<2x256x1xf32> to vector<1x256x1xf32>
    %squeeze3A_4 = vector.shape_cast %slice3A_3 : vector<1x256x1xf32> to vector<256x1xf32>
    %add3A = arith.addf %squeeze3A, %squeeze3A_4 : vector<256x1xf32>
    %add3A_5 = arith.constant 1.000000e+00 : f32
    %add3A_6 = vector.broadcast %add3A_5 : f32 to vector<256x1xf32>
    %add3A_7 = arith.addf %add3A, %add3A_6 : vector<256x1xf32>
    %rsqrt3A = math.rsqrt %add3A_7 : vector<256x1xf32>
    %get3A_8 = arith.constant 0 : index
    %get3A_9 = arith.constant 0 : index
    %get3A_10 = arith.constant 0 : index
    %get3A_11 = vector.load %arg1[%get3A_8, %get3A_9, %get3A_10] : memref<2x256x128xf32, #tpu.memory_space<vmem>>, vector<2x256x128xf32>
    %get3A_12 = arith.constant 0 : index
    %get3A_13 = arith.constant 0 : index
    %get3A_14 = vector.load %arg2[%get3A_12, %get3A_13] : memref<256x256xf32, #tpu.memory_space<vmem>>, vector<256x256xf32>
    %slice3A_15 = vector.extract_strided_slice %get3A_11 {offsets = [0, 0, 0], sizes = [1, 256, 128], strides = [1, 1, 1]} : vector<2x256x128xf32> to vector<1x256x128xf32>
    %squeeze3A_16 = vector.shape_cast %slice3A_15 : vector<1x256x128xf32> to vector<256x128xf32>
    %slice3A_17 = vector.extract_strided_slice %get3A_11 {offsets = [1, 0, 0], sizes = [1, 256, 128], strides = [1, 1, 1]} : vector<2x256x128xf32> to vector<1x256x128xf32>
    %squeeze3A_18 = vector.shape_cast %slice3A_17 : vector<1x256x128xf32> to vector<256x128xf32>
    %concatenate3A = tpu.concatenate %squeeze3A_16, %squeeze3A_18 in 1 : vector<256x128xf32>, vector<256x128xf32> -> vector<256x256xf32>
    %add3A_19 = arith.addf %concatenate3A, %get3A_14 : vector<256x256xf32>
    %mul3A = vector.broadcast %rsqrt3A : vector<256x1xf32> to vector<256x256xf32>
    %mul3A_20 = arith.mulf %mul3A, %add3A_19 : vector<256x256xf32>
    %max3A = arith.constant 0.000000e+00 : f32
    %max3A_21 = vector.broadcast %max3A : f32 to vector<256x256xf32>
    %max3A_22 = arith.maximumf %mul3A_20, %max3A_21 : vector<256x256xf32>
    %get3A_23 = arith.constant 0 : index
    %get3A_24 = arith.constant 0 : index
    %get3A_25 = vector.load %arg4[%get3A_23, %get3A_24] : memref<256x256xf32, #tpu.memory_space<vmem>>, vector<256x256xf32>
    %dot_general3A = arith.constant dense<0.000000e+00> : vector<256x256xf32>
    %dot_general3A_26 = tpu.matmul %max3A_22, %get3A_25, %dot_general3A {dimension_numbers = #tpu.dot_dimension_numbers<[1], [1], [0], [0], [0, 0, 1, 0], [], []>, transpose_lhs_hint = false} : vector<256x256xf32>, vector<256x256xf32>, vector<256x256xf32> -> vector<256x256xf32>
    %get3A_27 = arith.constant 0 : index
    %get3A_28 = arith.constant 0 : index
    %get3A_29 = vector.load %arg5[%get3A_27, %get3A_28] : memref<1x256xf32, #tpu.memory_space<vmem>>, vector<1x256xf32>
    %add3A_30 = vector.broadcast %get3A_29 : vector<1x256xf32> to vector<256x256xf32>
    %add3A_31 = arith.addf %dot_general3A_26, %add3A_30 : vector<256x256xf32>
    %get3A_32 = arith.constant 0 : index
    %get3A_33 = arith.constant 0 : index
    %get3A_34 = vector.load %arg6[%get3A_32, %get3A_33] : memref<256x256xf32, #tpu.memory_space<vmem>>, vector<256x256xf32>
    %dot_general3A_35 = arith.constant dense<0.000000e+00> : vector<256x256xf32>
    %dot_general3A_36 = tpu.matmul %add3A_31, %get3A_34, %dot_general3A_35 {dimension_numbers = #tpu.dot_dimension_numbers<[1], [0], [0], [1], [0, 0, 1, 1], [], []>, transpose_lhs_hint = false} : vector<256x256xf32>, vector<256x256xf32>, vector<256x256xf32> -> vector<256x256xf32>
    %mul3A_37 = vector.broadcast %rsqrt3A : vector<256x1xf32> to vector<256x256xf32>
    %mul3A_38 = arith.mulf %mul3A_37, %dot_general3A_36 : vector<256x256xf32>
    %swap3A = arith.constant 0 : index
    %swap3A_39 = arith.constant 0 : index
    %swap3A_40 = vector.load %arg7[%swap3A, %swap3A_39] : memref<256x256xf32, #tpu.memory_space<vmem>>, vector<256x256xf32>
    tpu.vector_store %arg7[%swap3A, %swap3A_39], %mul3A_38 {strides = array<i32>} : memref<256x256xf32, #tpu.memory_space<vmem>>, vector<256x256xf32>,
    return
  }
  func.func @transform_0(%arg0: i32) -> (i32, i32, i32) {
    %c0_i32 = arith.constant 0 : i32
    %c0_i32_0 = arith.constant 0 : i32
    %c0_i32_1 = arith.constant 0 : i32
    return %c0_i32, %arg0, %c0_i32_0 : i32, i32, i32
  }
  func.func @transform_1(%arg0: i32) -> (i32, i32) {
    %c0_i32 = arith.constant 0 : i32
    %c0_i32_0 = arith.constant 0 : i32
    return %arg0, %c0_i32 : i32, i32
  }
  func.func @transform_2(%arg0: i32) -> (i32, i32, i32) {
    %c0_i32 = arith.constant 0 : i32
    %c0_i32_0 = arith.constant 0 : i32
    %c0_i32_1 = arith.constant 0 : i32
    return %c0_i32, %arg0, %c0_i32_0 : i32, i32, i32
  }
  func.func @transform_3(%arg0: i32) -> (i32, i32) {
    %c0_i32 = arith.constant 0 : i32
    %c0_i32_0 = arith.constant 0 : i32
    %c0_i32_1 = arith.constant 0 : i32
    return %c0_i32, %c0_i32_0 : i32, i32
  }
  func.func @transform_4(%arg0: i32) -> (i32, i32) {
    %c0_i32 = arith.constant 0 : i32
    %c0_i32_0 = arith.constant 0 : i32
    %c0_i32_1 = arith.constant 0 : i32
    return %c0_i32, %c0_i32_0 : i32, i32
  }
  func.func @transform_5(%arg0: i32) -> (i32, i32) {
    %c0_i32 = arith.constant 0 : i32
    %c0_i32_0 = arith.constant 0 : i32
    %c0_i32_1 = arith.constant 0 : i32
    return %c0_i32, %c0_i32_0 : i32, i32
  }
  func.func @transform_6(%arg0: i32) -> (i32, i32) {
    %c0_i32 = arith.constant 0 : i32
    %c0_i32_0 = arith.constant 0 : i32
    return %arg0, %c0_i32 : i32, i32
  }
}

module attributes {stable_mosaic.version = 14 : i64} {
  func.func @_tc3_body(%arg0: i32, %arg1: memref<2x256x128xf32, #tpu.memory_space<vmem>>, %arg2: memref<256x256xf32, #tpu.memory_space<vmem>>, %arg3: memref<2x256x1xf32, #tpu.memory_space<vmem>>, %arg4: memref<64x256xf32, #tpu.memory_space<vmem>>, %arg5: memref<1x64xf32, #tpu.memory_space<vmem>>, %arg6: memref<256x64xf32, #tpu.memory_space<vmem>>) attributes {dimension_semantics = [#tpu.dimension_semantics<arbitrary>], iteration_bounds = array<i64: 40>, scalar_prefetch = 0 : i64, scratch_operands = 0 : i64, tpu.core_type = #tpu.core_type<tc>, window_params = [{transform_indices = @transform_0, window_bounds = array<i64: 2, 256, 128>}, {transform_indices = @transform_1, window_bounds = array<i64: 256, 256>}, {transform_indices = @transform_2, window_bounds = array<i64: 2, 256, 1>}, {pipeline_mode = #tpu.pipeline_mode<synchronous>, transform_indices = @transform_3, window_bounds = array<i64: 64, 256>}, {pipeline_mode = #tpu.pipeline_mode<synchronous>, transform_indices = @transform_4, window_bounds = array<i64: 1, 64>}, {transform_indices = @transform_5, window_bounds = array<i64: 256, 64>}]} {
    %get3A = arith.constant 0 : index
    %get3A_0 = arith.constant 0 : index
    %get3A_1 = arith.constant 0 : index
    %get3A_2 = vector.load %arg3[%get3A, %get3A_0, %get3A_1] : memref<2x256x1xf32, #tpu.memory_space<vmem>>, vector<2x256x1xf32>
    %slice3A = vector.extract_strided_slice %get3A_2 {offsets = [0, 0, 0], sizes = [1, 256, 1], strides = [1, 1, 1]} : vector<2x256x1xf32> to vector<1x256x1xf32>
    %squeeze3A = vector.shape_cast %slice3A : vector<1x256x1xf32> to vector<256x1xf32>
    %slice3A_3 = vector.extract_strided_slice %get3A_2 {offsets = [1, 0, 0], sizes = [1, 256, 1], strides = [1, 1, 1]} : vector<2x256x1xf32> to vector<1x256x1xf32>
    %squeeze3A_4 = vector.shape_cast %slice3A_3 : vector<1x256x1xf32> to vector<256x1xf32>
    %add3A = arith.addf %squeeze3A, %squeeze3A_4 : vector<256x1xf32>
    %add3A_5 = arith.constant 1.000000e+00 : f32
    %add3A_6 = vector.broadcast %add3A_5 : f32 to vector<256x1xf32>
    %add3A_7 = arith.addf %add3A, %add3A_6 : vector<256x1xf32>
    %rsqrt3A = math.rsqrt %add3A_7 : vector<256x1xf32>
    %get3A_8 = arith.constant 0 : index
    %get3A_9 = arith.constant 0 : index
    %get3A_10 = arith.constant 0 : index
    %get3A_11 = vector.load %arg1[%get3A_8, %get3A_9, %get3A_10] : memref<2x256x128xf32, #tpu.memory_space<vmem>>, vector<2x256x128xf32>
    %slice3A_12 = vector.extract_strided_slice %get3A_11 {offsets = [0, 0, 0], sizes = [1, 256, 128], strides = [1, 1, 1]} : vector<2x256x128xf32> to vector<1x256x128xf32>
    %squeeze3A_13 = vector.shape_cast %slice3A_12 : vector<1x256x128xf32> to vector<256x128xf32>
    %slice3A_14 = vector.extract_strided_slice %get3A_11 {offsets = [1, 0, 0], sizes = [1, 256, 128], strides = [1, 1, 1]} : vector<2x256x128xf32> to vector<1x256x128xf32>
    %squeeze3A_15 = vector.shape_cast %slice3A_14 : vector<1x256x128xf32> to vector<256x128xf32>
    %concatenate3A = tpu.concatenate %squeeze3A_13, %squeeze3A_15 in 1 : vector<256x128xf32>, vector<256x128xf32> -> vector<256x256xf32>
    %get3A_16 = arith.constant 0 : index
    %get3A_17 = arith.constant 0 : index
    %get3A_18 = vector.load %arg2[%get3A_16, %get3A_17] : memref<256x256xf32, #tpu.memory_space<vmem>>, vector<256x256xf32>
    %add3A_19 = arith.addf %concatenate3A, %get3A_18 : vector<256x256xf32>
    %mul3A = vector.broadcast %rsqrt3A : vector<256x1xf32> to vector<256x256xf32>
    %mul3A_20 = arith.mulf %mul3A, %add3A_19 : vector<256x256xf32>
    %get3A_21 = arith.constant 0 : index
    %get3A_22 = arith.constant 0 : index
    %get3A_23 = vector.load %arg4[%get3A_21, %get3A_22] : memref<64x256xf32, #tpu.memory_space<vmem>>, vector<64x256xf32>
    %dot_general3A = arith.constant dense<0.000000e+00> : vector<256x64xf32>
    %dot_general3A_24 = tpu.matmul %mul3A_20, %get3A_23, %dot_general3A {dimension_numbers = #tpu.dot_dimension_numbers<[1], [1], [0], [0], [0, 0, 1, 0], [], []>, transpose_lhs_hint = false} : vector<256x256xf32>, vector<64x256xf32>, vector<256x64xf32> -> vector<256x64xf32>
    %get3A_25 = arith.constant 0 : index
    %get3A_26 = arith.constant 0 : index
    %get3A_27 = vector.load %arg5[%get3A_25, %get3A_26] : memref<1x64xf32, #tpu.memory_space<vmem>>, vector<1x64xf32>
    %add3A_28 = vector.broadcast %get3A_27 : vector<1x64xf32> to vector<256x64xf32>
    %add3A_29 = arith.addf %dot_general3A_24, %add3A_28 : vector<256x64xf32>
    %logistic3A = arith.negf %add3A_29 : vector<256x64xf32>
    %logistic3A_30 = math.exp %logistic3A : vector<256x64xf32>
    %logistic3A_31 = arith.constant 1.000000e+00 : f32
    %logistic3A_32 = vector.broadcast %logistic3A_31 : f32 to vector<256x64xf32>
    %logistic3A_33 = arith.addf %logistic3A_32, %logistic3A_30 : vector<256x64xf32>
    %logistic3A_34 = arith.divf %logistic3A_32, %logistic3A_33 : vector<256x64xf32>
    %swap3A = arith.constant 0 : index
    %swap3A_35 = arith.constant 0 : index
    %swap3A_36 = vector.load %arg6[%swap3A, %swap3A_35] : memref<256x64xf32, #tpu.memory_space<vmem>>, vector<256x64xf32>
    tpu.vector_store %arg6[%swap3A, %swap3A_35], %logistic3A_34 {strides = array<i32>} : memref<256x64xf32, #tpu.memory_space<vmem>>, vector<256x64xf32>,
    return
  }
  func.func @transform_0(%arg0: i32) -> (i32, i32, i32) {
    %c0_i32 = arith.constant 0 : i32
    %c0_i32_0 = arith.constant 0 : i32
    %c0_i32_1 = arith.constant 0 : i32
    return %c0_i32, %arg0, %c0_i32_0 : i32, i32, i32
  }
  func.func @transform_1(%arg0: i32) -> (i32, i32) {
    %c0_i32 = arith.constant 0 : i32
    %c0_i32_0 = arith.constant 0 : i32
    return %arg0, %c0_i32 : i32, i32
  }
  func.func @transform_2(%arg0: i32) -> (i32, i32, i32) {
    %c0_i32 = arith.constant 0 : i32
    %c0_i32_0 = arith.constant 0 : i32
    %c0_i32_1 = arith.constant 0 : i32
    return %c0_i32, %arg0, %c0_i32_0 : i32, i32, i32
  }
  func.func @transform_3(%arg0: i32) -> (i32, i32) {
    %c0_i32 = arith.constant 0 : i32
    %c0_i32_0 = arith.constant 0 : i32
    %c0_i32_1 = arith.constant 0 : i32
    return %c0_i32, %c0_i32_0 : i32, i32
  }
  func.func @transform_4(%arg0: i32) -> (i32, i32) {
    %c0_i32 = arith.constant 0 : i32
    %c0_i32_0 = arith.constant 0 : i32
    %c0_i32_1 = arith.constant 0 : i32
    return %c0_i32, %c0_i32_0 : i32, i32
  }
  func.func @transform_5(%arg0: i32) -> (i32, i32) {
    %c0_i32 = arith.constant 0 : i32
    %c0_i32_0 = arith.constant 0 : i32
    return %arg0, %c0_i32 : i32, i32
  }
}

</mosaic_0001>

<sc_bundles>
// kernel: kernel.10.cloned.1.call-start
scs
__scs_entry_jumppad:
0x0: {  	(pc) =	sbr.rel $0x88, $3  }
0x1: {  	(tag) =	ssettag $0x0;
	lr =	simm.s32 $0x1  }
0x2: {  	[smem:$0x3F91] =	sst lr;
	_ =	strace $0xD0000000  }
0x3: {  	_ = 	snop  }
0x4: {  	_ = 	snop  }
0x5: {  	_ = 	snop  }
0x6: {  	_ = 	snop  }
0x7: {  	_ = 	snop  }
__scs_overlays_trampoline_lowered:
0x8: {  	[smem:$0x3FA0] =	sst s0  }
0x9: {  	[smem:$0x3FA1] =	sst s1  }
0xa: {  	[smem:$0x3FA2] =	sst s2  }
0xb: {  	[smem:$0x3FA3] =	sst s3  }
0xc: {  	[smem:$0x3FA4] =	sst s4  }
0xd: {  	[smem:$0x3FA5] =	sst s5  }
0xe: {  	[smem:$0x3FA6] =	sst s6  }
0xf: {  	[smem:$0x3FA7] =	sst s7  }
0x10: {  	[smem:$0x3FA8] =	sst s8  }
0x11: {  	[smem:$0x3FA9] =	sst s9;
	s0 =	simm.s32 @!p0 $0x0  }
0x12: {  	s1 =	sld [smem:$0x3F8F];
	s0 =	simm.s32 @p0 $0x1  }
0x13: {  	[smem:$0x3FAA] =	sst s0;
	s0 =	simm.s32 @!p1 $0x0  }
0x14: {  	s2 =	sld [smem:$0x3F8E];
	s0 =	simm.s32 @p1 $0x1  }
0x15: {  	[smem:$0x3FAB] =	sst s0;
	s0 =	simm.s32 @!p2 $0x0  }
0x16: {  	s3 =	sld [smem:$0x3FDB];
	s0 =	simm.s32 @p2 $0x1  }
0x17: {  	s4 =	simm.s32 $0x1BF5;
	[smem:$0x3FAD] =	sst s0  }
0x18: {  	s0 =	sld [smem:$0x3F90];
	_ =	swait.ge [sflag:s4], $0x0  }
0x19: {  	s7 =	sld [smem:$0x3F91]  }
0x1a: {  	s8 =	sadd.s32 $0xFFFFE003, lr  }
0x1b: {  	s9 =	sadd.s32 $0xFFFFFEF7, lr;
	s5 =	simm.s32 $0xFFFFFFFF;
	p2 =	slt.u32 s8, $0xFFFFF086  }
0x1c: {  	p1 =	slt.u32 s9, $0xF7A;
	s5 =	simm.s32 @!p2 $0x0  }
0x1d: {  	s5 =	simm.s32 @p1 $0x1;
	p0 =	seq.s32 s7, s2  }
0x1e: {  	s7 =	smul.u32 @!p0 $0xF7A, s2;
	p2 =	seq.s32 @!p0 s5, $0x0  }
0x1f: {  	s9 =	smul.u32 $0xF7A, s1;
	s8 =	simm.s32 @!p0 $0x1BF5;
	p2 =	por !p2, p0  }
0x20: {  	[sflag:s8] =	ssyncset.s32 @!p0 $0xFFFFF086;
	s6 =	sadd.s32 @!p0 s3, s7;
	s7 =	simm.s32 @!p0 $0x108  }
0x21: {  	s3 =	sadd.s32 s3, s9;
	s6 =	sadd.s32 @!p0 $0x88, s6;
	s7 =	simm.s32 @p2 $0x1082  }
0x22: {  	[simem:s7], [sflag:s8] =	dma.local @!p0 [hbm:s6], $0xF7A  }
0x23: {  	s9 =	sor.u32 $0xD0000000, s2;
	s6 =	simm.s32 $0x108;
	_ =	swait.ge @!p0 [sflag:s8], $0x0  }
0x24: {  	s3 =	sadd.s32 $0x88, s3;
	s6 =	simm.s32 @!p1 $0x1082;
	[sflag:s4] =	ssyncset.s32 $0xFFFFF086  }
0x25: {  	[simem:s6], [sflag:s4] =	dma.local [hbm:s3], $0xF7A  }
0x26: {  	[smem:$0x3F91] =	sst s1;
	(tag) =	ssettag s2;
	_ =	strace s9  }
0x27: {  	s1 =	sld [smem:$0x3FA1]  }
0x28: {  	s2 =	sld [smem:$0x3FA2]  }
0x29: {  	s4 =	sld [smem:$0x3FA4]  }
0x2a: {  	p0 =	seq.s32 s5, $0x0;
	s5 =	sld [smem:$0x3FA5]  }
0x2b: {  	s6 =	sld [smem:$0x3FA6]  }
0x2c: {  	s7 =	sld [smem:$0x3FA7]  }
0x2d: {  	s3 =	simm.s32 $0x108;
	s8 =	sld [smem:$0x3FA8]  }
0x2e: {  	s3 =	simm.s32 @!p0 $0x1082;
	s9 =	sld [smem:$0x3FA9]  }
0x2f: {  	lr =	sadd.s32 s0, s3;
	s0 =	sld [smem:$0x3FA0]  }
0x30: {  	s3 =	sld [smem:$0x3FA3]  }
0x31: {  	[smem:$0x3FAC] =	sst s10  }
0x32: {  	s10 =	sld [smem:$0x3FAA];
	_ =	sdelay $0x3  }
0x33: {  	p0 =	seq.s32 s10, $0x1;
	s10 =	sld [smem:$0x3FAC];
	_ =	sdelay $0x3  }
0x34: {  	[smem:$0x3FAC] =	sst s10  }
0x35: {  	s10 =	sld [smem:$0x3FAB];
	_ =	sdelay $0x3  }
0x36: {  	p1 =	seq.s32 s10, $0x1;
	s10 =	sld [smem:$0x3FAC];
	_ =	sdelay $0x3  }
0x37: {  	[smem:$0x3FAC] =	sst s10  }
0x38: {  	s10 =	sld [smem:$0x3FAD]  }
0x39: {  	_ = 	snop;
	(pc) =	sbr.ind lr, $3  }
0x3a: {  	_ = 	snop  }
0x3b: {  	_ = 	snop  }
0x3c: {  	p2 =	seq.s32 s10, $0x1;
	s10 =	sld [smem:$0x3FAC]  }
0x3d: {  	_ =	shalt  }
0x3e: {  	_ =	shalt  }
0x3f: {  	_ =	shalt  }
0x40: {  	_ =	shalt  }
0x41: {  	_ =	shalt  }
0x42: {  	_ =	shalt  }
0x43: {  	_ =	shalt  }
0x44: {  	_ =	shalt  }
0x45: {  	_ =	shalt  }
0x46: {  	_ =	shalt  }
0x47: {  	_ =	shalt  }
0x48: {  	_ =	shalt  }
0x49: {  	_ =	shalt  }
0x4a: {  	_ =	shalt  }
0x4b: {  	_ =	shalt  }
0x4c: {  	_ =	shalt  }
0x4d: {  	_ =	shalt  }
0x4e: {  	_ =	shalt  }
0x4f: {  	_ =	shalt  }
0x50: {  	_ =	shalt  }
0x51: {  	_ =	shalt  }
0x52: {  	_ =	shalt  }
0x53: {  	_ =	shalt  }
0x54: {  	_ =	shalt  }
0x55: {  	_ =	shalt  }
0x56: {  	_ =	shalt  }
0x57: {  	_ =	shalt  }
0x58: {  	_ =	shalt  }
0x59: {  	_ =	shalt  }
0x5a: {  	_ =	shalt  }
0x5b: {  	_ =	shalt  }
0x5c: {  	_ =	shalt  }
0x5d: {  	_ =	shalt  }
0x5e: {  	_ =	shalt  }
0x5f: {  	_ =	shalt  }
0x60: {  	_ =	shalt  }
0x61: {  	_ =	shalt  }
0x62: {  	_ =	shalt  }
0x63: {  	_ =	shalt  }
0x64: {  	_ =	shalt  }
0x65: {  	_ =	shalt  }
0x66: {  	_ =	shalt  }
0x67: {  	_ =	shalt  }
0x68: {  	_ =	shalt  }
0x69: {  	_ =	shalt  }
0x6a: {  	_ =	shalt  }
0x6b: {  	_ =	shalt  }
0x6c: {  	_ =	shalt  }
0x6d: {  	_ =	shalt  }
0x6e: {  	_ =	shalt  }
0x6f: {  	_ =	shalt  }
0x70: {  	_ =	shalt  }
0x71: {  	_ =	shalt  }
0x72: {  	_ =	shalt  }
0x73: {  	_ =	shalt  }
0x74: {  	_ =	shalt  }
0x75: {  	_ =	shalt  }
0x76: {  	_ =	shalt  }
0x77: {  	_ =	shalt  }
0x78: {  	_ =	shalt  }
0x79: {  	_ =	shalt  }
0x7a: {  	_ =	shalt  }
0x7b: {  	_ =	shalt  }
0x7c: {  	_ =	shalt  }
0x7d: {  	_ =	shalt  }
0x7e: {  	_ =	shalt  }
0x7f: {  	_ =	shalt  }
0x80: {  	_ =	shalt  }
0x81: {  	_ =	shalt  }
0x82: {  	_ =	shalt  }
0x83: {  	_ =	shalt  }
0x84: {  	_ =	shalt  }
0x85: {  	_ =	shalt  }
0x86: {  	_ =	shalt  }
0x87: {  	_ =	shalt  }
.Lfunc_end0:
.L_simem_size_0:
called_computation_lowered:
.L_overlay_start_0:
0x88: {  	s2 =	sld [smem:$0x3FD9]  }
0x89: {  	s3 =	sld [smem:$0x3FFE];
	_ =	sdelay $0x1  }
0x8a: {  	s1 =	srdreg.scid  }
0x8b: {  	s0 =	sand.u32 $0x1, s1  }
0x8c: {  	s16 =	sshll.u32 s0, $0xA;
	s2 =	sadd.s32 s3, s2  }
0x8d: {  	s2 =	sadd.s32 s2, s16  }
0x8e: {  	[smem:$0x3FB8] =	sst s2  }
0x8f: {  	_ = 	snop  }
0x90: {  	(tm) =	ssettm $0x1  }
0x91: {  	s17 =	sld [smem:$0x3FFB];
	_ =	sdelay $0x3  }
0x92: {  	_ =	strace s17  }
0x93: {  	s2 =	sld [smem:$0x3FFC];
	_ =	sdelay $0x3  }
0x94: {  	_ =	strace s2  }
0x95: {  	s2 =	sld [smem:$0x3FFD];
	_ =	sdelay $0x3  }
0x96: {  	_ =	strace s2  }
0x97: {  	_ =	strace $0x8FFFFFFF  }
0x98: {  	s18 =	sld [smem:$0x3FDB];
	_ =	sdelay $0x1  }
0x99: {  	s19 =	simm.s32 $_scs_section_size  }
0x9a: {  	s4 =	simm.s32 $_size__tile_overlayer_lowered;
	s5 =	simm.s32 $_tile_overlayer_lowered  }
0x9b: {  	s22 =	simm.s32 $0x1BFF;
	s21 =	sshll.u32 s5, $0x1;
	s2 =	sadd.s32 s19, s18  }
0x9c: {  	s6 =	simm.s32 $0x0;
	s20 =	sshll.u32 s4, $0x1;
	s4 =	sadd.s32 s21, s2  }
0x9d: {  	[timem:s6], [sflag:s22] =	dma.local [hbm:s4], s20  }
0x9e: {  	_ =	swait.ge [sflag:s22], s20  }
0x9f: {  	s3 =	ssub.s32 $0x0, s20;
	[sflag:s22] =	ssyncset.done $0x0  }
0xa0: {  	[sflag:s22] =	ssyncadd.s32 s3;
	_ =	sdelay $0x1  }
0xa1: {  	s23 =	simm.s32 $0x1B8B  }
0xa2: {  	_ =	swait.ge [sflag:s23], $0x1  }
0xa3: {  	[sflag:s23] =	ssyncset.done $0x0  }
0xa4: {  	s25 =	simm.s32 $0x1B8E;
	s24 =	sld [smem:$0x3FFE];
	[sflag:s23] =	ssyncadd.s32 $0xFFFFFFFF  }
0xa5: {  	s26 =	simm.s32 $execute0_lowered;
	[smem:$0x3FD2] =	sst s25  }
0xa6: {  	s4 =	sshll.u32 s26, $0x1;
	_ =	strace $0x80000046;
	[dreg:$0x1] =	wrdreg $0xFFFFFFFF  }
0xa7: {  	s28 =	simm.s32 $_size_execute0_lowered;
	s2 =	sadd.s32 s2, s4;
	[dreg:$0x0] =	wrdreg $0x0  }
0xa8: {  	s4 =	sshll.u32 s28, $0x1;
	[dreg:$0x2] =	wrdreg s2  }
0xa9: {  	[dreg:$0x3] =	wrdreg s4  }
0xaa: {  	[dreg:$0x4] =	wrdreg $0xC0  }
0xab: {  	_ =	task [dreg:s6], $0x5FFFF  }
0xac: {  	[dreg:$0x1] =	wrdreg $0xFFFFFFFF  }
0xad: {  	[dreg:$0x0] =	wrdreg $0x60  }
0xae: {  	[dreg:$0x2] =	wrdreg s24  }
0xaf: {  	[dreg:$0x3] =	wrdreg $0x4000  }
0xb0: {  	[dreg:$0x4] =	wrdreg $0x9  }
0xb1: {  	_ =	task.clear_ibuf [dreg:s6], $0x5FFFF;
	_ =	strace $0x90000046  }
0xb2: {  	s29 =	simm.s32 $0x9;
	_ =	strace $0x80000048  }
0xb3: {  	_ =	swait.ge [sflag:s29], $0x1  }
0xb4: {  	[sflag:s29] =	ssyncadd.s32 $0xFFFFFFFF  }
0xb5: {  	_ =	strace $0x90000048  }
0xb6: {  	_ =	sfence  }
0xb7: {  	s30 =	sld [smem:$0x0];
	_ =	sdelay $0x2  }
0xb8: {  	s31 =	sshll.u32 s1, $0xD;
	s1 =	sshrl.u32 s1, $0x2  }
0xb9: {  	s3 =	sand.u32 $0x4000, s31;
	s1 =	sadd.s32 s1, s30  }
0xba: {  	s0 =	sor.u32 s3, s0;
	s1 =	sshll.u32 s1, $0x11  }
0xbb: {  	s0 =	sor.u32 s1, s0  }
0xbc: {  	s0 =	sadd.s32 $0x8F2B, s0  }
0xbd: {  	[sflag:s0] =	ssyncadd.remote.s32 $0x1  }
0xbe: {  	_ =	sfence.sel $0xFFFF  }
0xbf: {  	[dreg:$0x0] =	wrdreg $0xFFFFFFFF;
	(pc) =	sbr.abs _section_cstart, $3  }
0xc0: {  	[dreg:$0x1] =	wrdreg $0xFFFFFFFF  }
0xc1: {  	_ =	task.clear_ibuf [dreg:s6], $0x2FFFF;
	_ =	strace $0x9FFFFFFF  }
0xc2: {  	(tm) =	ssettm $0x7FFFFFFF  }
0xc3: {  	_ =	shalt  }
tec
execute0_lowered:
.L_overlay_start_1:
0x0: {  	(tag) =	ssettag $0x1  }
0x1: {  	s4 =	rddreg [dreg:$0x0]  }
0x2: {  	s2 =	rddreg [dreg:$0x1]  }
0x3: {  	s0 =	rddreg [dreg:$0x2];
	s5 =	srdreg.scid  }
0x4: {  	s3 =	simm.s32 $0x0;
	s1 =	stileid.u32;
	s13 =	simm.s32 $0x380  }
0x5: {  	s14 =	simm.s32 $0x8;
	s17 =	simm.s32 $0x20;
	s18 =	simm.s32 $0x10  }
0x6: {  	s19 =	simm.s32 $0x0;
	s5 =	sand.u32 $0x1, s5;
	s6 =	smul.u32 $0x500, s1  }
0x7: {  	[smem:$0x7FF] =	sst s3;
	s8 =	smul.u32 $0xA00, s1;
	s9 =	sadd.s32 $0x1E00, s4  }
0x8: {  	s12 =	smul.u32 $0x1388, s1;
	s15 =	sshll.u32 s1, $0x6;
	s7 =	sshll.u32 s5, $0x4  }
0x9: {  	_ =	strace $0x80000047;
	s10 =	sshll.u32 s5, $0x7;
	s25 =	ssub.s32 $0x2, s5  }
0xa: {  	s5 =	smul.u32 $0x13880, s5;
	s15 =	sor.u32 $0x1C01, s15;
	s7 =	sor.u32 s1, s7  }
0xb: {  	s6 =	sor.u32 s10, s6;
	s11 =	sshrl.u32 s25, $0x1;
	s28 =	sshrl.u32 s8, $0x2  }
0xc: {  	s7 =	smul.u32 $0x1388, s7;
	s6 =	sshrl.u32 s6, $0x3;
	s10 =	ssub.s32 s25, s11  }
0xd: {  	s30 =	sadd.s32 s12, s5;
	s11 =	simm.s32 $0x80;
	s12 =	simm.s32 $0x280  }
0xe: {  	s6 =	sadd.s32 s6, s4;
	s4 =	sadd.s32 s28, s2;
	s31 =	sshrl.u32 s30, $0x3  }
0xf: {  	s26 =	sshrl.u32 s7, $0x3;
	s6 =	sadd.s32 $0x6E00, s6;
	s7 =	smax.u32 s10, $0x1  }
0x10: {  	s8 =	sadd.s32 s31, s9;
	s10 =	simm.s32 $0x300;
	s29 =	sadd.s32 s9, s26  }
0x11: {  	v0 =	vimm.f32 $0.0e+00;
	v1 =	vimm.f32 $1.000000000e+00;
	s16 =	sshrl.u32 s4, $0x3;
	s9 =	simm.s32 $0x1;
	s5 =	sadd.s32 $0x270, s29  }
.LBB2_1:
0x12: {  	[tilespmem:$0x0] =	vst v0  }
0x13: {  	[tilespmem:$0x10] =	vst v0  }
0x14: {  	[tilespmem:$0x20] =	vst v0  }
0x15: {  	[tilespmem:$0x30] =	vst v0  }
0x16: {  	[tilespmem:$0x40] =	vst v0  }
0x17: {  	[tilespmem:$0x50] =	vst v0  }
0x18: {  	[tilespmem:$0x60] =	vst v0  }
0x19: {  	[tilespmem:$0x70] =	vst v0  }
0x1a: {  	[tilespmem:$0x80] =	vst v0  }
0x1b: {  	[tilespmem:$0x90] =	vst v0  }
0x1c: {  	[tilespmem:$0xA0] =	vst v0  }
0x1d: {  	[tilespmem:$0xB0] =	vst v0  }
0x1e: {  	[tilespmem:$0xC0] =	vst v0  }
0x1f: {  	[tilespmem:$0xD0] =	vst v0  }
0x20: {  	[tilespmem:$0xE0] =	vst v0  }
0x21: {  	[tilespmem:$0xF0] =	vst v0  }
0x22: {  	[tilespmem:$0x100] =	vst v0  }
0x23: {  	[tilespmem:$0x110] =	vst v0  }
0x24: {  	[tilespmem:$0x120] =	vst v0  }
0x25: {  	[tilespmem:$0x130] =	vst v0  }
0x26: {  	[tilespmem:$0x140] =	vst v0  }
0x27: {  	[tilespmem:$0x150] =	vst v0  }
0x28: {  	[tilespmem:$0x160] =	vst v0  }
0x29: {  	[tilespmem:$0x170] =	vst v0  }
0x2a: {  	[tilespmem:$0x180] =	vst v0  }
0x2b: {  	[tilespmem:$0x190] =	vst v0  }
0x2c: {  	[tilespmem:$0x1A0] =	vst v0  }
0x2d: {  	[tilespmem:$0x1B0] =	vst v0  }
0x2e: {  	[tilespmem:$0x1C0] =	vst v0  }
0x2f: {  	[tilespmem:$0x1D0] =	vst v0  }
0x30: {  	[tilespmem:$0x1E0] =	vst v0  }
0x31: {  	[tilespmem:$0x1F0] =	vst v0  }
0x32: {  	[tilespmem:$0x200] =	vst v0  }
0x33: {  	[tilespmem:$0x210] =	vst v0  }
0x34: {  	[tilespmem:$0x220] =	vst v0  }
0x35: {  	[tilespmem:$0x230] =	vst v0  }
0x36: {  	[tilespmem:$0x240] =	vst v0  }
0x37: {  	[tilespmem:$0x250] =	vst v0  }
0x38: {  	[tilespmem:$0x260] =	vst v0  }
0x39: {  	[tilespmem:$0x270] =	vst v0  }
0x3a: {  	[tilespmem:$0x280] =	vst v1  }
0x3b: {  	[tilespmem:$0x290] =	vst v1  }
0x3c: {  	[tilespmem:$0x2A0] =	vst v1  }
0x3d: {  	[tilespmem:$0x2B0] =	vst v1  }
0x3e: {  	[tilespmem:$0x2C0] =	vst v1  }
0x3f: {  	[tilespmem:$0x2D0] =	vst v1  }
0x40: {  	[tilespmem:$0x2E0] =	vst v1  }
0x41: {  	[tilespmem:$0x2F0] =	vst v1  }
0x42: {  	[spmem:s4] =	stream.linear.scatter [tilespmem:s3], [sflag:$0x1], $0x280, $0x38;
	[tilespmem:$0x680] =	vst v63  }
0x43: {  	_ =	swait.ge [sflag:s9], $0x280  }
0x44: {  	[sflag:s9] =	ssyncset.done $0x0  }
0x45: {  	[sflag:s9] =	ssyncadd.s32 $0xFFFFFD80  }
0x46: {  	s20 =	sadd.s32 $0x0, s8;
	[bflag:$0x0] =	sbarrier.arrive $0xFFFF  }
0x47: {  	[tilespmem:s10], [sflag:$0x1] =	stream.linear.gather [hbm4b:s20+s3], $0x80, $0x38;
	[tilespmem:$0x680] =	vst v63  }
0x48: {  	_ =	swait.ge [sflag:s9], $0x80  }
0x49: {  	[sflag:s9] =	ssyncset.done $0x0  }
0x4a: {  	[sflag:s9] =	ssyncadd.s32 $0xFFFFFF80  }
0x4b: {  	[spmem:s2] =	stream.indirect.scatter.add.f32 [tilespmem:s12], [sflag:$0x1], $0x1, s10, s11, $0xb8;
	[tilespmem:$0x680] =	vst v63  }
0x4c: {  	_ =	swait.ge [sflag:s9], $0x80  }
0x4d: {  	s21 =	simm.s32 $0x20;
	s20 =	simm.s32 $0x10;
	[sflag:s9] =	ssyncset.done $0x0  }
.LBB2_2:
0x4e: {  	s22 =	sadd.s32 s20, s8  }
0x4f: {  	[sflag:s9] =	ssyncadd.s32 $0xFFFFFF80;
	s20 =	smov.u32 s21;
	s23 =	sadd.s32 $0x10, s21  }
0x50: {  	[tilespmem:s10], [sflag:$0x1] =	stream.linear.gather [hbm4b:s22+s3], $0x80, $0x38;
	[tilespmem:$0x680] =	vst v63  }
0x51: {  	p0 =	sne.s32 s21, $0x260;
	_ =	swait.ge [sflag:s9], $0x80  }
.Ltmp0:
0x52: {  	[sflag:s9] =	ssyncset.done $0x0;
	(pc) =	sbr.rel @p0 .LBB2_2-.Ltmp0, $4  }
0x53: {  	[sflag:s9] =	ssyncadd.s32 $0xFFFFFF80  }
0x54: {  	[spmem:s2] =	stream.indirect.scatter.add.f32 [tilespmem:s12], [sflag:$0x1], $0x1, s10, s11, $0xb8;
	[tilespmem:$0x680] =	vst v63  }
0x55: {  	_ =	swait.ge [sflag:s9], $0x80  }
0x56: {  	s21 =	smov.u32 s23;
	[sflag:s9] =	ssyncset.done $0x0  }
0x57: {  	s20 =	sadd.s32 s20, s8;
	[sflag:s9] =	ssyncadd.s32 $0xFFFFFF80  }
0x58: {  	[tilespmem:s10], [sflag:$0x1] =	stream.linear.gather [hbm4b:s20+s3], $0x80, $0x38;
	[tilespmem:$0x680] =	vst v63  }
0x59: {  	_ =	swait.ge [sflag:s9], $0x80  }
0x5a: {  	[sflag:s9] =	ssyncset.done $0x0  }
0x5b: {  	[sflag:s9] =	ssyncadd.s32 $0xFFFFFF80  }
0x5c: {  	[spmem:s2] =	stream.indirect.scatter.add.f32 [tilespmem:s12], [sflag:$0x1], $0x1, s10, s11, $0xb8;
	[tilespmem:$0x680] =	vst v63  }
0x5d: {  	_ =	swait.ge [sflag:s9], $0x80  }
0x5e: {  	[sflag:s9] =	ssyncset.done $0x0  }
0x5f: {  	[sflag:s9] =	ssyncadd.s32 $0xFFFFFF80  }
0x60: {  	[tilespmem:s13], [sflag:$0x1] =	stream.linear.gather [hbm4b:s5+s3], $0x8, $0x38;
	[tilespmem:$0x680] =	vst v63  }
0x61: {  	_ =	swait.ge [sflag:s9], $0x8  }
0x62: {  	[sflag:s9] =	ssyncset.done $0x0  }
0x63: {  	[sflag:s9] =	ssyncadd.s32 $0xFFFFFFF8  }
0x64: {  	[spmem:s2] =	stream.indirect.scatter.add.f32 [tilespmem:s12], [sflag:$0x1], $0x1, s13, s14, $0xb8;
	[tilespmem:$0x680] =	vst v63  }
0x65: {  	_ =	swait.ge [sflag:s9], $0x8  }
0x66: {  	s19 =	sadd.s32 $0x1, s19;
	[sflag:s9] =	ssyncset.done $0x0  }
0x67: {  	p0 =	sne.s32 s19, s7;
	[sflag:s9] =	ssyncadd.s32 $0xFFFFFFF8  }
.Ltmp1:
0x68: {  	[bflag:$0x0] =	sbarrier.arrive $0xFFFF;
	(pc) =	sbr.rel @p0 .LBB2_1-.Ltmp1, $4  }
0x69: {  	[hbm:s6@s17], [sflag:s15] =	dma.strided [spmem:s16@s18], $0x50, s9, $0x10   }
0x6a: {  	_ =	swait.ge [sflag:s9], $0x50  }
0x6b: {  	[sflag:s9] =	ssyncset.done $0x0  }
0x6c: {  	[sflag:s9] =	ssyncadd.s32 $0xFFFFFFB0  }
0x6d: {  	_ =	sfence.sel $0x180000  }
0x6e: {  	[bflag:$0x0] =	sbarrier.arrive $0xFFFF  }
0x6f: {  	p0 =	sne.s32 s1, $0x0;
	_ =	strace $0x90000047  }
0x70: {  	s0 =	sadd.s32 @!p0 $0x100000, s0;
	[bflag:$0x2] =	sbarrier.arrive $0xFFFF  }
0x71: {  	[sflag:s0] =	ssyncadd.tile.s32 @!p0 $0x1;
	_ =	shalt  }
.Lfunc_end2:
_tile_overlayer_lowered:
.L_overlay_start_2:
0x72: {  	(tag) =	ssettag $0x2  }
0x73: {  	s0 =	rddreg [dreg:$0x0];
	s2 =	stileid.u32  }
0x74: {  	s1 =	rddreg [dreg:$0x1];
	p0 =	sne.s32 s2, $0x0  }
0x75: {  	s3 =	rddreg [dreg:$0x2];
	[bflag:$0x3] =	sbarrier.arrive $0xFFFF;
	s2 =	simm.s32 @!p0 $0x1C01  }
0x76: {  	[timem:s3], [sflag:s2] =	dma.local @!p0 [hbm:s0], s1  }
0x77: {  	s0 =	simm.s32 @!p0 $0x1  }
0x78: {  	_ =	swait.ge @!p0 [sflag:s0], s1  }
0x79: {  	s1 =	ssub.s32 @!p0 $0x0, s1;
	[sflag:s0] =	ssyncset.done @!p0 $0x0  }
0x7a: {  	[sflag:s0] =	ssyncadd.s32 @!p0 s1  }
0x7b: {  	[bflag:$0x3] =	sbarrier.arrive $0xFFFF  }
0x7c: {  	_ =	shalt  }

// kernel: kernel.13.cloned.1.call-start
scs
__scs_entry_jumppad:
0x0: {  	(pc) =	sbr.rel $0x88, $3  }
0x1: {  	(tag) =	ssettag $0x0;
	lr =	simm.s32 $0x1  }
0x2: {  	[smem:$0x3F91] =	sst lr;
	_ =	strace $0xD0000000  }
0x3: {  	_ = 	snop  }
0x4: {  	_ = 	snop  }
0x5: {  	_ = 	snop  }
0x6: {  	_ = 	snop  }
0x7: {  	_ = 	snop  }
__scs_overlays_trampoline_lowered:
0x8: {  	[smem:$0x3FA0] =	sst s0  }
0x9: {  	[smem:$0x3FA1] =	sst s1  }
0xa: {  	[smem:$0x3FA2] =	sst s2  }
0xb: {  	[smem:$0x3FA3] =	sst s3  }
0xc: {  	[smem:$0x3FA4] =	sst s4  }
0xd: {  	[smem:$0x3FA5] =	sst s5  }
0xe: {  	[smem:$0x3FA6] =	sst s6  }
0xf: {  	[smem:$0x3FA7] =	sst s7  }
0x10: {  	[smem:$0x3FA8] =	sst s8  }
0x11: {  	[smem:$0x3FA9] =	sst s9;
	s0 =	simm.s32 @!p0 $0x0  }
0x12: {  	s1 =	sld [smem:$0x3F8F];
	s0 =	simm.s32 @p0 $0x1  }
0x13: {  	[smem:$0x3FAA] =	sst s0;
	s0 =	simm.s32 @!p1 $0x0  }
0x14: {  	s2 =	sld [smem:$0x3F8E];
	s0 =	simm.s32 @p1 $0x1  }
0x15: {  	[smem:$0x3FAB] =	sst s0;
	s0 =	simm.s32 @!p2 $0x0  }
0x16: {  	s3 =	sld [smem:$0x3FDB];
	s0 =	simm.s32 @p2 $0x1  }
0x17: {  	s4 =	simm.s32 $0x1BF5;
	[smem:$0x3FAD] =	sst s0  }
0x18: {  	s0 =	sld [smem:$0x3F90];
	_ =	swait.ge [sflag:s4], $0x0  }
0x19: {  	s7 =	sld [smem:$0x3F91]  }
0x1a: {  	s8 =	sadd.s32 $0xFFFFE003, lr  }
0x1b: {  	s9 =	sadd.s32 $0xFFFFFEF7, lr;
	s5 =	simm.s32 $0xFFFFFFFF;
	p2 =	slt.u32 s8, $0xFFFFF086  }
0x1c: {  	p1 =	slt.u32 s9, $0xF7A;
	s5 =	simm.s32 @!p2 $0x0  }
0x1d: {  	s5 =	simm.s32 @p1 $0x1;
	p0 =	seq.s32 s7, s2  }
0x1e: {  	s7 =	smul.u32 @!p0 $0xF7A, s2;
	p2 =	seq.s32 @!p0 s5, $0x0  }
0x1f: {  	s9 =	smul.u32 $0xF7A, s1;
	s8 =	simm.s32 @!p0 $0x1BF5;
	p2 =	por !p2, p0  }
0x20: {  	[sflag:s8] =	ssyncset.s32 @!p0 $0xFFFFF086;
	s6 =	sadd.s32 @!p0 s3, s7;
	s7 =	simm.s32 @!p0 $0x108  }
0x21: {  	s3 =	sadd.s32 s3, s9;
	s6 =	sadd.s32 @!p0 $0x88, s6;
	s7 =	simm.s32 @p2 $0x1082  }
0x22: {  	[simem:s7], [sflag:s8] =	dma.local @!p0 [hbm:s6], $0xF7A  }
0x23: {  	s9 =	sor.u32 $0xD0000000, s2;
	s6 =	simm.s32 $0x108;
	_ =	swait.ge @!p0 [sflag:s8], $0x0  }
0x24: {  	s3 =	sadd.s32 $0x88, s3;
	s6 =	simm.s32 @!p1 $0x1082;
	[sflag:s4] =	ssyncset.s32 $0xFFFFF086  }
0x25: {  	[simem:s6], [sflag:s4] =	dma.local [hbm:s3], $0xF7A  }
0x26: {  	[smem:$0x3F91] =	sst s1;
	(tag) =	ssettag s2;
	_ =	strace s9  }
0x27: {  	s1 =	sld [smem:$0x3FA1]  }
0x28: {  	s2 =	sld [smem:$0x3FA2]  }
0x29: {  	s4 =	sld [smem:$0x3FA4]  }
0x2a: {  	p0 =	seq.s32 s5, $0x0;
	s5 =	sld [smem:$0x3FA5]  }
0x2b: {  	s6 =	sld [smem:$0x3FA6]  }
0x2c: {  	s7 =	sld [smem:$0x3FA7]  }
0x2d: {  	s3 =	simm.s32 $0x108;
	s8 =	sld [smem:$0x3FA8]  }
0x2e: {  	s3 =	simm.s32 @!p0 $0x1082;
	s9 =	sld [smem:$0x3FA9]  }
0x2f: {  	lr =	sadd.s32 s0, s3;
	s0 =	sld [smem:$0x3FA0]  }
0x30: {  	s3 =	sld [smem:$0x3FA3]  }
0x31: {  	[smem:$0x3FAC] =	sst s10  }
0x32: {  	s10 =	sld [smem:$0x3FAA];
	_ =	sdelay $0x3  }
0x33: {  	p0 =	seq.s32 s10, $0x1;
	s10 =	sld [smem:$0x3FAC];
	_ =	sdelay $0x3  }
0x34: {  	[smem:$0x3FAC] =	sst s10  }
0x35: {  	s10 =	sld [smem:$0x3FAB];
	_ =	sdelay $0x3  }
0x36: {  	p1 =	seq.s32 s10, $0x1;
	s10 =	sld [smem:$0x3FAC];
	_ =	sdelay $0x3  }
0x37: {  	[smem:$0x3FAC] =	sst s10  }
0x38: {  	s10 =	sld [smem:$0x3FAD]  }
0x39: {  	_ = 	snop;
	(pc) =	sbr.ind lr, $3  }
0x3a: {  	_ = 	snop  }
0x3b: {  	_ = 	snop  }
0x3c: {  	p2 =	seq.s32 s10, $0x1;
	s10 =	sld [smem:$0x3FAC]  }
0x3d: {  	_ =	shalt  }
0x3e: {  	_ =	shalt  }
0x3f: {  	_ =	shalt  }
0x40: {  	_ =	shalt  }
0x41: {  	_ =	shalt  }
0x42: {  	_ =	shalt  }
0x43: {  	_ =	shalt  }
0x44: {  	_ =	shalt  }
0x45: {  	_ =	shalt  }
0x46: {  	_ =	shalt  }
0x47: {  	_ =	shalt  }
0x48: {  	_ =	shalt  }
0x49: {  	_ =	shalt  }
0x4a: {  	_ =	shalt  }
0x4b: {  	_ =	shalt  }
0x4c: {  	_ =	shalt  }
0x4d: {  	_ =	shalt  }
0x4e: {  	_ =	shalt  }
0x4f: {  	_ =	shalt  }
0x50: {  	_ =	shalt  }
0x51: {  	_ =	shalt  }
0x52: {  	_ =	shalt  }
0x53: {  	_ =	shalt  }
0x54: {  	_ =	shalt  }
0x55: {  	_ =	shalt  }
0x56: {  	_ =	shalt  }
0x57: {  	_ =	shalt  }
0x58: {  	_ =	shalt  }
0x59: {  	_ =	shalt  }
0x5a: {  	_ =	shalt  }
0x5b: {  	_ =	shalt  }
0x5c: {  	_ =	shalt  }
0x5d: {  	_ =	shalt  }
0x5e: {  	_ =	shalt  }
0x5f: {  	_ =	shalt  }
0x60: {  	_ =	shalt  }
0x61: {  	_ =	shalt  }
0x62: {  	_ =	shalt  }
0x63: {  	_ =	shalt  }
0x64: {  	_ =	shalt  }
0x65: {  	_ =	shalt  }
0x66: {  	_ =	shalt  }
0x67: {  	_ =	shalt  }
0x68: {  	_ =	shalt  }
0x69: {  	_ =	shalt  }
0x6a: {  	_ =	shalt  }
0x6b: {  	_ =	shalt  }
0x6c: {  	_ =	shalt  }
0x6d: {  	_ =	shalt  }
0x6e: {  	_ =	shalt  }
0x6f: {  	_ =	shalt  }
0x70: {  	_ =	shalt  }
0x71: {  	_ =	shalt  }
0x72: {  	_ =	shalt  }
0x73: {  	_ =	shalt  }
0x74: {  	_ =	shalt  }
0x75: {  	_ =	shalt  }
0x76: {  	_ =	shalt  }
0x77: {  	_ =	shalt  }
0x78: {  	_ =	shalt  }
0x79: {  	_ =	shalt  }
0x7a: {  	_ =	shalt  }
0x7b: {  	_ =	shalt  }
0x7c: {  	_ =	shalt  }
0x7d: {  	_ =	shalt  }
0x7e: {  	_ =	shalt  }
0x7f: {  	_ =	shalt  }
0x80: {  	_ =	shalt  }
0x81: {  	_ =	shalt  }
0x82: {  	_ =	shalt  }
0x83: {  	_ =	shalt  }
0x84: {  	_ =	shalt  }
0x85: {  	_ =	shalt  }
0x86: {  	_ =	shalt  }
0x87: {  	_ =	shalt  }
.Lfunc_end0:
.L_simem_size_0:
called_computation.1_lowered:
.L_overlay_start_0:
0x88: {  	s2 =	sld [smem:$0x3FD9]  }
0x89: {  	s3 =	sld [smem:$0x3FFE];
	_ =	sdelay $0x1  }
0x8a: {  	s1 =	srdreg.scid  }
0x8b: {  	s0 =	sand.u32 $0x1, s1  }
0x8c: {  	s17 =	sshll.u32 s0, $0xA;
	s2 =	sadd.s32 s3, s2  }
0x8d: {  	s2 =	sadd.s32 s2, s17  }
0x8e: {  	[smem:$0x3FB8] =	sst s2  }
0x8f: {  	_ = 	snop  }
0x90: {  	s2 =	sld [smem:$0x3FD0];
	(tm) =	ssettm $0x1  }
0x91: {  	s18 =	sld [smem:$0x3FFB];
	_ =	sdelay $0x3  }
0x92: {  	_ =	strace s18  }
0x93: {  	s3 =	sld [smem:$0x3FFC];
	_ =	sdelay $0x3  }
0x94: {  	_ =	strace s3  }
0x95: {  	s3 =	sld [smem:$0x3FFD];
	_ =	sdelay $0x3  }
0x96: {  	_ =	strace s3  }
0x97: {  	_ =	strace $0x8FFFFFFF  }
0x98: {  	s19 =	sld [smem:$0x3FDB];
	_ =	sdelay $0x1  }
0x99: {  	s4 =	simm.s32 $_scs_section_size  }
0x9a: {  	s5 =	simm.s32 $_size__tile_overlayer_lowered;
	s6 =	simm.s32 $_tile_overlayer_lowered  }
0x9b: {  	s22 =	simm.s32 $0x1BFF;
	s21 =	sshll.u32 s6, $0x1;
	s3 =	sadd.s32 s4, s19  }
0x9c: {  	s7 =	simm.s32 $0x0;
	s20 =	sshll.u32 s5, $0x1;
	s5 =	sadd.s32 s21, s3  }
0x9d: {  	[timem:s7], [sflag:s22] =	dma.local [hbm:s5], s20  }
0x9e: {  	_ =	swait.ge [sflag:s22], s20  }
0x9f: {  	s4 =	ssub.s32 $0x0, s20;
	[sflag:s22] =	ssyncset.done $0x0  }
0xa0: {  	[sflag:s22] =	ssyncadd.s32 s4;
	_ =	sdelay $0x1  }
0xa1: {  	s23 =	simm.s32 $0x1B8B  }
0xa2: {  	_ =	swait.ge [sflag:s23], $0x1  }
0xa3: {  	[sflag:s23] =	ssyncset.done $0x0  }
0xa4: {  	s25 =	simm.s32 $0x1B8E;
	s24 =	sld [smem:$0x3FFE];
	[sflag:s23] =	ssyncadd.s32 $0xFFFFFFFF  }
0xa5: {  	s26 =	simm.s32 $execute0_lowered;
	[smem:$0x3FD2] =	sst s25  }
0xa6: {  	s5 =	sshll.u32 s26, $0x1;
	_ =	strace $0x80000049;
	[dreg:$0x1] =	wrdreg $0xFFFFFFFF  }
0xa7: {  	s28 =	simm.s32 $_size_execute0_lowered;
	s3 =	sadd.s32 s3, s5;
	[dreg:$0x0] =	wrdreg $0x0  }
0xa8: {  	s5 =	sshll.u32 s28, $0x1;
	[dreg:$0x2] =	wrdreg s3  }
0xa9: {  	[dreg:$0x3] =	wrdreg s5  }
0xaa: {  	[dreg:$0x4] =	wrdreg $0xC0  }
0xab: {  	_ =	task [dreg:s7], $0x5FFFF  }
0xac: {  	[dreg:$0x1] =	wrdreg $0xFFFFFFFF  }
0xad: {  	[dreg:$0x0] =	wrdreg $0x60  }
0xae: {  	[dreg:$0x2] =	wrdreg s24  }
0xaf: {  	[dreg:$0x3] =	wrdreg s2  }
0xb0: {  	[dreg:$0x4] =	wrdreg $0x8C800  }
0xb1: {  	[dreg:$0x5] =	wrdreg $0x9  }
0xb2: {  	_ =	task.clear_ibuf [dreg:s7], $0x6FFFF;
	_ =	strace $0x90000049  }
0xb3: {  	s29 =	simm.s32 $0x9;
	_ =	strace $0x8000004B  }
0xb4: {  	_ =	swait.ge [sflag:s29], $0x1  }
0xb5: {  	[sflag:s29] =	ssyncadd.s32 $0xFFFFFFFF  }
0xb6: {  	_ =	strace $0x9000004B  }
0xb7: {  	_ =	sfence  }
0xb8: {  	s30 =	sld [smem:$0x0];
	_ =	sdelay $0x2  }
0xb9: {  	s31 =	sshll.u32 s1, $0xD;
	s1 =	sshrl.u32 s1, $0x2  }
0xba: {  	s3 =	sand.u32 $0x4000, s31;
	s1 =	sadd.s32 s1, s30  }
0xbb: {  	s0 =	sor.u32 s3, s0;
	s1 =	sshll.u32 s1, $0x11  }
0xbc: {  	s0 =	sor.u32 s1, s0  }
0xbd: {  	s0 =	sadd.s32 $0x8F2B, s0  }
0xbe: {  	[sflag:s0] =	ssyncadd.remote.s32 $0x1  }
0xbf: {  	_ =	sfence.sel $0xFFFF  }
0xc0: {  	[dreg:$0x0] =	wrdreg $0xFFFFFFFF;
	(pc) =	sbr.abs _section_cstart, $3  }
0xc1: {  	[dreg:$0x1] =	wrdreg $0xFFFFFFFF  }
0xc2: {  	_ =	task.clear_ibuf [dreg:s7], $0x2FFFF;
	_ =	strace $0x9FFFFFFF  }
0xc3: {  	(tm) =	ssettm $0x7FFFFFFF  }
tec
execute0_lowered:
.L_overlay_start_1:
0x0: {  	(tag) =	ssettag $0x1  }
0x1: {  	s0 =	rddreg [dreg:$0x0]  }
0x2: {  	s14 =	rddreg [dreg:$0x1];
	s1 =	srdreg.scid  }
0x3: {  	s2 =	rddreg [dreg:$0x2];
	s24 =	stileid.u32  }
0x4: {  	s3 =	simm.s32 $0x0;
	s17 =	simm.s32 $0x80;
	s18 =	simm.s32 $0x8200  }
0x5: {  	s19 =	simm.s32 $0x8080;
	s20 =	simm.s32 $0x8180;
	s21 =	simm.s32 $0x8280  }
0x6: {  	s22 =	simm.s32 $0x4000;
	s23 =	simm.s32 $0x1;
	s5 =	smul.u32 $0x14000, s24  }
0x7: {  	s28 =	simm.s32 $0x10;
	s30 =	simm.s32 $0x8300;
	s6 =	smul.u32 $0x50000, s24  }
0x8: {  	s31 =	simm.s32 $0x0;
	s25 =	sand.u32 $0x1, s1;
	s8 =	smul.u32 $0x2710, s24  }
0x9: {  	[smem:$0x7FF] =	sst s3;
	s13 =	sadd.s32 $0x1E00, s0;
	s16 =	smul.u32 $0x4E2, s24  }
0xa: {  	s24 =	simm.s32 $0x2;
	s4 =	smul.u32 $0x140000, s25;
	s7 =	ssub.s32 $0x2, s25  }
0xb: {  	_ =	strace $0x8000004A;
	s6 =	sshrl.u32 s6, $0x2;
	s9 =	sshrl.u32 s7, $0x1  }
0xc: {  	s8 =	sshrl.u32 s8, $0x3;
	s26 =	sadd.s32 s16, s13;
	s29 =	sadd.s32 s16, s14  }
0xd: {  	s16 =	simm.s32 $0x8100;
	s5 =	sadd.s32 s5, s4;
	s4 =	sadd.s32 $0x57800, s0  }
0xe: {  	s15 =	ssub.s32 s7, s9;
	s11 =	sadd.s32 $0x4E0, s8;
	[dreg:$0x5] =	wrdreg s26  }
0xf: {  	[dreg:$0x4] =	wrdreg s29;
	s26 =	simm.s32 $0x8B80;
	s5 =	sshrl.u32 s5, $0x3  }
0x10: {  	s10 =	sadd.s32 s14, s11;
	s11 =	sadd.s32 s13, s11;
	s13 =	smax.u32 s15, $0x1  }
0x11: {  	s14 =	simm.s32 $0x3;
	s0 =	sadd.s32 s5, s0;
	s5 =	sadd.s32 s6, s2  }
0x12: {  	s15 =	simm.s32 $0x8000;
	s6 =	sadd.s32 $0x4000, s5;
	s7 =	sadd.s32 $0x8000, s5  }
0x13: {  	v1 =	vimm.f32 $0.0e+00;
	v0 =	vmov s25;
	s8 =	sadd.s32 $0xC000, s5;
	s9 =	sadd.s32 $0x10000, s5;
	s12 =	sadd.s32 $0xA5A00, s0  }
.LBB2_1:
0x14: {  	s0 =	simm.s32 $0x0;
	s25 =	simm.s32 $0x200  }
.LBB2_2:
0x15: {  	p0 =	sne.s32 s25, $0xFE00;
	[tilespmem:s0+$0x70] =	vst v1  }
0x16: {  	[tilespmem:s0+$0x0] =	vst v1  }
0x17: {  	[tilespmem:s0+$0x10] =	vst v1  }
.Ltmp0:
0x18: {  	[tilespmem:s0+$0x20] =	vst v1;
	(pc) =	sbr.rel @p0 .LBB2_2-.Ltmp0, $4  }
0x19: {  	[tilespmem:s0+$0x30] =	vst v1  }
0x1a: {  	[tilespmem:s0+$0x40] =	vst v1  }
0x1b: {  	[tilespmem:s0+$0x50] =	vst v1  }
0x1c: {  	[tilespmem:s0+$0x60] =	vst v1;
	s0 =	sshra.s32 s25, $0x2;
	s25 =	sadd.s32 $0x200, s25  }
0x1d: {  	[tilespmem:s0+$0x70] =	vst v1  }
0x1e: {  	[tilespmem:s0+$0x0] =	vst v1  }
0x1f: {  	[tilespmem:s0+$0x10] =	vst v1  }
0x20: {  	[tilespmem:s0+$0x20] =	vst v1  }
0x21: {  	[tilespmem:s0+$0x30] =	vst v1  }
0x22: {  	[tilespmem:s0+$0x40] =	vst v1  }
0x23: {  	[tilespmem:s0+$0x50] =	vst v1  }
0x24: {  	[tilespmem:s0+$0x60] =	vst v1;
	s0 =	simm.s32 $0x0  }
0x25: {  	[spmem:s5] =	stream.linear.scatter [tilespmem:s0], [sflag:$0x3], $0x4000, $0x38;
	[tilespmem:$0x1CC80] =	vst v63  }
0x26: {  	_ =	swait.ge [sflag:s14], $0x4000  }
0x27: {  	[sflag:s14] =	ssyncset.done $0x0  }
0x28: {  	[sflag:s14] =	ssyncadd.s32 $0xFFFFC000  }
0x29: {  	[spmem:s6] =	stream.linear.scatter [tilespmem:s0], [sflag:$0x3], $0x4000, $0x38;
	[tilespmem:$0x1CC80] =	vst v63  }
0x2a: {  	_ =	swait.ge [sflag:s14], $0x4000  }
0x2b: {  	[sflag:s14] =	ssyncset.done $0x0  }
0x2c: {  	[sflag:s14] =	ssyncadd.s32 $0xFFFFC000  }
0x2d: {  	[spmem:s7] =	stream.linear.scatter [tilespmem:s0], [sflag:$0x3], $0x4000, $0x38;
	[tilespmem:$0x1CC80] =	vst v63  }
0x2e: {  	_ =	swait.ge [sflag:s14], $0x4000  }
0x2f: {  	[sflag:s14] =	ssyncset.done $0x0  }
0x30: {  	[sflag:s14] =	ssyncadd.s32 $0xFFFFC000  }
0x31: {  	[spmem:s8] =	stream.linear.scatter [tilespmem:s0], [sflag:$0x3], $0x4000, $0x38;
	[tilespmem:$0x1CC80] =	vst v63  }
0x32: {  	_ =	swait.ge [sflag:s14], $0x4000  }
0x33: {  	[sflag:s14] =	ssyncset.done $0x0  }
0x34: {  	[sflag:s14] =	ssyncadd.s32 $0xFFFFC000  }
0x35: {  	[spmem:s9] =	stream.linear.scatter [tilespmem:s0], [sflag:$0x3], $0x4000, $0x38;
	[tilespmem:$0x1CC80] =	vst v63  }
0x36: {  	_ =	swait.ge [sflag:s14], $0x4000  }
0x37: {  	[sflag:s14] =	ssyncset.done $0x0  }
0x38: {  	[sflag:s14] =	ssyncadd.s32 $0xFFFFC000  }
0x39: {  	[bflag:$0x0] =	sbarrier.arrive $0xFFFF  }
.LBB2_4:
0x3a: {  	s25 =	rddreg [dreg:$0x4]  }
0x3b: {  	s25 =	sadd.s32 s0, s25  }
0x3c: {  	[tilespmem:s15], [sflag:$0x3] =	stream.linear.gather [hbm4b:s25+s3], $0x80, $0x38;
	[tilespmem:$0x1CC80] =	vst v63  }
0x3d: {  	_ =	swait.ge [sflag:s14], $0x80  }
0x3e: {  	s29 =	rddreg [dreg:$0x5];
	[sflag:s14] =	ssyncset.done $0x0  }
0x3f: {  	[sflag:s14] =	ssyncadd.s32 $0xFFFFFF80;
	s29 =	sadd.s32 s0, s29  }
0x40: {  	[tilespmem:s16], [sflag:$0x3] =	stream.linear.gather [hbm4b:s29+s3], $0x80, $0x38;
	[tilespmem:$0x1CC80] =	vst v63  }
0x41: {  	_ =	swait.ge [sflag:s14], $0x80  }
0x42: {  	[sflag:s14] =	ssyncset.done $0x0  }
0x43: {  	[sflag:s14] =	ssyncadd.s32 $0xFFFFFF80  }
0x44: {  	v2 =	vld [tilespmem:$0x8000]  }
0x45: {  	v3 =	vld [tilespmem:$0x8010]  }
0x46: {  	v4 =	vld [tilespmem:$0x8020]  }
0x47: {  	v5 =	vld [tilespmem:$0x8030]  }
0x48: {  	v6 =	vld [tilespmem:$0x8040]  }
0x49: {  	v7 =	vld [tilespmem:$0x8050];
	v2 =	vshll.u32 v2, $0x1  }
0x4a: {  	v8 =	vld [tilespmem:$0x8060];
	v3 =	vshll.u32 v3, $0x1;
	v2 =	vor.u32 v0, v2  }
0x4b: {  	v43 =	vld [tilespmem:$0x8070];
	[tilespmem:$0x8200] =	vst v2;
	v2 =	vor.u32 v0, v3;
	v3 =	vshll.u32 v4, $0x1  }
0x4c: {  	[tilespmem:$0x8210] =	vst v2;
	v2 =	vor.u32 v0, v3;
	v3 =	vshll.u32 v5, $0x1  }
0x4d: {  	[tilespmem:$0x8220] =	vst v2;
	v2 =	vor.u32 v0, v3;
	v3 =	vshll.u32 v6, $0x1  }
0x4e: {  	[tilespmem:$0x8230] =	vst v2;
	v2 =	vor.u32 v0, v3;
	v3 =	vshll.u32 v7, $0x1  }
0x4f: {  	[tilespmem:$0x8240] =	vst v2;
	v2 =	vor.u32 v0, v3;
	v3 =	vshll.u32 v8, $0x1  }
0x50: {  	[tilespmem:$0x8250] =	vst v2;
	v2 =	vor.u32 v0, v3;
	v3 =	vshll.u32 v43, $0x1  }
0x51: {  	[tilespmem:$0x8260] =	vst v2;
	v2 =	vor.u32 v0, v3  }
0x52: {  	[tilespmem:$0x8270] =	vst v2  }
0x53: {  	[tilespmem:s3], [sflag:$0x1] =	stream.indirect.gather [hbm4b:s4+s17], $0x80, s18, s17, $0xb8;
	[tilespmem:$0x1CC80] =	vst v63  }
0x54: {  	s1 =	sadd.s32 $0x10, s25  }
0x55: {  	[tilespmem:s19], [sflag:$0x3] =	stream.linear.gather [hbm4b:s1+s3], $0x80, $0x38;
	[tilespmem:$0x1CC80] =	vst v63  }
0x56: {  	_ =	swait.ge [sflag:s14], $0x80  }
0x57: {  	[sflag:s14] =	ssyncset.done $0x0  }
0x58: {  	s1 =	sadd.s32 $0x10, s29;
	[sflag:s14] =	ssyncadd.s32 $0xFFFFFF80  }
0x59: {  	[tilespmem:s20], [sflag:$0x3] =	stream.linear.gather [hbm4b:s1+s3], $0x80, $0x38;
	[tilespmem:$0x1CC80] =	vst v63  }
0x5a: {  	_ =	swait.ge [sflag:s14], $0x80  }
0x5b: {  	[sflag:s14] =	ssyncset.done $0x0  }
0x5c: {  	[sflag:s14] =	ssyncadd.s32 $0xFFFFFF80  }
0x5d: {  	v2 =	vld [tilespmem:$0x8080]  }
0x5e: {  	v3 =	vld [tilespmem:$0x8090]  }
0x5f: {  	v44 =	vld [tilespmem:$0x80A0]  }
0x60: {  	v45 =	vld [tilespmem:$0x80B0]  }
0x61: {  	v46 =	vld [tilespmem:$0x80C0]  }
0x62: {  	v47 =	vld [tilespmem:$0x80D0];
	v2 =	vshll.u32 v2, $0x1  }
0x63: {  	v48 =	vld [tilespmem:$0x80E0];
	v3 =	vshll.u32 v3, $0x1;
	v2 =	vor.u32 v0, v2  }
0x64: {  	v49 =	vld [tilespmem:$0x80F0];
	[tilespmem:$0x8280] =	vst v2;
	v2 =	vor.u32 v0, v3;
	v3 =	vshll.u32 v44, $0x1  }
0x65: {  	[tilespmem:$0x8290] =	vst v2;
	v2 =	vor.u32 v0, v3;
	v3 =	vshll.u32 v45, $0x1  }
0x66: {  	[tilespmem:$0x82A0] =	vst v2;
	v2 =	vor.u32 v0, v3;
	v3 =	vshll.u32 v46, $0x1  }
0x67: {  	[tilespmem:$0x82B0] =	vst v2;
	v2 =	vor.u32 v0, v3;
	v3 =	vshll.u32 v47, $0x1  }
0x68: {  	[tilespmem:$0x82C0] =	vst v2;
	v2 =	vor.u32 v0, v3;
	v3 =	vshll.u32 v48, $0x1  }
0x69: {  	[tilespmem:$0x82D0] =	vst v2;
	v2 =	vor.u32 v0, v3;
	v3 =	vshll.u32 v49, $0x1  }
0x6a: {  	[tilespmem:$0x82E0] =	vst v2;
	v2 =	vor.u32 v0, v3  }
0x6b: {  	[tilespmem:$0x82F0] =	vst v2  }
0x6c: {  	[tilespmem:s22], [sflag:$0x2] =	stream.indirect.gather [hbm4b:s4+s17], $0x80, s21, s17, $0xb8;
	[tilespmem:$0x1CC80] =	vst v63  }
0x6d: {  	_ =	swait.ge [sflag:s23], $0x4000  }
0x6e: {  	[sflag:s23] =	ssyncset.done $0x0  }
0x6f: {  	[sflag:s23] =	ssyncadd.s32 $0xFFFFC000  }
0x70: {  	[spmem:s2] =	stream.indirect.scatter.add.f32 [tilespmem:s3], [sflag:$0x3], $0x80, s16, s17, $0xb8;
	[tilespmem:$0x1CC80] =	vst v63  }
0x71: {  	_ =	swait.ge [sflag:s14], $0x4000  }
0x72: {  	[sflag:s14] =	ssyncset.done $0x0  }
0x73: {  	s1 =	sadd.s32 $0x20, s25;
	[sflag:s14] =	ssyncadd.s32 $0xFFFFC000  }
0x74: {  	[tilespmem:s15], [sflag:$0x3] =	stream.linear.gather [hbm4b:s1+s3], $0x80, $0x38;
	[tilespmem:$0x1CC80] =	vst v63  }
0x75: {  	_ =	swait.ge [sflag:s14], $0x80  }
0x76: {  	[sflag:s14] =	ssyncset.done $0x0  }
0x77: {  	s1 =	sadd.s32 $0x20, s29;
	[sflag:s14] =	ssyncadd.s32 $0xFFFFFF80  }
0x78: {  	[tilespmem:s16], [sflag:$0x3] =	stream.linear.gather [hbm4b:s1+s3], $0x80, $0x38;
	[tilespmem:$0x1CC80] =	vst v63  }
0x79: {  	_ =	swait.ge [sflag:s14], $0x80  }
0x7a: {  	[sflag:s14] =	ssyncset.done $0x0  }
0x7b: {  	[sflag:s14] =	ssyncadd.s32 $0xFFFFFF80  }
0x7c: {  	v2 =	vld [tilespmem:$0x8000]  }
0x7d: {  	v3 =	vld [tilespmem:$0x8010]  }
0x7e: {  	v50 =	vld [tilespmem:$0x8020]  }
0x7f: {  	v51 =	vld [tilespmem:$0x8030]  }
0x80: {  	v52 =	vld [tilespmem:$0x8040]  }
0x81: {  	v53 =	vld [tilespmem:$0x8050];
	v2 =	vshll.u32 v2, $0x1  }
0x82: {  	v54 =	vld [tilespmem:$0x8060];
	v3 =	vshll.u32 v3, $0x1;
	v2 =	vor.u32 v0, v2  }
0x83: {  	v55 =	vld [tilespmem:$0x8070];
	[tilespmem:$0x8200] =	vst v2;
	v2 =	vor.u32 v0, v3;
	v3 =	vshll.u32 v50, $0x1  }
0x84: {  	[tilespmem:$0x8210] =	vst v2;
	v2 =	vor.u32 v0, v3;
	v3 =	vshll.u32 v51, $0x1  }
0x85: {  	[tilespmem:$0x8220] =	vst v2;
	v2 =	vor.u32 v0, v3;
	v3 =	vshll.u32 v52, $0x1  }
0x86: {  	[tilespmem:$0x8230] =	vst v2;
	v2 =	vor.u32 v0, v3;
	v3 =	vshll.u32 v53, $0x1  }
0x87: {  	[tilespmem:$0x8240] =	vst v2;
	v2 =	vor.u32 v0, v3;
	v3 =	vshll.u32 v54, $0x1  }
0x88: {  	[tilespmem:$0x8250] =	vst v2;
	v2 =	vor.u32 v0, v3;
	v3 =	vshll.u32 v55, $0x1  }
0x89: {  	[tilespmem:$0x8260] =	vst v2;
	v2 =	vor.u32 v0, v3  }
0x8a: {  	[tilespmem:$0x8270] =	vst v2  }
0x8b: {  	[tilespmem:s3], [sflag:$0x1] =	stream.indirect.gather [hbm4b:s4+s17], $0x80, s18, s17, $0xb8;
	[tilespmem:$0x1CC80] =	vst v63  }
0x8c: {  	_ =	swait.ge [sflag:s24], $0x4000  }
0x8d: {  	[sflag:s24] =	ssyncset.done $0x0  }
0x8e: {  	[sflag:s24] =	ssyncadd.s32 $0xFFFFC000  }
0x8f: {  	[spmem:s2] =	stream.indirect.scatter.add.f32 [tilespmem:s22], [sflag:$0x3], $0x80, s20, s17, $0xb8;
	[tilespmem:$0x1CC80] =	vst v63  }
0x90: {  	_ =	swait.ge [sflag:s14], $0x4000  }
0x91: {  	[sflag:s14] =	ssyncset.done $0x0  }
0x92: {  	s1 =	sadd.s32 $0x30, s25;
	[sflag:s14] =	ssyncadd.s32 $0xFFFFC000  }
0x93: {  	[tilespmem:s19], [sflag:$0x3] =	stream.linear.gather [hbm4b:s1+s3], $0x80, $0x38;
	[tilespmem:$0x1CC80] =	vst v63  }
0x94: {  	_ =	swait.ge [sflag:s14], $0x80  }
0x95: {  	[sflag:s14] =	ssyncset.done $0x0  }
0x96: {  	s1 =	sadd.s32 $0x30, s29;
	[sflag:s14] =	ssyncadd.s32 $0xFFFFFF80  }
0x97: {  	[tilespmem:s20], [sflag:$0x3] =	stream.linear.gather [hbm4b:s1+s3], $0x80, $0x38;
	[tilespmem:$0x1CC80] =	vst v63  }
0x98: {  	_ =	swait.ge [sflag:s14], $0x80  }
0x99: {  	[sflag:s14] =	ssyncset.done $0x0  }
0x9a: {  	[sflag:s14] =	ssyncadd.s32 $0xFFFFFF80  }
0x9b: {  	v2 =	vld [tilespmem:$0x8080]  }
0x9c: {  	v3 =	vld [tilespmem:$0x8090]  }
0x9d: {  	v56 =	vld [tilespmem:$0x80A0]  }
0x9e: {  	v57 =	vld [tilespmem:$0x80B0]  }
0x9f: {  	v58 =	vld [tilespmem:$0x80C0]  }
0xa0: {  	v59 =	vld [tilespmem:$0x80D0];
	v2 =	vshll.u32 v2, $0x1  }
0xa1: {  	v60 =	vld [tilespmem:$0x80E0];
	v3 =	vshll.u32 v3, $0x1;
	v2 =	vor.u32 v0, v2  }
0xa2: {  	v61 =	vld [tilespmem:$0x80F0];
	[tilespmem:$0x8280] =	vst v2;
	v2 =	vor.u32 v0, v3;
	v3 =	vshll.u32 v56, $0x1  }
0xa3: {  	[tilespmem:$0x8290] =	vst v2;
	v2 =	vor.u32 v0, v3;
	v3 =	vshll.u32 v57, $0x1  }
0xa4: {  	[tilespmem:$0x82A0] =	vst v2;
	v2 =	vor.u32 v0, v3;
	v3 =	vshll.u32 v58, $0x1  }
0xa5: {  	[tilespmem:$0x82B0] =	vst v2;
	v2 =	vor.u32 v0, v3;
	v3 =	vshll.u32 v59, $0x1  }
0xa6: {  	[tilespmem:$0x82C0] =	vst v2;
	v2 =	vor.u32 v0, v3;
	v3 =	vshll.u32 v60, $0x1  }
0xa7: {  	[tilespmem:$0x82D0] =	vst v2;
	v2 =	vor.u32 v0, v3;
	v3 =	vshll.u32 v61, $0x1  }
0xa8: {  	[tilespmem:$0x82E0] =	vst v2;
	v2 =	vor.u32 v0, v3  }
0xa9: {  	[tilespmem:$0x82F0] =	vst v2  }
0xaa: {  	[tilespmem:s22], [sflag:$0x2] =	stream.indirect.gather [hbm4b:s4+s17], $0x80, s21, s17, $0xb8;
	[tilespmem:$0x1CC80] =	vst v63  }
0xab: {  	_ =	swait.ge [sflag:s23], $0x4000  }
0xac: {  	[sflag:s23] =	ssyncset.done $0x0  }
0xad: {  	[sflag:s23] =	ssyncadd.s32 $0xFFFFC000  }
0xae: {  	[spmem:s2] =	stream.indirect.scatter.add.f32 [tilespmem:s3], [sflag:$0x3], $0x80, s16, s17, $0xb8;
	[tilespmem:$0x1CC80] =	vst v63  }
0xaf: {  	_ =	swait.ge [sflag:s14], $0x4000  }
0xb0: {  	[sflag:s14] =	ssyncset.done $0x0  }
0xb1: {  	s1 =	sadd.s32 $0x40, s25;
	[sflag:s14] =	ssyncadd.s32 $0xFFFFC000  }
0xb2: {  	[tilespmem:s15], [sflag:$0x3] =	stream.linear.gather [hbm4b:s1+s3], $0x80, $0x38;
	[tilespmem:$0x1CC80] =	vst v63  }
0xb3: {  	_ =	swait.ge [sflag:s14], $0x80  }
0xb4: {  	[sflag:s14] =	ssyncset.done $0x0  }
0xb5: {  	s1 =	sadd.s32 $0x40, s29;
	[sflag:s14] =	ssyncadd.s32 $0xFFFFFF80  }
0xb6: {  	[tilespmem:s16], [sflag:$0x3] =	stream.linear.gather [hbm4b:s1+s3], $0x80, $0x38;
	[tilespmem:$0x1CC80] =	vst v63  }
0xb7: {  	_ =	swait.ge [sflag:s14], $0x80  }
0xb8: {  	[sflag:s14] =	ssyncset.done $0x0  }
0xb9: {  	[sflag:s14] =	ssyncadd.s32 $0xFFFFFF80  }
0xba: {  	v2 =	vld [tilespmem:$0x8000]  }
0xbb: {  	v3 =	vld [tilespmem:$0x8010]  }
0xbc: {  	v62 =	vld [tilespmem:$0x8020]  }
0xbd: {  	v63 =	vld [tilespmem:$0x8030]  }
0xbe: {  	v12 =	vld [tilespmem:$0x8040]  }
0xbf: {  	v13 =	vld [tilespmem:$0x8050];
	v2 =	vshll.u32 v2, $0x1  }
0xc0: {  	v14 =	vld [tilespmem:$0x8060];
	v3 =	vshll.u32 v3, $0x1;
	v2 =	vor.u32 v0, v2  }
0xc1: {  	v15 =	vld [tilespmem:$0x8070];
	[tilespmem:$0x8200] =	vst v2;
	v2 =	vor.u32 v0, v3;
	v3 =	vshll.u32 v62, $0x1  }
0xc2: {  	[tilespmem:$0x8210] =	vst v2;
	v2 =	vor.u32 v0, v3;
	v3 =	vshll.u32 v63, $0x1  }
0xc3: {  	[tilespmem:$0x8220] =	vst v2;
	v2 =	vor.u32 v0, v3;
	v3 =	vshll.u32 v12, $0x1  }
0xc4: {  	[tilespmem:$0x8230] =	vst v2;
	v2 =	vor.u32 v0, v3;
	v3 =	vshll.u32 v13, $0x1  }
0xc5: {  	[tilespmem:$0x8240] =	vst v2;
	v2 =	vor.u32 v0, v3;
	v3 =	vshll.u32 v14, $0x1  }
0xc6: {  	[tilespmem:$0x8250] =	vst v2;
	v2 =	vor.u32 v0, v3;
	v3 =	vshll.u32 v15, $0x1  }
0xc7: {  	[tilespmem:$0x8260] =	vst v2;
	v2 =	vor.u32 v0, v3  }
0xc8: {  	[tilespmem:$0x8270] =	vst v2  }
0xc9: {  	[tilespmem:s3], [sflag:$0x1] =	stream.indirect.gather [hbm4b:s4+s17], $0x80, s18, s17, $0xb8;
	[tilespmem:$0x1CC80] =	vst v63  }
0xca: {  	_ =	swait.ge [sflag:s24], $0x4000  }
0xcb: {  	[sflag:s24] =	ssyncset.done $0x0  }
0xcc: {  	[sflag:s24] =	ssyncadd.s32 $0xFFFFC000  }
0xcd: {  	[spmem:s2] =	stream.indirect.scatter.add.f32 [tilespmem:s22], [sflag:$0x3], $0x80, s20, s17, $0xb8;
	[tilespmem:$0x1CC80] =	vst v63  }
0xce: {  	_ =	swait.ge [sflag:s14], $0x4000  }
0xcf: {  	[sflag:s14] =	ssyncset.done $0x0  }
0xd0: {  	s1 =	sadd.s32 $0x50, s25;
	[sflag:s14] =	ssyncadd.s32 $0xFFFFC000  }
0xd1: {  	[tilespmem:s19], [sflag:$0x3] =	stream.linear.gather [hbm4b:s1+s3], $0x80, $0x38;
	[tilespmem:$0x1CC80] =	vst v63  }
0xd2: {  	_ =	swait.ge [sflag:s14], $0x80  }
0xd3: {  	[sflag:s14] =	ssyncset.done $0x0  }
0xd4: {  	s1 =	sadd.s32 $0x50, s29;
	[sflag:s14] =	ssyncadd.s32 $0xFFFFFF80  }
0xd5: {  	[tilespmem:s20], [sflag:$0x3] =	stream.linear.gather [hbm4b:s1+s3], $0x80, $0x38;
	[tilespmem:$0x1CC80] =	vst v63  }
0xd6: {  	_ =	swait.ge [sflag:s14], $0x80  }
0xd7: {  	[sflag:s14] =	ssyncset.done $0x0  }
0xd8: {  	[sflag:s14] =	ssyncadd.s32 $0xFFFFFF80  }
0xd9: {  	v2 =	vld [tilespmem:$0x8080]  }
0xda: {  	v3 =	vld [tilespmem:$0x8090]  }
0xdb: {  	v16 =	vld [tilespmem:$0x80A0]  }
0xdc: {  	v17 =	vld [tilespmem:$0x80B0]  }
0xdd: {  	v18 =	vld [tilespmem:$0x80C0]  }
0xde: {  	v19 =	vld [tilespmem:$0x80D0];
	v2 =	vshll.u32 v2, $0x1  }
0xdf: {  	v20 =	vld [tilespmem:$0x80E0];
	v3 =	vshll.u32 v3, $0x1;
	v2 =	vor.u32 v0, v2  }
0xe0: {  	v21 =	vld [tilespmem:$0x80F0];
	[tilespmem:$0x8280] =	vst v2;
	v2 =	vor.u32 v0, v3;
	v3 =	vshll.u32 v16, $0x1  }
0xe1: {  	[tilespmem:$0x8290] =	vst v2;
	v2 =	vor.u32 v0, v3;
	v3 =	vshll.u32 v17, $0x1  }
0xe2: {  	[tilespmem:$0x82A0] =	vst v2;
	v2 =	vor.u32 v0, v3;
	v3 =	vshll.u32 v18, $0x1  }
0xe3: {  	[tilespmem:$0x82B0] =	vst v2;
	v2 =	vor.u32 v0, v3;
	v3 =	vshll.u32 v19, $0x1  }
0xe4: {  	[tilespmem:$0x82C0] =	vst v2;
	v2 =	vor.u32 v0, v3;
	v3 =	vshll.u32 v20, $0x1  }
0xe5: {  	[tilespmem:$0x82D0] =	vst v2;
	v2 =	vor.u32 v0, v3;
	v3 =	vshll.u32 v21, $0x1  }
0xe6: {  	[tilespmem:$0x82E0] =	vst v2;
	v2 =	vor.u32 v0, v3  }
0xe7: {  	[tilespmem:$0x82F0] =	vst v2  }
0xe8: {  	[tilespmem:s22], [sflag:$0x2] =	stream.indirect.gather [hbm4b:s4+s17], $0x80, s21, s17, $0xb8;
	[tilespmem:$0x1CC80] =	vst v63  }
0xe9: {  	_ =	swait.ge [sflag:s23], $0x4000  }
0xea: {  	[sflag:s23] =	ssyncset.done $0x0  }
0xeb: {  	[sflag:s23] =	ssyncadd.s32 $0xFFFFC000  }
0xec: {  	[spmem:s2] =	stream.indirect.scatter.add.f32 [tilespmem:s3], [sflag:$0x3], $0x80, s16, s17, $0xb8;
	[tilespmem:$0x1CC80] =	vst v63  }
0xed: {  	_ =	swait.ge [sflag:s14], $0x4000  }
0xee: {  	[sflag:s14] =	ssyncset.done $0x0  }
0xef: {  	s1 =	sadd.s32 $0x60, s25;
	[sflag:s14] =	ssyncadd.s32 $0xFFFFC000  }
0xf0: {  	[tilespmem:s15], [sflag:$0x3] =	stream.linear.gather [hbm4b:s1+s3], $0x80, $0x38;
	[tilespmem:$0x1CC80] =	vst v63  }
0xf1: {  	_ =	swait.ge [sflag:s14], $0x80  }
0xf2: {  	[sflag:s14] =	ssyncset.done $0x0  }
0xf3: {  	s1 =	sadd.s32 $0x60, s29;
	[sflag:s14] =	ssyncadd.s32 $0xFFFFFF80  }
0xf4: {  	[tilespmem:s16], [sflag:$0x3] =	stream.linear.gather [hbm4b:s1+s3], $0x80, $0x38;
	[tilespmem:$0x1CC80] =	vst v63  }
0xf5: {  	_ =	swait.ge [sflag:s14], $0x80  }
0xf6: {  	[sflag:s14] =	ssyncset.done $0x0  }
0xf7: {  	[sflag:s14] =	ssyncadd.s32 $0xFFFFFF80  }
0xf8: {  	v2 =	vld [tilespmem:$0x8000]  }
0xf9: {  	v3 =	vld [tilespmem:$0x8010]  }
0xfa: {  	v22 =	vld [tilespmem:$0x8020]  }
0xfb: {  	v23 =	vld [tilespmem:$0x8030]  }
0xfc: {  	v24 =	vld [tilespmem:$0x8040]  }
0xfd: {  	v25 =	vld [tilespmem:$0x8050];
	v2 =	vshll.u32 v2, $0x1  }
0xfe: {  	v26 =	vld [tilespmem:$0x8060];
	v3 =	vshll.u32 v3, $0x1;
	v2 =	vor.u32 v0, v2  }
0xff: {  	v27 =	vld [tilespmem:$0x8070];
	[tilespmem:$0x8200] =	vst v2;
	v2 =	vor.u32 v0, v3;
	v3 =	vshll.u32 v22, $0x1  }
0x100: {  	[tilespmem:$0x8210] =	vst v2;
	v2 =	vor.u32 v0, v3;
	v3 =	vshll.u32 v23, $0x1  }
0x101: {  	[tilespmem:$0x8220] =	vst v2;
	v2 =	vor.u32 v0, v3;
	v3 =	vshll.u32 v24, $0x1  }
0x102: {  	[tilespmem:$0x8230] =	vst v2;
	v2 =	vor.u32 v0, v3;
	v3 =	vshll.u32 v25, $0x1  }
0x103: {  	[tilespmem:$0x8240] =	vst v2;
	v2 =	vor.u32 v0, v3;
	v3 =	vshll.u32 v26, $0x1  }
0x104: {  	[tilespmem:$0x8250] =	vst v2;
	v2 =	vor.u32 v0, v3;
	v3 =	vshll.u32 v27, $0x1  }
0x105: {  	[tilespmem:$0x8260] =	vst v2;
	v2 =	vor.u32 v0, v3  }
0x106: {  	[tilespmem:$0x8270] =	vst v2  }
0x107: {  	[tilespmem:s3], [sflag:$0x1] =	stream.indirect.gather [hbm4b:s4+s17], $0x80, s18, s17, $0xb8;
	[tilespmem:$0x1CC80] =	vst v63  }
0x108: {  	_ =	swait.ge [sflag:s24], $0x4000  }
0x109: {  	[sflag:s24] =	ssyncset.done $0x0  }
0x10a: {  	[sflag:s24] =	ssyncadd.s32 $0xFFFFC000  }
0x10b: {  	[spmem:s2] =	stream.indirect.scatter.add.f32 [tilespmem:s22], [sflag:$0x3], $0x80, s20, s17, $0xb8;
	[tilespmem:$0x1CC80] =	vst v63  }
0x10c: {  	_ =	swait.ge [sflag:s14], $0x4000  }
0x10d: {  	[sflag:s14] =	ssyncset.done $0x0  }
0x10e: {  	s1 =	sadd.s32 $0x70, s25;
	[sflag:s14] =	ssyncadd.s32 $0xFFFFC000  }
0x10f: {  	[tilespmem:s19], [sflag:$0x3] =	stream.linear.gather [hbm4b:s1+s3], $0x80, $0x38;
	[tilespmem:$0x1CC80] =	vst v63  }
0x110: {  	_ =	swait.ge [sflag:s14], $0x80  }
0x111: {  	[sflag:s14] =	ssyncset.done $0x0  }
0x112: {  	s1 =	sadd.s32 $0x70, s29;
	[sflag:s14] =	ssyncadd.s32 $0xFFFFFF80  }
0x113: {  	[tilespmem:s20], [sflag:$0x3] =	stream.linear.gather [hbm4b:s1+s3], $0x80, $0x38;
	[tilespmem:$0x1CC80] =	vst v63  }
0x114: {  	_ =	swait.ge [sflag:s14], $0x80  }
0x115: {  	[sflag:s14] =	ssyncset.done $0x0  }
0x116: {  	[sflag:s14] =	ssyncadd.s32 $0xFFFFFF80  }
0x117: {  	v2 =	vld [tilespmem:$0x8080]  }
0x118: {  	v3 =	vld [tilespmem:$0x8090]  }
0x119: {  	v28 =	vld [tilespmem:$0x80A0]  }
0x11a: {  	v29 =	vld [tilespmem:$0x80B0]  }
0x11b: {  	v30 =	vld [tilespmem:$0x80C0]  }
0x11c: {  	v31 =	vld [tilespmem:$0x80D0];
	v2 =	vshll.u32 v2, $0x1  }
0x11d: {  	v32 =	vld [tilespmem:$0x80E0];
	v3 =	vshll.u32 v3, $0x1;
	v2 =	vor.u32 v0, v2  }
0x11e: {  	v33 =	vld [tilespmem:$0x80F0];
	[tilespmem:$0x8280] =	vst v2;
	v2 =	vor.u32 v0, v3;
	v3 =	vshll.u32 v28, $0x1  }
0x11f: {  	[tilespmem:$0x8290] =	vst v2;
	v2 =	vor.u32 v0, v3;
	v3 =	vshll.u32 v29, $0x1  }
0x120: {  	[tilespmem:$0x82A0] =	vst v2;
	v2 =	vor.u32 v0, v3;
	v3 =	vshll.u32 v30, $0x1  }
0x121: {  	[tilespmem:$0x82B0] =	vst v2;
	v2 =	vor.u32 v0, v3;
	v3 =	vshll.u32 v31, $0x1  }
0x122: {  	[tilespmem:$0x82C0] =	vst v2;
	v2 =	vor.u32 v0, v3;
	v3 =	vshll.u32 v32, $0x1  }
0x123: {  	[tilespmem:$0x82D0] =	vst v2;
	v2 =	vor.u32 v0, v3;
	v3 =	vshll.u32 v33, $0x1  }
0x124: {  	[tilespmem:$0x82E0] =	vst v2;
	v2 =	vor.u32 v0, v3  }
0x125: {  	[tilespmem:$0x82F0] =	vst v2  }
0x126: {  	[tilespmem:s22], [sflag:$0x2] =	stream.indirect.gather [hbm4b:s4+s17], $0x80, s21, s17, $0xb8;
	[tilespmem:$0x1CC80] =	vst v63  }
0x127: {  	_ =	swait.ge [sflag:s23], $0x4000  }
0x128: {  	[sflag:s23] =	ssyncset.done $0x0  }
0x129: {  	[sflag:s23] =	ssyncadd.s32 $0xFFFFC000  }
0x12a: {  	[spmem:s2] =	stream.indirect.scatter.add.f32 [tilespmem:s3], [sflag:$0x3], $0x80, s16, s17, $0xb8;
	[tilespmem:$0x1CC80] =	vst v63  }
0x12b: {  	_ =	swait.ge [sflag:s14], $0x4000  }
0x12c: {  	[sflag:s14] =	ssyncset.done $0x0  }
0x12d: {  	s1 =	sadd.s32 $0x80, s25;
	[sflag:s14] =	ssyncadd.s32 $0xFFFFC000  }
0x12e: {  	[tilespmem:s15], [sflag:$0x3] =	stream.linear.gather [hbm4b:s1+s3], $0x80, $0x38;
	[tilespmem:$0x1CC80] =	vst v63  }
0x12f: {  	_ =	swait.ge [sflag:s14], $0x80  }
0x130: {  	[sflag:s14] =	ssyncset.done $0x0  }
0x131: {  	s1 =	sadd.s32 $0x80, s29;
	[sflag:s14] =	ssyncadd.s32 $0xFFFFFF80  }
0x132: {  	[tilespmem:s16], [sflag:$0x3] =	stream.linear.gather [hbm4b:s1+s3], $0x80, $0x38;
	[tilespmem:$0x1CC80] =	vst v63  }
0x133: {  	_ =	swait.ge [sflag:s14], $0x80  }
0x134: {  	[sflag:s14] =	ssyncset.done $0x0  }
0x135: {  	[sflag:s14] =	ssyncadd.s32 $0xFFFFFF80  }
0x136: {  	v2 =	vld [tilespmem:$0x8000]  }
0x137: {  	v3 =	vld [tilespmem:$0x8010]  }
0x138: {  	v34 =	vld [tilespmem:$0x8020]  }
0x139: {  	v35 =	vld [tilespmem:$0x8030]  }
0x13a: {  	v36 =	vld [tilespmem:$0x8040]  }
0x13b: {  	v37 =	vld [tilespmem:$0x8050];
	v2 =	vshll.u32 v2, $0x1  }
0x13c: {  	v38 =	vld [tilespmem:$0x8060];
	v3 =	vshll.u32 v3, $0x1;
	v2 =	vor.u32 v0, v2  }
0x13d: {  	v39 =	vld [tilespmem:$0x8070];
	[tilespmem:$0x8200] =	vst v2;
	v2 =	vor.u32 v0, v3;
	v3 =	vshll.u32 v34, $0x1  }
0x13e: {  	[tilespmem:$0x8210] =	vst v2;
	v2 =	vor.u32 v0, v3;
	v3 =	vshll.u32 v35, $0x1  }
0x13f: {  	[tilespmem:$0x8220] =	vst v2;
	v2 =	vor.u32 v0, v3;
	v3 =	vshll.u32 v36, $0x1  }
0x140: {  	[tilespmem:$0x8230] =	vst v2;
	v2 =	vor.u32 v0, v3;
	v3 =	vshll.u32 v37, $0x1  }
0x141: {  	[tilespmem:$0x8240] =	vst v2;
	v2 =	vor.u32 v0, v3;
	v3 =	vshll.u32 v38, $0x1  }
0x142: {  	[tilespmem:$0x8250] =	vst v2;
	v2 =	vor.u32 v0, v3;
	v3 =	vshll.u32 v39, $0x1  }
0x143: {  	[tilespmem:$0x8260] =	vst v2;
	v2 =	vor.u32 v0, v3  }
0x144: {  	[tilespmem:$0x8270] =	vst v2  }
0x145: {  	[tilespmem:s3], [sflag:$0x1] =	stream.indirect.gather [hbm4b:s4+s17], $0x80, s18, s17, $0xb8;
	[tilespmem:$0x1CC80] =	vst v63  }
0x146: {  	_ =	swait.ge [sflag:s24], $0x4000  }
0x147: {  	[sflag:s24] =	ssyncset.done $0x0  }
0x148: {  	[sflag:s24] =	ssyncadd.s32 $0xFFFFC000  }
0x149: {  	[spmem:s2] =	stream.indirect.scatter.add.f32 [tilespmem:s22], [sflag:$0x3], $0x80, s20, s17, $0xb8;
	[tilespmem:$0x1CC80] =	vst v63  }
0x14a: {  	_ =	swait.ge [sflag:s14], $0x4000  }
0x14b: {  	[sflag:s14] =	ssyncset.done $0x0  }
0x14c: {  	s1 =	sadd.s32 $0x90, s25;
	[sflag:s14] =	ssyncadd.s32 $0xFFFFC000  }
0x14d: {  	[tilespmem:s19], [sflag:$0x3] =	stream.linear.gather [hbm4b:s1+s3], $0x80, $0x38;
	[tilespmem:$0x1CC80] =	vst v63  }
0x14e: {  	_ =	swait.ge [sflag:s14], $0x80  }
0x14f: {  	[sflag:s14] =	ssyncset.done $0x0  }
0x150: {  	s1 =	sadd.s32 $0x90, s29;
	[sflag:s14] =	ssyncadd.s32 $0xFFFFFF80  }
0x151: {  	[tilespmem:s20], [sflag:$0x3] =	stream.linear.gather [hbm4b:s1+s3], $0x80, $0x38;
	[tilespmem:$0x1CC80] =	vst v63  }
0x152: {  	_ =	swait.ge [sflag:s14], $0x80  }
0x153: {  	[sflag:s14] =	ssyncset.done $0x0  }
0x154: {  	[sflag:s14] =	ssyncadd.s32 $0xFFFFFF80  }
0x155: {  	v2 =	vld [tilespmem:$0x8080]  }
0x156: {  	v3 =	vld [tilespmem:$0x8090]  }
0x157: {  	v40 =	vld [tilespmem:$0x80A0]  }
0x158: {  	v41 =	vld [tilespmem:$0x80B0]  }
0x159: {  	v42 =	vld [tilespmem:$0x80C0]  }
0x15a: {  	v43 =	vld [tilespmem:$0x80D0];
	v2 =	vshll.u32 v2, $0x1  }
0x15b: {  	v44 =	vld [tilespmem:$0x80E0];
	v3 =	vshll.u32 v3, $0x1;
	v2 =	vor.u32 v0, v2  }
0x15c: {  	v45 =	vld [tilespmem:$0x80F0];
	[tilespmem:$0x8280] =	vst v2;
	v2 =	vor.u32 v0, v3;
	v3 =	vshll.u32 v40, $0x1  }
0x15d: {  	[tilespmem:$0x8290] =	vst v2;
	v2 =	vor.u32 v0, v3;
	v3 =	vshll.u32 v41, $0x1  }
0x15e: {  	[tilespmem:$0x82A0] =	vst v2;
	v2 =	vor.u32 v0, v3;
	v3 =	vshll.u32 v42, $0x1  }
0x15f: {  	[tilespmem:$0x82B0] =	vst v2;
	v2 =	vor.u32 v0, v3;
	v3 =	vshll.u32 v43, $0x1  }
0x160: {  	[tilespmem:$0x82C0] =	vst v2;
	v2 =	vor.u32 v0, v3;
	v3 =	vshll.u32 v44, $0x1  }
0x161: {  	[tilespmem:$0x82D0] =	vst v2;
	v2 =	vor.u32 v0, v3;
	v3 =	vshll.u32 v45, $0x1  }
0x162: {  	[tilespmem:$0x82E0] =	vst v2;
	v2 =	vor.u32 v0, v3  }
0x163: {  	[tilespmem:$0x82F0] =	vst v2  }
0x164: {  	[tilespmem:s22], [sflag:$0x2] =	stream.indirect.gather [hbm4b:s4+s17], $0x80, s21, s17, $0xb8;
	[tilespmem:$0x1CC80] =	vst v63  }
0x165: {  	_ =	swait.ge [sflag:s23], $0x4000  }
0x166: {  	[sflag:s23] =	ssyncset.done $0x0  }
0x167: {  	[sflag:s23] =	ssyncadd.s32 $0xFFFFC000  }
0x168: {  	[spmem:s2] =	stream.indirect.scatter.add.f32 [tilespmem:s3], [sflag:$0x3], $0x80, s16, s17, $0xb8;
	[tilespmem:$0x1CC80] =	vst v63  }
0x169: {  	_ =	swait.ge [sflag:s14], $0x4000  }
0x16a: {  	[sflag:s14] =	ssyncset.done $0x0  }
0x16b: {  	s1 =	sadd.s32 $0xA0, s25;
	[sflag:s14] =	ssyncadd.s32 $0xFFFFC000  }
0x16c: {  	[tilespmem:s15], [sflag:$0x3] =	stream.linear.gather [hbm4b:s1+s3], $0x80, $0x38;
	[tilespmem:$0x1CC80] =	vst v63  }
0x16d: {  	_ =	swait.ge [sflag:s14], $0x80  }
0x16e: {  	[sflag:s14] =	ssyncset.done $0x0  }
0x16f: {  	s1 =	sadd.s32 $0xA0, s29;
	[sflag:s14] =	ssyncadd.s32 $0xFFFFFF80  }
0x170: {  	[tilespmem:s16], [sflag:$0x3] =	stream.linear.gather [hbm4b:s1+s3], $0x80, $0x38;
	[tilespmem:$0x1CC80] =	vst v63  }
0x171: {  	_ =	swait.ge [sflag:s14], $0x80  }
0x172: {  	[sflag:s14] =	ssyncset.done $0x0  }
0x173: {  	[sflag:s14] =	ssyncadd.s32 $0xFFFFFF80  }
0x174: {  	v2 =	vld [tilespmem:$0x8000]  }
0x175: {  	v3 =	vld [tilespmem:$0x8010]  }
0x176: {  	v46 =	vld [tilespmem:$0x8020]  }
0x177: {  	v47 =	vld [tilespmem:$0x8030]  }
0x178: {  	v48 =	vld [tilespmem:$0x8040]  }
0x179: {  	v49 =	vld [tilespmem:$0x8050];
	v2 =	vshll.u32 v2, $0x1  }
0x17a: {  	v50 =	vld [tilespmem:$0x8060];
	v3 =	vshll.u32 v3, $0x1;
	v2 =	vor.u32 v0, v2  }
0x17b: {  	v51 =	vld [tilespmem:$0x8070];
	[tilespmem:$0x8200] =	vst v2;
	v2 =	vor.u32 v0, v3;
	v3 =	vshll.u32 v46, $0x1  }
0x17c: {  	[tilespmem:$0x8210] =	vst v2;
	v2 =	vor.u32 v0, v3;
	v3 =	vshll.u32 v47, $0x1  }
0x17d: {  	[tilespmem:$0x8220] =	vst v2;
	v2 =	vor.u32 v0, v3;
	v3 =	vshll.u32 v48, $0x1  }
0x17e: {  	[tilespmem:$0x8230] =	vst v2;
	v2 =	vor.u32 v0, v3;
	v3 =	vshll.u32 v49, $0x1  }
0x17f: {  	[tilespmem:$0x8240] =	vst v2;
	v2 =	vor.u32 v0, v3;
	v3 =	vshll.u32 v50, $0x1  }
0x180: {  	[tilespmem:$0x8250] =	vst v2;
	v2 =	vor.u32 v0, v3;
	v3 =	vshll.u32 v51, $0x1  }
0x181: {  	[tilespmem:$0x8260] =	vst v2;
	v2 =	vor.u32 v0, v3  }
0x182: {  	[tilespmem:$0x8270] =	vst v2  }
0x183: {  	[tilespmem:s3], [sflag:$0x1] =	stream.indirect.gather [hbm4b:s4+s17], $0x80, s18, s17, $0xb8;
	[tilespmem:$0x1CC80] =	vst v63  }
0x184: {  	_ =	swait.ge [sflag:s24], $0x4000  }
0x185: {  	[sflag:s24] =	ssyncset.done $0x0  }
0x186: {  	[sflag:s24] =	ssyncadd.s32 $0xFFFFC000  }
0x187: {  	[spmem:s2] =	stream.indirect.scatter.add.f32 [tilespmem:s22], [sflag:$0x3], $0x80, s20, s17, $0xb8;
	[tilespmem:$0x1CC80] =	vst v63  }
0x188: {  	_ =	swait.ge [sflag:s14], $0x4000  }
0x189: {  	[sflag:s14] =	ssyncset.done $0x0  }
0x18a: {  	s1 =	sadd.s32 $0xB0, s25;
	[sflag:s14] =	ssyncadd.s32 $0xFFFFC000  }
0x18b: {  	[tilespmem:s19], [sflag:$0x3] =	stream.linear.gather [hbm4b:s1+s3], $0x80, $0x38;
	[tilespmem:$0x1CC80] =	vst v63  }
0x18c: {  	_ =	swait.ge [sflag:s14], $0x80  }
0x18d: {  	[sflag:s14] =	ssyncset.done $0x0  }
0x18e: {  	s1 =	sadd.s32 $0xB0, s29;
	[sflag:s14] =	ssyncadd.s32 $0xFFFFFF80  }
0x18f: {  	[tilespmem:s20], [sflag:$0x3] =	stream.linear.gather [hbm4b:s1+s3], $0x80, $0x38;
	[tilespmem:$0x1CC80] =	vst v63  }
0x190: {  	_ =	swait.ge [sflag:s14], $0x80  }
0x191: {  	[sflag:s14] =	ssyncset.done $0x0  }
0x192: {  	[sflag:s14] =	ssyncadd.s32 $0xFFFFFF80  }
0x193: {  	v2 =	vld [tilespmem:$0x8080]  }
0x194: {  	v3 =	vld [tilespmem:$0x8090]  }
0x195: {  	v52 =	vld [tilespmem:$0x80A0]  }
0x196: {  	v53 =	vld [tilespmem:$0x80B0]  }
0x197: {  	v54 =	vld [tilespmem:$0x80C0]  }
0x198: {  	v55 =	vld [tilespmem:$0x80D0];
	v2 =	vshll.u32 v2, $0x1  }
0x199: {  	v56 =	vld [tilespmem:$0x80E0];
	v3 =	vshll.u32 v3, $0x1;
	v2 =	vor.u32 v0, v2  }
0x19a: {  	v57 =	vld [tilespmem:$0x80F0];
	[tilespmem:$0x8280] =	vst v2;
	v2 =	vor.u32 v0, v3;
	v3 =	vshll.u32 v52, $0x1  }
0x19b: {  	[tilespmem:$0x8290] =	vst v2;
	v2 =	vor.u32 v0, v3;
	v3 =	vshll.u32 v53, $0x1  }
0x19c: {  	[tilespmem:$0x82A0] =	vst v2;
	v2 =	vor.u32 v0, v3;
	v3 =	vshll.u32 v54, $0x1  }
0x19d: {  	[tilespmem:$0x82B0] =	vst v2;
	v2 =	vor.u32 v0, v3;
	v3 =	vshll.u32 v55, $0x1  }
0x19e: {  	[tilespmem:$0x82C0] =	vst v2;
	v2 =	vor.u32 v0, v3;
	v3 =	vshll.u32 v56, $0x1  }
0x19f: {  	[tilespmem:$0x82D0] =	vst v2;
	v2 =	vor.u32 v0, v3;
	v3 =	vshll.u32 v57, $0x1  }
0x1a0: {  	[tilespmem:$0x82E0] =	vst v2;
	v2 =	vor.u32 v0, v3  }
0x1a1: {  	[tilespmem:$0x82F0] =	vst v2  }
0x1a2: {  	[tilespmem:s22], [sflag:$0x2] =	stream.indirect.gather [hbm4b:s4+s17], $0x80, s21, s17, $0xb8;
	[tilespmem:$0x1CC80] =	vst v63  }
0x1a3: {  	_ =	swait.ge [sflag:s23], $0x4000  }
0x1a4: {  	[sflag:s23] =	ssyncset.done $0x0  }
0x1a5: {  	[sflag:s23] =	ssyncadd.s32 $0xFFFFC000  }
0x1a6: {  	[spmem:s2] =	stream.indirect.scatter.add.f32 [tilespmem:s3], [sflag:$0x3], $0x80, s16, s17, $0xb8;
	[tilespmem:$0x1CC80] =	vst v63  }
0x1a7: {  	_ =	swait.ge [sflag:s14], $0x4000  }
0x1a8: {  	[sflag:s14] =	ssyncset.done $0x0  }
0x1a9: {  	s25 =	sadd.s32 $0xC0, s25;
	[sflag:s14] =	ssyncadd.s32 $0xFFFFC000  }
0x1aa: {  	[tilespmem:s15], [sflag:$0x3] =	stream.linear.gather [hbm4b:s25+s3], $0x80, $0x38;
	[tilespmem:$0x1CC80] =	vst v63  }
0x1ab: {  	_ =	swait.ge [sflag:s14], $0x80  }
0x1ac: {  	[sflag:s14] =	ssyncset.done $0x0  }
0x1ad: {  	s29 =	sadd.s32 $0xC0, s29;
	[sflag:s14] =	ssyncadd.s32 $0xFFFFFF80  }
0x1ae: {  	[tilespmem:s16], [sflag:$0x3] =	stream.linear.gather [hbm4b:s29+s3], $0x80, $0x38;
	[tilespmem:$0x1CC80] =	vst v63  }
0x1af: {  	_ =	swait.ge [sflag:s14], $0x80  }
0x1b0: {  	[sflag:s14] =	ssyncset.done $0x0  }
0x1b1: {  	[sflag:s14] =	ssyncadd.s32 $0xFFFFFF80  }
0x1b2: {  	v2 =	vld [tilespmem:$0x8000]  }
0x1b3: {  	v3 =	vld [tilespmem:$0x8010]  }
0x1b4: {  	v58 =	vld [tilespmem:$0x8020]  }
0x1b5: {  	v59 =	vld [tilespmem:$0x8030]  }
0x1b6: {  	v60 =	vld [tilespmem:$0x8040]  }
0x1b7: {  	v61 =	vld [tilespmem:$0x8050];
	v2 =	vshll.u32 v2, $0x1  }
0x1b8: {  	v62 =	vld [tilespmem:$0x8060];
	v3 =	vshll.u32 v3, $0x1;
	v2 =	vor.u32 v0, v2  }
0x1b9: {  	v63 =	vld [tilespmem:$0x8070];
	[tilespmem:$0x8200] =	vst v2;
	v2 =	vor.u32 v0, v3;
	v3 =	vshll.u32 v58, $0x1  }
0x1ba: {  	[tilespmem:$0x8210] =	vst v2;
	v2 =	vor.u32 v0, v3;
	v3 =	vshll.u32 v59, $0x1  }
0x1bb: {  	[tilespmem:$0x8220] =	vst v2;
	v2 =	vor.u32 v0, v3;
	v3 =	vshll.u32 v60, $0x1  }
0x1bc: {  	[tilespmem:$0x8230] =	vst v2;
	v2 =	vor.u32 v0, v3;
	v3 =	vshll.u32 v61, $0x1  }
0x1bd: {  	[tilespmem:$0x8240] =	vst v2;
	v2 =	vor.u32 v0, v3;
	v3 =	vshll.u32 v62, $0x1  }
0x1be: {  	[tilespmem:$0x8250] =	vst v2;
	v2 =	vor.u32 v0, v3;
	v3 =	vshll.u32 v63, $0x1  }
0x1bf: {  	[tilespmem:$0x8260] =	vst v2;
	v2 =	vor.u32 v0, v3  }
0x1c0: {  	[tilespmem:$0x8270] =	vst v2  }
0x1c1: {  	[tilespmem:s3], [sflag:$0x1] =	stream.indirect.gather [hbm4b:s4+s17], $0x80, s18, s17, $0xb8;
	[tilespmem:$0x1CC80] =	vst v63  }
0x1c2: {  	_ =	swait.ge [sflag:s24], $0x4000  }
0x1c3: {  	[sflag:s24] =	ssyncset.done $0x0  }
0x1c4: {  	[sflag:s24] =	ssyncadd.s32 $0xFFFFC000  }
0x1c5: {  	[spmem:s2] =	stream.indirect.scatter.add.f32 [tilespmem:s22], [sflag:$0x3], $0x80, s20, s17, $0xb8;
	[tilespmem:$0x1CC80] =	vst v63  }
0x1c6: {  	_ =	swait.ge [sflag:s14], $0x4000  }
0x1c7: {  	[sflag:s14] =	ssyncset.done $0x0  }
0x1c8: {  	[sflag:s14] =	ssyncadd.s32 $0xFFFFC000  }
0x1c9: {  	_ =	swait.ge [sflag:s23], $0x4000  }
0x1ca: {  	p0 =	sne.s32 s0, $0x410;
	[sflag:s23] =	ssyncset.done $0x0  }
.Ltmp1:
0x1cb: {  	[sflag:s23] =	ssyncadd.s32 $0xFFFFC000;
	(pc) =	sbr.rel @p0 .LBB2_4-.Ltmp1, $4  }
0x1cc: {  	[spmem:s2] =	stream.indirect.scatter.add.f32 [tilespmem:s3], [sflag:$0x3], $0x80, s16, s17, $0xb8;
	[tilespmem:$0x1CC80] =	vst v63  }
0x1cd: {  	_ =	swait.ge [sflag:s14], $0x4000  }
0x1ce: {  	[sflag:s14] =	ssyncset.done $0x0  }
0x1cf: {  	s0 =	sadd.s32 $0xD0, s0;
	[sflag:s14] =	ssyncadd.s32 $0xFFFFC000  }
0x1d0: {  	s0 =	simm.s32 $0x8B00  }
0x1d1: {  	[tilespmem:s0], [sflag:$0x3] =	stream.linear.gather [hbm4b:s10+s3], $0x10, $0x38;
	[tilespmem:$0x1CC80] =	vst v63  }
0x1d2: {  	_ =	swait.ge [sflag:s14], $0x10  }
0x1d3: {  	[sflag:s14] =	ssyncset.done $0x0  }
0x1d4: {  	[sflag:s14] =	ssyncadd.s32 $0xFFFFFFF0  }
0x1d5: {  	[tilespmem:s26], [sflag:$0x3] =	stream.linear.gather [hbm4b:s11+s3], $0x10, $0x38;
	[tilespmem:$0x1CC80] =	vst v63  }
0x1d6: {  	_ =	swait.ge [sflag:s14], $0x10  }
0x1d7: {  	[sflag:s14] =	ssyncset.done $0x0  }
0x1d8: {  	[sflag:s14] =	ssyncadd.s32 $0xFFFFFFF0  }
0x1d9: {  	v2 =	vld [tilespmem:$0x8B00];
	_ =	sdelay $0x4  }
0x1da: {  	v2 =	vshll.u32 v2, $0x1  }
0x1db: {  	v2 =	vor.u32 v0, v2  }
0x1dc: {  	s25 =	simm.s32 $0x8C00;
	[tilespmem:$0x8C00] =	vst v2  }
0x1dd: {  	[tilespmem:s30], [sflag:$0x1] =	stream.indirect.gather [hbm4b:s4+s28], $0x80, s25, s28, $0xb8;
	[tilespmem:$0x1CC80] =	vst v63  }
0x1de: {  	_ =	swait.ge [sflag:s23], $0x800  }
0x1df: {  	[sflag:s23] =	ssyncset.done $0x0  }
0x1e0: {  	[sflag:s23] =	ssyncadd.s32 $0xFFFFF800  }
0x1e1: {  	[spmem:s2] =	stream.indirect.scatter.add.f32 [tilespmem:s30], [sflag:$0x3], $0x80, s26, s28, $0xb8;
	[tilespmem:$0x1CC80] =	vst v63  }
0x1e2: {  	s29 =	stileid.u32;
	_ =	swait.ge [sflag:s14], $0x800  }
0x1e3: {  	s1 =	sshrl.u32 s5, $0x3;
	s31 =	sadd.s32 $0x1, s31;
	[sflag:s14] =	ssyncset.done $0x0  }
0x1e4: {  	s0 =	sshll.u32 s29, $0x6;
	p0 =	sne.s32 s31, s13;
	[sflag:s14] =	ssyncadd.s32 $0xFFFFF800  }
.Ltmp2:
0x1e5: {  	s0 =	sor.u32 $0x1C03, s0;
	[bflag:$0x0] =	sbarrier.arrive $0xFFFF;
	(pc) =	sbr.rel @p0 .LBB2_1-.Ltmp2, $4  }
0x1e6: {  	[hbm:s12], [sflag:s0] =	dma.local [spmem:s1], $0x2800  }
0x1e7: {  	_ =	swait.ge [sflag:s14], $0x2800  }
0x1e8: {  	[sflag:s14] =	ssyncset.done $0x0  }
0x1e9: {  	[sflag:s14] =	ssyncadd.s32 $0xFFFFD800  }
0x1ea: {  	_ =	sfence.sel $0x180000  }
0x1eb: {  	[bflag:$0x0] =	sbarrier.arrive $0xFFFF  }
0x1ec: {  	_ =	strace $0x9000004A  }
0x1ed: {  	s0 =	stileid.u32;
	[bflag:$0x2] =	sbarrier.arrive $0xFFFF  }
0x1ee: {  	p0 =	sne.s32 s0, $0x0;
	s0 =	rddreg [dreg:$0x3]  }
0x1ef: {  	s0 =	sadd.s32 @!p0 $0x100000, s0  }
0x1f0: {  	[sflag:s0] =	ssyncadd.tile.s32 @!p0 $0x1;
	_ =	shalt  }
.Lfunc_end2:
_tile_overlayer_lowered:
.L_overlay_start_2:
0x1f1: {  	(tag) =	ssettag $0x2  }
0x1f2: {  	s0 =	rddreg [dreg:$0x0];
	s2 =	stileid.u32  }
0x1f3: {  	s1 =	rddreg [dreg:$0x1];
	p0 =	sne.s32 s2, $0x0  }
0x1f4: {  	s3 =	rddreg [dreg:$0x2];
	[bflag:$0x3] =	sbarrier.arrive $0xFFFF;
	s2 =	simm.s32 @!p0 $0x1C03  }
0x1f5: {  	[timem:s3], [sflag:s2] =	dma.local @!p0 [hbm:s0], s1  }
0x1f6: {  	s0 =	simm.s32 @!p0 $0x3  }
0x1f7: {  	_ =	swait.ge @!p0 [sflag:s0], s1  }
0x1f8: {  	s1 =	ssub.s32 @!p0 $0x0, s1;
	[sflag:s0] =	ssyncset.done @!p0 $0x0  }
0x1f9: {  	[sflag:s0] =	ssyncadd.s32 @!p0 s1  }
0x1fa: {  	[bflag:$0x3] =	sbarrier.arrive $0xFFFF  }
0x1fb: {  	_ =	shalt  }

// kernel: kernel.16.cloned.1.call-start
scs
__scs_entry_jumppad:
0x0: {  	(pc) =	sbr.rel $0x88, $3  }
0x1: {  	(tag) =	ssettag $0x0;
	lr =	simm.s32 $0x1  }
0x2: {  	[smem:$0x3F91] =	sst lr;
	_ =	strace $0xD0000000  }
0x3: {  	_ = 	snop  }
0x4: {  	_ = 	snop  }
0x5: {  	_ = 	snop  }
0x6: {  	_ = 	snop  }
0x7: {  	_ = 	snop  }
__scs_overlays_trampoline_lowered:
0x8: {  	[smem:$0x3FA0] =	sst s0  }
0x9: {  	[smem:$0x3FA1] =	sst s1  }
0xa: {  	[smem:$0x3FA2] =	sst s2  }
0xb: {  	[smem:$0x3FA3] =	sst s3  }
0xc: {  	[smem:$0x3FA4] =	sst s4  }
0xd: {  	[smem:$0x3FA5] =	sst s5  }
0xe: {  	[smem:$0x3FA6] =	sst s6  }
0xf: {  	[smem:$0x3FA7] =	sst s7  }
0x10: {  	[smem:$0x3FA8] =	sst s8  }
0x11: {  	[smem:$0x3FA9] =	sst s9;
	s0 =	simm.s32 @!p0 $0x0  }
0x12: {  	s1 =	sld [smem:$0x3F8F];
	s0 =	simm.s32 @p0 $0x1  }
0x13: {  	[smem:$0x3FAA] =	sst s0;
	s0 =	simm.s32 @!p1 $0x0  }
0x14: {  	s2 =	sld [smem:$0x3F8E];
	s0 =	simm.s32 @p1 $0x1  }
0x15: {  	[smem:$0x3FAB] =	sst s0;
	s0 =	simm.s32 @!p2 $0x0  }
0x16: {  	s3 =	sld [smem:$0x3FDB];
	s0 =	simm.s32 @p2 $0x1  }
0x17: {  	s4 =	simm.s32 $0x1BF5;
	[smem:$0x3FAD] =	sst s0  }
0x18: {  	s0 =	sld [smem:$0x3F90];
	_ =	swait.ge [sflag:s4], $0x0  }
0x19: {  	s7 =	sld [smem:$0x3F91]  }
0x1a: {  	s8 =	sadd.s32 $0xFFFFE003, lr  }
0x1b: {  	s9 =	sadd.s32 $0xFFFFFEF7, lr;
	s5 =	simm.s32 $0xFFFFFFFF;
	p2 =	slt.u32 s8, $0xFFFFF086  }
0x1c: {  	p1 =	slt.u32 s9, $0xF7A;
	s5 =	simm.s32 @!p2 $0x0  }
0x1d: {  	s5 =	simm.s32 @p1 $0x1;
	p0 =	seq.s32 s7, s2  }
0x1e: {  	s7 =	smul.u32 @!p0 $0xF7A, s2;
	p2 =	seq.s32 @!p0 s5, $0x0  }
0x1f: {  	s9 =	smul.u32 $0xF7A, s1;
	s8 =	simm.s32 @!p0 $0x1BF5;
	p2 =	por !p2, p0  }
0x20: {  	[sflag:s8] =	ssyncset.s32 @!p0 $0xFFFFF086;
	s6 =	sadd.s32 @!p0 s3, s7;
	s7 =	simm.s32 @!p0 $0x108  }
0x21: {  	s3 =	sadd.s32 s3, s9;
	s6 =	sadd.s32 @!p0 $0x88, s6;
	s7 =	simm.s32 @p2 $0x1082  }
0x22: {  	[simem:s7], [sflag:s8] =	dma.local @!p0 [hbm:s6], $0xF7A  }
0x23: {  	s9 =	sor.u32 $0xD0000000, s2;
	s6 =	simm.s32 $0x108;
	_ =	swait.ge @!p0 [sflag:s8], $0x0  }
0x24: {  	s3 =	sadd.s32 $0x88, s3;
	s6 =	simm.s32 @!p1 $0x1082;
	[sflag:s4] =	ssyncset.s32 $0xFFFFF086  }
0x25: {  	[simem:s6], [sflag:s4] =	dma.local [hbm:s3], $0xF7A  }
0x26: {  	[smem:$0x3F91] =	sst s1;
	(tag) =	ssettag s2;
	_ =	strace s9  }
0x27: {  	s1 =	sld [smem:$0x3FA1]  }
0x28: {  	s2 =	sld [smem:$0x3FA2]  }
0x29: {  	s4 =	sld [smem:$0x3FA4]  }
0x2a: {  	p0 =	seq.s32 s5, $0x0;
	s5 =	sld [smem:$0x3FA5]  }
0x2b: {  	s6 =	sld [smem:$0x3FA6]  }
0x2c: {  	s7 =	sld [smem:$0x3FA7]  }
0x2d: {  	s3 =	simm.s32 $0x108;
	s8 =	sld [smem:$0x3FA8]  }
0x2e: {  	s3 =	simm.s32 @!p0 $0x1082;
	s9 =	sld [smem:$0x3FA9]  }
0x2f: {  	lr =	sadd.s32 s0, s3;
	s0 =	sld [smem:$0x3FA0]  }
0x30: {  	s3 =	sld [smem:$0x3FA3]  }
0x31: {  	[smem:$0x3FAC] =	sst s10  }
0x32: {  	s10 =	sld [smem:$0x3FAA];
	_ =	sdelay $0x3  }
0x33: {  	p0 =	seq.s32 s10, $0x1;
	s10 =	sld [smem:$0x3FAC];
	_ =	sdelay $0x3  }
0x34: {  	[smem:$0x3FAC] =	sst s10  }
0x35: {  	s10 =	sld [smem:$0x3FAB];
	_ =	sdelay $0x3  }
0x36: {  	p1 =	seq.s32 s10, $0x1;
	s10 =	sld [smem:$0x3FAC];
	_ =	sdelay $0x3  }
0x37: {  	[smem:$0x3FAC] =	sst s10  }
0x38: {  	s10 =	sld [smem:$0x3FAD]  }
0x39: {  	_ = 	snop;
	(pc) =	sbr.ind lr, $3  }
0x3a: {  	_ = 	snop  }
0x3b: {  	_ = 	snop  }
0x3c: {  	p2 =	seq.s32 s10, $0x1;
	s10 =	sld [smem:$0x3FAC]  }
0x3d: {  	_ =	shalt  }
0x3e: {  	_ =	shalt  }
0x3f: {  	_ =	shalt  }
0x40: {  	_ =	shalt  }
0x41: {  	_ =	shalt  }
0x42: {  	_ =	shalt  }
0x43: {  	_ =	shalt  }
0x44: {  	_ =	shalt  }
0x45: {  	_ =	shalt  }
0x46: {  	_ =	shalt  }
0x47: {  	_ =	shalt  }
0x48: {  	_ =	shalt  }
0x49: {  	_ =	shalt  }
0x4a: {  	_ =	shalt  }
0x4b: {  	_ =	shalt  }
0x4c: {  	_ =	shalt  }
0x4d: {  	_ =	shalt  }
0x4e: {  	_ =	shalt  }
0x4f: {  	_ =	shalt  }
0x50: {  	_ =	shalt  }
0x51: {  	_ =	shalt  }
0x52: {  	_ =	shalt  }
0x53: {  	_ =	shalt  }
0x54: {  	_ =	shalt  }
0x55: {  	_ =	shalt  }
0x56: {  	_ =	shalt  }
0x57: {  	_ =	shalt  }
0x58: {  	_ =	shalt  }
0x59: {  	_ =	shalt  }
0x5a: {  	_ =	shalt  }
0x5b: {  	_ =	shalt  }
0x5c: {  	_ =	shalt  }
0x5d: {  	_ =	shalt  }
0x5e: {  	_ =	shalt  }
0x5f: {  	_ =	shalt  }
0x60: {  	_ =	shalt  }
0x61: {  	_ =	shalt  }
0x62: {  	_ =	shalt  }
0x63: {  	_ =	shalt  }
0x64: {  	_ =	shalt  }
0x65: {  	_ =	shalt  }
0x66: {  	_ =	shalt  }
0x67: {  	_ =	shalt  }
0x68: {  	_ =	shalt  }
0x69: {  	_ =	shalt  }
0x6a: {  	_ =	shalt  }
0x6b: {  	_ =	shalt  }
0x6c: {  	_ =	shalt  }
0x6d: {  	_ =	shalt  }
0x6e: {  	_ =	shalt  }
0x6f: {  	_ =	shalt  }
0x70: {  	_ =	shalt  }
0x71: {  	_ =	shalt  }
0x72: {  	_ =	shalt  }
0x73: {  	_ =	shalt  }
0x74: {  	_ =	shalt  }
0x75: {  	_ =	shalt  }
0x76: {  	_ =	shalt  }
0x77: {  	_ =	shalt  }
0x78: {  	_ =	shalt  }
0x79: {  	_ =	shalt  }
0x7a: {  	_ =	shalt  }
0x7b: {  	_ =	shalt  }
0x7c: {  	_ =	shalt  }
0x7d: {  	_ =	shalt  }
0x7e: {  	_ =	shalt  }
0x7f: {  	_ =	shalt  }
0x80: {  	_ =	shalt  }
0x81: {  	_ =	shalt  }
0x82: {  	_ =	shalt  }
0x83: {  	_ =	shalt  }
0x84: {  	_ =	shalt  }
0x85: {  	_ =	shalt  }
0x86: {  	_ =	shalt  }
0x87: {  	_ =	shalt  }
.Lfunc_end0:
.L_simem_size_0:
called_computation.2_lowered:
.L_overlay_start_0:
0x88: {  	s2 =	sld [smem:$0x3FD9]  }
0x89: {  	s3 =	sld [smem:$0x3FFE];
	_ =	sdelay $0x1  }
0x8a: {  	s1 =	srdreg.scid  }
0x8b: {  	s0 =	sand.u32 $0x1, s1  }
0x8c: {  	s17 =	sshll.u32 s0, $0xA;
	s2 =	sadd.s32 s3, s2  }
0x8d: {  	s2 =	sadd.s32 s2, s17  }
0x8e: {  	[smem:$0x3FB8] =	sst s2  }
0x8f: {  	_ = 	snop  }
0x90: {  	s2 =	sld [smem:$0x3FD0];
	(tm) =	ssettm $0x1  }
0x91: {  	s18 =	sld [smem:$0x3FFB];
	_ =	sdelay $0x3  }
0x92: {  	_ =	strace s18  }
0x93: {  	s3 =	sld [smem:$0x3FFC];
	_ =	sdelay $0x3  }
0x94: {  	_ =	strace s3  }
0x95: {  	s3 =	sld [smem:$0x3FFD];
	_ =	sdelay $0x3  }
0x96: {  	_ =	strace s3  }
0x97: {  	_ =	strace $0x8FFFFFFF  }
0x98: {  	s19 =	sld [smem:$0x3FDB];
	_ =	sdelay $0x1  }
0x99: {  	s4 =	simm.s32 $_scs_section_size  }
0x9a: {  	s5 =	simm.s32 $_size__tile_overlayer_lowered;
	s6 =	simm.s32 $_tile_overlayer_lowered  }
0x9b: {  	s22 =	simm.s32 $0x1BFF;
	s21 =	sshll.u32 s6, $0x1;
	s3 =	sadd.s32 s4, s19  }
0x9c: {  	s7 =	simm.s32 $0x0;
	s20 =	sshll.u32 s5, $0x1;
	s5 =	sadd.s32 s21, s3  }
0x9d: {  	[timem:s7], [sflag:s22] =	dma.local [hbm:s5], s20  }
0x9e: {  	_ =	swait.ge [sflag:s22], s20  }
0x9f: {  	s4 =	ssub.s32 $0x0, s20;
	[sflag:s22] =	ssyncset.done $0x0  }
0xa0: {  	[sflag:s22] =	ssyncadd.s32 s4;
	_ =	sdelay $0x1  }
0xa1: {  	s23 =	simm.s32 $0x1B8B  }
0xa2: {  	_ =	swait.ge [sflag:s23], $0x1  }
0xa3: {  	[sflag:s23] =	ssyncset.done $0x0  }
0xa4: {  	s25 =	simm.s32 $0x1B8E;
	s24 =	sld [smem:$0x3FFE];
	[sflag:s23] =	ssyncadd.s32 $0xFFFFFFFF  }
0xa5: {  	s26 =	simm.s32 $execute0_lowered;
	[smem:$0x3FD2] =	sst s25  }
0xa6: {  	s5 =	sshll.u32 s26, $0x1;
	_ =	strace $0x8000004C;
	[dreg:$0x1] =	wrdreg $0xFFFFFFFF  }
0xa7: {  	s28 =	simm.s32 $_size_execute0_lowered;
	s3 =	sadd.s32 s3, s5;
	[dreg:$0x0] =	wrdreg $0x0  }
0xa8: {  	s5 =	sshll.u32 s28, $0x1;
	[dreg:$0x2] =	wrdreg s3  }
0xa9: {  	[dreg:$0x3] =	wrdreg s5  }
0xaa: {  	[dreg:$0x4] =	wrdreg $0xC0  }
0xab: {  	_ =	task [dreg:s7], $0x5FFFF  }
0xac: {  	[dreg:$0x1] =	wrdreg $0xFFFFFFFF  }
0xad: {  	[dreg:$0x0] =	wrdreg $0x60  }
0xae: {  	[dreg:$0x2] =	wrdreg s24  }
0xaf: {  	[dreg:$0x3] =	wrdreg s2  }
0xb0: {  	[dreg:$0x4] =	wrdreg $0x8C800  }
0xb1: {  	[dreg:$0x5] =	wrdreg $0x9  }
0xb2: {  	_ =	task.clear_ibuf [dreg:s7], $0x6FFFF;
	_ =	strace $0x9000004C  }
0xb3: {  	s29 =	simm.s32 $0x9;
	_ =	strace $0x8000004E  }
0xb4: {  	_ =	swait.ge [sflag:s29], $0x1  }
0xb5: {  	[sflag:s29] =	ssyncadd.s32 $0xFFFFFFFF  }
0xb6: {  	_ =	strace $0x9000004E  }
0xb7: {  	_ =	sfence  }
0xb8: {  	s30 =	sld [smem:$0x0];
	_ =	sdelay $0x2  }
0xb9: {  	s31 =	sshll.u32 s1, $0xD;
	s1 =	sshrl.u32 s1, $0x2  }
0xba: {  	s3 =	sand.u32 $0x4000, s31;
	s1 =	sadd.s32 s1, s30  }
0xbb: {  	s0 =	sor.u32 s3, s0;
	s1 =	sshll.u32 s1, $0x11  }
0xbc: {  	s0 =	sor.u32 s1, s0  }
0xbd: {  	s0 =	sadd.s32 $0x8F2B, s0  }
0xbe: {  	[sflag:s0] =	ssyncadd.remote.s32 $0x1  }
0xbf: {  	_ =	sfence.sel $0xFFFF  }
0xc0: {  	[dreg:$0x0] =	wrdreg $0xFFFFFFFF;
	(pc) =	sbr.abs _section_cstart, $3  }
0xc1: {  	[dreg:$0x1] =	wrdreg $0xFFFFFFFF  }
0xc2: {  	_ =	task.clear_ibuf [dreg:s7], $0x2FFFF;
	_ =	strace $0x9FFFFFFF  }
0xc3: {  	(tm) =	ssettm $0x7FFFFFFF  }
tec
execute0_lowered:
.L_overlay_start_1:
0x0: {  	(tag) =	ssettag $0x1  }
0x1: {  	s0 =	rddreg [dreg:$0x0]  }
0x2: {  	s14 =	rddreg [dreg:$0x1];
	s1 =	srdreg.scid  }
0x3: {  	s2 =	rddreg [dreg:$0x2];
	s24 =	stileid.u32  }
0x4: {  	s3 =	simm.s32 $0x0;
	s17 =	simm.s32 $0x80;
	s18 =	simm.s32 $0x8200  }
0x5: {  	s19 =	simm.s32 $0x8080;
	s20 =	simm.s32 $0x8180;
	s21 =	simm.s32 $0x8280  }
0x6: {  	s22 =	simm.s32 $0x4000;
	s23 =	simm.s32 $0x1;
	s5 =	smul.u32 $0x14000, s24  }
0x7: {  	s28 =	simm.s32 $0x10;
	s30 =	simm.s32 $0x8300;
	s6 =	smul.u32 $0x50000, s24  }
0x8: {  	s31 =	simm.s32 $0x0;
	s25 =	sand.u32 $0x1, s1;
	s8 =	smul.u32 $0x2710, s24  }
0x9: {  	[smem:$0x7FF] =	sst s3;
	s13 =	sadd.s32 $0x1E00, s0;
	s16 =	smul.u32 $0x4E2, s24  }
0xa: {  	s24 =	simm.s32 $0x2;
	s4 =	smul.u32 $0x140000, s25;
	s7 =	ssub.s32 $0x2, s25  }
0xb: {  	_ =	strace $0x8000004D;
	s6 =	sshrl.u32 s6, $0x2;
	s9 =	sshrl.u32 s7, $0x1  }
0xc: {  	s8 =	sshrl.u32 s8, $0x3;
	s26 =	sadd.s32 s16, s13;
	s29 =	sadd.s32 s16, s14  }
0xd: {  	s16 =	simm.s32 $0x8100;
	s5 =	sadd.s32 s5, s4;
	s4 =	sadd.s32 $0x57800, s0  }
0xe: {  	s15 =	ssub.s32 s7, s9;
	s11 =	sadd.s32 $0x4E0, s8;
	[dreg:$0x5] =	wrdreg s26  }
0xf: {  	[dreg:$0x4] =	wrdreg s29;
	s26 =	simm.s32 $0x8B80;
	s5 =	sshrl.u32 s5, $0x3  }
0x10: {  	s10 =	sadd.s32 s14, s11;
	s11 =	sadd.s32 s13, s11;
	s13 =	smax.u32 s15, $0x1  }
0x11: {  	s14 =	simm.s32 $0x3;
	s0 =	sadd.s32 s5, s0;
	s5 =	sadd.s32 s6, s2  }
0x12: {  	s15 =	simm.s32 $0x8000;
	s6 =	sadd.s32 $0x4000, s5;
	s7 =	sadd.s32 $0x8000, s5  }
0x13: {  	v1 =	vimm.f32 $0.0e+00;
	v0 =	vmov s25;
	s8 =	sadd.s32 $0xC000, s5;
	s9 =	sadd.s32 $0x10000, s5;
	s12 =	sadd.s32 $0xA5A00, s0  }
.LBB2_1:
0x14: {  	s0 =	simm.s32 $0x0;
	s25 =	simm.s32 $0x200  }
.LBB2_2:
0x15: {  	p0 =	sne.s32 s25, $0xFE00;
	[tilespmem:s0+$0x70] =	vst v1  }
0x16: {  	[tilespmem:s0+$0x0] =	vst v1  }
0x17: {  	[tilespmem:s0+$0x10] =	vst v1  }
.Ltmp0:
0x18: {  	[tilespmem:s0+$0x20] =	vst v1;
	(pc) =	sbr.rel @p0 .LBB2_2-.Ltmp0, $4  }
0x19: {  	[tilespmem:s0+$0x30] =	vst v1  }
0x1a: {  	[tilespmem:s0+$0x40] =	vst v1  }
0x1b: {  	[tilespmem:s0+$0x50] =	vst v1  }
0x1c: {  	[tilespmem:s0+$0x60] =	vst v1;
	s0 =	sshra.s32 s25, $0x2;
	s25 =	sadd.s32 $0x200, s25  }
0x1d: {  	[tilespmem:s0+$0x70] =	vst v1  }
0x1e: {  	[tilespmem:s0+$0x0] =	vst v1  }
0x1f: {  	[tilespmem:s0+$0x10] =	vst v1  }
0x20: {  	[tilespmem:s0+$0x20] =	vst v1  }
0x21: {  	[tilespmem:s0+$0x30] =	vst v1  }
0x22: {  	[tilespmem:s0+$0x40] =	vst v1  }
0x23: {  	[tilespmem:s0+$0x50] =	vst v1  }
0x24: {  	[tilespmem:s0+$0x60] =	vst v1;
	s0 =	simm.s32 $0x0  }
0x25: {  	[spmem:s5] =	stream.linear.scatter [tilespmem:s0], [sflag:$0x3], $0x4000, $0x38;
	[tilespmem:$0x1CC80] =	vst v63  }
0x26: {  	_ =	swait.ge [sflag:s14], $0x4000  }
0x27: {  	[sflag:s14] =	ssyncset.done $0x0  }
0x28: {  	[sflag:s14] =	ssyncadd.s32 $0xFFFFC000  }
0x29: {  	[spmem:s6] =	stream.linear.scatter [tilespmem:s0], [sflag:$0x3], $0x4000, $0x38;
	[tilespmem:$0x1CC80] =	vst v63  }
0x2a: {  	_ =	swait.ge [sflag:s14], $0x4000  }
0x2b: {  	[sflag:s14] =	ssyncset.done $0x0  }
0x2c: {  	[sflag:s14] =	ssyncadd.s32 $0xFFFFC000  }
0x2d: {  	[spmem:s7] =	stream.linear.scatter [tilespmem:s0], [sflag:$0x3], $0x4000, $0x38;
	[tilespmem:$0x1CC80] =	vst v63  }
0x2e: {  	_ =	swait.ge [sflag:s14], $0x4000  }
0x2f: {  	[sflag:s14] =	ssyncset.done $0x0  }
0x30: {  	[sflag:s14] =	ssyncadd.s32 $0xFFFFC000  }
0x31: {  	[spmem:s8] =	stream.linear.scatter [tilespmem:s0], [sflag:$0x3], $0x4000, $0x38;
	[tilespmem:$0x1CC80] =	vst v63  }
0x32: {  	_ =	swait.ge [sflag:s14], $0x4000  }
0x33: {  	[sflag:s14] =	ssyncset.done $0x0  }
0x34: {  	[sflag:s14] =	ssyncadd.s32 $0xFFFFC000  }
0x35: {  	[spmem:s9] =	stream.linear.scatter [tilespmem:s0], [sflag:$0x3], $0x4000, $0x38;
	[tilespmem:$0x1CC80] =	vst v63  }
0x36: {  	_ =	swait.ge [sflag:s14], $0x4000  }
0x37: {  	[sflag:s14] =	ssyncset.done $0x0  }
0x38: {  	[sflag:s14] =	ssyncadd.s32 $0xFFFFC000  }
0x39: {  	[bflag:$0x0] =	sbarrier.arrive $0xFFFF  }
.LBB2_4:
0x3a: {  	s25 =	rddreg [dreg:$0x4]  }
0x3b: {  	s25 =	sadd.s32 s0, s25  }
0x3c: {  	[tilespmem:s15], [sflag:$0x3] =	stream.linear.gather [hbm4b:s25+s3], $0x80, $0x38;
	[tilespmem:$0x1CC80] =	vst v63  }
0x3d: {  	_ =	swait.ge [sflag:s14], $0x80  }
0x3e: {  	s29 =	rddreg [dreg:$0x5];
	[sflag:s14] =	ssyncset.done $0x0  }
0x3f: {  	[sflag:s14] =	ssyncadd.s32 $0xFFFFFF80;
	s29 =	sadd.s32 s0, s29  }
0x40: {  	[tilespmem:s16], [sflag:$0x3] =	stream.linear.gather [hbm4b:s29+s3], $0x80, $0x38;
	[tilespmem:$0x1CC80] =	vst v63  }
0x41: {  	_ =	swait.ge [sflag:s14], $0x80  }
0x42: {  	[sflag:s14] =	ssyncset.done $0x0  }
0x43: {  	[sflag:s14] =	ssyncadd.s32 $0xFFFFFF80  }
0x44: {  	v2 =	vld [tilespmem:$0x8000]  }
0x45: {  	v3 =	vld [tilespmem:$0x8010]  }
0x46: {  	v4 =	vld [tilespmem:$0x8020]  }
0x47: {  	v5 =	vld [tilespmem:$0x8030]  }
0x48: {  	v6 =	vld [tilespmem:$0x8040]  }
0x49: {  	v7 =	vld [tilespmem:$0x8050];
	v2 =	vshll.u32 v2, $0x1  }
0x4a: {  	v8 =	vld [tilespmem:$0x8060];
	v3 =	vshll.u32 v3, $0x1;
	v2 =	vor.u32 v0, v2  }
0x4b: {  	v43 =	vld [tilespmem:$0x8070];
	[tilespmem:$0x8200] =	vst v2;
	v2 =	vor.u32 v0, v3;
	v3 =	vshll.u32 v4, $0x1  }
0x4c: {  	[tilespmem:$0x8210] =	vst v2;
	v2 =	vor.u32 v0, v3;
	v3 =	vshll.u32 v5, $0x1  }
0x4d: {  	[tilespmem:$0x8220] =	vst v2;
	v2 =	vor.u32 v0, v3;
	v3 =	vshll.u32 v6, $0x1  }
0x4e: {  	[tilespmem:$0x8230] =	vst v2;
	v2 =	vor.u32 v0, v3;
	v3 =	vshll.u32 v7, $0x1  }
0x4f: {  	[tilespmem:$0x8240] =	vst v2;
	v2 =	vor.u32 v0, v3;
	v3 =	vshll.u32 v8, $0x1  }
0x50: {  	[tilespmem:$0x8250] =	vst v2;
	v2 =	vor.u32 v0, v3;
	v3 =	vshll.u32 v43, $0x1  }
0x51: {  	[tilespmem:$0x8260] =	vst v2;
	v2 =	vor.u32 v0, v3  }
0x52: {  	[tilespmem:$0x8270] =	vst v2  }
0x53: {  	[tilespmem:s3], [sflag:$0x1] =	stream.indirect.gather [hbm4b:s4+s17], $0x80, s18, s17, $0xb8;
	[tilespmem:$0x1CC80] =	vst v63  }
0x54: {  	s1 =	sadd.s32 $0x10, s25  }
0x55: {  	[tilespmem:s19], [sflag:$0x3] =	stream.linear.gather [hbm4b:s1+s3], $0x80, $0x38;
	[tilespmem:$0x1CC80] =	vst v63  }
0x56: {  	_ =	swait.ge [sflag:s14], $0x80  }
0x57: {  	[sflag:s14] =	ssyncset.done $0x0  }
0x58: {  	s1 =	sadd.s32 $0x10, s29;
	[sflag:s14] =	ssyncadd.s32 $0xFFFFFF80  }
0x59: {  	[tilespmem:s20], [sflag:$0x3] =	stream.linear.gather [hbm4b:s1+s3], $0x80, $0x38;
	[tilespmem:$0x1CC80] =	vst v63  }
0x5a: {  	_ =	swait.ge [sflag:s14], $0x80  }
0x5b: {  	[sflag:s14] =	ssyncset.done $0x0  }
0x5c: {  	[sflag:s14] =	ssyncadd.s32 $0xFFFFFF80  }
0x5d: {  	v2 =	vld [tilespmem:$0x8080]  }
0x5e: {  	v3 =	vld [tilespmem:$0x8090]  }
0x5f: {  	v44 =	vld [tilespmem:$0x80A0]  }
0x60: {  	v45 =	vld [tilespmem:$0x80B0]  }
0x61: {  	v46 =	vld [tilespmem:$0x80C0]  }
0x62: {  	v47 =	vld [tilespmem:$0x80D0];
	v2 =	vshll.u32 v2, $0x1  }
0x63: {  	v48 =	vld [tilespmem:$0x80E0];
	v3 =	vshll.u32 v3, $0x1;
	v2 =	vor.u32 v0, v2  }
0x64: {  	v49 =	vld [tilespmem:$0x80F0];
	[tilespmem:$0x8280] =	vst v2;
	v2 =	vor.u32 v0, v3;
	v3 =	vshll.u32 v44, $0x1  }
0x65: {  	[tilespmem:$0x8290] =	vst v2;
	v2 =	vor.u32 v0, v3;
	v3 =	vshll.u32 v45, $0x1  }
0x66: {  	[tilespmem:$0x82A0] =	vst v2;
	v2 =	vor.u32 v0, v3;
	v3 =	vshll.u32 v46, $0x1  }
0x67: {  	[tilespmem:$0x82B0] =	vst v2;
	v2 =	vor.u32 v0, v3;
	v3 =	vshll.u32 v47, $0x1  }
0x68: {  	[tilespmem:$0x82C0] =	vst v2;
	v2 =	vor.u32 v0, v3;
	v3 =	vshll.u32 v48, $0x1  }
0x69: {  	[tilespmem:$0x82D0] =	vst v2;
	v2 =	vor.u32 v0, v3;
	v3 =	vshll.u32 v49, $0x1  }
0x6a: {  	[tilespmem:$0x82E0] =	vst v2;
	v2 =	vor.u32 v0, v3  }
0x6b: {  	[tilespmem:$0x82F0] =	vst v2  }
0x6c: {  	[tilespmem:s22], [sflag:$0x2] =	stream.indirect.gather [hbm4b:s4+s17], $0x80, s21, s17, $0xb8;
	[tilespmem:$0x1CC80] =	vst v63  }
0x6d: {  	_ =	swait.ge [sflag:s23], $0x4000  }
0x6e: {  	[sflag:s23] =	ssyncset.done $0x0  }
0x6f: {  	[sflag:s23] =	ssyncadd.s32 $0xFFFFC000  }
0x70: {  	[spmem:s2] =	stream.indirect.scatter.add.f32 [tilespmem:s3], [sflag:$0x3], $0x80, s16, s17, $0xb8;
	[tilespmem:$0x1CC80] =	vst v63  }
0x71: {  	_ =	swait.ge [sflag:s14], $0x4000  }
0x72: {  	[sflag:s14] =	ssyncset.done $0x0  }
0x73: {  	s1 =	sadd.s32 $0x20, s25;
	[sflag:s14] =	ssyncadd.s32 $0xFFFFC000  }
0x74: {  	[tilespmem:s15], [sflag:$0x3] =	stream.linear.gather [hbm4b:s1+s3], $0x80, $0x38;
	[tilespmem:$0x1CC80] =	vst v63  }
0x75: {  	_ =	swait.ge [sflag:s14], $0x80  }
0x76: {  	[sflag:s14] =	ssyncset.done $0x0  }
0x77: {  	s1 =	sadd.s32 $0x20, s29;
	[sflag:s14] =	ssyncadd.s32 $0xFFFFFF80  }
0x78: {  	[tilespmem:s16], [sflag:$0x3] =	stream.linear.gather [hbm4b:s1+s3], $0x80, $0x38;
	[tilespmem:$0x1CC80] =	vst v63  }
0x79: {  	_ =	swait.ge [sflag:s14], $0x80  }
0x7a: {  	[sflag:s14] =	ssyncset.done $0x0  }
0x7b: {  	[sflag:s14] =	ssyncadd.s32 $0xFFFFFF80  }
0x7c: {  	v2 =	vld [tilespmem:$0x8000]  }
0x7d: {  	v3 =	vld [tilespmem:$0x8010]  }
0x7e: {  	v50 =	vld [tilespmem:$0x8020]  }
0x7f: {  	v51 =	vld [tilespmem:$0x8030]  }
0x80: {  	v52 =	vld [tilespmem:$0x8040]  }
0x81: {  	v53 =	vld [tilespmem:$0x8050];
	v2 =	vshll.u32 v2, $0x1  }
0x82: {  	v54 =	vld [tilespmem:$0x8060];
	v3 =	vshll.u32 v3, $0x1;
	v2 =	vor.u32 v0, v2  }
0x83: {  	v55 =	vld [tilespmem:$0x8070];
	[tilespmem:$0x8200] =	vst v2;
	v2 =	vor.u32 v0, v3;
	v3 =	vshll.u32 v50, $0x1  }
0x84: {  	[tilespmem:$0x8210] =	vst v2;
	v2 =	vor.u32 v0, v3;
	v3 =	vshll.u32 v51, $0x1  }
0x85: {  	[tilespmem:$0x8220] =	vst v2;
	v2 =	vor.u32 v0, v3;
	v3 =	vshll.u32 v52, $0x1  }
0x86: {  	[tilespmem:$0x8230] =	vst v2;
	v2 =	vor.u32 v0, v3;
	v3 =	vshll.u32 v53, $0x1  }
0x87: {  	[tilespmem:$0x8240] =	vst v2;
	v2 =	vor.u32 v0, v3;
	v3 =	vshll.u32 v54, $0x1  }
0x88: {  	[tilespmem:$0x8250] =	vst v2;
	v2 =	vor.u32 v0, v3;
	v3 =	vshll.u32 v55, $0x1  }
0x89: {  	[tilespmem:$0x8260] =	vst v2;
	v2 =	vor.u32 v0, v3  }
0x8a: {  	[tilespmem:$0x8270] =	vst v2  }
0x8b: {  	[tilespmem:s3], [sflag:$0x1] =	stream.indirect.gather [hbm4b:s4+s17], $0x80, s18, s17, $0xb8;
	[tilespmem:$0x1CC80] =	vst v63  }
0x8c: {  	_ =	swait.ge [sflag:s24], $0x4000  }
0x8d: {  	[sflag:s24] =	ssyncset.done $0x0  }
0x8e: {  	[sflag:s24] =	ssyncadd.s32 $0xFFFFC000  }
0x8f: {  	[spmem:s2] =	stream.indirect.scatter.add.f32 [tilespmem:s22], [sflag:$0x3], $0x80, s20, s17, $0xb8;
	[tilespmem:$0x1CC80] =	vst v63  }
0x90: {  	_ =	swait.ge [sflag:s14], $0x4000  }
0x91: {  	[sflag:s14] =	ssyncset.done $0x0  }
0x92: {  	s1 =	sadd.s32 $0x30, s25;
	[sflag:s14] =	ssyncadd.s32 $0xFFFFC000  }
0x93: {  	[tilespmem:s19], [sflag:$0x3] =	stream.linear.gather [hbm4b:s1+s3], $0x80, $0x38;
	[tilespmem:$0x1CC80] =	vst v63  }
0x94: {  	_ =	swait.ge [sflag:s14], $0x80  }
0x95: {  	[sflag:s14] =	ssyncset.done $0x0  }
0x96: {  	s1 =	sadd.s32 $0x30, s29;
	[sflag:s14] =	ssyncadd.s32 $0xFFFFFF80  }
0x97: {  	[tilespmem:s20], [sflag:$0x3] =	stream.linear.gather [hbm4b:s1+s3], $0x80, $0x38;
	[tilespmem:$0x1CC80] =	vst v63  }
0x98: {  	_ =	swait.ge [sflag:s14], $0x80  }
0x99: {  	[sflag:s14] =	ssyncset.done $0x0  }
0x9a: {  	[sflag:s14] =	ssyncadd.s32 $0xFFFFFF80  }
0x9b: {  	v2 =	vld [tilespmem:$0x8080]  }
0x9c: {  	v3 =	vld [tilespmem:$0x8090]  }
0x9d: {  	v56 =	vld [tilespmem:$0x80A0]  }
0x9e: {  	v57 =	vld [tilespmem:$0x80B0]  }
0x9f: {  	v58 =	vld [tilespmem:$0x80C0]  }
0xa0: {  	v59 =	vld [tilespmem:$0x80D0];
	v2 =	vshll.u32 v2, $0x1  }
0xa1: {  	v60 =	vld [tilespmem:$0x80E0];
	v3 =	vshll.u32 v3, $0x1;
	v2 =	vor.u32 v0, v2  }
0xa2: {  	v61 =	vld [tilespmem:$0x80F0];
	[tilespmem:$0x8280] =	vst v2;
	v2 =	vor.u32 v0, v3;
	v3 =	vshll.u32 v56, $0x1  }
0xa3: {  	[tilespmem:$0x8290] =	vst v2;
	v2 =	vor.u32 v0, v3;
	v3 =	vshll.u32 v57, $0x1  }
0xa4: {  	[tilespmem:$0x82A0] =	vst v2;
	v2 =	vor.u32 v0, v3;
	v3 =	vshll.u32 v58, $0x1  }
0xa5: {  	[tilespmem:$0x82B0] =	vst v2;
	v2 =	vor.u32 v0, v3;
	v3 =	vshll.u32 v59, $0x1  }
0xa6: {  	[tilespmem:$0x82C0] =	vst v2;
	v2 =	vor.u32 v0, v3;
	v3 =	vshll.u32 v60, $0x1  }
0xa7: {  	[tilespmem:$0x82D0] =	vst v2;
	v2 =	vor.u32 v0, v3;
	v3 =	vshll.u32 v61, $0x1  }
0xa8: {  	[tilespmem:$0x82E0] =	vst v2;
	v2 =	vor.u32 v0, v3  }
0xa9: {  	[tilespmem:$0x82F0] =	vst v2  }
0xaa: {  	[tilespmem:s22], [sflag:$0x2] =	stream.indirect.gather [hbm4b:s4+s17], $0x80, s21, s17, $0xb8;
	[tilespmem:$0x1CC80] =	vst v63  }
0xab: {  	_ =	swait.ge [sflag:s23], $0x4000  }
0xac: {  	[sflag:s23] =	ssyncset.done $0x0  }
0xad: {  	[sflag:s23] =	ssyncadd.s32 $0xFFFFC000  }
0xae: {  	[spmem:s2] =	stream.indirect.scatter.add.f32 [tilespmem:s3], [sflag:$0x3], $0x80, s16, s17, $0xb8;
	[tilespmem:$0x1CC80] =	vst v63  }
0xaf: {  	_ =	swait.ge [sflag:s14], $0x4000  }
0xb0: {  	[sflag:s14] =	ssyncset.done $0x0  }
0xb1: {  	s1 =	sadd.s32 $0x40, s25;
	[sflag:s14] =	ssyncadd.s32 $0xFFFFC000  }
0xb2: {  	[tilespmem:s15], [sflag:$0x3] =	stream.linear.gather [hbm4b:s1+s3], $0x80, $0x38;
	[tilespmem:$0x1CC80] =	vst v63  }
0xb3: {  	_ =	swait.ge [sflag:s14], $0x80  }
0xb4: {  	[sflag:s14] =	ssyncset.done $0x0  }
0xb5: {  	s1 =	sadd.s32 $0x40, s29;
	[sflag:s14] =	ssyncadd.s32 $0xFFFFFF80  }
0xb6: {  	[tilespmem:s16], [sflag:$0x3] =	stream.linear.gather [hbm4b:s1+s3], $0x80, $0x38;
	[tilespmem:$0x1CC80] =	vst v63  }
0xb7: {  	_ =	swait.ge [sflag:s14], $0x80  }
0xb8: {  	[sflag:s14] =	ssyncset.done $0x0  }
0xb9: {  	[sflag:s14] =	ssyncadd.s32 $0xFFFFFF80  }
0xba: {  	v2 =	vld [tilespmem:$0x8000]  }
0xbb: {  	v3 =	vld [tilespmem:$0x8010]  }
0xbc: {  	v62 =	vld [tilespmem:$0x8020]  }
0xbd: {  	v63 =	vld [tilespmem:$0x8030]  }
0xbe: {  	v12 =	vld [tilespmem:$0x8040]  }
0xbf: {  	v13 =	vld [tilespmem:$0x8050];
	v2 =	vshll.u32 v2, $0x1  }
0xc0: {  	v14 =	vld [tilespmem:$0x8060];
	v3 =	vshll.u32 v3, $0x1;
	v2 =	vor.u32 v0, v2  }
0xc1: {  	v15 =	vld [tilespmem:$0x8070];
	[tilespmem:$0x8200] =	vst v2;
	v2 =	vor.u32 v0, v3;
	v3 =	vshll.u32 v62, $0x1  }
0xc2: {  	[tilespmem:$0x8210] =	vst v2;
	v2 =	vor.u32 v0, v3;
	v3 =	vshll.u32 v63, $0x1  }
0xc3: {  	[tilespmem:$0x8220] =	vst v2;
	v2 =	vor.u32 v0, v3;
	v3 =	vshll.u32 v12, $0x1  }
0xc4: {  	[tilespmem:$0x8230] =	vst v2;
	v2 =	vor.u32 v0, v3;
	v3 =	vshll.u32 v13, $0x1  }
0xc5: {  	[tilespmem:$0x8240] =	vst v2;
	v2 =	vor.u32 v0, v3;
	v3 =	vshll.u32 v14, $0x1  }
0xc6: {  	[tilespmem:$0x8250] =	vst v2;
	v2 =	vor.u32 v0, v3;
	v3 =	vshll.u32 v15, $0x1  }
0xc7: {  	[tilespmem:$0x8260] =	vst v2;
	v2 =	vor.u32 v0, v3  }
0xc8: {  	[tilespmem:$0x8270] =	vst v2  }
0xc9: {  	[tilespmem:s3], [sflag:$0x1] =	stream.indirect.gather [hbm4b:s4+s17], $0x80, s18, s17, $0xb8;
	[tilespmem:$0x1CC80] =	vst v63  }
0xca: {  	_ =	swait.ge [sflag:s24], $0x4000  }
0xcb: {  	[sflag:s24] =	ssyncset.done $0x0  }
0xcc: {  	[sflag:s24] =	ssyncadd.s32 $0xFFFFC000  }
0xcd: {  	[spmem:s2] =	stream.indirect.scatter.add.f32 [tilespmem:s22], [sflag:$0x3], $0x80, s20, s17, $0xb8;
	[tilespmem:$0x1CC80] =	vst v63  }
0xce: {  	_ =	swait.ge [sflag:s14], $0x4000  }
0xcf: {  	[sflag:s14] =	ssyncset.done $0x0  }
0xd0: {  	s1 =	sadd.s32 $0x50, s25;
	[sflag:s14] =	ssyncadd.s32 $0xFFFFC000  }
0xd1: {  	[tilespmem:s19], [sflag:$0x3] =	stream.linear.gather [hbm4b:s1+s3], $0x80, $0x38;
	[tilespmem:$0x1CC80] =	vst v63  }
0xd2: {  	_ =	swait.ge [sflag:s14], $0x80  }
0xd3: {  	[sflag:s14] =	ssyncset.done $0x0  }
0xd4: {  	s1 =	sadd.s32 $0x50, s29;
	[sflag:s14] =	ssyncadd.s32 $0xFFFFFF80  }
0xd5: {  	[tilespmem:s20], [sflag:$0x3] =	stream.linear.gather [hbm4b:s1+s3], $0x80, $0x38;
	[tilespmem:$0x1CC80] =	vst v63  }
0xd6: {  	_ =	swait.ge [sflag:s14], $0x80  }
0xd7: {  	[sflag:s14] =	ssyncset.done $0x0  }
0xd8: {  	[sflag:s14] =	ssyncadd.s32 $0xFFFFFF80  }
0xd9: {  	v2 =	vld [tilespmem:$0x8080]  }
0xda: {  	v3 =	vld [tilespmem:$0x8090]  }
0xdb: {  	v16 =	vld [tilespmem:$0x80A0]  }
0xdc: {  	v17 =	vld [tilespmem:$0x80B0]  }
0xdd: {  	v18 =	vld [tilespmem:$0x80C0]  }
0xde: {  	v19 =	vld [tilespmem:$0x80D0];
	v2 =	vshll.u32 v2, $0x1  }
0xdf: {  	v20 =	vld [tilespmem:$0x80E0];
	v3 =	vshll.u32 v3, $0x1;
	v2 =	vor.u32 v0, v2  }
0xe0: {  	v21 =	vld [tilespmem:$0x80F0];
	[tilespmem:$0x8280] =	vst v2;
	v2 =	vor.u32 v0, v3;
	v3 =	vshll.u32 v16, $0x1  }
0xe1: {  	[tilespmem:$0x8290] =	vst v2;
	v2 =	vor.u32 v0, v3;
	v3 =	vshll.u32 v17, $0x1  }
0xe2: {  	[tilespmem:$0x82A0] =	vst v2;
	v2 =	vor.u32 v0, v3;
	v3 =	vshll.u32 v18, $0x1  }
0xe3: {  	[tilespmem:$0x82B0] =	vst v2;
	v2 =	vor.u32 v0, v3;
	v3 =	vshll.u32 v19, $0x1  }
0xe4: {  	[tilespmem:$0x82C0] =	vst v2;
	v2 =	vor.u32 v0, v3;
	v3 =	vshll.u32 v20, $0x1  }
0xe5: {  	[tilespmem:$0x82D0] =	vst v2;
	v2 =	vor.u32 v0, v3;
	v3 =	vshll.u32 v21, $0x1  }
0xe6: {  	[tilespmem:$0x82E0] =	vst v2;
	v2 =	vor.u32 v0, v3  }
0xe7: {  	[tilespmem:$0x82F0] =	vst v2  }
0xe8: {  	[tilespmem:s22], [sflag:$0x2] =	stream.indirect.gather [hbm4b:s4+s17], $0x80, s21, s17, $0xb8;
	[tilespmem:$0x1CC80] =	vst v63  }
0xe9: {  	_ =	swait.ge [sflag:s23], $0x4000  }
0xea: {  	[sflag:s23] =	ssyncset.done $0x0  }
0xeb: {  	[sflag:s23] =	ssyncadd.s32 $0xFFFFC000  }
0xec: {  	[spmem:s2] =	stream.indirect.scatter.add.f32 [tilespmem:s3], [sflag:$0x3], $0x80, s16, s17, $0xb8;
	[tilespmem:$0x1CC80] =	vst v63  }
0xed: {  	_ =	swait.ge [sflag:s14], $0x4000  }
0xee: {  	[sflag:s14] =	ssyncset.done $0x0  }
0xef: {  	s1 =	sadd.s32 $0x60, s25;
	[sflag:s14] =	ssyncadd.s32 $0xFFFFC000  }
0xf0: {  	[tilespmem:s15], [sflag:$0x3] =	stream.linear.gather [hbm4b:s1+s3], $0x80, $0x38;
	[tilespmem:$0x1CC80] =	vst v63  }
0xf1: {  	_ =	swait.ge [sflag:s14], $0x80  }
0xf2: {  	[sflag:s14] =	ssyncset.done $0x0  }
0xf3: {  	s1 =	sadd.s32 $0x60, s29;
	[sflag:s14] =	ssyncadd.s32 $0xFFFFFF80  }
0xf4: {  	[tilespmem:s16], [sflag:$0x3] =	stream.linear.gather [hbm4b:s1+s3], $0x80, $0x38;
	[tilespmem:$0x1CC80] =	vst v63  }
0xf5: {  	_ =	swait.ge [sflag:s14], $0x80  }
0xf6: {  	[sflag:s14] =	ssyncset.done $0x0  }
0xf7: {  	[sflag:s14] =	ssyncadd.s32 $0xFFFFFF80  }
0xf8: {  	v2 =	vld [tilespmem:$0x8000]  }
0xf9: {  	v3 =	vld [tilespmem:$0x8010]  }
0xfa: {  	v22 =	vld [tilespmem:$0x8020]  }
0xfb: {  	v23 =	vld [tilespmem:$0x8030]  }
0xfc: {  	v24 =	vld [tilespmem:$0x8040]  }
0xfd: {  	v25 =	vld [tilespmem:$0x8050];
	v2 =	vshll.u32 v2, $0x1  }
0xfe: {  	v26 =	vld [tilespmem:$0x8060];
	v3 =	vshll.u32 v3, $0x1;
	v2 =	vor.u32 v0, v2  }
0xff: {  	v27 =	vld [tilespmem:$0x8070];
	[tilespmem:$0x8200] =	vst v2;
	v2 =	vor.u32 v0, v3;
	v3 =	vshll.u32 v22, $0x1  }
0x100: {  	[tilespmem:$0x8210] =	vst v2;
	v2 =	vor.u32 v0, v3;
	v3 =	vshll.u32 v23, $0x1  }
0x101: {  	[tilespmem:$0x8220] =	vst v2;
	v2 =	vor.u32 v0, v3;
	v3 =	vshll.u32 v24, $0x1  }
0x102: {  	[tilespmem:$0x8230] =	vst v2;
	v2 =	vor.u32 v0, v3;
	v3 =	vshll.u32 v25, $0x1  }
0x103: {  	[tilespmem:$0x8240] =	vst v2;
	v2 =	vor.u32 v0, v3;
	v3 =	vshll.u32 v26, $0x1  }
0x104: {  	[tilespmem:$0x8250] =	vst v2;
	v2 =	vor.u32 v0, v3;
	v3 =	vshll.u32 v27, $0x1  }
0x105: {  	[tilespmem:$0x8260] =	vst v2;
	v2 =	vor.u32 v0, v3  }
0x106: {  	[tilespmem:$0x8270] =	vst v2  }
0x107: {  	[tilespmem:s3], [sflag:$0x1] =	stream.indirect.gather [hbm4b:s4+s17], $0x80, s18, s17, $0xb8;
	[tilespmem:$0x1CC80] =	vst v63  }
0x108: {  	_ =	swait.ge [sflag:s24], $0x4000  }
0x109: {  	[sflag:s24] =	ssyncset.done $0x0  }
0x10a: {  	[sflag:s24] =	ssyncadd.s32 $0xFFFFC000  }
0x10b: {  	[spmem:s2] =	stream.indirect.scatter.add.f32 [tilespmem:s22], [sflag:$0x3], $0x80, s20, s17, $0xb8;
	[tilespmem:$0x1CC80] =	vst v63  }
0x10c: {  	_ =	swait.ge [sflag:s14], $0x4000  }
0x10d: {  	[sflag:s14] =	ssyncset.done $0x0  }
0x10e: {  	s1 =	sadd.s32 $0x70, s25;
	[sflag:s14] =	ssyncadd.s32 $0xFFFFC000  }
0x10f: {  	[tilespmem:s19], [sflag:$0x3] =	stream.linear.gather [hbm4b:s1+s3], $0x80, $0x38;
	[tilespmem:$0x1CC80] =	vst v63  }
0x110: {  	_ =	swait.ge [sflag:s14], $0x80  }
0x111: {  	[sflag:s14] =	ssyncset.done $0x0  }
0x112: {  	s1 =	sadd.s32 $0x70, s29;
	[sflag:s14] =	ssyncadd.s32 $0xFFFFFF80  }
0x113: {  	[tilespmem:s20], [sflag:$0x3] =	stream.linear.gather [hbm4b:s1+s3], $0x80, $0x38;
	[tilespmem:$0x1CC80] =	vst v63  }
0x114: {  	_ =	swait.ge [sflag:s14], $0x80  }
0x115: {  	[sflag:s14] =	ssyncset.done $0x0  }
0x116: {  	[sflag:s14] =	ssyncadd.s32 $0xFFFFFF80  }
0x117: {  	v2 =	vld [tilespmem:$0x8080]  }
0x118: {  	v3 =	vld [tilespmem:$0x8090]  }
0x119: {  	v28 =	vld [tilespmem:$0x80A0]  }
0x11a: {  	v29 =	vld [tilespmem:$0x80B0]  }
0x11b: {  	v30 =	vld [tilespmem:$0x80C0]  }
0x11c: {  	v31 =	vld [tilespmem:$0x80D0];
	v2 =	vshll.u32 v2, $0x1  }
0x11d: {  	v32 =	vld [tilespmem:$0x80E0];
	v3 =	vshll.u32 v3, $0x1;
	v2 =	vor.u32 v0, v2  }
0x11e: {  	v33 =	vld [tilespmem:$0x80F0];
	[tilespmem:$0x8280] =	vst v2;
	v2 =	vor.u32 v0, v3;
	v3 =	vshll.u32 v28, $0x1  }
0x11f: {  	[tilespmem:$0x8290] =	vst v2;
	v2 =	vor.u32 v0, v3;
	v3 =	vshll.u32 v29, $0x1  }
0x120: {  	[tilespmem:$0x82A0] =	vst v2;
	v2 =	vor.u32 v0, v3;
	v3 =	vshll.u32 v30, $0x1  }
0x121: {  	[tilespmem:$0x82B0] =	vst v2;
	v2 =	vor.u32 v0, v3;
	v3 =	vshll.u32 v31, $0x1  }
0x122: {  	[tilespmem:$0x82C0] =	vst v2;
	v2 =	vor.u32 v0, v3;
	v3 =	vshll.u32 v32, $0x1  }
0x123: {  	[tilespmem:$0x82D0] =	vst v2;
	v2 =	vor.u32 v0, v3;
	v3 =	vshll.u32 v33, $0x1  }
0x124: {  	[tilespmem:$0x82E0] =	vst v2;
	v2 =	vor.u32 v0, v3  }
0x125: {  	[tilespmem:$0x82F0] =	vst v2  }
0x126: {  	[tilespmem:s22], [sflag:$0x2] =	stream.indirect.gather [hbm4b:s4+s17], $0x80, s21, s17, $0xb8;
	[tilespmem:$0x1CC80] =	vst v63  }
0x127: {  	_ =	swait.ge [sflag:s23], $0x4000  }
0x128: {  	[sflag:s23] =	ssyncset.done $0x0  }
0x129: {  	[sflag:s23] =	ssyncadd.s32 $0xFFFFC000  }
0x12a: {  	[spmem:s2] =	stream.indirect.scatter.add.f32 [tilespmem:s3], [sflag:$0x3], $0x80, s16, s17, $0xb8;
	[tilespmem:$0x1CC80] =	vst v63  }
0x12b: {  	_ =	swait.ge [sflag:s14], $0x4000  }
0x12c: {  	[sflag:s14] =	ssyncset.done $0x0  }
0x12d: {  	s1 =	sadd.s32 $0x80, s25;
	[sflag:s14] =	ssyncadd.s32 $0xFFFFC000  }
0x12e: {  	[tilespmem:s15], [sflag:$0x3] =	stream.linear.gather [hbm4b:s1+s3], $0x80, $0x38;
	[tilespmem:$0x1CC80] =	vst v63  }
0x12f: {  	_ =	swait.ge [sflag:s14], $0x80  }
0x130: {  	[sflag:s14] =	ssyncset.done $0x0  }
0x131: {  	s1 =	sadd.s32 $0x80, s29;
	[sflag:s14] =	ssyncadd.s32 $0xFFFFFF80  }
0x132: {  	[tilespmem:s16], [sflag:$0x3] =	stream.linear.gather [hbm4b:s1+s3], $0x80, $0x38;
	[tilespmem:$0x1CC80] =	vst v63  }
0x133: {  	_ =	swait.ge [sflag:s14], $0x80  }
0x134: {  	[sflag:s14] =	ssyncset.done $0x0  }
0x135: {  	[sflag:s14] =	ssyncadd.s32 $0xFFFFFF80  }
0x136: {  	v2 =	vld [tilespmem:$0x8000]  }
0x137: {  	v3 =	vld [tilespmem:$0x8010]  }
0x138: {  	v34 =	vld [tilespmem:$0x8020]  }
0x139: {  	v35 =	vld [tilespmem:$0x8030]  }
0x13a: {  	v36 =	vld [tilespmem:$0x8040]  }
0x13b: {  	v37 =	vld [tilespmem:$0x8050];
	v2 =	vshll.u32 v2, $0x1  }
0x13c: {  	v38 =	vld [tilespmem:$0x8060];
	v3 =	vshll.u32 v3, $0x1;
	v2 =	vor.u32 v0, v2  }
0x13d: {  	v39 =	vld [tilespmem:$0x8070];
	[tilespmem:$0x8200] =	vst v2;
	v2 =	vor.u32 v0, v3;
	v3 =	vshll.u32 v34, $0x1  }
0x13e: {  	[tilespmem:$0x8210] =	vst v2;
	v2 =	vor.u32 v0, v3;
	v3 =	vshll.u32 v35, $0x1  }
0x13f: {  	[tilespmem:$0x8220] =	vst v2;
	v2 =	vor.u32 v0, v3;
	v3 =	vshll.u32 v36, $0x1  }
0x140: {  	[tilespmem:$0x8230] =	vst v2;
	v2 =	vor.u32 v0, v3;
	v3 =	vshll.u32 v37, $0x1  }
0x141: {  	[tilespmem:$0x8240] =	vst v2;
	v2 =	vor.u32 v0, v3;
	v3 =	vshll.u32 v38, $0x1  }
0x142: {  	[tilespmem:$0x8250] =	vst v2;
	v2 =	vor.u32 v0, v3;
	v3 =	vshll.u32 v39, $0x1  }
0x143: {  	[tilespmem:$0x8260] =	vst v2;
	v2 =	vor.u32 v0, v3  }
0x144: {  	[tilespmem:$0x8270] =	vst v2  }
0x145: {  	[tilespmem:s3], [sflag:$0x1] =	stream.indirect.gather [hbm4b:s4+s17], $0x80, s18, s17, $0xb8;
	[tilespmem:$0x1CC80] =	vst v63  }
0x146: {  	_ =	swait.ge [sflag:s24], $0x4000  }
0x147: {  	[sflag:s24] =	ssyncset.done $0x0  }
0x148: {  	[sflag:s24] =	ssyncadd.s32 $0xFFFFC000  }
0x149: {  	[spmem:s2] =	stream.indirect.scatter.add.f32 [tilespmem:s22], [sflag:$0x3], $0x80, s20, s17, $0xb8;
	[tilespmem:$0x1CC80] =	vst v63  }
0x14a: {  	_ =	swait.ge [sflag:s14], $0x4000  }
0x14b: {  	[sflag:s14] =	ssyncset.done $0x0  }
0x14c: {  	s1 =	sadd.s32 $0x90, s25;
	[sflag:s14] =	ssyncadd.s32 $0xFFFFC000  }
0x14d: {  	[tilespmem:s19], [sflag:$0x3] =	stream.linear.gather [hbm4b:s1+s3], $0x80, $0x38;
	[tilespmem:$0x1CC80] =	vst v63  }
0x14e: {  	_ =	swait.ge [sflag:s14], $0x80  }
0x14f: {  	[sflag:s14] =	ssyncset.done $0x0  }
0x150: {  	s1 =	sadd.s32 $0x90, s29;
	[sflag:s14] =	ssyncadd.s32 $0xFFFFFF80  }
0x151: {  	[tilespmem:s20], [sflag:$0x3] =	stream.linear.gather [hbm4b:s1+s3], $0x80, $0x38;
	[tilespmem:$0x1CC80] =	vst v63  }
0x152: {  	_ =	swait.ge [sflag:s14], $0x80  }
0x153: {  	[sflag:s14] =	ssyncset.done $0x0  }
0x154: {  	[sflag:s14] =	ssyncadd.s32 $0xFFFFFF80  }
0x155: {  	v2 =	vld [tilespmem:$0x8080]  }
0x156: {  	v3 =	vld [tilespmem:$0x8090]  }
0x157: {  	v40 =	vld [tilespmem:$0x80A0]  }
0x158: {  	v41 =	vld [tilespmem:$0x80B0]  }
0x159: {  	v42 =	vld [tilespmem:$0x80C0]  }
0x15a: {  	v43 =	vld [tilespmem:$0x80D0];
	v2 =	vshll.u32 v2, $0x1  }
0x15b: {  	v44 =	vld [tilespmem:$0x80E0];
	v3 =	vshll.u32 v3, $0x1;
	v2 =	vor.u32 v0, v2  }
0x15c: {  	v45 =	vld [tilespmem:$0x80F0];
	[tilespmem:$0x8280] =	vst v2;
	v2 =	vor.u32 v0, v3;
	v3 =	vshll.u32 v40, $0x1  }
0x15d: {  	[tilespmem:$0x8290] =	vst v2;
	v2 =	vor.u32 v0, v3;
	v3 =	vshll.u32 v41, $0x1  }
0x15e: {  	[tilespmem:$0x82A0] =	vst v2;
	v2 =	vor.u32 v0, v3;
	v3 =	vshll.u32 v42, $0x1  }
0x15f: {  	[tilespmem:$0x82B0] =	vst v2;
	v2 =	vor.u32 v0, v3;
	v3 =	vshll.u32 v43, $0x1  }
0x160: {  	[tilespmem:$0x82C0] =	vst v2;
	v2 =	vor.u32 v0, v3;
	v3 =	vshll.u32 v44, $0x1  }
0x161: {  	[tilespmem:$0x82D0] =	vst v2;
	v2 =	vor.u32 v0, v3;
	v3 =	vshll.u32 v45, $0x1  }
0x162: {  	[tilespmem:$0x82E0] =	vst v2;
	v2 =	vor.u32 v0, v3  }
0x163: {  	[tilespmem:$0x82F0] =	vst v2  }
0x164: {  	[tilespmem:s22], [sflag:$0x2] =	stream.indirect.gather [hbm4b:s4+s17], $0x80, s21, s17, $0xb8;
	[tilespmem:$0x1CC80] =	vst v63  }
0x165: {  	_ =	swait.ge [sflag:s23], $0x4000  }
0x166: {  	[sflag:s23] =	ssyncset.done $0x0  }
0x167: {  	[sflag:s23] =	ssyncadd.s32 $0xFFFFC000  }
0x168: {  	[spmem:s2] =	stream.indirect.scatter.add.f32 [tilespmem:s3], [sflag:$0x3], $0x80, s16, s17, $0xb8;
	[tilespmem:$0x1CC80] =	vst v63  }
0x169: {  	_ =	swait.ge [sflag:s14], $0x4000  }
0x16a: {  	[sflag:s14] =	ssyncset.done $0x0  }
0x16b: {  	s1 =	sadd.s32 $0xA0, s25;
	[sflag:s14] =	ssyncadd.s32 $0xFFFFC000  }
0x16c: {  	[tilespmem:s15], [sflag:$0x3] =	stream.linear.gather [hbm4b:s1+s3], $0x80, $0x38;
	[tilespmem:$0x1CC80] =	vst v63  }
0x16d: {  	_ =	swait.ge [sflag:s14], $0x80  }
0x16e: {  	[sflag:s14] =	ssyncset.done $0x0  }
0x16f: {  	s1 =	sadd.s32 $0xA0, s29;
	[sflag:s14] =	ssyncadd.s32 $0xFFFFFF80  }
0x170: {  	[tilespmem:s16], [sflag:$0x3] =	stream.linear.gather [hbm4b:s1+s3], $0x80, $0x38;
	[tilespmem:$0x1CC80] =	vst v63  }
0x171: {  	_ =	swait.ge [sflag:s14], $0x80  }
0x172: {  	[sflag:s14] =	ssyncset.done $0x0  }
0x173: {  	[sflag:s14] =	ssyncadd.s32 $0xFFFFFF80  }
0x174: {  	v2 =	vld [tilespmem:$0x8000]  }
0x175: {  	v3 =	vld [tilespmem:$0x8010]  }
0x176: {  	v46 =	vld [tilespmem:$0x8020]  }
0x177: {  	v47 =	vld [tilespmem:$0x8030]  }
0x178: {  	v48 =	vld [tilespmem:$0x8040]  }
0x179: {  	v49 =	vld [tilespmem:$0x8050];
	v2 =	vshll.u32 v2, $0x1  }
0x17a: {  	v50 =	vld [tilespmem:$0x8060];
	v3 =	vshll.u32 v3, $0x1;
	v2 =	vor.u32 v0, v2  }
0x17b: {  	v51 =	vld [tilespmem:$0x8070];
	[tilespmem:$0x8200] =	vst v2;
	v2 =	vor.u32 v0, v3;
	v3 =	vshll.u32 v46, $0x1  }
0x17c: {  	[tilespmem:$0x8210] =	vst v2;
	v2 =	vor.u32 v0, v3;
	v3 =	vshll.u32 v47, $0x1  }
0x17d: {  	[tilespmem:$0x8220] =	vst v2;
	v2 =	vor.u32 v0, v3;
	v3 =	vshll.u32 v48, $0x1  }
0x17e: {  	[tilespmem:$0x8230] =	vst v2;
	v2 =	vor.u32 v0, v3;
	v3 =	vshll.u32 v49, $0x1  }
0x17f: {  	[tilespmem:$0x8240] =	vst v2;
	v2 =	vor.u32 v0, v3;
	v3 =	vshll.u32 v50, $0x1  }
0x180: {  	[tilespmem:$0x8250] =	vst v2;
	v2 =	vor.u32 v0, v3;
	v3 =	vshll.u32 v51, $0x1  }
0x181: {  	[tilespmem:$0x8260] =	vst v2;
	v2 =	vor.u32 v0, v3  }
0x182: {  	[tilespmem:$0x8270] =	vst v2  }
0x183: {  	[tilespmem:s3], [sflag:$0x1] =	stream.indirect.gather [hbm4b:s4+s17], $0x80, s18, s17, $0xb8;
	[tilespmem:$0x1CC80] =	vst v63  }
0x184: {  	_ =	swait.ge [sflag:s24], $0x4000  }
0x185: {  	[sflag:s24] =	ssyncset.done $0x0  }
0x186: {  	[sflag:s24] =	ssyncadd.s32 $0xFFFFC000  }
0x187: {  	[spmem:s2] =	stream.indirect.scatter.add.f32 [tilespmem:s22], [sflag:$0x3], $0x80, s20, s17, $0xb8;
	[tilespmem:$0x1CC80] =	vst v63  }
0x188: {  	_ =	swait.ge [sflag:s14], $0x4000  }
0x189: {  	[sflag:s14] =	ssyncset.done $0x0  }
0x18a: {  	s1 =	sadd.s32 $0xB0, s25;
	[sflag:s14] =	ssyncadd.s32 $0xFFFFC000  }
0x18b: {  	[tilespmem:s19], [sflag:$0x3] =	stream.linear.gather [hbm4b:s1+s3], $0x80, $0x38;
	[tilespmem:$0x1CC80] =	vst v63  }
0x18c: {  	_ =	swait.ge [sflag:s14], $0x80  }
0x18d: {  	[sflag:s14] =	ssyncset.done $0x0  }
0x18e: {  	s1 =	sadd.s32 $0xB0, s29;
	[sflag:s14] =	ssyncadd.s32 $0xFFFFFF80  }
0x18f: {  	[tilespmem:s20], [sflag:$0x3] =	stream.linear.gather [hbm4b:s1+s3], $0x80, $0x38;
	[tilespmem:$0x1CC80] =	vst v63  }
0x190: {  	_ =	swait.ge [sflag:s14], $0x80  }
0x191: {  	[sflag:s14] =	ssyncset.done $0x0  }
0x192: {  	[sflag:s14] =	ssyncadd.s32 $0xFFFFFF80  }
0x193: {  	v2 =	vld [tilespmem:$0x8080]  }
0x194: {  	v3 =	vld [tilespmem:$0x8090]  }
0x195: {  	v52 =	vld [tilespmem:$0x80A0]  }
0x196: {  	v53 =	vld [tilespmem:$0x80B0]  }
0x197: {  	v54 =	vld [tilespmem:$0x80C0]  }
0x198: {  	v55 =	vld [tilespmem:$0x80D0];
	v2 =	vshll.u32 v2, $0x1  }
0x199: {  	v56 =	vld [tilespmem:$0x80E0];
	v3 =	vshll.u32 v3, $0x1;
	v2 =	vor.u32 v0, v2  }
0x19a: {  	v57 =	vld [tilespmem:$0x80F0];
	[tilespmem:$0x8280] =	vst v2;
	v2 =	vor.u32 v0, v3;
	v3 =	vshll.u32 v52, $0x1  }
0x19b: {  	[tilespmem:$0x8290] =	vst v2;
	v2 =	vor.u32 v0, v3;
	v3 =	vshll.u32 v53, $0x1  }
0x19c: {  	[tilespmem:$0x82A0] =	vst v2;
	v2 =	vor.u32 v0, v3;
	v3 =	vshll.u32 v54, $0x1  }
0x19d: {  	[tilespmem:$0x82B0] =	vst v2;
	v2 =	vor.u32 v0, v3;
	v3 =	vshll.u32 v55, $0x1  }
0x19e: {  	[tilespmem:$0x82C0] =	vst v2;
	v2 =	vor.u32 v0, v3;
	v3 =	vshll.u32 v56, $0x1  }
0x19f: {  	[tilespmem:$0x82D0] =	vst v2;
	v2 =	vor.u32 v0, v3;
	v3 =	vshll.u32 v57, $0x1  }
0x1a0: {  	[tilespmem:$0x82E0] =	vst v2;
	v2 =	vor.u32 v0, v3  }
0x1a1: {  	[tilespmem:$0x82F0] =	vst v2  }
0x1a2: {  	[tilespmem:s22], [sflag:$0x2] =	stream.indirect.gather [hbm4b:s4+s17], $0x80, s21, s17, $0xb8;
	[tilespmem:$0x1CC80] =	vst v63  }
0x1a3: {  	_ =	swait.ge [sflag:s23], $0x4000  }
0x1a4: {  	[sflag:s23] =	ssyncset.done $0x0  }
0x1a5: {  	[sflag:s23] =	ssyncadd.s32 $0xFFFFC000  }
0x1a6: {  	[spmem:s2] =	stream.indirect.scatter.add.f32 [tilespmem:s3], [sflag:$0x3], $0x80, s16, s17, $0xb8;
	[tilespmem:$0x1CC80] =	vst v63  }
0x1a7: {  	_ =	swait.ge [sflag:s14], $0x4000  }
0x1a8: {  	[sflag:s14] =	ssyncset.done $0x0  }
0x1a9: {  	s25 =	sadd.s32 $0xC0, s25;
	[sflag:s14] =	ssyncadd.s32 $0xFFFFC000  }
0x1aa: {  	[tilespmem:s15], [sflag:$0x3] =	stream.linear.gather [hbm4b:s25+s3], $0x80, $0x38;
	[tilespmem:$0x1CC80] =	vst v63  }
0x1ab: {  	_ =	swait.ge [sflag:s14], $0x80  }
0x1ac: {  	[sflag:s14] =	ssyncset.done $0x0  }
0x1ad: {  	s29 =	sadd.s32 $0xC0, s29;
	[sflag:s14] =	ssyncadd.s32 $0xFFFFFF80  }
0x1ae: {  	[tilespmem:s16], [sflag:$0x3] =	stream.linear.gather [hbm4b:s29+s3], $0x80, $0x38;
	[tilespmem:$0x1CC80] =	vst v63  }
0x1af: {  	_ =	swait.ge [sflag:s14], $0x80  }
0x1b0: {  	[sflag:s14] =	ssyncset.done $0x0  }
0x1b1: {  	[sflag:s14] =	ssyncadd.s32 $0xFFFFFF80  }
0x1b2: {  	v2 =	vld [tilespmem:$0x8000]  }
0x1b3: {  	v3 =	vld [tilespmem:$0x8010]  }
0x1b4: {  	v58 =	vld [tilespmem:$0x8020]  }
0x1b5: {  	v59 =	vld [tilespmem:$0x8030]  }
0x1b6: {  	v60 =	vld [tilespmem:$0x8040]  }
0x1b7: {  	v61 =	vld [tilespmem:$0x8050];
	v2 =	vshll.u32 v2, $0x1  }
0x1b8: {  	v62 =	vld [tilespmem:$0x8060];
	v3 =	vshll.u32 v3, $0x1;
	v2 =	vor.u32 v0, v2  }
0x1b9: {  	v63 =	vld [tilespmem:$0x8070];
	[tilespmem:$0x8200] =	vst v2;
	v2 =	vor.u32 v0, v3;
	v3 =	vshll.u32 v58, $0x1  }
0x1ba: {  	[tilespmem:$0x8210] =	vst v2;
	v2 =	vor.u32 v0, v3;
	v3 =	vshll.u32 v59, $0x1  }
0x1bb: {  	[tilespmem:$0x8220] =	vst v2;
	v2 =	vor.u32 v0, v3;
	v3 =	vshll.u32 v60, $0x1  }
0x1bc: {  	[tilespmem:$0x8230] =	vst v2;
	v2 =	vor.u32 v0, v3;
	v3 =	vshll.u32 v61, $0x1  }
0x1bd: {  	[tilespmem:$0x8240] =	vst v2;
	v2 =	vor.u32 v0, v3;
	v3 =	vshll.u32 v62, $0x1  }
0x1be: {  	[tilespmem:$0x8250] =	vst v2;
	v2 =	vor.u32 v0, v3;
	v3 =	vshll.u32 v63, $0x1  }
0x1bf: {  	[tilespmem:$0x8260] =	vst v2;
	v2 =	vor.u32 v0, v3  }
0x1c0: {  	[tilespmem:$0x8270] =	vst v2  }
0x1c1: {  	[tilespmem:s3], [sflag:$0x1] =	stream.indirect.gather [hbm4b:s4+s17], $0x80, s18, s17, $0xb8;
	[tilespmem:$0x1CC80] =	vst v63  }
0x1c2: {  	_ =	swait.ge [sflag:s24], $0x4000  }
0x1c3: {  	[sflag:s24] =	ssyncset.done $0x0  }
0x1c4: {  	[sflag:s24] =	ssyncadd.s32 $0xFFFFC000  }
0x1c5: {  	[spmem:s2] =	stream.indirect.scatter.add.f32 [tilespmem:s22], [sflag:$0x3], $0x80, s20, s17, $0xb8;
	[tilespmem:$0x1CC80] =	vst v63  }
0x1c6: {  	_ =	swait.ge [sflag:s14], $0x4000  }
0x1c7: {  	[sflag:s14] =	ssyncset.done $0x0  }
0x1c8: {  	[sflag:s14] =	ssyncadd.s32 $0xFFFFC000  }
0x1c9: {  	_ =	swait.ge [sflag:s23], $0x4000  }
0x1ca: {  	p0 =	sne.s32 s0, $0x410;
	[sflag:s23] =	ssyncset.done $0x0  }
.Ltmp1:
0x1cb: {  	[sflag:s23] =	ssyncadd.s32 $0xFFFFC000;
	(pc) =	sbr.rel @p0 .LBB2_4-.Ltmp1, $4  }
0x1cc: {  	[spmem:s2] =	stream.indirect.scatter.add.f32 [tilespmem:s3], [sflag:$0x3], $0x80, s16, s17, $0xb8;
	[tilespmem:$0x1CC80] =	vst v63  }
0x1cd: {  	_ =	swait.ge [sflag:s14], $0x4000  }
0x1ce: {  	[sflag:s14] =	ssyncset.done $0x0  }
0x1cf: {  	s0 =	sadd.s32 $0xD0, s0;
	[sflag:s14] =	ssyncadd.s32 $0xFFFFC000  }
0x1d0: {  	s0 =	simm.s32 $0x8B00  }
0x1d1: {  	[tilespmem:s0], [sflag:$0x3] =	stream.linear.gather [hbm4b:s10+s3], $0x10, $0x38;
	[tilespmem:$0x1CC80] =	vst v63  }
0x1d2: {  	_ =	swait.ge [sflag:s14], $0x10  }
0x1d3: {  	[sflag:s14] =	ssyncset.done $0x0  }
0x1d4: {  	[sflag:s14] =	ssyncadd.s32 $0xFFFFFFF0  }
0x1d5: {  	[tilespmem:s26], [sflag:$0x3] =	stream.linear.gather [hbm4b:s11+s3], $0x10, $0x38;
	[tilespmem:$0x1CC80] =	vst v63  }
0x1d6: {  	_ =	swait.ge [sflag:s14], $0x10  }
0x1d7: {  	[sflag:s14] =	ssyncset.done $0x0  }
0x1d8: {  	[sflag:s14] =	ssyncadd.s32 $0xFFFFFFF0  }
0x1d9: {  	v2 =	vld [tilespmem:$0x8B00];
	_ =	sdelay $0x4  }
0x1da: {  	v2 =	vshll.u32 v2, $0x1  }
0x1db: {  	v2 =	vor.u32 v0, v2  }
0x1dc: {  	s25 =	simm.s32 $0x8C00;
	[tilespmem:$0x8C00] =	vst v2  }
0x1dd: {  	[tilespmem:s30], [sflag:$0x1] =	stream.indirect.gather [hbm4b:s4+s28], $0x80, s25, s28, $0xb8;
	[tilespmem:$0x1CC80] =	vst v63  }
0x1de: {  	_ =	swait.ge [sflag:s23], $0x800  }
0x1df: {  	[sflag:s23] =	ssyncset.done $0x0  }
0x1e0: {  	[sflag:s23] =	ssyncadd.s32 $0xFFFFF800  }
0x1e1: {  	[spmem:s2] =	stream.indirect.scatter.add.f32 [tilespmem:s30], [sflag:$0x3], $0x80, s26, s28, $0xb8;
	[tilespmem:$0x1CC80] =	vst v63  }
0x1e2: {  	s29 =	stileid.u32;
	_ =	swait.ge [sflag:s14], $0x800  }
0x1e3: {  	s1 =	sshrl.u32 s5, $0x3;
	s31 =	sadd.s32 $0x1, s31;
	[sflag:s14] =	ssyncset.done $0x0  }
0x1e4: {  	s0 =	sshll.u32 s29, $0x6;
	p0 =	sne.s32 s31, s13;
	[sflag:s14] =	ssyncadd.s32 $0xFFFFF800  }
.Ltmp2:
0x1e5: {  	s0 =	sor.u32 $0x1C03, s0;
	[bflag:$0x0] =	sbarrier.arrive $0xFFFF;
	(pc) =	sbr.rel @p0 .LBB2_1-.Ltmp2, $4  }
0x1e6: {  	[hbm:s12], [sflag:s0] =	dma.local [spmem:s1], $0x2800  }
0x1e7: {  	_ =	swait.ge [sflag:s14], $0x2800  }
0x1e8: {  	[sflag:s14] =	ssyncset.done $0x0  }
0x1e9: {  	[sflag:s14] =	ssyncadd.s32 $0xFFFFD800  }
0x1ea: {  	_ =	sfence.sel $0x180000  }
0x1eb: {  	[bflag:$0x0] =	sbarrier.arrive $0xFFFF  }
0x1ec: {  	_ =	strace $0x9000004D  }
0x1ed: {  	s0 =	stileid.u32;
	[bflag:$0x2] =	sbarrier.arrive $0xFFFF  }
0x1ee: {  	p0 =	sne.s32 s0, $0x0;
	s0 =	rddreg [dreg:$0x3]  }
0x1ef: {  	s0 =	sadd.s32 @!p0 $0x100000, s0  }
0x1f0: {  	[sflag:s0] =	ssyncadd.tile.s32 @!p0 $0x1;
	_ =	shalt  }
.Lfunc_end2:
_tile_overlayer_lowered:
.L_overlay_start_2:
0x1f1: {  	(tag) =	ssettag $0x2  }
0x1f2: {  	s0 =	rddreg [dreg:$0x0];
	s2 =	stileid.u32  }
0x1f3: {  	s1 =	rddreg [dreg:$0x1];
	p0 =	sne.s32 s2, $0x0  }
0x1f4: {  	s3 =	rddreg [dreg:$0x2];
	[bflag:$0x3] =	sbarrier.arrive $0xFFFF;
	s2 =	simm.s32 @!p0 $0x1C03  }
0x1f5: {  	[timem:s3], [sflag:s2] =	dma.local @!p0 [hbm:s0], s1  }
0x1f6: {  	s0 =	simm.s32 @!p0 $0x3  }
0x1f7: {  	_ =	swait.ge @!p0 [sflag:s0], s1  }
0x1f8: {  	s1 =	ssub.s32 @!p0 $0x0, s1;
	[sflag:s0] =	ssyncset.done @!p0 $0x0  }
0x1f9: {  	[sflag:s0] =	ssyncadd.s32 @!p0 s1  }
0x1fa: {  	[bflag:$0x3] =	sbarrier.arrive $0xFFFF  }
0x1fb: {  	_ =	shalt  }

</sc_bundles>
